<compile_context>
chip_gen: v7x
topology: tpu7x:2x2x1
jax: 0.10.2.dev20260603
libtpu: 0.0.44.dev20260713+nightly
codegen_flags: <defaults>
</compile_context>

<pallas_src>
import functools

import jax
import jax.numpy as jnp
from jax import lax
from jax.experimental import pallas as pl
from jax.experimental.pallas import tpu as pltpu
from jax.experimental.pallas import tpu_sc as plsc

NC = 2
NS = 16
NW = NC * NS
LANES = 16
UNROLL = 4

_DN_T = (((0,), (1,)), ((), ()))
_TN_T = (((0,), (0,)), ((), ()))


def _pack_pair(lo_f32, hi_f32):
    lo = lax.bitcast_convert_type(lo_f32.astype(jnp.bfloat16),
                                  jnp.uint16).astype(jnp.uint32)
    hi = lax.bitcast_convert_type(hi_f32.astype(jnp.bfloat16),
                                  jnp.uint16).astype(jnp.uint32)
    return lax.bitcast_convert_type(lo | (hi << 16), jnp.int32)


def _unpack_pair(packed):
    w = lax.bitcast_convert_type(packed, jnp.uint32)
    lo = lax.bitcast_convert_type((w & 0xFFFF).astype(jnp.uint16),
                                  jnp.bfloat16).astype(jnp.float32)
    hi = lax.bitcast_convert_type((w >> 16).astype(jnp.uint16),
                                  jnp.bfloat16).astype(jnp.float32)
    return lo, hi




def _msgT_packed(acc_relu):
    half = acc_relu.shape[0] // 2
    return _pack_pair(acc_relu[:half], acc_relu[half:])


def _tc_msg0_body(x_ref, w_ref, bcol_ref, s_ref, d_ref, o_ref, oe_ref):
    acc = lax.dot_general(w_ref[...], x_ref[...], _DN_T,
                          preferred_element_type=jnp.float32)
    acc = jnp.maximum(acc + bcol_ref[...], 0.0)
    o_ref[...] = _msgT_packed(acc)
    oe_ref[...] = s_ref[...] | (d_ref[...] << 16)


def _tc_msg0(x, w, b, src, dst, rows=2500):
    n = x.shape[0]
    d = w.shape[1]
    e = src.shape[0]
    msgP, epacked = pl.pallas_call(
        _tc_msg0_body,
        out_shape=(
            jax.ShapeDtypeStruct((d // 2, n), jnp.int32),
            jax.ShapeDtypeStruct((rows, e // rows), jnp.int32),
        ),
    )(x, w, b.reshape(d, 1),
      src.reshape(rows, e // rows), dst.reshape(rows, e // rows))
    return msgP, epacked.reshape(e)


def _bot_matmul(ap, wb):
    half = wb.shape[0] // 2
    age, ago = _unpack_pair(ap)
    return (lax.dot_general(age, wb[0:half], _TN_T,
                            preferred_element_type=jnp.float32)
            + lax.dot_general(ago, wb[half:], _TN_T,
                              preferred_element_type=jnp.float32))


def _tc_mid_body(h_ref, ap_ref, wfc_ref, bfc_ref, wp_ref, bpcol_ref,
                 h1_ref, m1_ref):
    din = h_ref.shape[1]
    top = jnp.dot(h_ref[...], wfc_ref[0:din],
                  preferred_element_type=jnp.float32)
    bot = _bot_matmul(ap_ref[...], wfc_ref[din:2 * din])
    h1 = jnp.maximum(top + bot + bfc_ref[...], 0.0)
    h1_ref[...] = h1
    macc = lax.dot_general(wp_ref[...], h1, _DN_T,
                           preferred_element_type=jnp.float32)
    macc = jnp.maximum(macc + bpcol_ref[...], 0.0)
    m1_ref[...] = _msgT_packed(macc)


def _tc_mid(h, aggP, wfc, bfc, wp, bp):
    n = h.shape[0]
    dout = wfc.shape[1]
    dp = wp.shape[1]
    return pl.pallas_call(
        _tc_mid_body,
        out_shape=(
            jax.ShapeDtypeStruct((n, dout), jnp.float32),
            jax.ShapeDtypeStruct((dp // 2, n), jnp.int32),
        ),
    )(h, aggP, wfc, bfc.reshape(1, dout), wp, bp.reshape(dp, 1))


def _tc_out_body(h_ref, ap_ref, wfc_ref, bfc_ref, o_ref):
    din = h_ref.shape[1]
    top = jnp.dot(h_ref[...], wfc_ref[0:din],
                  preferred_element_type=jnp.float32)
    bot = _bot_matmul(ap_ref[...], wfc_ref[din:2 * din])
    o_ref[...] = top + bot + bfc_ref[...]


def _tc_out(h, aggP, wfc, bfc):
    n = h.shape[0]
    dout = wfc.shape[1]
    return pl.pallas_call(
        _tc_out_body,
        out_shape=jax.ShapeDtypeStruct((n, dout), jnp.float32),
    )(h, aggP, wfc, bfc.reshape(1, dout))



def _pmax(cur_w, val_w):
    cur_b = plsc.bitcast(cur_w, jnp.bfloat16)
    val_b = plsc.bitcast(val_w, jnp.bfloat16)
    return plsc.bitcast(jnp.maximum(cur_b, val_b), jnp.int32)


def _sc_segmax_body(n, e, chunk,
                    msg_hbm, edges_hbm, agg_hbm,
                    m0, m1,
                    a00, a01, a10, a11, a20, a21, a30, a31,
                    eb0, eb1, sem0, sem1):
    c = lax.axis_index("c")
    s = lax.axis_index("s")
    wid = s * NC + c

    ubase, _ = plsc.scan_count(lax.iota(jnp.int32, 16))

    msgs = [m0, m1]
    aggs = [[a00, a01], [a10, a11], [a20, a21], [a30, a31]]
    ebufs = [(eb0, sem0), (eb1, sem1)]

    for f in range(2):
        pltpu.sync_copy(msg_hbm.at[wid, f], msgs[f])

    zero = jnp.zeros((LANES,), jnp.int32)

    def zbody(i, carry):
        for p in range(4):
            for f in range(2):
                aggs[p][f][pl.ds(i * LANES, LANES)] = zero
        return carry

    lax.fori_loop(0, n // LANES, zbody, 0)

    nchunks = e // chunk

    def start_fetch(ci, buf):
        eb, sem = buf
        pltpu.async_copy(edges_hbm.at[pl.ds(ci * chunk, chunk)], eb, sem)

    def drain(buf):
        eb, sem = buf
        pltpu.make_async_copy(edges_hbm.at[pl.ds(0, chunk)], eb, sem).wait()

    ubase1 = ubase + 1

    def process(buf):
        eb, _ = buf

        def load_group(g):
            base = g * (UNROLL * LANES)
            ws = [eb[pl.ds(base + u * LANES, LANES)] for u in range(UNROLL)]
            svs = [w & 0xFFFF for w in ws]
            dvs = [lax.shift_right_logical(w, 16) for w in ws]
            return svs, dvs

        def vec_body(g, dirty):
            svs, dvs = load_group(g)

            deep = None
            for u in range(UNROLL):
                counts, _ = plsc.scan_count(dvs[u])
                d = counts > ubase1
                deep = d if deep is None else (deep | d)
            valss = [[plsc.load_gather(msgs[f], [svs[u]]) for f in range(2)]
                     for u in range(UNROLL)]
            for _round in range(2):
                curss = [[plsc.load_gather(aggs[u][f], [dvs[u]])
                          for f in range(2)] for u in range(UNROLL)]
                for u in range(UNROLL):
                    for f in range(2):
                        new_w = _pmax(curss[u][f], valss[u][f])
                        plsc.store_scatter(aggs[u][f], [dvs[u]], new_w,
                                           mask=new_w != curss[u][f])

            return dirty | deep

        dirty = lax.fori_loop(0, chunk // (UNROLL * LANES), vec_body,
                              lax.full((LANES,), False))
        ndirty = plsc.all_reduce_population_count(dirty)

        @pl.when(ndirty[0] > 0)
        def _():
            def rep_body(g, carry):
                svs, dvs = load_group(g)
                for u in range(UNROLL):
                    for f in range(2):
                        val = plsc.load_gather(msgs[f], [svs[u]])

                        def fix_body(_, u=u, f=f, val=val):
                            acc = aggs[u][f]
                            cur = plsc.load_gather(acc, [dvs[u]])
                            new_w = _pmax(cur, val)
                            plsc.store_scatter(acc, [dvs[u]], new_w,
                                               mask=new_w != cur)
                            cur2 = plsc.load_gather(acc, [dvs[u]])
                            new2 = _pmax(cur2, val)
                            pend = plsc.all_reduce_population_count(
                                new2 != cur2)
                            return pend[0] > 0

                        lax.while_loop(lambda keep: keep, fix_body,
                                       jnp.bool_(True))
                return carry

            lax.fori_loop(0, chunk // (UNROLL * LANES), rep_body, 0)

    start_fetch(0, ebufs[0])

    def pair_body(i, carry):
        start_fetch(2 * i + 1, ebufs[1])
        drain(ebufs[0])
        process(ebufs[0])

        @pl.when(2 * i + 2 < nchunks)
        def _():
            start_fetch(2 * i + 2, ebufs[0])

        drain(ebufs[1])
        process(ebufs[1])
        return carry

    lax.fori_loop(0, nchunks // 2, pair_body, 0)

    def merge_body(i, carry):
        sl = pl.ds(i * LANES, LANES)
        for f in range(2):
            m01 = _pmax(aggs[0][f][sl], aggs[1][f][sl])
            m23 = _pmax(aggs[2][f][sl], aggs[3][f][sl])
            aggs[0][f][sl] = _pmax(m01, m23)
        return carry

    lax.fori_loop(0, n // LANES, merge_body, 0)

    for f in range(2):
        pltpu.sync_copy(aggs[0][f], agg_hbm.at[wid, f])


def _sc_segmax(msgP_t, epacked, chunk):
    nw, nf, n = msgP_t.shape
    e = epacked.shape[0]
    assert nw == NW and nf == 2 and e % (2 * chunk) == 0
    assert chunk % (UNROLL * LANES) == 0

    mesh = plsc.VectorSubcoreMesh(core_axis_name="c", subcore_axis_name="s",
                                  num_cores=NC, num_subcores=NS)
    kern = pl.kernel(
        functools.partial(_sc_segmax_body, n, e, chunk),
        out_type=jax.ShapeDtypeStruct((NW, 2, n), jnp.int32),
        mesh=mesh,
        compiler_params=pltpu.CompilerParams(needs_layout_passes=False),
        scratch_types=(
            [pltpu.VMEM((n,), jnp.int32) for _ in range(10)]
            + [pltpu.VMEM((chunk,), jnp.int32) for _ in range(2)]
            + [pltpu.SemaphoreType.DMA, pltpu.SemaphoreType.DMA]
        ),
    )
    return kern(msgP_t, epacked)



def kernel(x, edge_index, W_pool0, b_pool0, W_pool1, b_pool1,
           W_fc0, b_fc0, W_fc1, b_fc1):
    n, d = x.shape
    src = edge_index[0].astype(jnp.int32)
    dst = edge_index[1].astype(jnp.int32)
    chunk = 6400
    d1 = W_fc0.shape[1]

    msg0P, epacked = _tc_msg0(x, W_pool0, b_pool0, src, dst)
    agg0P = _sc_segmax(msg0P.reshape(NW, 2, n), epacked, chunk)

    h1, msg1P = _tc_mid(x, agg0P.reshape(d // 2, n), W_fc0, b_fc0,
                        W_pool1, b_pool1)

    agg1P = _sc_segmax(msg1P.reshape(NW, 2, n), epacked, chunk)

    return _tc_out(h1, agg1P.reshape(d1 // 2, n), W_fc1, b_fc1)

# --- scband reference (transcript-rebuilt; emitter-appended) ---
"""Pipeline reference for scband-graph-sage-60782377173253 (READ-ONLY COPY).

The authoritative reference and input builder live on the scoring server;
editing this copy changes nothing except your own understanding.
"""

import jax, jax.numpy as jnp
import numpy as np

N = 10000
E = 320000
D = 128
H = [128, 128]

def _xavier(key, shape):
    fan_in, fan_out = shape[0], shape[1]
    std = np.sqrt(2.0 / (fan_in + fan_out))
    return jax.random.normal(key, shape, dtype=jnp.float32) * std

def setup_inputs(seed: int = 0) -> dict:
    key = jax.random.key(seed)
    ks = jax.random.split(key, 8)
    x = jax.random.normal(ks[0], (N, D), dtype=jnp.float32)
    edge_index = jax.random.randint(ks[1], (2, E), 0, N, dtype=jnp.int64)
    # MaxPoolAggregator fc weights (per layer): Linear(dim, dim)
    W_pool0 = _xavier(ks[2], (D, D)); b_pool0 = jnp.zeros((D,), jnp.float32)
    W_pool1 = _xavier(ks[3], (H[0], H[0])); b_pool1 = jnp.zeros((H[0],), jnp.float32)
    # GraphSAGE fcs: Linear(2*dim_in, dim_out)
    W_fc0 = _xavier(ks[4], (2 * D, H[0])); b_fc0 = jnp.zeros((H[0],), jnp.float32)
    W_fc1 = _xavier(ks[5], (2 * H[0], H[1])); b_fc1 = jnp.zeros((H[1],), jnp.float32)
    return {"x": x, "edge_index": edge_index,
            "W_pool0": W_pool0, "b_pool0": b_pool0,
            "W_pool1": W_pool1, "b_pool1": b_pool1,
            "W_fc0": W_fc0, "b_fc0": b_fc0,
            "W_fc1": W_fc1, "b_fc1": b_fc1}

def _sage_layer(h, src, dst, n, W_pool, b_pool, W_fc, b_fc, apply_relu):
    # MaxPoolAggregator: fc + relu on gathered neighbor feats, then max over neighbors
    msg = jax.nn.relu(h[src] @ W_pool + b_pool)
    agg = jax.ops.segment_max(msg, dst, num_segments=n)
    agg = jnp.where(jnp.isfinite(agg), agg, 0.0)  # empty segments -> 0
    out = jnp.concatenate([h, agg], axis=1) @ W_fc + b_fc
    if apply_relu:
        out = jax.nn.relu(out)  # dropout p=0.0 is identity
    return out

def reference(x, edge_index, W_pool0, b_pool0, W_pool1, b_pool1, W_fc0, b_fc0, W_fc1, b_fc1):
    src = edge_index[0]
    dst = edge_index[1]
    n = x.shape[0]
    h = _sage_layer(x, src, dst, n, W_pool0, b_pool0, W_fc0, b_fc0, True)
    h = _sage_layer(h, src, dst, n, W_pool1, b_pool1, W_fc1, b_fc1, False)
    return h

if __name__ == "__main__":
    import jax
    _d = setup_inputs()
    print(jax.jit(kernel)(*tuple(_d.values())))

</pallas_src>

<mosaic_0001>
#map = affine_map<(d0, d1) -> (0, 0, 0)>
#map1 = affine_map<(d0, d1) -> (0)>
module attributes {stable_mosaic.version = 14 : i64} {
  func.func @_sc_segmax_body(%arg0: i32, %arg1: i32, %arg2: memref<32x2x10000xi32, #tpu.memory_space<hbm>>, %arg3: memref<320000xi32, #tpu.memory_space<hbm>>, %arg4: memref<32x2x10000xi32, #tpu.memory_space<hbm>>, %arg5: memref<10000xi32, #tpu.memory_space<vmem>>, %arg6: memref<10000xi32, #tpu.memory_space<vmem>>, %arg7: memref<10000xi32, #tpu.memory_space<vmem>>, %arg8: memref<10000xi32, #tpu.memory_space<vmem>>, %arg9: memref<10000xi32, #tpu.memory_space<vmem>>, %arg10: memref<10000xi32, #tpu.memory_space<vmem>>, %arg11: memref<10000xi32, #tpu.memory_space<vmem>>, %arg12: memref<10000xi32, #tpu.memory_space<vmem>>, %arg13: memref<10000xi32, #tpu.memory_space<vmem>>, %arg14: memref<10000xi32, #tpu.memory_space<vmem>>, %arg15: memref<6400xi32, #tpu.memory_space<vmem>>, %arg16: memref<6400xi32, #tpu.memory_space<vmem>>, %arg17: memref<!tpu.dma_semaphore, #tpu.memory_space<semaphore_mem>>, %arg18: memref<!tpu.dma_semaphore, #tpu.memory_space<semaphore_mem>>) attributes {dimension_semantics = [#tpu.dimension_semantics<core_parallel>, #tpu.dimension_semantics<subcore_parallel>], iteration_bounds = array<i64: 2, 16>, scalar_prefetch = 0 : i64, scratch_operands = 14 : i64, tpu.core_type = #tpu.core_type<sc_vector_subcore>, window_params = [{transform_indices = #map}, {transform_indices = #map1}, {transform_indices = #map}]} {
    %mul3A = arith.constant 2 : i32
    %mul3A_0 = arith.muli %arg1, %mul3A : i32
    %add3A = arith.addi %mul3A_0, %arg0 : i32
    %iota3A = tpu.iota {dimensions = array<i32: 0>} : vector<16xi32>
    %broadcast_in_dim3A = arith.constant true
    %broadcast_in_dim3A_1 = vector.broadcast %broadcast_in_dim3A : i1 to vector<16xi1>
    %unique3A, %unique3A_2 = tpu.scan_count mask(%broadcast_in_dim3A_1 : vector<16xi1>) value(%iota3A : vector<16xi32>) : vector<16xi1>, vector<16xi32>
    %run_scoped3A = arith.constant 0 : i32
    "tpu.region"() ({
      %run_scoped3A_31 = tpu.sem_alloc : memref<!tpu.dma_semaphore, #tpu.memory_space<semaphore_mem>>
      %dma_start3A_32 = arith.constant 0 : i32
      %dma_start3A_33 = tpu.memref_slice %arg2[%add3A, %run_scoped3A, %dma_start3A_32] : memref<32x2x10000xi32, #tpu.memory_space<hbm>> -> memref<1x1x10000xi32, #tpu.memory_space<hbm>>
      %dma_start3A_34 = tpu.memref_squeeze %dma_start3A_33 : memref<1x1x10000xi32, #tpu.memory_space<hbm>> -> memref<10000xi32, #tpu.memory_space<hbm>>
      %dma_start3A_35 = arith.constant 0 : i32
      %dma_start3A_36 = tpu.memref_slice %arg2[%add3A, %run_scoped3A, %dma_start3A_35] : memref<32x2x10000xi32, #tpu.memory_space<hbm>> -> memref<1x1x10000xi32, #tpu.memory_space<hbm>>
      %dma_start3A_37 = tpu.memref_squeeze %dma_start3A_36 : memref<1x1x10000xi32, #tpu.memory_space<hbm>> -> memref<10000xi32, #tpu.memory_space<hbm>>
      tpu.enqueue_dma source(%dma_start3A_37 : memref<10000xi32, #tpu.memory_space<hbm>>) target(%arg5 : memref<10000xi32, #tpu.memory_space<vmem>>) target_semaphore(%run_scoped3A_31 : memref<!tpu.dma_semaphore, #tpu.memory_space<semaphore_mem>>)
      %dma_wait3A = arith.constant 0 : i32
      %dma_wait3A_38 = tpu.memref_slice %arg2[%add3A, %run_scoped3A, %dma_wait3A] : memref<32x2x10000xi32, #tpu.memory_space<hbm>> -> memref<1x1x10000xi32, #tpu.memory_space<hbm>>
      %dma_wait3A_39 = tpu.memref_squeeze %dma_wait3A_38 : memref<1x1x10000xi32, #tpu.memory_space<hbm>> -> memref<10000xi32, #tpu.memory_space<hbm>>
      %dma_wait3A_40 = arith.constant 0 : i32
      %dma_wait3A_41 = tpu.memref_slice %arg2[%add3A, %run_scoped3A, %dma_wait3A_40] : memref<32x2x10000xi32, #tpu.memory_space<hbm>> -> memref<1x1x10000xi32, #tpu.memory_space<hbm>>
      %dma_wait3A_42 = tpu.memref_squeeze %dma_wait3A_41 : memref<1x1x10000xi32, #tpu.memory_space<hbm>> -> memref<10000xi32, #tpu.memory_space<hbm>>
      tpu.wait_dma2 semaphore(%run_scoped3A_31 : memref<!tpu.dma_semaphore, #tpu.memory_space<semaphore_mem>>) src(%dma_wait3A_42 : memref<10000xi32, #tpu.memory_space<hbm>>) dst(%arg5 : memref<10000xi32, #tpu.memory_space<vmem>>)
      tpu.yield
    }) : () -> ()
    %run_scoped3A_3 = arith.constant 1 : i32
    "tpu.region"() ({
      %run_scoped3A_31 = tpu.sem_alloc : memref<!tpu.dma_semaphore, #tpu.memory_space<semaphore_mem>>
      %dma_start3A_32 = arith.constant 0 : i32
      %dma_start3A_33 = tpu.memref_slice %arg2[%add3A, %run_scoped3A_3, %dma_start3A_32] : memref<32x2x10000xi32, #tpu.memory_space<hbm>> -> memref<1x1x10000xi32, #tpu.memory_space<hbm>>
      %dma_start3A_34 = tpu.memref_squeeze %dma_start3A_33 : memref<1x1x10000xi32, #tpu.memory_space<hbm>> -> memref<10000xi32, #tpu.memory_space<hbm>>
      %dma_start3A_35 = arith.constant 0 : i32
      %dma_start3A_36 = tpu.memref_slice %arg2[%add3A, %run_scoped3A_3, %dma_start3A_35] : memref<32x2x10000xi32, #tpu.memory_space<hbm>> -> memref<1x1x10000xi32, #tpu.memory_space<hbm>>
      %dma_start3A_37 = tpu.memref_squeeze %dma_start3A_36 : memref<1x1x10000xi32, #tpu.memory_space<hbm>> -> memref<10000xi32, #tpu.memory_space<hbm>>
      tpu.enqueue_dma source(%dma_start3A_37 : memref<10000xi32, #tpu.memory_space<hbm>>) target(%arg6 : memref<10000xi32, #tpu.memory_space<vmem>>) target_semaphore(%run_scoped3A_31 : memref<!tpu.dma_semaphore, #tpu.memory_space<semaphore_mem>>)
      %dma_wait3A = arith.constant 0 : i32
      %dma_wait3A_38 = tpu.memref_slice %arg2[%add3A, %run_scoped3A_3, %dma_wait3A] : memref<32x2x10000xi32, #tpu.memory_space<hbm>> -> memref<1x1x10000xi32, #tpu.memory_space<hbm>>
      %dma_wait3A_39 = tpu.memref_squeeze %dma_wait3A_38 : memref<1x1x10000xi32, #tpu.memory_space<hbm>> -> memref<10000xi32, #tpu.memory_space<hbm>>
      %dma_wait3A_40 = arith.constant 0 : i32
      %dma_wait3A_41 = tpu.memref_slice %arg2[%add3A, %run_scoped3A_3, %dma_wait3A_40] : memref<32x2x10000xi32, #tpu.memory_space<hbm>> -> memref<1x1x10000xi32, #tpu.memory_space<hbm>>
      %dma_wait3A_42 = tpu.memref_squeeze %dma_wait3A_41 : memref<1x1x10000xi32, #tpu.memory_space<hbm>> -> memref<10000xi32, #tpu.memory_space<hbm>>
      tpu.wait_dma2 semaphore(%run_scoped3A_31 : memref<!tpu.dma_semaphore, #tpu.memory_space<semaphore_mem>>) src(%dma_wait3A_42 : memref<10000xi32, #tpu.memory_space<hbm>>) dst(%arg6 : memref<10000xi32, #tpu.memory_space<vmem>>)
      tpu.yield
    }) : () -> ()
    %broadcast_in_dim3A_4 = arith.constant 0 : i32
    %broadcast_in_dim3A_5 = vector.broadcast %broadcast_in_dim3A_4 : i32 to vector<16xi32>
    %scan3A = arith.constant 0 : i32
    %scan3A_6 = arith.constant 0 : i32
    %scan3A_7 = arith.constant 625 : i32
    %scan3A_8 = arith.addi %scan3A_6, %scan3A_7 : i32
    %scan3A_9 = arith.constant 1 : i32
    scf.for %scan3A_31 = %scan3A_6 to %scan3A_8 step %scan3A_9  : i32 {
      %mul3A_32 = arith.constant 16 : i32
      %mul3A_33 = arith.muli %scan3A_31, %mul3A_32 : i32
      %swap3A = arith.index_cast %mul3A_33 : i32 to index
      %swap3A_34 = tpu.vector_load %arg7[%swap3A] {strides = array<i32>} : memref<10000xi32, #tpu.memory_space<vmem>>, vector<16xi32>,
      tpu.vector_store %arg7[%swap3A], %broadcast_in_dim3A_5 {strides = array<i32>} : memref<10000xi32, #tpu.memory_space<vmem>>, vector<16xi32>,
      %mul3A_35 = arith.constant 16 : i32
      %mul3A_36 = arith.muli %scan3A_31, %mul3A_35 : i32
      %swap3A_37 = arith.index_cast %mul3A_36 : i32 to index
      %swap3A_38 = tpu.vector_load %arg8[%swap3A_37] {strides = array<i32>} : memref<10000xi32, #tpu.memory_space<vmem>>, vector<16xi32>,
      tpu.vector_store %arg8[%swap3A_37], %broadcast_in_dim3A_5 {strides = array<i32>} : memref<10000xi32, #tpu.memory_space<vmem>>, vector<16xi32>,
      %mul3A_39 = arith.constant 16 : i32
      %mul3A_40 = arith.muli %scan3A_31, %mul3A_39 : i32
      %swap3A_41 = arith.index_cast %mul3A_40 : i32 to index
      %swap3A_42 = tpu.vector_load %arg9[%swap3A_41] {strides = array<i32>} : memref<10000xi32, #tpu.memory_space<vmem>>, vector<16xi32>,
      tpu.vector_store %arg9[%swap3A_41], %broadcast_in_dim3A_5 {strides = array<i32>} : memref<10000xi32, #tpu.memory_space<vmem>>, vector<16xi32>,
      %mul3A_43 = arith.constant 16 : i32
      %mul3A_44 = arith.muli %scan3A_31, %mul3A_43 : i32
      %swap3A_45 = arith.index_cast %mul3A_44 : i32 to index
      %swap3A_46 = tpu.vector_load %arg10[%swap3A_45] {strides = array<i32>} : memref<10000xi32, #tpu.memory_space<vmem>>, vector<16xi32>,
      tpu.vector_store %arg10[%swap3A_45], %broadcast_in_dim3A_5 {strides = array<i32>} : memref<10000xi32, #tpu.memory_space<vmem>>, vector<16xi32>,
      %mul3A_47 = arith.constant 16 : i32
      %mul3A_48 = arith.muli %scan3A_31, %mul3A_47 : i32
      %swap3A_49 = arith.index_cast %mul3A_48 : i32 to index
      %swap3A_50 = tpu.vector_load %arg11[%swap3A_49] {strides = array<i32>} : memref<10000xi32, #tpu.memory_space<vmem>>, vector<16xi32>,
      tpu.vector_store %arg11[%swap3A_49], %broadcast_in_dim3A_5 {strides = array<i32>} : memref<10000xi32, #tpu.memory_space<vmem>>, vector<16xi32>,
      %mul3A_51 = arith.constant 16 : i32
      %mul3A_52 = arith.muli %scan3A_31, %mul3A_51 : i32
      %swap3A_53 = arith.index_cast %mul3A_52 : i32 to index
      %swap3A_54 = tpu.vector_load %arg12[%swap3A_53] {strides = array<i32>} : memref<10000xi32, #tpu.memory_space<vmem>>, vector<16xi32>,
      tpu.vector_store %arg12[%swap3A_53], %broadcast_in_dim3A_5 {strides = array<i32>} : memref<10000xi32, #tpu.memory_space<vmem>>, vector<16xi32>,
      %mul3A_55 = arith.constant 16 : i32
      %mul3A_56 = arith.muli %scan3A_31, %mul3A_55 : i32
      %swap3A_57 = arith.index_cast %mul3A_56 : i32 to index
      %swap3A_58 = tpu.vector_load %arg13[%swap3A_57] {strides = array<i32>} : memref<10000xi32, #tpu.memory_space<vmem>>, vector<16xi32>,
      tpu.vector_store %arg13[%swap3A_57], %broadcast_in_dim3A_5 {strides = array<i32>} : memref<10000xi32, #tpu.memory_space<vmem>>, vector<16xi32>,
      %mul3A_59 = arith.constant 16 : i32
      %mul3A_60 = arith.muli %scan3A_31, %mul3A_59 : i32
      %swap3A_61 = arith.index_cast %mul3A_60 : i32 to index
      %swap3A_62 = tpu.vector_load %arg14[%swap3A_61] {strides = array<i32>} : memref<10000xi32, #tpu.memory_space<vmem>>, vector<16xi32>,
      tpu.vector_store %arg14[%swap3A_61], %broadcast_in_dim3A_5 {strides = array<i32>} : memref<10000xi32, #tpu.memory_space<vmem>>, vector<16xi32>,
    }
    %scan3A_10 = arith.constant 625 : i32
    %add3A_11 = arith.constant 1 : i32
    %add3A_12 = vector.broadcast %add3A_11 : i32 to vector<16xi32>
    %add3A_13 = arith.addi %unique3A_2, %add3A_12 : vector<16xi32>
    %dma_start3A = arith.constant 0 : i32
    %dma_start3A_14 = tpu.memref_slice %arg3[%dma_start3A] : memref<320000xi32, #tpu.memory_space<hbm>> -> memref<6400xi32, #tpu.memory_space<hbm>>
    %dma_start3A_15 = arith.constant 0 : i32
    %dma_start3A_16 = tpu.memref_slice %arg3[%dma_start3A_15] : memref<320000xi32, #tpu.memory_space<hbm>> -> memref<6400xi32, #tpu.memory_space<hbm>>
    tpu.enqueue_dma source(%dma_start3A_16 : memref<6400xi32, #tpu.memory_space<hbm>>) target(%arg15 : memref<6400xi32, #tpu.memory_space<vmem>>) target_semaphore(%arg17 : memref<!tpu.dma_semaphore, #tpu.memory_space<semaphore_mem>>)
    %scan3A_17 = arith.constant 0 : i32
    %scan3A_18 = arith.constant 0 : i32
    %scan3A_19 = arith.constant 25 : i32
    %scan3A_20 = arith.addi %scan3A_18, %scan3A_19 : i32
    %scan3A_21 = arith.constant 1 : i32
    scf.for %scan3A_31 = %scan3A_18 to %scan3A_20 step %scan3A_21  : i32 {
      %mul3A_32 = arith.constant 2 : i32
      %mul3A_33 = arith.muli %mul3A_32, %scan3A_31 : i32
      %add3A_34 = arith.constant 1 : i32
      %add3A_35 = arith.addi %mul3A_33, %add3A_34 : i32
      %mul3A_36 = arith.constant 6400 : i32
      %mul3A_37 = arith.muli %add3A_35, %mul3A_36 : i32
      %dma_start3A_38 = tpu.memref_slice %arg3[%mul3A_37] : memref<320000xi32, #tpu.memory_space<hbm>> -> memref<6400xi32, #tpu.memory_space<hbm>>
      %dma_start3A_39 = tpu.memref_slice %arg3[%mul3A_37] : memref<320000xi32, #tpu.memory_space<hbm>> -> memref<6400xi32, #tpu.memory_space<hbm>>
      tpu.enqueue_dma source(%dma_start3A_39 : memref<6400xi32, #tpu.memory_space<hbm>>) target(%arg16 : memref<6400xi32, #tpu.memory_space<vmem>>) target_semaphore(%arg18 : memref<!tpu.dma_semaphore, #tpu.memory_space<semaphore_mem>>)
      %dma_wait3A = arith.constant 0 : i32
      %dma_wait3A_40 = tpu.memref_slice %arg3[%dma_wait3A] : memref<320000xi32, #tpu.memory_space<hbm>> -> memref<6400xi32, #tpu.memory_space<hbm>>
      %dma_wait3A_41 = arith.constant 0 : i32
      %dma_wait3A_42 = tpu.memref_slice %arg3[%dma_wait3A_41] : memref<320000xi32, #tpu.memory_space<hbm>> -> memref<6400xi32, #tpu.memory_space<hbm>>
      tpu.wait_dma2 semaphore(%arg17 : memref<!tpu.dma_semaphore, #tpu.memory_space<semaphore_mem>>) src(%dma_wait3A_42 : memref<6400xi32, #tpu.memory_space<hbm>>) dst(%arg15 : memref<6400xi32, #tpu.memory_space<vmem>>)
      %broadcast_in_dim3A_43 = arith.constant false
      %broadcast_in_dim3A_44 = vector.broadcast %broadcast_in_dim3A_43 : i1 to vector<16xi1>
      %scan3A_45 = arith.constant 0 : i32
      %scan3A_46 = arith.constant 100 : i32
      %scan3A_47 = arith.addi %scan3A_45, %scan3A_46 : i32
      %scan3A_48 = arith.constant 1 : i32
      %scan3A_49 = scf.for %scan3A_81 = %scan3A_45 to %scan3A_47 step %scan3A_48 iter_args(%scan3A_82 = %broadcast_in_dim3A_44) -> (vector<16xi1>)  : i32 {
        %mul3A_83 = arith.constant 64 : i32
        %mul3A_84 = arith.muli %scan3A_81, %mul3A_83 : i32
        %add3A_85 = arith.constant 0 : i32
        %add3A_86 = arith.addi %mul3A_84, %add3A_85 : i32
        %get3A = arith.index_cast %add3A_86 : i32 to index
        %get3A_87 = tpu.vector_load %arg15[%get3A] {strides = array<i32>} : memref<6400xi32, #tpu.memory_space<vmem>>, vector<16xi32>,
        %add3A_88 = arith.constant 16 : i32
        %add3A_89 = arith.addi %mul3A_84, %add3A_88 : i32
        %get3A_90 = arith.index_cast %add3A_89 : i32 to index
        %get3A_91 = tpu.vector_load %arg15[%get3A_90] {strides = array<i32>} : memref<6400xi32, #tpu.memory_space<vmem>>, vector<16xi32>,
        %add3A_92 = arith.constant 32 : i32
        %add3A_93 = arith.addi %mul3A_84, %add3A_92 : i32
        %get3A_94 = arith.index_cast %add3A_93 : i32 to index
        %get3A_95 = tpu.vector_load %arg15[%get3A_94] {strides = array<i32>} : memref<6400xi32, #tpu.memory_space<vmem>>, vector<16xi32>,
        %add3A_96 = arith.constant 48 : i32
        %add3A_97 = arith.addi %mul3A_84, %add3A_96 : i32
        %get3A_98 = arith.index_cast %add3A_97 : i32 to index
        %get3A_99 = tpu.vector_load %arg15[%get3A_98] {strides = array<i32>} : memref<6400xi32, #tpu.memory_space<vmem>>, vector<16xi32>,
        %and3A = arith.constant 65535 : i32
        %and3A_100 = vector.broadcast %and3A : i32 to vector<16xi32>
        %and3A_101 = arith.andi %get3A_87, %and3A_100 : vector<16xi32>
        %and3A_102 = arith.constant 65535 : i32
        %and3A_103 = vector.broadcast %and3A_102 : i32 to vector<16xi32>
        %and3A_104 = arith.andi %get3A_91, %and3A_103 : vector<16xi32>
        %and3A_105 = arith.constant 65535 : i32
        %and3A_106 = vector.broadcast %and3A_105 : i32 to vector<16xi32>
        %and3A_107 = arith.andi %get3A_95, %and3A_106 : vector<16xi32>
        %and3A_108 = arith.constant 65535 : i32
        %and3A_109 = vector.broadcast %and3A_108 : i32 to vector<16xi32>
        %and3A_110 = arith.andi %get3A_99, %and3A_109 : vector<16xi32>
        %shift_right_logical3A = arith.constant 16 : i32
        %shift_right_logical3A_111 = vector.broadcast %shift_right_logical3A : i32 to vector<16xi32>
        %shift_right_logical3A_112 = arith.shrui %get3A_87, %shift_right_logical3A_111 : vector<16xi32>
        %shift_right_logical3A_113 = arith.constant 16 : i32
        %shift_right_logical3A_114 = vector.broadcast %shift_right_logical3A_113 : i32 to vector<16xi32>
        %shift_right_logical3A_115 = arith.shrui %get3A_91, %shift_right_logical3A_114 : vector<16xi32>
        %shift_right_logical3A_116 = arith.constant 16 : i32
        %shift_right_logical3A_117 = vector.broadcast %shift_right_logical3A_116 : i32 to vector<16xi32>
        %shift_right_logical3A_118 = arith.shrui %get3A_95, %shift_right_logical3A_117 : vector<16xi32>
        %shift_right_logical3A_119 = arith.constant 16 : i32
        %shift_right_logical3A_120 = vector.broadcast %shift_right_logical3A_119 : i32 to vector<16xi32>
        %shift_right_logical3A_121 = arith.shrui %get3A_99, %shift_right_logical3A_120 : vector<16xi32>
        %broadcast_in_dim3A_122 = arith.constant true
        %broadcast_in_dim3A_123 = vector.broadcast %broadcast_in_dim3A_122 : i1 to vector<16xi1>
        %unique3A_124, %unique3A_125 = tpu.scan_count mask(%broadcast_in_dim3A_123 : vector<16xi1>) value(%shift_right_logical3A_112 : vector<16xi32>) : vector<16xi1>, vector<16xi32>
        %gt3A_126 = arith.cmpi sgt, %unique3A_125, %add3A_13 : vector<16xi32>
        %broadcast_in_dim3A_127 = arith.constant true
        %broadcast_in_dim3A_128 = vector.broadcast %broadcast_in_dim3A_127 : i1 to vector<16xi1>
        %unique3A_129, %unique3A_130 = tpu.scan_count mask(%broadcast_in_dim3A_128 : vector<16xi1>) value(%shift_right_logical3A_115 : vector<16xi32>) : vector<16xi1>, vector<16xi32>
        %gt3A_131 = arith.cmpi sgt, %unique3A_130, %add3A_13 : vector<16xi32>
        %or3A = arith.ori %gt3A_126, %gt3A_131 : vector<16xi1>
        %broadcast_in_dim3A_132 = arith.constant true
        %broadcast_in_dim3A_133 = vector.broadcast %broadcast_in_dim3A_132 : i1 to vector<16xi1>
        %unique3A_134, %unique3A_135 = tpu.scan_count mask(%broadcast_in_dim3A_133 : vector<16xi1>) value(%shift_right_logical3A_118 : vector<16xi32>) : vector<16xi1>, vector<16xi32>
        %gt3A_136 = arith.cmpi sgt, %unique3A_135, %add3A_13 : vector<16xi32>
        %or3A_137 = arith.ori %or3A, %gt3A_136 : vector<16xi1>
        %broadcast_in_dim3A_138 = arith.constant true
        %broadcast_in_dim3A_139 = vector.broadcast %broadcast_in_dim3A_138 : i1 to vector<16xi1>
        %unique3A_140, %unique3A_141 = tpu.scan_count mask(%broadcast_in_dim3A_139 : vector<16xi1>) value(%shift_right_logical3A_121 : vector<16xi32>) : vector<16xi1>, vector<16xi32>
        %gt3A_142 = arith.cmpi sgt, %unique3A_141, %add3A_13 : vector<16xi32>
        %or3A_143 = arith.ori %or3A_137, %gt3A_142 : vector<16xi1>
        %gather3A = tpu.vector_load_idx %arg5[%and3A_101] : memref<10000xi32, #tpu.memory_space<vmem>>[vector<16xi32>], vector<16xi32>,
        %gather3A_144 = tpu.vector_load_idx %arg6[%and3A_101] : memref<10000xi32, #tpu.memory_space<vmem>>[vector<16xi32>], vector<16xi32>,
        %gather3A_145 = tpu.vector_load_idx %arg5[%and3A_104] : memref<10000xi32, #tpu.memory_space<vmem>>[vector<16xi32>], vector<16xi32>,
        %gather3A_146 = tpu.vector_load_idx %arg6[%and3A_104] : memref<10000xi32, #tpu.memory_space<vmem>>[vector<16xi32>], vector<16xi32>,
        %gather3A_147 = tpu.vector_load_idx %arg5[%and3A_107] : memref<10000xi32, #tpu.memory_space<vmem>>[vector<16xi32>], vector<16xi32>,
        %gather3A_148 = tpu.vector_load_idx %arg6[%and3A_107] : memref<10000xi32, #tpu.memory_space<vmem>>[vector<16xi32>], vector<16xi32>,
        %gather3A_149 = tpu.vector_load_idx %arg5[%and3A_110] : memref<10000xi32, #tpu.memory_space<vmem>>[vector<16xi32>], vector<16xi32>,
        %gather3A_150 = tpu.vector_load_idx %arg6[%and3A_110] : memref<10000xi32, #tpu.memory_space<vmem>>[vector<16xi32>], vector<16xi32>,
        %gather3A_151 = tpu.vector_load_idx %arg7[%shift_right_logical3A_112] : memref<10000xi32, #tpu.memory_space<vmem>>[vector<16xi32>], vector<16xi32>,
        %gather3A_152 = tpu.vector_load_idx %arg8[%shift_right_logical3A_112] : memref<10000xi32, #tpu.memory_space<vmem>>[vector<16xi32>], vector<16xi32>,
        %gather3A_153 = tpu.vector_load_idx %arg9[%shift_right_logical3A_115] : memref<10000xi32, #tpu.memory_space<vmem>>[vector<16xi32>], vector<16xi32>,
        %gather3A_154 = tpu.vector_load_idx %arg10[%shift_right_logical3A_115] : memref<10000xi32, #tpu.memory_space<vmem>>[vector<16xi32>], vector<16xi32>,
        %gather3A_155 = tpu.vector_load_idx %arg11[%shift_right_logical3A_118] : memref<10000xi32, #tpu.memory_space<vmem>>[vector<16xi32>], vector<16xi32>,
        %gather3A_156 = tpu.vector_load_idx %arg12[%shift_right_logical3A_118] : memref<10000xi32, #tpu.memory_space<vmem>>[vector<16xi32>], vector<16xi32>,
        %gather3A_157 = tpu.vector_load_idx %arg13[%shift_right_logical3A_121] : memref<10000xi32, #tpu.memory_space<vmem>>[vector<16xi32>], vector<16xi32>,
        %gather3A_158 = tpu.vector_load_idx %arg14[%shift_right_logical3A_121] : memref<10000xi32, #tpu.memory_space<vmem>>[vector<16xi32>], vector<16xi32>,
        %bitcast3A = vector.bitcast %gather3A_151 : vector<16xi32> to vector<32xbf16>
        %bitcast3A_159 = vector.bitcast %gather3A : vector<16xi32> to vector<32xbf16>
        %max3A = arith.maximumf %bitcast3A, %bitcast3A_159 : vector<32xbf16>
        %bitcast3A_160 = vector.bitcast %max3A : vector<32xbf16> to vector<16xi32>
        %ne3A = arith.cmpi ne, %bitcast3A_160, %gather3A_151 : vector<16xi32>
        tpu.vector_store_idx %arg7[%shift_right_logical3A_112], %bitcast3A_160 masked %ne3A : memref<10000xi32, #tpu.memory_space<vmem>>[vector<16xi32>], vector<16xi32>, vector<16xi1>
        %bitcast3A_161 = vector.bitcast %gather3A_152 : vector<16xi32> to vector<32xbf16>
        %bitcast3A_162 = vector.bitcast %gather3A_144 : vector<16xi32> to vector<32xbf16>
        %max3A_163 = arith.maximumf %bitcast3A_161, %bitcast3A_162 : vector<32xbf16>
        %bitcast3A_164 = vector.bitcast %max3A_163 : vector<32xbf16> to vector<16xi32>
        %ne3A_165 = arith.cmpi ne, %bitcast3A_164, %gather3A_152 : vector<16xi32>
        tpu.vector_store_idx %arg8[%shift_right_logical3A_112], %bitcast3A_164 masked %ne3A_165 : memref<10000xi32, #tpu.memory_space<vmem>>[vector<16xi32>], vector<16xi32>, vector<16xi1>
        %bitcast3A_166 = vector.bitcast %gather3A_153 : vector<16xi32> to vector<32xbf16>
        %bitcast3A_167 = vector.bitcast %gather3A_145 : vector<16xi32> to vector<32xbf16>
        %max3A_168 = arith.maximumf %bitcast3A_166, %bitcast3A_167 : vector<32xbf16>
        %bitcast3A_169 = vector.bitcast %max3A_168 : vector<32xbf16> to vector<16xi32>
        %ne3A_170 = arith.cmpi ne, %bitcast3A_169, %gather3A_153 : vector<16xi32>
        tpu.vector_store_idx %arg9[%shift_right_logical3A_115], %bitcast3A_169 masked %ne3A_170 : memref<10000xi32, #tpu.memory_space<vmem>>[vector<16xi32>], vector<16xi32>, vector<16xi1>
        %bitcast3A_171 = vector.bitcast %gather3A_154 : vector<16xi32> to vector<32xbf16>
        %bitcast3A_172 = vector.bitcast %gather3A_146 : vector<16xi32> to vector<32xbf16>
        %max3A_173 = arith.maximumf %bitcast3A_171, %bitcast3A_172 : vector<32xbf16>
        %bitcast3A_174 = vector.bitcast %max3A_173 : vector<32xbf16> to vector<16xi32>
        %ne3A_175 = arith.cmpi ne, %bitcast3A_174, %gather3A_154 : vector<16xi32>
        tpu.vector_store_idx %arg10[%shift_right_logical3A_115], %bitcast3A_174 masked %ne3A_175 : memref<10000xi32, #tpu.memory_space<vmem>>[vector<16xi32>], vector<16xi32>, vector<16xi1>
        %bitcast3A_176 = vector.bitcast %gather3A_155 : vector<16xi32> to vector<32xbf16>
        %bitcast3A_177 = vector.bitcast %gather3A_147 : vector<16xi32> to vector<32xbf16>
        %max3A_178 = arith.maximumf %bitcast3A_176, %bitcast3A_177 : vector<32xbf16>
        %bitcast3A_179 = vector.bitcast %max3A_178 : vector<32xbf16> to vector<16xi32>
        %ne3A_180 = arith.cmpi ne, %bitcast3A_179, %gather3A_155 : vector<16xi32>
        tpu.vector_store_idx %arg11[%shift_right_logical3A_118], %bitcast3A_179 masked %ne3A_180 : memref<10000xi32, #tpu.memory_space<vmem>>[vector<16xi32>], vector<16xi32>, vector<16xi1>
        %bitcast3A_181 = vector.bitcast %gather3A_156 : vector<16xi32> to vector<32xbf16>
        %bitcast3A_182 = vector.bitcast %gather3A_148 : vector<16xi32> to vector<32xbf16>
        %max3A_183 = arith.maximumf %bitcast3A_181, %bitcast3A_182 : vector<32xbf16>
        %bitcast3A_184 = vector.bitcast %max3A_183 : vector<32xbf16> to vector<16xi32>
        %ne3A_185 = arith.cmpi ne, %bitcast3A_184, %gather3A_156 : vector<16xi32>
        tpu.vector_store_idx %arg12[%shift_right_logical3A_118], %bitcast3A_184 masked %ne3A_185 : memref<10000xi32, #tpu.memory_space<vmem>>[vector<16xi32>], vector<16xi32>, vector<16xi1>
        %bitcast3A_186 = vector.bitcast %gather3A_157 : vector<16xi32> to vector<32xbf16>
        %bitcast3A_187 = vector.bitcast %gather3A_149 : vector<16xi32> to vector<32xbf16>
        %max3A_188 = arith.maximumf %bitcast3A_186, %bitcast3A_187 : vector<32xbf16>
        %bitcast3A_189 = vector.bitcast %max3A_188 : vector<32xbf16> to vector<16xi32>
        %ne3A_190 = arith.cmpi ne, %bitcast3A_189, %gather3A_157 : vector<16xi32>
        tpu.vector_store_idx %arg13[%shift_right_logical3A_121], %bitcast3A_189 masked %ne3A_190 : memref<10000xi32, #tpu.memory_space<vmem>>[vector<16xi32>], vector<16xi32>, vector<16xi1>
        %bitcast3A_191 = vector.bitcast %gather3A_158 : vector<16xi32> to vector<32xbf16>
        %bitcast3A_192 = vector.bitcast %gather3A_150 : vector<16xi32> to vector<32xbf16>
        %max3A_193 = arith.maximumf %bitcast3A_191, %bitcast3A_192 : vector<32xbf16>
        %bitcast3A_194 = vector.bitcast %max3A_193 : vector<32xbf16> to vector<16xi32>
        %ne3A_195 = arith.cmpi ne, %bitcast3A_194, %gather3A_158 : vector<16xi32>
        tpu.vector_store_idx %arg14[%shift_right_logical3A_121], %bitcast3A_194 masked %ne3A_195 : memref<10000xi32, #tpu.memory_space<vmem>>[vector<16xi32>], vector<16xi32>, vector<16xi1>
        %gather3A_196 = tpu.vector_load_idx %arg7[%shift_right_logical3A_112] : memref<10000xi32, #tpu.memory_space<vmem>>[vector<16xi32>], vector<16xi32>,
        %gather3A_197 = tpu.vector_load_idx %arg8[%shift_right_logical3A_112] : memref<10000xi32, #tpu.memory_space<vmem>>[vector<16xi32>], vector<16xi32>,
        %gather3A_198 = tpu.vector_load_idx %arg9[%shift_right_logical3A_115] : memref<10000xi32, #tpu.memory_space<vmem>>[vector<16xi32>], vector<16xi32>,
        %gather3A_199 = tpu.vector_load_idx %arg10[%shift_right_logical3A_115] : memref<10000xi32, #tpu.memory_space<vmem>>[vector<16xi32>], vector<16xi32>,
        %gather3A_200 = tpu.vector_load_idx %arg11[%shift_right_logical3A_118] : memref<10000xi32, #tpu.memory_space<vmem>>[vector<16xi32>], vector<16xi32>,
        %gather3A_201 = tpu.vector_load_idx %arg12[%shift_right_logical3A_118] : memref<10000xi32, #tpu.memory_space<vmem>>[vector<16xi32>], vector<16xi32>,
        %gather3A_202 = tpu.vector_load_idx %arg13[%shift_right_logical3A_121] : memref<10000xi32, #tpu.memory_space<vmem>>[vector<16xi32>], vector<16xi32>,
        %gather3A_203 = tpu.vector_load_idx %arg14[%shift_right_logical3A_121] : memref<10000xi32, #tpu.memory_space<vmem>>[vector<16xi32>], vector<16xi32>,
        %bitcast3A_204 = vector.bitcast %gather3A_196 : vector<16xi32> to vector<32xbf16>
        %bitcast3A_205 = vector.bitcast %gather3A : vector<16xi32> to vector<32xbf16>
        %max3A_206 = arith.maximumf %bitcast3A_204, %bitcast3A_205 : vector<32xbf16>
        %bitcast3A_207 = vector.bitcast %max3A_206 : vector<32xbf16> to vector<16xi32>
        %ne3A_208 = arith.cmpi ne, %bitcast3A_207, %gather3A_196 : vector<16xi32>
        tpu.vector_store_idx %arg7[%shift_right_logical3A_112], %bitcast3A_207 masked %ne3A_208 : memref<10000xi32, #tpu.memory_space<vmem>>[vector<16xi32>], vector<16xi32>, vector<16xi1>
        %bitcast3A_209 = vector.bitcast %gather3A_197 : vector<16xi32> to vector<32xbf16>
        %bitcast3A_210 = vector.bitcast %gather3A_144 : vector<16xi32> to vector<32xbf16>
        %max3A_211 = arith.maximumf %bitcast3A_209, %bitcast3A_210 : vector<32xbf16>
        %bitcast3A_212 = vector.bitcast %max3A_211 : vector<32xbf16> to vector<16xi32>
        %ne3A_213 = arith.cmpi ne, %bitcast3A_212, %gather3A_197 : vector<16xi32>
        tpu.vector_store_idx %arg8[%shift_right_logical3A_112], %bitcast3A_212 masked %ne3A_213 : memref<10000xi32, #tpu.memory_space<vmem>>[vector<16xi32>], vector<16xi32>, vector<16xi1>
        %bitcast3A_214 = vector.bitcast %gather3A_198 : vector<16xi32> to vector<32xbf16>
        %bitcast3A_215 = vector.bitcast %gather3A_145 : vector<16xi32> to vector<32xbf16>
        %max3A_216 = arith.maximumf %bitcast3A_214, %bitcast3A_215 : vector<32xbf16>
        %bitcast3A_217 = vector.bitcast %max3A_216 : vector<32xbf16> to vector<16xi32>
        %ne3A_218 = arith.cmpi ne, %bitcast3A_217, %gather3A_198 : vector<16xi32>
        tpu.vector_store_idx %arg9[%shift_right_logical3A_115], %bitcast3A_217 masked %ne3A_218 : memref<10000xi32, #tpu.memory_space<vmem>>[vector<16xi32>], vector<16xi32>, vector<16xi1>
        %bitcast3A_219 = vector.bitcast %gather3A_199 : vector<16xi32> to vector<32xbf16>
        %bitcast3A_220 = vector.bitcast %gather3A_146 : vector<16xi32> to vector<32xbf16>
        %max3A_221 = arith.maximumf %bitcast3A_219, %bitcast3A_220 : vector<32xbf16>
        %bitcast3A_222 = vector.bitcast %max3A_221 : vector<32xbf16> to vector<16xi32>
        %ne3A_223 = arith.cmpi ne, %bitcast3A_222, %gather3A_199 : vector<16xi32>
        tpu.vector_store_idx %arg10[%shift_right_logical3A_115], %bitcast3A_222 masked %ne3A_223 : memref<10000xi32, #tpu.memory_space<vmem>>[vector<16xi32>], vector<16xi32>, vector<16xi1>
        %bitcast3A_224 = vector.bitcast %gather3A_200 : vector<16xi32> to vector<32xbf16>
        %bitcast3A_225 = vector.bitcast %gather3A_147 : vector<16xi32> to vector<32xbf16>
        %max3A_226 = arith.maximumf %bitcast3A_224, %bitcast3A_225 : vector<32xbf16>
        %bitcast3A_227 = vector.bitcast %max3A_226 : vector<32xbf16> to vector<16xi32>
        %ne3A_228 = arith.cmpi ne, %bitcast3A_227, %gather3A_200 : vector<16xi32>
        tpu.vector_store_idx %arg11[%shift_right_logical3A_118], %bitcast3A_227 masked %ne3A_228 : memref<10000xi32, #tpu.memory_space<vmem>>[vector<16xi32>], vector<16xi32>, vector<16xi1>
        %bitcast3A_229 = vector.bitcast %gather3A_201 : vector<16xi32> to vector<32xbf16>
        %bitcast3A_230 = vector.bitcast %gather3A_148 : vector<16xi32> to vector<32xbf16>
        %max3A_231 = arith.maximumf %bitcast3A_229, %bitcast3A_230 : vector<32xbf16>
        %bitcast3A_232 = vector.bitcast %max3A_231 : vector<32xbf16> to vector<16xi32>
        %ne3A_233 = arith.cmpi ne, %bitcast3A_232, %gather3A_201 : vector<16xi32>
        tpu.vector_store_idx %arg12[%shift_right_logical3A_118], %bitcast3A_232 masked %ne3A_233 : memref<10000xi32, #tpu.memory_space<vmem>>[vector<16xi32>], vector<16xi32>, vector<16xi1>
        %bitcast3A_234 = vector.bitcast %gather3A_202 : vector<16xi32> to vector<32xbf16>
        %bitcast3A_235 = vector.bitcast %gather3A_149 : vector<16xi32> to vector<32xbf16>
        %max3A_236 = arith.maximumf %bitcast3A_234, %bitcast3A_235 : vector<32xbf16>
        %bitcast3A_237 = vector.bitcast %max3A_236 : vector<32xbf16> to vector<16xi32>
        %ne3A_238 = arith.cmpi ne, %bitcast3A_237, %gather3A_202 : vector<16xi32>
        tpu.vector_store_idx %arg13[%shift_right_logical3A_121], %bitcast3A_237 masked %ne3A_238 : memref<10000xi32, #tpu.memory_space<vmem>>[vector<16xi32>], vector<16xi32>, vector<16xi1>
        %bitcast3A_239 = vector.bitcast %gather3A_203 : vector<16xi32> to vector<32xbf16>
        %bitcast3A_240 = vector.bitcast %gather3A_150 : vector<16xi32> to vector<32xbf16>
        %max3A_241 = arith.maximumf %bitcast3A_239, %bitcast3A_240 : vector<32xbf16>
        %bitcast3A_242 = vector.bitcast %max3A_241 : vector<32xbf16> to vector<16xi32>
        %ne3A_243 = arith.cmpi ne, %bitcast3A_242, %gather3A_203 : vector<16xi32>
        tpu.vector_store_idx %arg14[%shift_right_logical3A_121], %bitcast3A_242 masked %ne3A_243 : memref<10000xi32, #tpu.memory_space<vmem>>[vector<16xi32>], vector<16xi32>, vector<16xi1>
        %or3A_244 = arith.ori %scan3A_82, %or3A_143 : vector<16xi1>
        scf.yield %or3A_244 : vector<16xi1>
      }
      %scan3A_50 = arith.constant 100 : i32
      %all_reduce_population_count3A = tpu.all_reduce %scan3A_49 {dim = 0 : i64, kind = #tpu.reduction_kind<sum>} : vector<16xi1> -> vector<16xi32>
      %slice3A = vector.extract_strided_slice %all_reduce_population_count3A {offsets = [0], sizes = [1], strides = [1]} : vector<16xi32> to vector<1xi32>
      %squeeze3A = vector.extract %slice3A[0] : i32 from vector<1xi32>
      %gt3A = arith.constant 0 : i32
      %gt3A_51 = arith.cmpi sgt, %squeeze3A, %gt3A : i32
      %convert_element_type3A = arith.extui %gt3A_51 : i1 to i32
      %cond3A = arith.constant 0 : i32
      %cond3A_52 = arith.cmpi ne, %convert_element_type3A, %cond3A : i32
      scf.if %cond3A_52 {
        %scan3A_81 = arith.constant 0 : i32
        %scan3A_82 = arith.constant 0 : i32
        %scan3A_83 = arith.constant 100 : i32
        %scan3A_84 = arith.addi %scan3A_82, %scan3A_83 : i32
        %scan3A_85 = arith.constant 1 : i32
        scf.for %scan3A_87 = %scan3A_82 to %scan3A_84 step %scan3A_85  : i32 {
          %mul3A_88 = arith.constant 64 : i32
          %mul3A_89 = arith.muli %scan3A_87, %mul3A_88 : i32
          %add3A_90 = arith.constant 0 : i32
          %add3A_91 = arith.addi %mul3A_89, %add3A_90 : i32
          %get3A = arith.index_cast %add3A_91 : i32 to index
          %get3A_92 = tpu.vector_load %arg15[%get3A] {strides = array<i32>} : memref<6400xi32, #tpu.memory_space<vmem>>, vector<16xi32>,
          %add3A_93 = arith.constant 16 : i32
          %add3A_94 = arith.addi %mul3A_89, %add3A_93 : i32
          %get3A_95 = arith.index_cast %add3A_94 : i32 to index
          %get3A_96 = tpu.vector_load %arg15[%get3A_95] {strides = array<i32>} : memref<6400xi32, #tpu.memory_space<vmem>>, vector<16xi32>,
          %add3A_97 = arith.constant 32 : i32
          %add3A_98 = arith.addi %mul3A_89, %add3A_97 : i32
          %get3A_99 = arith.index_cast %add3A_98 : i32 to index
          %get3A_100 = tpu.vector_load %arg15[%get3A_99] {strides = array<i32>} : memref<6400xi32, #tpu.memory_space<vmem>>, vector<16xi32>,
          %add3A_101 = arith.constant 48 : i32
          %add3A_102 = arith.addi %mul3A_89, %add3A_101 : i32
          %get3A_103 = arith.index_cast %add3A_102 : i32 to index
          %get3A_104 = tpu.vector_load %arg15[%get3A_103] {strides = array<i32>} : memref<6400xi32, #tpu.memory_space<vmem>>, vector<16xi32>,
          %and3A = arith.constant 65535 : i32
          %and3A_105 = vector.broadcast %and3A : i32 to vector<16xi32>
          %and3A_106 = arith.andi %get3A_92, %and3A_105 : vector<16xi32>
          %and3A_107 = arith.constant 65535 : i32
          %and3A_108 = vector.broadcast %and3A_107 : i32 to vector<16xi32>
          %and3A_109 = arith.andi %get3A_96, %and3A_108 : vector<16xi32>
          %and3A_110 = arith.constant 65535 : i32
          %and3A_111 = vector.broadcast %and3A_110 : i32 to vector<16xi32>
          %and3A_112 = arith.andi %get3A_100, %and3A_111 : vector<16xi32>
          %and3A_113 = arith.constant 65535 : i32
          %and3A_114 = vector.broadcast %and3A_113 : i32 to vector<16xi32>
          %and3A_115 = arith.andi %get3A_104, %and3A_114 : vector<16xi32>
          %shift_right_logical3A = arith.constant 16 : i32
          %shift_right_logical3A_116 = vector.broadcast %shift_right_logical3A : i32 to vector<16xi32>
          %shift_right_logical3A_117 = arith.shrui %get3A_92, %shift_right_logical3A_116 : vector<16xi32>
          %shift_right_logical3A_118 = arith.constant 16 : i32
          %shift_right_logical3A_119 = vector.broadcast %shift_right_logical3A_118 : i32 to vector<16xi32>
          %shift_right_logical3A_120 = arith.shrui %get3A_96, %shift_right_logical3A_119 : vector<16xi32>
          %shift_right_logical3A_121 = arith.constant 16 : i32
          %shift_right_logical3A_122 = vector.broadcast %shift_right_logical3A_121 : i32 to vector<16xi32>
          %shift_right_logical3A_123 = arith.shrui %get3A_100, %shift_right_logical3A_122 : vector<16xi32>
          %shift_right_logical3A_124 = arith.constant 16 : i32
          %shift_right_logical3A_125 = vector.broadcast %shift_right_logical3A_124 : i32 to vector<16xi32>
          %shift_right_logical3A_126 = arith.shrui %get3A_104, %shift_right_logical3A_125 : vector<16xi32>
          %gather3A = tpu.vector_load_idx %arg5[%and3A_106] : memref<10000xi32, #tpu.memory_space<vmem>>[vector<16xi32>], vector<16xi32>,
          %while3A = arith.constant true
          %while3A_127 = scf.while (%while3A_149 = %while3A) : (i1) -> i1 {
            scf.condition(%while3A_149) %while3A_149 : i1
          } do {
          ^bb0(%while3A_149: i1):
            %gather3A_150 = tpu.vector_load_idx %arg7[%shift_right_logical3A_117] : memref<10000xi32, #tpu.memory_space<vmem>>[vector<16xi32>], vector<16xi32>,
            %bitcast3A = vector.bitcast %gather3A_150 : vector<16xi32> to vector<32xbf16>
            %bitcast3A_151 = vector.bitcast %gather3A : vector<16xi32> to vector<32xbf16>
            %max3A = arith.maximumf %bitcast3A, %bitcast3A_151 : vector<32xbf16>
            %bitcast3A_152 = vector.bitcast %max3A : vector<32xbf16> to vector<16xi32>
            %ne3A = arith.cmpi ne, %bitcast3A_152, %gather3A_150 : vector<16xi32>
            tpu.vector_store_idx %arg7[%shift_right_logical3A_117], %bitcast3A_152 masked %ne3A : memref<10000xi32, #tpu.memory_space<vmem>>[vector<16xi32>], vector<16xi32>, vector<16xi1>
            %gather3A_153 = tpu.vector_load_idx %arg7[%shift_right_logical3A_117] : memref<10000xi32, #tpu.memory_space<vmem>>[vector<16xi32>], vector<16xi32>,
            %bitcast3A_154 = vector.bitcast %gather3A_153 : vector<16xi32> to vector<32xbf16>
            %bitcast3A_155 = vector.bitcast %gather3A : vector<16xi32> to vector<32xbf16>
            %max3A_156 = arith.maximumf %bitcast3A_154, %bitcast3A_155 : vector<32xbf16>
            %bitcast3A_157 = vector.bitcast %max3A_156 : vector<32xbf16> to vector<16xi32>
            %ne3A_158 = arith.cmpi ne, %bitcast3A_157, %gather3A_153 : vector<16xi32>
            %all_reduce_population_count3A_159 = tpu.all_reduce %ne3A_158 {dim = 0 : i64, kind = #tpu.reduction_kind<sum>} : vector<16xi1> -> vector<16xi32>
            %slice3A_160 = vector.extract_strided_slice %all_reduce_population_count3A_159 {offsets = [0], sizes = [1], strides = [1]} : vector<16xi32> to vector<1xi32>
            %squeeze3A_161 = vector.extract %slice3A_160[0] : i32 from vector<1xi32>
            %gt3A_162 = arith.constant 0 : i32
            %gt3A_163 = arith.cmpi sgt, %squeeze3A_161, %gt3A_162 : i32
            scf.yield %gt3A_163 : i1
          }
          %gather3A_128 = tpu.vector_load_idx %arg6[%and3A_106] : memref<10000xi32, #tpu.memory_space<vmem>>[vector<16xi32>], vector<16xi32>,
          %while3A_129 = arith.constant true
          %while3A_130 = scf.while (%while3A_149 = %while3A_129) : (i1) -> i1 {
            scf.condition(%while3A_149) %while3A_149 : i1
          } do {
          ^bb0(%while3A_149: i1):
            %gather3A_150 = tpu.vector_load_idx %arg8[%shift_right_logical3A_117] : memref<10000xi32, #tpu.memory_space<vmem>>[vector<16xi32>], vector<16xi32>,
            %bitcast3A = vector.bitcast %gather3A_150 : vector<16xi32> to vector<32xbf16>
            %bitcast3A_151 = vector.bitcast %gather3A_128 : vector<16xi32> to vector<32xbf16>
            %max3A = arith.maximumf %bitcast3A, %bitcast3A_151 : vector<32xbf16>
            %bitcast3A_152 = vector.bitcast %max3A : vector<32xbf16> to vector<16xi32>
            %ne3A = arith.cmpi ne, %bitcast3A_152, %gather3A_150 : vector<16xi32>
            tpu.vector_store_idx %arg8[%shift_right_logical3A_117], %bitcast3A_152 masked %ne3A : memref<10000xi32, #tpu.memory_space<vmem>>[vector<16xi32>], vector<16xi32>, vector<16xi1>
            %gather3A_153 = tpu.vector_load_idx %arg8[%shift_right_logical3A_117] : memref<10000xi32, #tpu.memory_space<vmem>>[vector<16xi32>], vector<16xi32>,
            %bitcast3A_154 = vector.bitcast %gather3A_153 : vector<16xi32> to vector<32xbf16>
            %bitcast3A_155 = vector.bitcast %gather3A_128 : vector<16xi32> to vector<32xbf16>
            %max3A_156 = arith.maximumf %bitcast3A_154, %bitcast3A_155 : vector<32xbf16>
            %bitcast3A_157 = vector.bitcast %max3A_156 : vector<32xbf16> to vector<16xi32>
            %ne3A_158 = arith.cmpi ne, %bitcast3A_157, %gather3A_153 : vector<16xi32>
            %all_reduce_population_count3A_159 = tpu.all_reduce %ne3A_158 {dim = 0 : i64, kind = #tpu.reduction_kind<sum>} : vector<16xi1> -> vector<16xi32>
            %slice3A_160 = vector.extract_strided_slice %all_reduce_population_count3A_159 {offsets = [0], sizes = [1], strides = [1]} : vector<16xi32> to vector<1xi32>
            %squeeze3A_161 = vector.extract %slice3A_160[0] : i32 from vector<1xi32>
            %gt3A_162 = arith.constant 0 : i32
            %gt3A_163 = arith.cmpi sgt, %squeeze3A_161, %gt3A_162 : i32
            scf.yield %gt3A_163 : i1
          }
          %gather3A_131 = tpu.vector_load_idx %arg5[%and3A_109] : memref<10000xi32, #tpu.memory_space<vmem>>[vector<16xi32>], vector<16xi32>,
          %while3A_132 = arith.constant true
          %while3A_133 = scf.while (%while3A_149 = %while3A_132) : (i1) -> i1 {
            scf.condition(%while3A_149) %while3A_149 : i1
          } do {
          ^bb0(%while3A_149: i1):
            %gather3A_150 = tpu.vector_load_idx %arg9[%shift_right_logical3A_120] : memref<10000xi32, #tpu.memory_space<vmem>>[vector<16xi32>], vector<16xi32>,
            %bitcast3A = vector.bitcast %gather3A_150 : vector<16xi32> to vector<32xbf16>
            %bitcast3A_151 = vector.bitcast %gather3A_131 : vector<16xi32> to vector<32xbf16>
            %max3A = arith.maximumf %bitcast3A, %bitcast3A_151 : vector<32xbf16>
            %bitcast3A_152 = vector.bitcast %max3A : vector<32xbf16> to vector<16xi32>
            %ne3A = arith.cmpi ne, %bitcast3A_152, %gather3A_150 : vector<16xi32>
            tpu.vector_store_idx %arg9[%shift_right_logical3A_120], %bitcast3A_152 masked %ne3A : memref<10000xi32, #tpu.memory_space<vmem>>[vector<16xi32>], vector<16xi32>, vector<16xi1>
            %gather3A_153 = tpu.vector_load_idx %arg9[%shift_right_logical3A_120] : memref<10000xi32, #tpu.memory_space<vmem>>[vector<16xi32>], vector<16xi32>,
            %bitcast3A_154 = vector.bitcast %gather3A_153 : vector<16xi32> to vector<32xbf16>
            %bitcast3A_155 = vector.bitcast %gather3A_131 : vector<16xi32> to vector<32xbf16>
            %max3A_156 = arith.maximumf %bitcast3A_154, %bitcast3A_155 : vector<32xbf16>
            %bitcast3A_157 = vector.bitcast %max3A_156 : vector<32xbf16> to vector<16xi32>
            %ne3A_158 = arith.cmpi ne, %bitcast3A_157, %gather3A_153 : vector<16xi32>
            %all_reduce_population_count3A_159 = tpu.all_reduce %ne3A_158 {dim = 0 : i64, kind = #tpu.reduction_kind<sum>} : vector<16xi1> -> vector<16xi32>
            %slice3A_160 = vector.extract_strided_slice %all_reduce_population_count3A_159 {offsets = [0], sizes = [1], strides = [1]} : vector<16xi32> to vector<1xi32>
            %squeeze3A_161 = vector.extract %slice3A_160[0] : i32 from vector<1xi32>
            %gt3A_162 = arith.constant 0 : i32
            %gt3A_163 = arith.cmpi sgt, %squeeze3A_161, %gt3A_162 : i32
            scf.yield %gt3A_163 : i1
          }
          %gather3A_134 = tpu.vector_load_idx %arg6[%and3A_109] : memref<10000xi32, #tpu.memory_space<vmem>>[vector<16xi32>], vector<16xi32>,
          %while3A_135 = arith.constant true
          %while3A_136 = scf.while (%while3A_149 = %while3A_135) : (i1) -> i1 {
            scf.condition(%while3A_149) %while3A_149 : i1
          } do {
          ^bb0(%while3A_149: i1):
            %gather3A_150 = tpu.vector_load_idx %arg10[%shift_right_logical3A_120] : memref<10000xi32, #tpu.memory_space<vmem>>[vector<16xi32>], vector<16xi32>,
            %bitcast3A = vector.bitcast %gather3A_150 : vector<16xi32> to vector<32xbf16>
            %bitcast3A_151 = vector.bitcast %gather3A_134 : vector<16xi32> to vector<32xbf16>
            %max3A = arith.maximumf %bitcast3A, %bitcast3A_151 : vector<32xbf16>
            %bitcast3A_152 = vector.bitcast %max3A : vector<32xbf16> to vector<16xi32>
            %ne3A = arith.cmpi ne, %bitcast3A_152, %gather3A_150 : vector<16xi32>
            tpu.vector_store_idx %arg10[%shift_right_logical3A_120], %bitcast3A_152 masked %ne3A : memref<10000xi32, #tpu.memory_space<vmem>>[vector<16xi32>], vector<16xi32>, vector<16xi1>
            %gather3A_153 = tpu.vector_load_idx %arg10[%shift_right_logical3A_120] : memref<10000xi32, #tpu.memory_space<vmem>>[vector<16xi32>], vector<16xi32>,
            %bitcast3A_154 = vector.bitcast %gather3A_153 : vector<16xi32> to vector<32xbf16>
            %bitcast3A_155 = vector.bitcast %gather3A_134 : vector<16xi32> to vector<32xbf16>
            %max3A_156 = arith.maximumf %bitcast3A_154, %bitcast3A_155 : vector<32xbf16>
            %bitcast3A_157 = vector.bitcast %max3A_156 : vector<32xbf16> to vector<16xi32>
            %ne3A_158 = arith.cmpi ne, %bitcast3A_157, %gather3A_153 : vector<16xi32>
            %all_reduce_population_count3A_159 = tpu.all_reduce %ne3A_158 {dim = 0 : i64, kind = #tpu.reduction_kind<sum>} : vector<16xi1> -> vector<16xi32>
            %slice3A_160 = vector.extract_strided_slice %all_reduce_population_count3A_159 {offsets = [0], sizes = [1], strides = [1]} : vector<16xi32> to vector<1xi32>
            %squeeze3A_161 = vector.extract %slice3A_160[0] : i32 from vector<1xi32>
            %gt3A_162 = arith.constant 0 : i32
            %gt3A_163 = arith.cmpi sgt, %squeeze3A_161, %gt3A_162 : i32
            scf.yield %gt3A_163 : i1
          }
          %gather3A_137 = tpu.vector_load_idx %arg5[%and3A_112] : memref<10000xi32, #tpu.memory_space<vmem>>[vector<16xi32>], vector<16xi32>,
          %while3A_138 = arith.constant true
          %while3A_139 = scf.while (%while3A_149 = %while3A_138) : (i1) -> i1 {
            scf.condition(%while3A_149) %while3A_149 : i1
          } do {
          ^bb0(%while3A_149: i1):
            %gather3A_150 = tpu.vector_load_idx %arg11[%shift_right_logical3A_123] : memref<10000xi32, #tpu.memory_space<vmem>>[vector<16xi32>], vector<16xi32>,
            %bitcast3A = vector.bitcast %gather3A_150 : vector<16xi32> to vector<32xbf16>
            %bitcast3A_151 = vector.bitcast %gather3A_137 : vector<16xi32> to vector<32xbf16>
            %max3A = arith.maximumf %bitcast3A, %bitcast3A_151 : vector<32xbf16>
            %bitcast3A_152 = vector.bitcast %max3A : vector<32xbf16> to vector<16xi32>
            %ne3A = arith.cmpi ne, %bitcast3A_152, %gather3A_150 : vector<16xi32>
            tpu.vector_store_idx %arg11[%shift_right_logical3A_123], %bitcast3A_152 masked %ne3A : memref<10000xi32, #tpu.memory_space<vmem>>[vector<16xi32>], vector<16xi32>, vector<16xi1>
            %gather3A_153 = tpu.vector_load_idx %arg11[%shift_right_logical3A_123] : memref<10000xi32, #tpu.memory_space<vmem>>[vector<16xi32>], vector<16xi32>,
            %bitcast3A_154 = vector.bitcast %gather3A_153 : vector<16xi32> to vector<32xbf16>
            %bitcast3A_155 = vector.bitcast %gather3A_137 : vector<16xi32> to vector<32xbf16>
            %max3A_156 = arith.maximumf %bitcast3A_154, %bitcast3A_155 : vector<32xbf16>
            %bitcast3A_157 = vector.bitcast %max3A_156 : vector<32xbf16> to vector<16xi32>
            %ne3A_158 = arith.cmpi ne, %bitcast3A_157, %gather3A_153 : vector<16xi32>
            %all_reduce_population_count3A_159 = tpu.all_reduce %ne3A_158 {dim = 0 : i64, kind = #tpu.reduction_kind<sum>} : vector<16xi1> -> vector<16xi32>
            %slice3A_160 = vector.extract_strided_slice %all_reduce_population_count3A_159 {offsets = [0], sizes = [1], strides = [1]} : vector<16xi32> to vector<1xi32>
            %squeeze3A_161 = vector.extract %slice3A_160[0] : i32 from vector<1xi32>
            %gt3A_162 = arith.constant 0 : i32
            %gt3A_163 = arith.cmpi sgt, %squeeze3A_161, %gt3A_162 : i32
            scf.yield %gt3A_163 : i1
          }
          %gather3A_140 = tpu.vector_load_idx %arg6[%and3A_112] : memref<10000xi32, #tpu.memory_space<vmem>>[vector<16xi32>], vector<16xi32>,
          %while3A_141 = arith.constant true
          %while3A_142 = scf.while (%while3A_149 = %while3A_141) : (i1) -> i1 {
            scf.condition(%while3A_149) %while3A_149 : i1
          } do {
          ^bb0(%while3A_149: i1):
            %gather3A_150 = tpu.vector_load_idx %arg12[%shift_right_logical3A_123] : memref<10000xi32, #tpu.memory_space<vmem>>[vector<16xi32>], vector<16xi32>,
            %bitcast3A = vector.bitcast %gather3A_150 : vector<16xi32> to vector<32xbf16>
            %bitcast3A_151 = vector.bitcast %gather3A_140 : vector<16xi32> to vector<32xbf16>
            %max3A = arith.maximumf %bitcast3A, %bitcast3A_151 : vector<32xbf16>
            %bitcast3A_152 = vector.bitcast %max3A : vector<32xbf16> to vector<16xi32>
            %ne3A = arith.cmpi ne, %bitcast3A_152, %gather3A_150 : vector<16xi32>
            tpu.vector_store_idx %arg12[%shift_right_logical3A_123], %bitcast3A_152 masked %ne3A : memref<10000xi32, #tpu.memory_space<vmem>>[vector<16xi32>], vector<16xi32>, vector<16xi1>
            %gather3A_153 = tpu.vector_load_idx %arg12[%shift_right_logical3A_123] : memref<10000xi32, #tpu.memory_space<vmem>>[vector<16xi32>], vector<16xi32>,
            %bitcast3A_154 = vector.bitcast %gather3A_153 : vector<16xi32> to vector<32xbf16>
            %bitcast3A_155 = vector.bitcast %gather3A_140 : vector<16xi32> to vector<32xbf16>
            %max3A_156 = arith.maximumf %bitcast3A_154, %bitcast3A_155 : vector<32xbf16>
            %bitcast3A_157 = vector.bitcast %max3A_156 : vector<32xbf16> to vector<16xi32>
            %ne3A_158 = arith.cmpi ne, %bitcast3A_157, %gather3A_153 : vector<16xi32>
            %all_reduce_population_count3A_159 = tpu.all_reduce %ne3A_158 {dim = 0 : i64, kind = #tpu.reduction_kind<sum>} : vector<16xi1> -> vector<16xi32>
            %slice3A_160 = vector.extract_strided_slice %all_reduce_population_count3A_159 {offsets = [0], sizes = [1], strides = [1]} : vector<16xi32> to vector<1xi32>
            %squeeze3A_161 = vector.extract %slice3A_160[0] : i32 from vector<1xi32>
            %gt3A_162 = arith.constant 0 : i32
            %gt3A_163 = arith.cmpi sgt, %squeeze3A_161, %gt3A_162 : i32
            scf.yield %gt3A_163 : i1
          }
          %gather3A_143 = tpu.vector_load_idx %arg5[%and3A_115] : memref<10000xi32, #tpu.memory_space<vmem>>[vector<16xi32>], vector<16xi32>,
          %while3A_144 = arith.constant true
          %while3A_145 = scf.while (%while3A_149 = %while3A_144) : (i1) -> i1 {
            scf.condition(%while3A_149) %while3A_149 : i1
          } do {
          ^bb0(%while3A_149: i1):
            %gather3A_150 = tpu.vector_load_idx %arg13[%shift_right_logical3A_126] : memref<10000xi32, #tpu.memory_space<vmem>>[vector<16xi32>], vector<16xi32>,
            %bitcast3A = vector.bitcast %gather3A_150 : vector<16xi32> to vector<32xbf16>
            %bitcast3A_151 = vector.bitcast %gather3A_143 : vector<16xi32> to vector<32xbf16>
            %max3A = arith.maximumf %bitcast3A, %bitcast3A_151 : vector<32xbf16>
            %bitcast3A_152 = vector.bitcast %max3A : vector<32xbf16> to vector<16xi32>
            %ne3A = arith.cmpi ne, %bitcast3A_152, %gather3A_150 : vector<16xi32>
            tpu.vector_store_idx %arg13[%shift_right_logical3A_126], %bitcast3A_152 masked %ne3A : memref<10000xi32, #tpu.memory_space<vmem>>[vector<16xi32>], vector<16xi32>, vector<16xi1>
            %gather3A_153 = tpu.vector_load_idx %arg13[%shift_right_logical3A_126] : memref<10000xi32, #tpu.memory_space<vmem>>[vector<16xi32>], vector<16xi32>,
            %bitcast3A_154 = vector.bitcast %gather3A_153 : vector<16xi32> to vector<32xbf16>
            %bitcast3A_155 = vector.bitcast %gather3A_143 : vector<16xi32> to vector<32xbf16>
            %max3A_156 = arith.maximumf %bitcast3A_154, %bitcast3A_155 : vector<32xbf16>
            %bitcast3A_157 = vector.bitcast %max3A_156 : vector<32xbf16> to vector<16xi32>
            %ne3A_158 = arith.cmpi ne, %bitcast3A_157, %gather3A_153 : vector<16xi32>
            %all_reduce_population_count3A_159 = tpu.all_reduce %ne3A_158 {dim = 0 : i64, kind = #tpu.reduction_kind<sum>} : vector<16xi1> -> vector<16xi32>
            %slice3A_160 = vector.extract_strided_slice %all_reduce_population_count3A_159 {offsets = [0], sizes = [1], strides = [1]} : vector<16xi32> to vector<1xi32>
            %squeeze3A_161 = vector.extract %slice3A_160[0] : i32 from vector<1xi32>
            %gt3A_162 = arith.constant 0 : i32
            %gt3A_163 = arith.cmpi sgt, %squeeze3A_161, %gt3A_162 : i32
            scf.yield %gt3A_163 : i1
          }
          %gather3A_146 = tpu.vector_load_idx %arg6[%and3A_115] : memref<10000xi32, #tpu.memory_space<vmem>>[vector<16xi32>], vector<16xi32>,
          %while3A_147 = arith.constant true
          %while3A_148 = scf.while (%while3A_149 = %while3A_147) : (i1) -> i1 {
            scf.condition(%while3A_149) %while3A_149 : i1
          } do {
          ^bb0(%while3A_149: i1):
            %gather3A_150 = tpu.vector_load_idx %arg14[%shift_right_logical3A_126] : memref<10000xi32, #tpu.memory_space<vmem>>[vector<16xi32>], vector<16xi32>,
            %bitcast3A = vector.bitcast %gather3A_150 : vector<16xi32> to vector<32xbf16>
            %bitcast3A_151 = vector.bitcast %gather3A_146 : vector<16xi32> to vector<32xbf16>
            %max3A = arith.maximumf %bitcast3A, %bitcast3A_151 : vector<32xbf16>
            %bitcast3A_152 = vector.bitcast %max3A : vector<32xbf16> to vector<16xi32>
            %ne3A = arith.cmpi ne, %bitcast3A_152, %gather3A_150 : vector<16xi32>
            tpu.vector_store_idx %arg14[%shift_right_logical3A_126], %bitcast3A_152 masked %ne3A : memref<10000xi32, #tpu.memory_space<vmem>>[vector<16xi32>], vector<16xi32>, vector<16xi1>
            %gather3A_153 = tpu.vector_load_idx %arg14[%shift_right_logical3A_126] : memref<10000xi32, #tpu.memory_space<vmem>>[vector<16xi32>], vector<16xi32>,
            %bitcast3A_154 = vector.bitcast %gather3A_153 : vector<16xi32> to vector<32xbf16>
            %bitcast3A_155 = vector.bitcast %gather3A_146 : vector<16xi32> to vector<32xbf16>
            %max3A_156 = arith.maximumf %bitcast3A_154, %bitcast3A_155 : vector<32xbf16>
            %bitcast3A_157 = vector.bitcast %max3A_156 : vector<32xbf16> to vector<16xi32>
            %ne3A_158 = arith.cmpi ne, %bitcast3A_157, %gather3A_153 : vector<16xi32>
            %all_reduce_population_count3A_159 = tpu.all_reduce %ne3A_158 {dim = 0 : i64, kind = #tpu.reduction_kind<sum>} : vector<16xi1> -> vector<16xi32>
            %slice3A_160 = vector.extract_strided_slice %all_reduce_population_count3A_159 {offsets = [0], sizes = [1], strides = [1]} : vector<16xi32> to vector<1xi32>
            %squeeze3A_161 = vector.extract %slice3A_160[0] : i32 from vector<1xi32>
            %gt3A_162 = arith.constant 0 : i32
            %gt3A_163 = arith.cmpi sgt, %squeeze3A_161, %gt3A_162 : i32
            scf.yield %gt3A_163 : i1
          }
        }
        %scan3A_86 = arith.constant 100 : i32
      } else {
      }
      %mul3A_53 = arith.constant 2 : i32
      %mul3A_54 = arith.muli %mul3A_53, %scan3A_31 : i32
      %add3A_55 = arith.constant 2 : i32
      %add3A_56 = arith.addi %mul3A_54, %add3A_55 : i32
      %lt3A = arith.constant 50 : i32
      %lt3A_57 = arith.cmpi slt, %add3A_56, %lt3A : i32
      %convert_element_type3A_58 = arith.extui %lt3A_57 : i1 to i32
      %cond3A_59 = arith.constant 0 : i32
      %cond3A_60 = arith.cmpi ne, %convert_element_type3A_58, %cond3A_59 : i32
      scf.if %cond3A_60 {
        %mul3A_81 = arith.constant 2 : i32
        %mul3A_82 = arith.muli %mul3A_81, %scan3A_31 : i32
        %add3A_83 = arith.constant 2 : i32
        %add3A_84 = arith.addi %mul3A_82, %add3A_83 : i32
        %mul3A_85 = arith.constant 6400 : i32
        %mul3A_86 = arith.muli %add3A_84, %mul3A_85 : i32
        %dma_start3A_87 = tpu.memref_slice %arg3[%mul3A_86] : memref<320000xi32, #tpu.memory_space<hbm>> -> memref<6400xi32, #tpu.memory_space<hbm>>
        %dma_start3A_88 = tpu.memref_slice %arg3[%mul3A_86] : memref<320000xi32, #tpu.memory_space<hbm>> -> memref<6400xi32, #tpu.memory_space<hbm>>
        tpu.enqueue_dma source(%dma_start3A_88 : memref<6400xi32, #tpu.memory_space<hbm>>) target(%arg15 : memref<6400xi32, #tpu.memory_space<vmem>>) target_semaphore(%arg17 : memref<!tpu.dma_semaphore, #tpu.memory_space<semaphore_mem>>)
      } else {
      }
      %dma_wait3A_61 = arith.constant 0 : i32
      %dma_wait3A_62 = tpu.memref_slice %arg3[%dma_wait3A_61] : memref<320000xi32, #tpu.memory_space<hbm>> -> memref<6400xi32, #tpu.memory_space<hbm>>
      %dma_wait3A_63 = arith.constant 0 : i32
      %dma_wait3A_64 = tpu.memref_slice %arg3[%dma_wait3A_63] : memref<320000xi32, #tpu.memory_space<hbm>> -> memref<6400xi32, #tpu.memory_space<hbm>>
      tpu.wait_dma2 semaphore(%arg18 : memref<!tpu.dma_semaphore, #tpu.memory_space<semaphore_mem>>) src(%dma_wait3A_64 : memref<6400xi32, #tpu.memory_space<hbm>>) dst(%arg16 : memref<6400xi32, #tpu.memory_space<vmem>>)
      %broadcast_in_dim3A_65 = arith.constant false
      %broadcast_in_dim3A_66 = vector.broadcast %broadcast_in_dim3A_65 : i1 to vector<16xi1>
      %scan3A_67 = arith.constant 0 : i32
      %scan3A_68 = arith.constant 100 : i32
      %scan3A_69 = arith.addi %scan3A_67, %scan3A_68 : i32
      %scan3A_70 = arith.constant 1 : i32
      %scan3A_71 = scf.for %scan3A_81 = %scan3A_67 to %scan3A_69 step %scan3A_70 iter_args(%scan3A_82 = %broadcast_in_dim3A_66) -> (vector<16xi1>)  : i32 {
        %mul3A_83 = arith.constant 64 : i32
        %mul3A_84 = arith.muli %scan3A_81, %mul3A_83 : i32
        %add3A_85 = arith.constant 0 : i32
        %add3A_86 = arith.addi %mul3A_84, %add3A_85 : i32
        %get3A = arith.index_cast %add3A_86 : i32 to index
        %get3A_87 = tpu.vector_load %arg16[%get3A] {strides = array<i32>} : memref<6400xi32, #tpu.memory_space<vmem>>, vector<16xi32>,
        %add3A_88 = arith.constant 16 : i32
        %add3A_89 = arith.addi %mul3A_84, %add3A_88 : i32
        %get3A_90 = arith.index_cast %add3A_89 : i32 to index
        %get3A_91 = tpu.vector_load %arg16[%get3A_90] {strides = array<i32>} : memref<6400xi32, #tpu.memory_space<vmem>>, vector<16xi32>,
        %add3A_92 = arith.constant 32 : i32
        %add3A_93 = arith.addi %mul3A_84, %add3A_92 : i32
        %get3A_94 = arith.index_cast %add3A_93 : i32 to index
        %get3A_95 = tpu.vector_load %arg16[%get3A_94] {strides = array<i32>} : memref<6400xi32, #tpu.memory_space<vmem>>, vector<16xi32>,
        %add3A_96 = arith.constant 48 : i32
        %add3A_97 = arith.addi %mul3A_84, %add3A_96 : i32
        %get3A_98 = arith.index_cast %add3A_97 : i32 to index
        %get3A_99 = tpu.vector_load %arg16[%get3A_98] {strides = array<i32>} : memref<6400xi32, #tpu.memory_space<vmem>>, vector<16xi32>,
        %and3A = arith.constant 65535 : i32
        %and3A_100 = vector.broadcast %and3A : i32 to vector<16xi32>
        %and3A_101 = arith.andi %get3A_87, %and3A_100 : vector<16xi32>
        %and3A_102 = arith.constant 65535 : i32
        %and3A_103 = vector.broadcast %and3A_102 : i32 to vector<16xi32>
        %and3A_104 = arith.andi %get3A_91, %and3A_103 : vector<16xi32>
        %and3A_105 = arith.constant 65535 : i32
        %and3A_106 = vector.broadcast %and3A_105 : i32 to vector<16xi32>
        %and3A_107 = arith.andi %get3A_95, %and3A_106 : vector<16xi32>
        %and3A_108 = arith.constant 65535 : i32
        %and3A_109 = vector.broadcast %and3A_108 : i32 to vector<16xi32>
        %and3A_110 = arith.andi %get3A_99, %and3A_109 : vector<16xi32>
        %shift_right_logical3A = arith.constant 16 : i32
        %shift_right_logical3A_111 = vector.broadcast %shift_right_logical3A : i32 to vector<16xi32>
        %shift_right_logical3A_112 = arith.shrui %get3A_87, %shift_right_logical3A_111 : vector<16xi32>
        %shift_right_logical3A_113 = arith.constant 16 : i32
        %shift_right_logical3A_114 = vector.broadcast %shift_right_logical3A_113 : i32 to vector<16xi32>
        %shift_right_logical3A_115 = arith.shrui %get3A_91, %shift_right_logical3A_114 : vector<16xi32>
        %shift_right_logical3A_116 = arith.constant 16 : i32
        %shift_right_logical3A_117 = vector.broadcast %shift_right_logical3A_116 : i32 to vector<16xi32>
        %shift_right_logical3A_118 = arith.shrui %get3A_95, %shift_right_logical3A_117 : vector<16xi32>
        %shift_right_logical3A_119 = arith.constant 16 : i32
        %shift_right_logical3A_120 = vector.broadcast %shift_right_logical3A_119 : i32 to vector<16xi32>
        %shift_right_logical3A_121 = arith.shrui %get3A_99, %shift_right_logical3A_120 : vector<16xi32>
        %broadcast_in_dim3A_122 = arith.constant true
        %broadcast_in_dim3A_123 = vector.broadcast %broadcast_in_dim3A_122 : i1 to vector<16xi1>
        %unique3A_124, %unique3A_125 = tpu.scan_count mask(%broadcast_in_dim3A_123 : vector<16xi1>) value(%shift_right_logical3A_112 : vector<16xi32>) : vector<16xi1>, vector<16xi32>
        %gt3A_126 = arith.cmpi sgt, %unique3A_125, %add3A_13 : vector<16xi32>
        %broadcast_in_dim3A_127 = arith.constant true
        %broadcast_in_dim3A_128 = vector.broadcast %broadcast_in_dim3A_127 : i1 to vector<16xi1>
        %unique3A_129, %unique3A_130 = tpu.scan_count mask(%broadcast_in_dim3A_128 : vector<16xi1>) value(%shift_right_logical3A_115 : vector<16xi32>) : vector<16xi1>, vector<16xi32>
        %gt3A_131 = arith.cmpi sgt, %unique3A_130, %add3A_13 : vector<16xi32>
        %or3A = arith.ori %gt3A_126, %gt3A_131 : vector<16xi1>
        %broadcast_in_dim3A_132 = arith.constant true
        %broadcast_in_dim3A_133 = vector.broadcast %broadcast_in_dim3A_132 : i1 to vector<16xi1>
        %unique3A_134, %unique3A_135 = tpu.scan_count mask(%broadcast_in_dim3A_133 : vector<16xi1>) value(%shift_right_logical3A_118 : vector<16xi32>) : vector<16xi1>, vector<16xi32>
        %gt3A_136 = arith.cmpi sgt, %unique3A_135, %add3A_13 : vector<16xi32>
        %or3A_137 = arith.ori %or3A, %gt3A_136 : vector<16xi1>
        %broadcast_in_dim3A_138 = arith.constant true
        %broadcast_in_dim3A_139 = vector.broadcast %broadcast_in_dim3A_138 : i1 to vector<16xi1>
        %unique3A_140, %unique3A_141 = tpu.scan_count mask(%broadcast_in_dim3A_139 : vector<16xi1>) value(%shift_right_logical3A_121 : vector<16xi32>) : vector<16xi1>, vector<16xi32>
        %gt3A_142 = arith.cmpi sgt, %unique3A_141, %add3A_13 : vector<16xi32>
        %or3A_143 = arith.ori %or3A_137, %gt3A_142 : vector<16xi1>
        %gather3A = tpu.vector_load_idx %arg5[%and3A_101] : memref<10000xi32, #tpu.memory_space<vmem>>[vector<16xi32>], vector<16xi32>,
        %gather3A_144 = tpu.vector_load_idx %arg6[%and3A_101] : memref<10000xi32, #tpu.memory_space<vmem>>[vector<16xi32>], vector<16xi32>,
        %gather3A_145 = tpu.vector_load_idx %arg5[%and3A_104] : memref<10000xi32, #tpu.memory_space<vmem>>[vector<16xi32>], vector<16xi32>,
        %gather3A_146 = tpu.vector_load_idx %arg6[%and3A_104] : memref<10000xi32, #tpu.memory_space<vmem>>[vector<16xi32>], vector<16xi32>,
        %gather3A_147 = tpu.vector_load_idx %arg5[%and3A_107] : memref<10000xi32, #tpu.memory_space<vmem>>[vector<16xi32>], vector<16xi32>,
        %gather3A_148 = tpu.vector_load_idx %arg6[%and3A_107] : memref<10000xi32, #tpu.memory_space<vmem>>[vector<16xi32>], vector<16xi32>,
        %gather3A_149 = tpu.vector_load_idx %arg5[%and3A_110] : memref<10000xi32, #tpu.memory_space<vmem>>[vector<16xi32>], vector<16xi32>,
        %gather3A_150 = tpu.vector_load_idx %arg6[%and3A_110] : memref<10000xi32, #tpu.memory_space<vmem>>[vector<16xi32>], vector<16xi32>,
        %gather3A_151 = tpu.vector_load_idx %arg7[%shift_right_logical3A_112] : memref<10000xi32, #tpu.memory_space<vmem>>[vector<16xi32>], vector<16xi32>,
        %gather3A_152 = tpu.vector_load_idx %arg8[%shift_right_logical3A_112] : memref<10000xi32, #tpu.memory_space<vmem>>[vector<16xi32>], vector<16xi32>,
        %gather3A_153 = tpu.vector_load_idx %arg9[%shift_right_logical3A_115] : memref<10000xi32, #tpu.memory_space<vmem>>[vector<16xi32>], vector<16xi32>,
        %gather3A_154 = tpu.vector_load_idx %arg10[%shift_right_logical3A_115] : memref<10000xi32, #tpu.memory_space<vmem>>[vector<16xi32>], vector<16xi32>,
        %gather3A_155 = tpu.vector_load_idx %arg11[%shift_right_logical3A_118] : memref<10000xi32, #tpu.memory_space<vmem>>[vector<16xi32>], vector<16xi32>,
        %gather3A_156 = tpu.vector_load_idx %arg12[%shift_right_logical3A_118] : memref<10000xi32, #tpu.memory_space<vmem>>[vector<16xi32>], vector<16xi32>,
        %gather3A_157 = tpu.vector_load_idx %arg13[%shift_right_logical3A_121] : memref<10000xi32, #tpu.memory_space<vmem>>[vector<16xi32>], vector<16xi32>,
        %gather3A_158 = tpu.vector_load_idx %arg14[%shift_right_logical3A_121] : memref<10000xi32, #tpu.memory_space<vmem>>[vector<16xi32>], vector<16xi32>,
        %bitcast3A = vector.bitcast %gather3A_151 : vector<16xi32> to vector<32xbf16>
        %bitcast3A_159 = vector.bitcast %gather3A : vector<16xi32> to vector<32xbf16>
        %max3A = arith.maximumf %bitcast3A, %bitcast3A_159 : vector<32xbf16>
        %bitcast3A_160 = vector.bitcast %max3A : vector<32xbf16> to vector<16xi32>
        %ne3A = arith.cmpi ne, %bitcast3A_160, %gather3A_151 : vector<16xi32>
        tpu.vector_store_idx %arg7[%shift_right_logical3A_112], %bitcast3A_160 masked %ne3A : memref<10000xi32, #tpu.memory_space<vmem>>[vector<16xi32>], vector<16xi32>, vector<16xi1>
        %bitcast3A_161 = vector.bitcast %gather3A_152 : vector<16xi32> to vector<32xbf16>
        %bitcast3A_162 = vector.bitcast %gather3A_144 : vector<16xi32> to vector<32xbf16>
        %max3A_163 = arith.maximumf %bitcast3A_161, %bitcast3A_162 : vector<32xbf16>
        %bitcast3A_164 = vector.bitcast %max3A_163 : vector<32xbf16> to vector<16xi32>
        %ne3A_165 = arith.cmpi ne, %bitcast3A_164, %gather3A_152 : vector<16xi32>
        tpu.vector_store_idx %arg8[%shift_right_logical3A_112], %bitcast3A_164 masked %ne3A_165 : memref<10000xi32, #tpu.memory_space<vmem>>[vector<16xi32>], vector<16xi32>, vector<16xi1>
        %bitcast3A_166 = vector.bitcast %gather3A_153 : vector<16xi32> to vector<32xbf16>
        %bitcast3A_167 = vector.bitcast %gather3A_145 : vector<16xi32> to vector<32xbf16>
        %max3A_168 = arith.maximumf %bitcast3A_166, %bitcast3A_167 : vector<32xbf16>
        %bitcast3A_169 = vector.bitcast %max3A_168 : vector<32xbf16> to vector<16xi32>
        %ne3A_170 = arith.cmpi ne, %bitcast3A_169, %gather3A_153 : vector<16xi32>
        tpu.vector_store_idx %arg9[%shift_right_logical3A_115], %bitcast3A_169 masked %ne3A_170 : memref<10000xi32, #tpu.memory_space<vmem>>[vector<16xi32>], vector<16xi32>, vector<16xi1>
        %bitcast3A_171 = vector.bitcast %gather3A_154 : vector<16xi32> to vector<32xbf16>
        %bitcast3A_172 = vector.bitcast %gather3A_146 : vector<16xi32> to vector<32xbf16>
        %max3A_173 = arith.maximumf %bitcast3A_171, %bitcast3A_172 : vector<32xbf16>
        %bitcast3A_174 = vector.bitcast %max3A_173 : vector<32xbf16> to vector<16xi32>
        %ne3A_175 = arith.cmpi ne, %bitcast3A_174, %gather3A_154 : vector<16xi32>
        tpu.vector_store_idx %arg10[%shift_right_logical3A_115], %bitcast3A_174 masked %ne3A_175 : memref<10000xi32, #tpu.memory_space<vmem>>[vector<16xi32>], vector<16xi32>, vector<16xi1>
        %bitcast3A_176 = vector.bitcast %gather3A_155 : vector<16xi32> to vector<32xbf16>
        %bitcast3A_177 = vector.bitcast %gather3A_147 : vector<16xi32> to vector<32xbf16>
        %max3A_178 = arith.maximumf %bitcast3A_176, %bitcast3A_177 : vector<32xbf16>
        %bitcast3A_179 = vector.bitcast %max3A_178 : vector<32xbf16> to vector<16xi32>
        %ne3A_180 = arith.cmpi ne, %bitcast3A_179, %gather3A_155 : vector<16xi32>
        tpu.vector_store_idx %arg11[%shift_right_logical3A_118], %bitcast3A_179 masked %ne3A_180 : memref<10000xi32, #tpu.memory_space<vmem>>[vector<16xi32>], vector<16xi32>, vector<16xi1>
        %bitcast3A_181 = vector.bitcast %gather3A_156 : vector<16xi32> to vector<32xbf16>
        %bitcast3A_182 = vector.bitcast %gather3A_148 : vector<16xi32> to vector<32xbf16>
        %max3A_183 = arith.maximumf %bitcast3A_181, %bitcast3A_182 : vector<32xbf16>
        %bitcast3A_184 = vector.bitcast %max3A_183 : vector<32xbf16> to vector<16xi32>
        %ne3A_185 = arith.cmpi ne, %bitcast3A_184, %gather3A_156 : vector<16xi32>
        tpu.vector_store_idx %arg12[%shift_right_logical3A_118], %bitcast3A_184 masked %ne3A_185 : memref<10000xi32, #tpu.memory_space<vmem>>[vector<16xi32>], vector<16xi32>, vector<16xi1>
        %bitcast3A_186 = vector.bitcast %gather3A_157 : vector<16xi32> to vector<32xbf16>
        %bitcast3A_187 = vector.bitcast %gather3A_149 : vector<16xi32> to vector<32xbf16>
        %max3A_188 = arith.maximumf %bitcast3A_186, %bitcast3A_187 : vector<32xbf16>
        %bitcast3A_189 = vector.bitcast %max3A_188 : vector<32xbf16> to vector<16xi32>
        %ne3A_190 = arith.cmpi ne, %bitcast3A_189, %gather3A_157 : vector<16xi32>
        tpu.vector_store_idx %arg13[%shift_right_logical3A_121], %bitcast3A_189 masked %ne3A_190 : memref<10000xi32, #tpu.memory_space<vmem>>[vector<16xi32>], vector<16xi32>, vector<16xi1>
        %bitcast3A_191 = vector.bitcast %gather3A_158 : vector<16xi32> to vector<32xbf16>
        %bitcast3A_192 = vector.bitcast %gather3A_150 : vector<16xi32> to vector<32xbf16>
        %max3A_193 = arith.maximumf %bitcast3A_191, %bitcast3A_192 : vector<32xbf16>
        %bitcast3A_194 = vector.bitcast %max3A_193 : vector<32xbf16> to vector<16xi32>
        %ne3A_195 = arith.cmpi ne, %bitcast3A_194, %gather3A_158 : vector<16xi32>
        tpu.vector_store_idx %arg14[%shift_right_logical3A_121], %bitcast3A_194 masked %ne3A_195 : memref<10000xi32, #tpu.memory_space<vmem>>[vector<16xi32>], vector<16xi32>, vector<16xi1>
        %gather3A_196 = tpu.vector_load_idx %arg7[%shift_right_logical3A_112] : memref<10000xi32, #tpu.memory_space<vmem>>[vector<16xi32>], vector<16xi32>,
        %gather3A_197 = tpu.vector_load_idx %arg8[%shift_right_logical3A_112] : memref<10000xi32, #tpu.memory_space<vmem>>[vector<16xi32>], vector<16xi32>,
        %gather3A_198 = tpu.vector_load_idx %arg9[%shift_right_logical3A_115] : memref<10000xi32, #tpu.memory_space<vmem>>[vector<16xi32>], vector<16xi32>,
        %gather3A_199 = tpu.vector_load_idx %arg10[%shift_right_logical3A_115] : memref<10000xi32, #tpu.memory_space<vmem>>[vector<16xi32>], vector<16xi32>,
        %gather3A_200 = tpu.vector_load_idx %arg11[%shift_right_logical3A_118] : memref<10000xi32, #tpu.memory_space<vmem>>[vector<16xi32>], vector<16xi32>,
        %gather3A_201 = tpu.vector_load_idx %arg12[%shift_right_logical3A_118] : memref<10000xi32, #tpu.memory_space<vmem>>[vector<16xi32>], vector<16xi32>,
        %gather3A_202 = tpu.vector_load_idx %arg13[%shift_right_logical3A_121] : memref<10000xi32, #tpu.memory_space<vmem>>[vector<16xi32>], vector<16xi32>,
        %gather3A_203 = tpu.vector_load_idx %arg14[%shift_right_logical3A_121] : memref<10000xi32, #tpu.memory_space<vmem>>[vector<16xi32>], vector<16xi32>,
        %bitcast3A_204 = vector.bitcast %gather3A_196 : vector<16xi32> to vector<32xbf16>
        %bitcast3A_205 = vector.bitcast %gather3A : vector<16xi32> to vector<32xbf16>
        %max3A_206 = arith.maximumf %bitcast3A_204, %bitcast3A_205 : vector<32xbf16>
        %bitcast3A_207 = vector.bitcast %max3A_206 : vector<32xbf16> to vector<16xi32>
        %ne3A_208 = arith.cmpi ne, %bitcast3A_207, %gather3A_196 : vector<16xi32>
        tpu.vector_store_idx %arg7[%shift_right_logical3A_112], %bitcast3A_207 masked %ne3A_208 : memref<10000xi32, #tpu.memory_space<vmem>>[vector<16xi32>], vector<16xi32>, vector<16xi1>
        %bitcast3A_209 = vector.bitcast %gather3A_197 : vector<16xi32> to vector<32xbf16>
        %bitcast3A_210 = vector.bitcast %gather3A_144 : vector<16xi32> to vector<32xbf16>
        %max3A_211 = arith.maximumf %bitcast3A_209, %bitcast3A_210 : vector<32xbf16>
        %bitcast3A_212 = vector.bitcast %max3A_211 : vector<32xbf16> to vector<16xi32>
        %ne3A_213 = arith.cmpi ne, %bitcast3A_212, %gather3A_197 : vector<16xi32>
        tpu.vector_store_idx %arg8[%shift_right_logical3A_112], %bitcast3A_212 masked %ne3A_213 : memref<10000xi32, #tpu.memory_space<vmem>>[vector<16xi32>], vector<16xi32>, vector<16xi1>
        %bitcast3A_214 = vector.bitcast %gather3A_198 : vector<16xi32> to vector<32xbf16>
        %bitcast3A_215 = vector.bitcast %gather3A_145 : vector<16xi32> to vector<32xbf16>
        %max3A_216 = arith.maximumf %bitcast3A_214, %bitcast3A_215 : vector<32xbf16>
        %bitcast3A_217 = vector.bitcast %max3A_216 : vector<32xbf16> to vector<16xi32>
        %ne3A_218 = arith.cmpi ne, %bitcast3A_217, %gather3A_198 : vector<16xi32>
        tpu.vector_store_idx %arg9[%shift_right_logical3A_115], %bitcast3A_217 masked %ne3A_218 : memref<10000xi32, #tpu.memory_space<vmem>>[vector<16xi32>], vector<16xi32>, vector<16xi1>
        %bitcast3A_219 = vector.bitcast %gather3A_199 : vector<16xi32> to vector<32xbf16>
        %bitcast3A_220 = vector.bitcast %gather3A_146 : vector<16xi32> to vector<32xbf16>
        %max3A_221 = arith.maximumf %bitcast3A_219, %bitcast3A_220 : vector<32xbf16>
        %bitcast3A_222 = vector.bitcast %max3A_221 : vector<32xbf16> to vector<16xi32>
        %ne3A_223 = arith.cmpi ne, %bitcast3A_222, %gather3A_199 : vector<16xi32>
        tpu.vector_store_idx %arg10[%shift_right_logical3A_115], %bitcast3A_222 masked %ne3A_223 : memref<10000xi32, #tpu.memory_space<vmem>>[vector<16xi32>], vector<16xi32>, vector<16xi1>
        %bitcast3A_224 = vector.bitcast %gather3A_200 : vector<16xi32> to vector<32xbf16>
        %bitcast3A_225 = vector.bitcast %gather3A_147 : vector<16xi32> to vector<32xbf16>
        %max3A_226 = arith.maximumf %bitcast3A_224, %bitcast3A_225 : vector<32xbf16>
        %bitcast3A_227 = vector.bitcast %max3A_226 : vector<32xbf16> to vector<16xi32>
        %ne3A_228 = arith.cmpi ne, %bitcast3A_227, %gather3A_200 : vector<16xi32>
        tpu.vector_store_idx %arg11[%shift_right_logical3A_118], %bitcast3A_227 masked %ne3A_228 : memref<10000xi32, #tpu.memory_space<vmem>>[vector<16xi32>], vector<16xi32>, vector<16xi1>
        %bitcast3A_229 = vector.bitcast %gather3A_201 : vector<16xi32> to vector<32xbf16>
        %bitcast3A_230 = vector.bitcast %gather3A_148 : vector<16xi32> to vector<32xbf16>
        %max3A_231 = arith.maximumf %bitcast3A_229, %bitcast3A_230 : vector<32xbf16>
        %bitcast3A_232 = vector.bitcast %max3A_231 : vector<32xbf16> to vector<16xi32>
        %ne3A_233 = arith.cmpi ne, %bitcast3A_232, %gather3A_201 : vector<16xi32>
        tpu.vector_store_idx %arg12[%shift_right_logical3A_118], %bitcast3A_232 masked %ne3A_233 : memref<10000xi32, #tpu.memory_space<vmem>>[vector<16xi32>], vector<16xi32>, vector<16xi1>
        %bitcast3A_234 = vector.bitcast %gather3A_202 : vector<16xi32> to vector<32xbf16>
        %bitcast3A_235 = vector.bitcast %gather3A_149 : vector<16xi32> to vector<32xbf16>
        %max3A_236 = arith.maximumf %bitcast3A_234, %bitcast3A_235 : vector<32xbf16>
        %bitcast3A_237 = vector.bitcast %max3A_236 : vector<32xbf16> to vector<16xi32>
        %ne3A_238 = arith.cmpi ne, %bitcast3A_237, %gather3A_202 : vector<16xi32>
        tpu.vector_store_idx %arg13[%shift_right_logical3A_121], %bitcast3A_237 masked %ne3A_238 : memref<10000xi32, #tpu.memory_space<vmem>>[vector<16xi32>], vector<16xi32>, vector<16xi1>
        %bitcast3A_239 = vector.bitcast %gather3A_203 : vector<16xi32> to vector<32xbf16>
        %bitcast3A_240 = vector.bitcast %gather3A_150 : vector<16xi32> to vector<32xbf16>
        %max3A_241 = arith.maximumf %bitcast3A_239, %bitcast3A_240 : vector<32xbf16>
        %bitcast3A_242 = vector.bitcast %max3A_241 : vector<32xbf16> to vector<16xi32>
        %ne3A_243 = arith.cmpi ne, %bitcast3A_242, %gather3A_203 : vector<16xi32>
        tpu.vector_store_idx %arg14[%shift_right_logical3A_121], %bitcast3A_242 masked %ne3A_243 : memref<10000xi32, #tpu.memory_space<vmem>>[vector<16xi32>], vector<16xi32>, vector<16xi1>
        %or3A_244 = arith.ori %scan3A_82, %or3A_143 : vector<16xi1>
        scf.yield %or3A_244 : vector<16xi1>
      }
      %scan3A_72 = arith.constant 100 : i32
      %all_reduce_population_count3A_73 = tpu.all_reduce %scan3A_71 {dim = 0 : i64, kind = #tpu.reduction_kind<sum>} : vector<16xi1> -> vector<16xi32>
      %slice3A_74 = vector.extract_strided_slice %all_reduce_population_count3A_73 {offsets = [0], sizes = [1], strides = [1]} : vector<16xi32> to vector<1xi32>
      %squeeze3A_75 = vector.extract %slice3A_74[0] : i32 from vector<1xi32>
      %gt3A_76 = arith.constant 0 : i32
      %gt3A_77 = arith.cmpi sgt, %squeeze3A_75, %gt3A_76 : i32
      %convert_element_type3A_78 = arith.extui %gt3A_77 : i1 to i32
      %cond3A_79 = arith.constant 0 : i32
      %cond3A_80 = arith.cmpi ne, %convert_element_type3A_78, %cond3A_79 : i32
      scf.if %cond3A_80 {
        %scan3A_81 = arith.constant 0 : i32
        %scan3A_82 = arith.constant 0 : i32
        %scan3A_83 = arith.constant 100 : i32
        %scan3A_84 = arith.addi %scan3A_82, %scan3A_83 : i32
        %scan3A_85 = arith.constant 1 : i32
        scf.for %scan3A_87 = %scan3A_82 to %scan3A_84 step %scan3A_85  : i32 {
          %mul3A_88 = arith.constant 64 : i32
          %mul3A_89 = arith.muli %scan3A_87, %mul3A_88 : i32
          %add3A_90 = arith.constant 0 : i32
          %add3A_91 = arith.addi %mul3A_89, %add3A_90 : i32
          %get3A = arith.index_cast %add3A_91 : i32 to index
          %get3A_92 = tpu.vector_load %arg16[%get3A] {strides = array<i32>} : memref<6400xi32, #tpu.memory_space<vmem>>, vector<16xi32>,
          %add3A_93 = arith.constant 16 : i32
          %add3A_94 = arith.addi %mul3A_89, %add3A_93 : i32
          %get3A_95 = arith.index_cast %add3A_94 : i32 to index
          %get3A_96 = tpu.vector_load %arg16[%get3A_95] {strides = array<i32>} : memref<6400xi32, #tpu.memory_space<vmem>>, vector<16xi32>,
          %add3A_97 = arith.constant 32 : i32
          %add3A_98 = arith.addi %mul3A_89, %add3A_97 : i32
          %get3A_99 = arith.index_cast %add3A_98 : i32 to index
          %get3A_100 = tpu.vector_load %arg16[%get3A_99] {strides = array<i32>} : memref<6400xi32, #tpu.memory_space<vmem>>, vector<16xi32>,
          %add3A_101 = arith.constant 48 : i32
          %add3A_102 = arith.addi %mul3A_89, %add3A_101 : i32
          %get3A_103 = arith.index_cast %add3A_102 : i32 to index
          %get3A_104 = tpu.vector_load %arg16[%get3A_103] {strides = array<i32>} : memref<6400xi32, #tpu.memory_space<vmem>>, vector<16xi32>,
          %and3A = arith.constant 65535 : i32
          %and3A_105 = vector.broadcast %and3A : i32 to vector<16xi32>
          %and3A_106 = arith.andi %get3A_92, %and3A_105 : vector<16xi32>
          %and3A_107 = arith.constant 65535 : i32
          %and3A_108 = vector.broadcast %and3A_107 : i32 to vector<16xi32>
          %and3A_109 = arith.andi %get3A_96, %and3A_108 : vector<16xi32>
          %and3A_110 = arith.constant 65535 : i32
          %and3A_111 = vector.broadcast %and3A_110 : i32 to vector<16xi32>
          %and3A_112 = arith.andi %get3A_100, %and3A_111 : vector<16xi32>
          %and3A_113 = arith.constant 65535 : i32
          %and3A_114 = vector.broadcast %and3A_113 : i32 to vector<16xi32>
          %and3A_115 = arith.andi %get3A_104, %and3A_114 : vector<16xi32>
          %shift_right_logical3A = arith.constant 16 : i32
          %shift_right_logical3A_116 = vector.broadcast %shift_right_logical3A : i32 to vector<16xi32>
          %shift_right_logical3A_117 = arith.shrui %get3A_92, %shift_right_logical3A_116 : vector<16xi32>
          %shift_right_logical3A_118 = arith.constant 16 : i32
          %shift_right_logical3A_119 = vector.broadcast %shift_right_logical3A_118 : i32 to vector<16xi32>
          %shift_right_logical3A_120 = arith.shrui %get3A_96, %shift_right_logical3A_119 : vector<16xi32>
          %shift_right_logical3A_121 = arith.constant 16 : i32
          %shift_right_logical3A_122 = vector.broadcast %shift_right_logical3A_121 : i32 to vector<16xi32>
          %shift_right_logical3A_123 = arith.shrui %get3A_100, %shift_right_logical3A_122 : vector<16xi32>
          %shift_right_logical3A_124 = arith.constant 16 : i32
          %shift_right_logical3A_125 = vector.broadcast %shift_right_logical3A_124 : i32 to vector<16xi32>
          %shift_right_logical3A_126 = arith.shrui %get3A_104, %shift_right_logical3A_125 : vector<16xi32>
          %gather3A = tpu.vector_load_idx %arg5[%and3A_106] : memref<10000xi32, #tpu.memory_space<vmem>>[vector<16xi32>], vector<16xi32>,
          %while3A = arith.constant true
          %while3A_127 = scf.while (%while3A_149 = %while3A) : (i1) -> i1 {
            scf.condition(%while3A_149) %while3A_149 : i1
          } do {
          ^bb0(%while3A_149: i1):
            %gather3A_150 = tpu.vector_load_idx %arg7[%shift_right_logical3A_117] : memref<10000xi32, #tpu.memory_space<vmem>>[vector<16xi32>], vector<16xi32>,
            %bitcast3A = vector.bitcast %gather3A_150 : vector<16xi32> to vector<32xbf16>
            %bitcast3A_151 = vector.bitcast %gather3A : vector<16xi32> to vector<32xbf16>
            %max3A = arith.maximumf %bitcast3A, %bitcast3A_151 : vector<32xbf16>
            %bitcast3A_152 = vector.bitcast %max3A : vector<32xbf16> to vector<16xi32>
            %ne3A = arith.cmpi ne, %bitcast3A_152, %gather3A_150 : vector<16xi32>
            tpu.vector_store_idx %arg7[%shift_right_logical3A_117], %bitcast3A_152 masked %ne3A : memref<10000xi32, #tpu.memory_space<vmem>>[vector<16xi32>], vector<16xi32>, vector<16xi1>
            %gather3A_153 = tpu.vector_load_idx %arg7[%shift_right_logical3A_117] : memref<10000xi32, #tpu.memory_space<vmem>>[vector<16xi32>], vector<16xi32>,
            %bitcast3A_154 = vector.bitcast %gather3A_153 : vector<16xi32> to vector<32xbf16>
            %bitcast3A_155 = vector.bitcast %gather3A : vector<16xi32> to vector<32xbf16>
            %max3A_156 = arith.maximumf %bitcast3A_154, %bitcast3A_155 : vector<32xbf16>
            %bitcast3A_157 = vector.bitcast %max3A_156 : vector<32xbf16> to vector<16xi32>
            %ne3A_158 = arith.cmpi ne, %bitcast3A_157, %gather3A_153 : vector<16xi32>
            %all_reduce_population_count3A_159 = tpu.all_reduce %ne3A_158 {dim = 0 : i64, kind = #tpu.reduction_kind<sum>} : vector<16xi1> -> vector<16xi32>
            %slice3A_160 = vector.extract_strided_slice %all_reduce_population_count3A_159 {offsets = [0], sizes = [1], strides = [1]} : vector<16xi32> to vector<1xi32>
            %squeeze3A_161 = vector.extract %slice3A_160[0] : i32 from vector<1xi32>
            %gt3A_162 = arith.constant 0 : i32
            %gt3A_163 = arith.cmpi sgt, %squeeze3A_161, %gt3A_162 : i32
            scf.yield %gt3A_163 : i1
          }
          %gather3A_128 = tpu.vector_load_idx %arg6[%and3A_106] : memref<10000xi32, #tpu.memory_space<vmem>>[vector<16xi32>], vector<16xi32>,
          %while3A_129 = arith.constant true
          %while3A_130 = scf.while (%while3A_149 = %while3A_129) : (i1) -> i1 {
            scf.condition(%while3A_149) %while3A_149 : i1
          } do {
          ^bb0(%while3A_149: i1):
            %gather3A_150 = tpu.vector_load_idx %arg8[%shift_right_logical3A_117] : memref<10000xi32, #tpu.memory_space<vmem>>[vector<16xi32>], vector<16xi32>,
            %bitcast3A = vector.bitcast %gather3A_150 : vector<16xi32> to vector<32xbf16>
            %bitcast3A_151 = vector.bitcast %gather3A_128 : vector<16xi32> to vector<32xbf16>
            %max3A = arith.maximumf %bitcast3A, %bitcast3A_151 : vector<32xbf16>
            %bitcast3A_152 = vector.bitcast %max3A : vector<32xbf16> to vector<16xi32>
            %ne3A = arith.cmpi ne, %bitcast3A_152, %gather3A_150 : vector<16xi32>
            tpu.vector_store_idx %arg8[%shift_right_logical3A_117], %bitcast3A_152 masked %ne3A : memref<10000xi32, #tpu.memory_space<vmem>>[vector<16xi32>], vector<16xi32>, vector<16xi1>
            %gather3A_153 = tpu.vector_load_idx %arg8[%shift_right_logical3A_117] : memref<10000xi32, #tpu.memory_space<vmem>>[vector<16xi32>], vector<16xi32>,
            %bitcast3A_154 = vector.bitcast %gather3A_153 : vector<16xi32> to vector<32xbf16>
            %bitcast3A_155 = vector.bitcast %gather3A_128 : vector<16xi32> to vector<32xbf16>
            %max3A_156 = arith.maximumf %bitcast3A_154, %bitcast3A_155 : vector<32xbf16>
            %bitcast3A_157 = vector.bitcast %max3A_156 : vector<32xbf16> to vector<16xi32>
            %ne3A_158 = arith.cmpi ne, %bitcast3A_157, %gather3A_153 : vector<16xi32>
            %all_reduce_population_count3A_159 = tpu.all_reduce %ne3A_158 {dim = 0 : i64, kind = #tpu.reduction_kind<sum>} : vector<16xi1> -> vector<16xi32>
            %slice3A_160 = vector.extract_strided_slice %all_reduce_population_count3A_159 {offsets = [0], sizes = [1], strides = [1]} : vector<16xi32> to vector<1xi32>
            %squeeze3A_161 = vector.extract %slice3A_160[0] : i32 from vector<1xi32>
            %gt3A_162 = arith.constant 0 : i32
            %gt3A_163 = arith.cmpi sgt, %squeeze3A_161, %gt3A_162 : i32
            scf.yield %gt3A_163 : i1
          }
          %gather3A_131 = tpu.vector_load_idx %arg5[%and3A_109] : memref<10000xi32, #tpu.memory_space<vmem>>[vector<16xi32>], vector<16xi32>,
          %while3A_132 = arith.constant true
          %while3A_133 = scf.while (%while3A_149 = %while3A_132) : (i1) -> i1 {
            scf.condition(%while3A_149) %while3A_149 : i1
          } do {
          ^bb0(%while3A_149: i1):
            %gather3A_150 = tpu.vector_load_idx %arg9[%shift_right_logical3A_120] : memref<10000xi32, #tpu.memory_space<vmem>>[vector<16xi32>], vector<16xi32>,
            %bitcast3A = vector.bitcast %gather3A_150 : vector<16xi32> to vector<32xbf16>
            %bitcast3A_151 = vector.bitcast %gather3A_131 : vector<16xi32> to vector<32xbf16>
            %max3A = arith.maximumf %bitcast3A, %bitcast3A_151 : vector<32xbf16>
            %bitcast3A_152 = vector.bitcast %max3A : vector<32xbf16> to vector<16xi32>
            %ne3A = arith.cmpi ne, %bitcast3A_152, %gather3A_150 : vector<16xi32>
            tpu.vector_store_idx %arg9[%shift_right_logical3A_120], %bitcast3A_152 masked %ne3A : memref<10000xi32, #tpu.memory_space<vmem>>[vector<16xi32>], vector<16xi32>, vector<16xi1>
            %gather3A_153 = tpu.vector_load_idx %arg9[%shift_right_logical3A_120] : memref<10000xi32, #tpu.memory_space<vmem>>[vector<16xi32>], vector<16xi32>,
            %bitcast3A_154 = vector.bitcast %gather3A_153 : vector<16xi32> to vector<32xbf16>
            %bitcast3A_155 = vector.bitcast %gather3A_131 : vector<16xi32> to vector<32xbf16>
            %max3A_156 = arith.maximumf %bitcast3A_154, %bitcast3A_155 : vector<32xbf16>
            %bitcast3A_157 = vector.bitcast %max3A_156 : vector<32xbf16> to vector<16xi32>
            %ne3A_158 = arith.cmpi ne, %bitcast3A_157, %gather3A_153 : vector<16xi32>
            %all_reduce_population_count3A_159 = tpu.all_reduce %ne3A_158 {dim = 0 : i64, kind = #tpu.reduction_kind<sum>} : vector<16xi1> -> vector<16xi32>
            %slice3A_160 = vector.extract_strided_slice %all_reduce_population_count3A_159 {offsets = [0], sizes = [1], strides = [1]} : vector<16xi32> to vector<1xi32>
            %squeeze3A_161 = vector.extract %slice3A_160[0] : i32 from vector<1xi32>
            %gt3A_162 = arith.constant 0 : i32
            %gt3A_163 = arith.cmpi sgt, %squeeze3A_161, %gt3A_162 : i32
            scf.yield %gt3A_163 : i1
          }
          %gather3A_134 = tpu.vector_load_idx %arg6[%and3A_109] : memref<10000xi32, #tpu.memory_space<vmem>>[vector<16xi32>], vector<16xi32>,
          %while3A_135 = arith.constant true
          %while3A_136 = scf.while (%while3A_149 = %while3A_135) : (i1) -> i1 {
            scf.condition(%while3A_149) %while3A_149 : i1
          } do {
          ^bb0(%while3A_149: i1):
            %gather3A_150 = tpu.vector_load_idx %arg10[%shift_right_logical3A_120] : memref<10000xi32, #tpu.memory_space<vmem>>[vector<16xi32>], vector<16xi32>,
            %bitcast3A = vector.bitcast %gather3A_150 : vector<16xi32> to vector<32xbf16>
            %bitcast3A_151 = vector.bitcast %gather3A_134 : vector<16xi32> to vector<32xbf16>
            %max3A = arith.maximumf %bitcast3A, %bitcast3A_151 : vector<32xbf16>
            %bitcast3A_152 = vector.bitcast %max3A : vector<32xbf16> to vector<16xi32>
            %ne3A = arith.cmpi ne, %bitcast3A_152, %gather3A_150 : vector<16xi32>
            tpu.vector_store_idx %arg10[%shift_right_logical3A_120], %bitcast3A_152 masked %ne3A : memref<10000xi32, #tpu.memory_space<vmem>>[vector<16xi32>], vector<16xi32>, vector<16xi1>
            %gather3A_153 = tpu.vector_load_idx %arg10[%shift_right_logical3A_120] : memref<10000xi32, #tpu.memory_space<vmem>>[vector<16xi32>], vector<16xi32>,
            %bitcast3A_154 = vector.bitcast %gather3A_153 : vector<16xi32> to vector<32xbf16>
            %bitcast3A_155 = vector.bitcast %gather3A_134 : vector<16xi32> to vector<32xbf16>
            %max3A_156 = arith.maximumf %bitcast3A_154, %bitcast3A_155 : vector<32xbf16>
            %bitcast3A_157 = vector.bitcast %max3A_156 : vector<32xbf16> to vector<16xi32>
            %ne3A_158 = arith.cmpi ne, %bitcast3A_157, %gather3A_153 : vector<16xi32>
            %all_reduce_population_count3A_159 = tpu.all_reduce %ne3A_158 {dim = 0 : i64, kind = #tpu.reduction_kind<sum>} : vector<16xi1> -> vector<16xi32>
            %slice3A_160 = vector.extract_strided_slice %all_reduce_population_count3A_159 {offsets = [0], sizes = [1], strides = [1]} : vector<16xi32> to vector<1xi32>
            %squeeze3A_161 = vector.extract %slice3A_160[0] : i32 from vector<1xi32>
            %gt3A_162 = arith.constant 0 : i32
            %gt3A_163 = arith.cmpi sgt, %squeeze3A_161, %gt3A_162 : i32
            scf.yield %gt3A_163 : i1
          }
          %gather3A_137 = tpu.vector_load_idx %arg5[%and3A_112] : memref<10000xi32, #tpu.memory_space<vmem>>[vector<16xi32>], vector<16xi32>,
          %while3A_138 = arith.constant true
          %while3A_139 = scf.while (%while3A_149 = %while3A_138) : (i1) -> i1 {
            scf.condition(%while3A_149) %while3A_149 : i1
          } do {
          ^bb0(%while3A_149: i1):
            %gather3A_150 = tpu.vector_load_idx %arg11[%shift_right_logical3A_123] : memref<10000xi32, #tpu.memory_space<vmem>>[vector<16xi32>], vector<16xi32>,
            %bitcast3A = vector.bitcast %gather3A_150 : vector<16xi32> to vector<32xbf16>
            %bitcast3A_151 = vector.bitcast %gather3A_137 : vector<16xi32> to vector<32xbf16>
            %max3A = arith.maximumf %bitcast3A, %bitcast3A_151 : vector<32xbf16>
            %bitcast3A_152 = vector.bitcast %max3A : vector<32xbf16> to vector<16xi32>
            %ne3A = arith.cmpi ne, %bitcast3A_152, %gather3A_150 : vector<16xi32>
            tpu.vector_store_idx %arg11[%shift_right_logical3A_123], %bitcast3A_152 masked %ne3A : memref<10000xi32, #tpu.memory_space<vmem>>[vector<16xi32>], vector<16xi32>, vector<16xi1>
            %gather3A_153 = tpu.vector_load_idx %arg11[%shift_right_logical3A_123] : memref<10000xi32, #tpu.memory_space<vmem>>[vector<16xi32>], vector<16xi32>,
            %bitcast3A_154 = vector.bitcast %gather3A_153 : vector<16xi32> to vector<32xbf16>
            %bitcast3A_155 = vector.bitcast %gather3A_137 : vector<16xi32> to vector<32xbf16>
            %max3A_156 = arith.maximumf %bitcast3A_154, %bitcast3A_155 : vector<32xbf16>
            %bitcast3A_157 = vector.bitcast %max3A_156 : vector<32xbf16> to vector<16xi32>
            %ne3A_158 = arith.cmpi ne, %bitcast3A_157, %gather3A_153 : vector<16xi32>
            %all_reduce_population_count3A_159 = tpu.all_reduce %ne3A_158 {dim = 0 : i64, kind = #tpu.reduction_kind<sum>} : vector<16xi1> -> vector<16xi32>
            %slice3A_160 = vector.extract_strided_slice %all_reduce_population_count3A_159 {offsets = [0], sizes = [1], strides = [1]} : vector<16xi32> to vector<1xi32>
            %squeeze3A_161 = vector.extract %slice3A_160[0] : i32 from vector<1xi32>
            %gt3A_162 = arith.constant 0 : i32
            %gt3A_163 = arith.cmpi sgt, %squeeze3A_161, %gt3A_162 : i32
            scf.yield %gt3A_163 : i1
          }
          %gather3A_140 = tpu.vector_load_idx %arg6[%and3A_112] : memref<10000xi32, #tpu.memory_space<vmem>>[vector<16xi32>], vector<16xi32>,
          %while3A_141 = arith.constant true
          %while3A_142 = scf.while (%while3A_149 = %while3A_141) : (i1) -> i1 {
            scf.condition(%while3A_149) %while3A_149 : i1
          } do {
          ^bb0(%while3A_149: i1):
            %gather3A_150 = tpu.vector_load_idx %arg12[%shift_right_logical3A_123] : memref<10000xi32, #tpu.memory_space<vmem>>[vector<16xi32>], vector<16xi32>,
            %bitcast3A = vector.bitcast %gather3A_150 : vector<16xi32> to vector<32xbf16>
            %bitcast3A_151 = vector.bitcast %gather3A_140 : vector<16xi32> to vector<32xbf16>
            %max3A = arith.maximumf %bitcast3A, %bitcast3A_151 : vector<32xbf16>
            %bitcast3A_152 = vector.bitcast %max3A : vector<32xbf16> to vector<16xi32>
            %ne3A = arith.cmpi ne, %bitcast3A_152, %gather3A_150 : vector<16xi32>
            tpu.vector_store_idx %arg12[%shift_right_logical3A_123], %bitcast3A_152 masked %ne3A : memref<10000xi32, #tpu.memory_space<vmem>>[vector<16xi32>], vector<16xi32>, vector<16xi1>
            %gather3A_153 = tpu.vector_load_idx %arg12[%shift_right_logical3A_123] : memref<10000xi32, #tpu.memory_space<vmem>>[vector<16xi32>], vector<16xi32>,
            %bitcast3A_154 = vector.bitcast %gather3A_153 : vector<16xi32> to vector<32xbf16>
            %bitcast3A_155 = vector.bitcast %gather3A_140 : vector<16xi32> to vector<32xbf16>
            %max3A_156 = arith.maximumf %bitcast3A_154, %bitcast3A_155 : vector<32xbf16>
            %bitcast3A_157 = vector.bitcast %max3A_156 : vector<32xbf16> to vector<16xi32>
            %ne3A_158 = arith.cmpi ne, %bitcast3A_157, %gather3A_153 : vector<16xi32>
            %all_reduce_population_count3A_159 = tpu.all_reduce %ne3A_158 {dim = 0 : i64, kind = #tpu.reduction_kind<sum>} : vector<16xi1> -> vector<16xi32>
            %slice3A_160 = vector.extract_strided_slice %all_reduce_population_count3A_159 {offsets = [0], sizes = [1], strides = [1]} : vector<16xi32> to vector<1xi32>
            %squeeze3A_161 = vector.extract %slice3A_160[0] : i32 from vector<1xi32>
            %gt3A_162 = arith.constant 0 : i32
            %gt3A_163 = arith.cmpi sgt, %squeeze3A_161, %gt3A_162 : i32
            scf.yield %gt3A_163 : i1
          }
          %gather3A_143 = tpu.vector_load_idx %arg5[%and3A_115] : memref<10000xi32, #tpu.memory_space<vmem>>[vector<16xi32>], vector<16xi32>,
          %while3A_144 = arith.constant true
          %while3A_145 = scf.while (%while3A_149 = %while3A_144) : (i1) -> i1 {
            scf.condition(%while3A_149) %while3A_149 : i1
          } do {
          ^bb0(%while3A_149: i1):
            %gather3A_150 = tpu.vector_load_idx %arg13[%shift_right_logical3A_126] : memref<10000xi32, #tpu.memory_space<vmem>>[vector<16xi32>], vector<16xi32>,
            %bitcast3A = vector.bitcast %gather3A_150 : vector<16xi32> to vector<32xbf16>
            %bitcast3A_151 = vector.bitcast %gather3A_143 : vector<16xi32> to vector<32xbf16>
            %max3A = arith.maximumf %bitcast3A, %bitcast3A_151 : vector<32xbf16>
            %bitcast3A_152 = vector.bitcast %max3A : vector<32xbf16> to vector<16xi32>
            %ne3A = arith.cmpi ne, %bitcast3A_152, %gather3A_150 : vector<16xi32>
            tpu.vector_store_idx %arg13[%shift_right_logical3A_126], %bitcast3A_152 masked %ne3A : memref<10000xi32, #tpu.memory_space<vmem>>[vector<16xi32>], vector<16xi32>, vector<16xi1>
            %gather3A_153 = tpu.vector_load_idx %arg13[%shift_right_logical3A_126] : memref<10000xi32, #tpu.memory_space<vmem>>[vector<16xi32>], vector<16xi32>,
            %bitcast3A_154 = vector.bitcast %gather3A_153 : vector<16xi32> to vector<32xbf16>
            %bitcast3A_155 = vector.bitcast %gather3A_143 : vector<16xi32> to vector<32xbf16>
            %max3A_156 = arith.maximumf %bitcast3A_154, %bitcast3A_155 : vector<32xbf16>
            %bitcast3A_157 = vector.bitcast %max3A_156 : vector<32xbf16> to vector<16xi32>
            %ne3A_158 = arith.cmpi ne, %bitcast3A_157, %gather3A_153 : vector<16xi32>
            %all_reduce_population_count3A_159 = tpu.all_reduce %ne3A_158 {dim = 0 : i64, kind = #tpu.reduction_kind<sum>} : vector<16xi1> -> vector<16xi32>
            %slice3A_160 = vector.extract_strided_slice %all_reduce_population_count3A_159 {offsets = [0], sizes = [1], strides = [1]} : vector<16xi32> to vector<1xi32>
            %squeeze3A_161 = vector.extract %slice3A_160[0] : i32 from vector<1xi32>
            %gt3A_162 = arith.constant 0 : i32
            %gt3A_163 = arith.cmpi sgt, %squeeze3A_161, %gt3A_162 : i32
            scf.yield %gt3A_163 : i1
          }
          %gather3A_146 = tpu.vector_load_idx %arg6[%and3A_115] : memref<10000xi32, #tpu.memory_space<vmem>>[vector<16xi32>], vector<16xi32>,
          %while3A_147 = arith.constant true
          %while3A_148 = scf.while (%while3A_149 = %while3A_147) : (i1) -> i1 {
            scf.condition(%while3A_149) %while3A_149 : i1
          } do {
          ^bb0(%while3A_149: i1):
            %gather3A_150 = tpu.vector_load_idx %arg14[%shift_right_logical3A_126] : memref<10000xi32, #tpu.memory_space<vmem>>[vector<16xi32>], vector<16xi32>,
            %bitcast3A = vector.bitcast %gather3A_150 : vector<16xi32> to vector<32xbf16>
            %bitcast3A_151 = vector.bitcast %gather3A_146 : vector<16xi32> to vector<32xbf16>
            %max3A = arith.maximumf %bitcast3A, %bitcast3A_151 : vector<32xbf16>
            %bitcast3A_152 = vector.bitcast %max3A : vector<32xbf16> to vector<16xi32>
            %ne3A = arith.cmpi ne, %bitcast3A_152, %gather3A_150 : vector<16xi32>
            tpu.vector_store_idx %arg14[%shift_right_logical3A_126], %bitcast3A_152 masked %ne3A : memref<10000xi32, #tpu.memory_space<vmem>>[vector<16xi32>], vector<16xi32>, vector<16xi1>
            %gather3A_153 = tpu.vector_load_idx %arg14[%shift_right_logical3A_126] : memref<10000xi32, #tpu.memory_space<vmem>>[vector<16xi32>], vector<16xi32>,
            %bitcast3A_154 = vector.bitcast %gather3A_153 : vector<16xi32> to vector<32xbf16>
            %bitcast3A_155 = vector.bitcast %gather3A_146 : vector<16xi32> to vector<32xbf16>
            %max3A_156 = arith.maximumf %bitcast3A_154, %bitcast3A_155 : vector<32xbf16>
            %bitcast3A_157 = vector.bitcast %max3A_156 : vector<32xbf16> to vector<16xi32>
            %ne3A_158 = arith.cmpi ne, %bitcast3A_157, %gather3A_153 : vector<16xi32>
            %all_reduce_population_count3A_159 = tpu.all_reduce %ne3A_158 {dim = 0 : i64, kind = #tpu.reduction_kind<sum>} : vector<16xi1> -> vector<16xi32>
            %slice3A_160 = vector.extract_strided_slice %all_reduce_population_count3A_159 {offsets = [0], sizes = [1], strides = [1]} : vector<16xi32> to vector<1xi32>
            %squeeze3A_161 = vector.extract %slice3A_160[0] : i32 from vector<1xi32>
            %gt3A_162 = arith.constant 0 : i32
            %gt3A_163 = arith.cmpi sgt, %squeeze3A_161, %gt3A_162 : i32
            scf.yield %gt3A_163 : i1
          }
        }
        %scan3A_86 = arith.constant 100 : i32
      } else {
      }
    }
    %scan3A_22 = arith.constant 25 : i32
    %scan3A_23 = arith.constant 0 : i32
    %scan3A_24 = arith.constant 0 : i32
    %scan3A_25 = arith.constant 625 : i32
    %scan3A_26 = arith.addi %scan3A_24, %scan3A_25 : i32
    %scan3A_27 = arith.constant 1 : i32
    scf.for %scan3A_31 = %scan3A_24 to %scan3A_26 step %scan3A_27  : i32 {
      %mul3A_32 = arith.constant 16 : i32
      %mul3A_33 = arith.muli %scan3A_31, %mul3A_32 : i32
      %get3A = arith.index_cast %mul3A_33 : i32 to index
      %get3A_34 = tpu.vector_load %arg7[%get3A] {strides = array<i32>} : memref<10000xi32, #tpu.memory_space<vmem>>, vector<16xi32>,
      %get3A_35 = arith.index_cast %mul3A_33 : i32 to index
      %get3A_36 = tpu.vector_load %arg9[%get3A_35] {strides = array<i32>} : memref<10000xi32, #tpu.memory_space<vmem>>, vector<16xi32>,
      %bitcast3A = vector.bitcast %get3A_34 : vector<16xi32> to vector<32xbf16>
      %bitcast3A_37 = vector.bitcast %get3A_36 : vector<16xi32> to vector<32xbf16>
      %max3A = arith.maximumf %bitcast3A, %bitcast3A_37 : vector<32xbf16>
      %bitcast3A_38 = vector.bitcast %max3A : vector<32xbf16> to vector<16xi32>
      %get3A_39 = arith.index_cast %mul3A_33 : i32 to index
      %get3A_40 = tpu.vector_load %arg11[%get3A_39] {strides = array<i32>} : memref<10000xi32, #tpu.memory_space<vmem>>, vector<16xi32>,
      %get3A_41 = arith.index_cast %mul3A_33 : i32 to index
      %get3A_42 = tpu.vector_load %arg13[%get3A_41] {strides = array<i32>} : memref<10000xi32, #tpu.memory_space<vmem>>, vector<16xi32>,
      %bitcast3A_43 = vector.bitcast %get3A_40 : vector<16xi32> to vector<32xbf16>
      %bitcast3A_44 = vector.bitcast %get3A_42 : vector<16xi32> to vector<32xbf16>
      %max3A_45 = arith.maximumf %bitcast3A_43, %bitcast3A_44 : vector<32xbf16>
      %bitcast3A_46 = vector.bitcast %max3A_45 : vector<32xbf16> to vector<16xi32>
      %bitcast3A_47 = vector.bitcast %bitcast3A_38 : vector<16xi32> to vector<32xbf16>
      %bitcast3A_48 = vector.bitcast %bitcast3A_46 : vector<16xi32> to vector<32xbf16>
      %max3A_49 = arith.maximumf %bitcast3A_47, %bitcast3A_48 : vector<32xbf16>
      %bitcast3A_50 = vector.bitcast %max3A_49 : vector<32xbf16> to vector<16xi32>
      %swap3A = arith.index_cast %mul3A_33 : i32 to index
      %swap3A_51 = tpu.vector_load %arg7[%swap3A] {strides = array<i32>} : memref<10000xi32, #tpu.memory_space<vmem>>, vector<16xi32>,
      tpu.vector_store %arg7[%swap3A], %bitcast3A_50 {strides = array<i32>} : memref<10000xi32, #tpu.memory_space<vmem>>, vector<16xi32>,
      %get3A_52 = arith.index_cast %mul3A_33 : i32 to index
      %get3A_53 = tpu.vector_load %arg8[%get3A_52] {strides = array<i32>} : memref<10000xi32, #tpu.memory_space<vmem>>, vector<16xi32>,
      %get3A_54 = arith.index_cast %mul3A_33 : i32 to index
      %get3A_55 = tpu.vector_load %arg10[%get3A_54] {strides = array<i32>} : memref<10000xi32, #tpu.memory_space<vmem>>, vector<16xi32>,
      %bitcast3A_56 = vector.bitcast %get3A_53 : vector<16xi32> to vector<32xbf16>
      %bitcast3A_57 = vector.bitcast %get3A_55 : vector<16xi32> to vector<32xbf16>
      %max3A_58 = arith.maximumf %bitcast3A_56, %bitcast3A_57 : vector<32xbf16>
      %bitcast3A_59 = vector.bitcast %max3A_58 : vector<32xbf16> to vector<16xi32>
      %get3A_60 = arith.index_cast %mul3A_33 : i32 to index
      %get3A_61 = tpu.vector_load %arg12[%get3A_60] {strides = array<i32>} : memref<10000xi32, #tpu.memory_space<vmem>>, vector<16xi32>,
      %get3A_62 = arith.index_cast %mul3A_33 : i32 to index
      %get3A_63 = tpu.vector_load %arg14[%get3A_62] {strides = array<i32>} : memref<10000xi32, #tpu.memory_space<vmem>>, vector<16xi32>,
      %bitcast3A_64 = vector.bitcast %get3A_61 : vector<16xi32> to vector<32xbf16>
      %bitcast3A_65 = vector.bitcast %get3A_63 : vector<16xi32> to vector<32xbf16>
      %max3A_66 = arith.maximumf %bitcast3A_64, %bitcast3A_65 : vector<32xbf16>
      %bitcast3A_67 = vector.bitcast %max3A_66 : vector<32xbf16> to vector<16xi32>
      %bitcast3A_68 = vector.bitcast %bitcast3A_59 : vector<16xi32> to vector<32xbf16>
      %bitcast3A_69 = vector.bitcast %bitcast3A_67 : vector<16xi32> to vector<32xbf16>
      %max3A_70 = arith.maximumf %bitcast3A_68, %bitcast3A_69 : vector<32xbf16>
      %bitcast3A_71 = vector.bitcast %max3A_70 : vector<32xbf16> to vector<16xi32>
      %swap3A_72 = arith.index_cast %mul3A_33 : i32 to index
      %swap3A_73 = tpu.vector_load %arg8[%swap3A_72] {strides = array<i32>} : memref<10000xi32, #tpu.memory_space<vmem>>, vector<16xi32>,
      tpu.vector_store %arg8[%swap3A_72], %bitcast3A_71 {strides = array<i32>} : memref<10000xi32, #tpu.memory_space<vmem>>, vector<16xi32>,
    }
    %scan3A_28 = arith.constant 625 : i32
    %run_scoped3A_29 = arith.constant 0 : i32
    "tpu.region"() ({
      %run_scoped3A_31 = tpu.sem_alloc : memref<!tpu.dma_semaphore, #tpu.memory_space<semaphore_mem>>
      %dma_start3A_32 = arith.constant 0 : i32
      %dma_start3A_33 = tpu.memref_slice %arg4[%add3A, %run_scoped3A_29, %dma_start3A_32] : memref<32x2x10000xi32, #tpu.memory_space<hbm>> -> memref<1x1x10000xi32, #tpu.memory_space<hbm>>
      %dma_start3A_34 = tpu.memref_squeeze %dma_start3A_33 : memref<1x1x10000xi32, #tpu.memory_space<hbm>> -> memref<10000xi32, #tpu.memory_space<hbm>>
      %dma_start3A_35 = arith.constant 0 : i32
      %dma_start3A_36 = tpu.memref_slice %arg4[%add3A, %run_scoped3A_29, %dma_start3A_35] : memref<32x2x10000xi32, #tpu.memory_space<hbm>> -> memref<1x1x10000xi32, #tpu.memory_space<hbm>>
      %dma_start3A_37 = tpu.memref_squeeze %dma_start3A_36 : memref<1x1x10000xi32, #tpu.memory_space<hbm>> -> memref<10000xi32, #tpu.memory_space<hbm>>
      tpu.enqueue_dma source(%arg7 : memref<10000xi32, #tpu.memory_space<vmem>>) target(%dma_start3A_37 : memref<10000xi32, #tpu.memory_space<hbm>>) target_semaphore(%run_scoped3A_31 : memref<!tpu.dma_semaphore, #tpu.memory_space<semaphore_mem>>)
      %dma_wait3A = arith.constant 0 : i32
      %dma_wait3A_38 = tpu.memref_slice %arg4[%add3A, %run_scoped3A_29, %dma_wait3A] : memref<32x2x10000xi32, #tpu.memory_space<hbm>> -> memref<1x1x10000xi32, #tpu.memory_space<hbm>>
      %dma_wait3A_39 = tpu.memref_squeeze %dma_wait3A_38 : memref<1x1x10000xi32, #tpu.memory_space<hbm>> -> memref<10000xi32, #tpu.memory_space<hbm>>
      %dma_wait3A_40 = arith.constant 0 : i32
      %dma_wait3A_41 = tpu.memref_slice %arg4[%add3A, %run_scoped3A_29, %dma_wait3A_40] : memref<32x2x10000xi32, #tpu.memory_space<hbm>> -> memref<1x1x10000xi32, #tpu.memory_space<hbm>>
      %dma_wait3A_42 = tpu.memref_squeeze %dma_wait3A_41 : memref<1x1x10000xi32, #tpu.memory_space<hbm>> -> memref<10000xi32, #tpu.memory_space<hbm>>
      tpu.wait_dma2 semaphore(%run_scoped3A_31 : memref<!tpu.dma_semaphore, #tpu.memory_space<semaphore_mem>>) src(%arg7 : memref<10000xi32, #tpu.memory_space<vmem>>) dst(%dma_wait3A_42 : memref<10000xi32, #tpu.memory_space<hbm>>)
      tpu.yield
    }) : () -> ()
    %run_scoped3A_30 = arith.constant 1 : i32
    "tpu.region"() ({
      %run_scoped3A_31 = tpu.sem_alloc : memref<!tpu.dma_semaphore, #tpu.memory_space<semaphore_mem>>
      %dma_start3A_32 = arith.constant 0 : i32
      %dma_start3A_33 = tpu.memref_slice %arg4[%add3A, %run_scoped3A_30, %dma_start3A_32] : memref<32x2x10000xi32, #tpu.memory_space<hbm>> -> memref<1x1x10000xi32, #tpu.memory_space<hbm>>
      %dma_start3A_34 = tpu.memref_squeeze %dma_start3A_33 : memref<1x1x10000xi32, #tpu.memory_space<hbm>> -> memref<10000xi32, #tpu.memory_space<hbm>>
      %dma_start3A_35 = arith.constant 0 : i32
      %dma_start3A_36 = tpu.memref_slice %arg4[%add3A, %run_scoped3A_30, %dma_start3A_35] : memref<32x2x10000xi32, #tpu.memory_space<hbm>> -> memref<1x1x10000xi32, #tpu.memory_space<hbm>>
      %dma_start3A_37 = tpu.memref_squeeze %dma_start3A_36 : memref<1x1x10000xi32, #tpu.memory_space<hbm>> -> memref<10000xi32, #tpu.memory_space<hbm>>
      tpu.enqueue_dma source(%arg8 : memref<10000xi32, #tpu.memory_space<vmem>>) target(%dma_start3A_37 : memref<10000xi32, #tpu.memory_space<hbm>>) target_semaphore(%run_scoped3A_31 : memref<!tpu.dma_semaphore, #tpu.memory_space<semaphore_mem>>)
      %dma_wait3A = arith.constant 0 : i32
      %dma_wait3A_38 = tpu.memref_slice %arg4[%add3A, %run_scoped3A_30, %dma_wait3A] : memref<32x2x10000xi32, #tpu.memory_space<hbm>> -> memref<1x1x10000xi32, #tpu.memory_space<hbm>>
      %dma_wait3A_39 = tpu.memref_squeeze %dma_wait3A_38 : memref<1x1x10000xi32, #tpu.memory_space<hbm>> -> memref<10000xi32, #tpu.memory_space<hbm>>
      %dma_wait3A_40 = arith.constant 0 : i32
      %dma_wait3A_41 = tpu.memref_slice %arg4[%add3A, %run_scoped3A_30, %dma_wait3A_40] : memref<32x2x10000xi32, #tpu.memory_space<hbm>> -> memref<1x1x10000xi32, #tpu.memory_space<hbm>>
      %dma_wait3A_42 = tpu.memref_squeeze %dma_wait3A_41 : memref<1x1x10000xi32, #tpu.memory_space<hbm>> -> memref<10000xi32, #tpu.memory_space<hbm>>
      tpu.wait_dma2 semaphore(%run_scoped3A_31 : memref<!tpu.dma_semaphore, #tpu.memory_space<semaphore_mem>>) src(%arg8 : memref<10000xi32, #tpu.memory_space<vmem>>) dst(%dma_wait3A_42 : memref<10000xi32, #tpu.memory_space<hbm>>)
      tpu.yield
    }) : () -> ()
    return
  }
}

#map = affine_map<(d0, d1) -> (0, 0, 0)>
#map1 = affine_map<(d0, d1) -> (0)>
module attributes {stable_mosaic.version = 14 : i64} {
  func.func @_sc_segmax_body(%arg0: i32, %arg1: i32, %arg2: memref<32x2x10000xi32, #tpu.memory_space<hbm>>, %arg3: memref<320000xi32, #tpu.memory_space<hbm>>, %arg4: memref<32x2x10000xi32, #tpu.memory_space<hbm>>, %arg5: memref<10000xi32, #tpu.memory_space<vmem>>, %arg6: memref<10000xi32, #tpu.memory_space<vmem>>, %arg7: memref<10000xi32, #tpu.memory_space<vmem>>, %arg8: memref<10000xi32, #tpu.memory_space<vmem>>, %arg9: memref<10000xi32, #tpu.memory_space<vmem>>, %arg10: memref<10000xi32, #tpu.memory_space<vmem>>, %arg11: memref<10000xi32, #tpu.memory_space<vmem>>, %arg12: memref<10000xi32, #tpu.memory_space<vmem>>, %arg13: memref<10000xi32, #tpu.memory_space<vmem>>, %arg14: memref<10000xi32, #tpu.memory_space<vmem>>, %arg15: memref<6400xi32, #tpu.memory_space<vmem>>, %arg16: memref<6400xi32, #tpu.memory_space<vmem>>, %arg17: memref<!tpu.dma_semaphore, #tpu.memory_space<semaphore_mem>>, %arg18: memref<!tpu.dma_semaphore, #tpu.memory_space<semaphore_mem>>) attributes {dimension_semantics = [#tpu.dimension_semantics<core_parallel>, #tpu.dimension_semantics<subcore_parallel>], iteration_bounds = array<i64: 2, 16>, scalar_prefetch = 0 : i64, scratch_operands = 14 : i64, tpu.core_type = #tpu.core_type<sc_vector_subcore>, window_params = [{transform_indices = #map}, {transform_indices = #map1}, {transform_indices = #map}]} {
    %mul3A = arith.constant 2 : i32
    %mul3A_0 = arith.muli %arg1, %mul3A : i32
    %add3A = arith.addi %mul3A_0, %arg0 : i32
    %iota3A = tpu.iota {dimensions = array<i32: 0>} : vector<16xi32>
    %broadcast_in_dim3A = arith.constant true
    %broadcast_in_dim3A_1 = vector.broadcast %broadcast_in_dim3A : i1 to vector<16xi1>
    %unique3A, %unique3A_2 = tpu.scan_count mask(%broadcast_in_dim3A_1 : vector<16xi1>) value(%iota3A : vector<16xi32>) : vector<16xi1>, vector<16xi32>
    %run_scoped3A = arith.constant 0 : i32
    "tpu.region"() ({
      %run_scoped3A_31 = tpu.sem_alloc : memref<!tpu.dma_semaphore, #tpu.memory_space<semaphore_mem>>
      %dma_start3A_32 = arith.constant 0 : i32
      %dma_start3A_33 = tpu.memref_slice %arg2[%add3A, %run_scoped3A, %dma_start3A_32] : memref<32x2x10000xi32, #tpu.memory_space<hbm>> -> memref<1x1x10000xi32, #tpu.memory_space<hbm>>
      %dma_start3A_34 = tpu.memref_squeeze %dma_start3A_33 : memref<1x1x10000xi32, #tpu.memory_space<hbm>> -> memref<10000xi32, #tpu.memory_space<hbm>>
      %dma_start3A_35 = arith.constant 0 : i32
      %dma_start3A_36 = tpu.memref_slice %arg2[%add3A, %run_scoped3A, %dma_start3A_35] : memref<32x2x10000xi32, #tpu.memory_space<hbm>> -> memref<1x1x10000xi32, #tpu.memory_space<hbm>>
      %dma_start3A_37 = tpu.memref_squeeze %dma_start3A_36 : memref<1x1x10000xi32, #tpu.memory_space<hbm>> -> memref<10000xi32, #tpu.memory_space<hbm>>
      tpu.enqueue_dma source(%dma_start3A_37 : memref<10000xi32, #tpu.memory_space<hbm>>) target(%arg5 : memref<10000xi32, #tpu.memory_space<vmem>>) target_semaphore(%run_scoped3A_31 : memref<!tpu.dma_semaphore, #tpu.memory_space<semaphore_mem>>)
      %dma_wait3A = arith.constant 0 : i32
      %dma_wait3A_38 = tpu.memref_slice %arg2[%add3A, %run_scoped3A, %dma_wait3A] : memref<32x2x10000xi32, #tpu.memory_space<hbm>> -> memref<1x1x10000xi32, #tpu.memory_space<hbm>>
      %dma_wait3A_39 = tpu.memref_squeeze %dma_wait3A_38 : memref<1x1x10000xi32, #tpu.memory_space<hbm>> -> memref<10000xi32, #tpu.memory_space<hbm>>
      %dma_wait3A_40 = arith.constant 0 : i32
      %dma_wait3A_41 = tpu.memref_slice %arg2[%add3A, %run_scoped3A, %dma_wait3A_40] : memref<32x2x10000xi32, #tpu.memory_space<hbm>> -> memref<1x1x10000xi32, #tpu.memory_space<hbm>>
      %dma_wait3A_42 = tpu.memref_squeeze %dma_wait3A_41 : memref<1x1x10000xi32, #tpu.memory_space<hbm>> -> memref<10000xi32, #tpu.memory_space<hbm>>
      tpu.wait_dma2 semaphore(%run_scoped3A_31 : memref<!tpu.dma_semaphore, #tpu.memory_space<semaphore_mem>>) src(%dma_wait3A_42 : memref<10000xi32, #tpu.memory_space<hbm>>) dst(%arg5 : memref<10000xi32, #tpu.memory_space<vmem>>)
      tpu.yield
    }) : () -> ()
    %run_scoped3A_3 = arith.constant 1 : i32
    "tpu.region"() ({
      %run_scoped3A_31 = tpu.sem_alloc : memref<!tpu.dma_semaphore, #tpu.memory_space<semaphore_mem>>
      %dma_start3A_32 = arith.constant 0 : i32
      %dma_start3A_33 = tpu.memref_slice %arg2[%add3A, %run_scoped3A_3, %dma_start3A_32] : memref<32x2x10000xi32, #tpu.memory_space<hbm>> -> memref<1x1x10000xi32, #tpu.memory_space<hbm>>
      %dma_start3A_34 = tpu.memref_squeeze %dma_start3A_33 : memref<1x1x10000xi32, #tpu.memory_space<hbm>> -> memref<10000xi32, #tpu.memory_space<hbm>>
      %dma_start3A_35 = arith.constant 0 : i32
      %dma_start3A_36 = tpu.memref_slice %arg2[%add3A, %run_scoped3A_3, %dma_start3A_35] : memref<32x2x10000xi32, #tpu.memory_space<hbm>> -> memref<1x1x10000xi32, #tpu.memory_space<hbm>>
      %dma_start3A_37 = tpu.memref_squeeze %dma_start3A_36 : memref<1x1x10000xi32, #tpu.memory_space<hbm>> -> memref<10000xi32, #tpu.memory_space<hbm>>
      tpu.enqueue_dma source(%dma_start3A_37 : memref<10000xi32, #tpu.memory_space<hbm>>) target(%arg6 : memref<10000xi32, #tpu.memory_space<vmem>>) target_semaphore(%run_scoped3A_31 : memref<!tpu.dma_semaphore, #tpu.memory_space<semaphore_mem>>)
      %dma_wait3A = arith.constant 0 : i32
      %dma_wait3A_38 = tpu.memref_slice %arg2[%add3A, %run_scoped3A_3, %dma_wait3A] : memref<32x2x10000xi32, #tpu.memory_space<hbm>> -> memref<1x1x10000xi32, #tpu.memory_space<hbm>>
      %dma_wait3A_39 = tpu.memref_squeeze %dma_wait3A_38 : memref<1x1x10000xi32, #tpu.memory_space<hbm>> -> memref<10000xi32, #tpu.memory_space<hbm>>
      %dma_wait3A_40 = arith.constant 0 : i32
      %dma_wait3A_41 = tpu.memref_slice %arg2[%add3A, %run_scoped3A_3, %dma_wait3A_40] : memref<32x2x10000xi32, #tpu.memory_space<hbm>> -> memref<1x1x10000xi32, #tpu.memory_space<hbm>>
      %dma_wait3A_42 = tpu.memref_squeeze %dma_wait3A_41 : memref<1x1x10000xi32, #tpu.memory_space<hbm>> -> memref<10000xi32, #tpu.memory_space<hbm>>
      tpu.wait_dma2 semaphore(%run_scoped3A_31 : memref<!tpu.dma_semaphore, #tpu.memory_space<semaphore_mem>>) src(%dma_wait3A_42 : memref<10000xi32, #tpu.memory_space<hbm>>) dst(%arg6 : memref<10000xi32, #tpu.memory_space<vmem>>)
      tpu.yield
    }) : () -> ()
    %broadcast_in_dim3A_4 = arith.constant 0 : i32
    %broadcast_in_dim3A_5 = vector.broadcast %broadcast_in_dim3A_4 : i32 to vector<16xi32>
    %scan3A = arith.constant 0 : i32
    %scan3A_6 = arith.constant 0 : i32
    %scan3A_7 = arith.constant 625 : i32
    %scan3A_8 = arith.addi %scan3A_6, %scan3A_7 : i32
    %scan3A_9 = arith.constant 1 : i32
    scf.for %scan3A_31 = %scan3A_6 to %scan3A_8 step %scan3A_9  : i32 {
      %mul3A_32 = arith.constant 16 : i32
      %mul3A_33 = arith.muli %scan3A_31, %mul3A_32 : i32
      %swap3A = arith.index_cast %mul3A_33 : i32 to index
      %swap3A_34 = tpu.vector_load %arg7[%swap3A] {strides = array<i32>} : memref<10000xi32, #tpu.memory_space<vmem>>, vector<16xi32>,
      tpu.vector_store %arg7[%swap3A], %broadcast_in_dim3A_5 {strides = array<i32>} : memref<10000xi32, #tpu.memory_space<vmem>>, vector<16xi32>,
      %mul3A_35 = arith.constant 16 : i32
      %mul3A_36 = arith.muli %scan3A_31, %mul3A_35 : i32
      %swap3A_37 = arith.index_cast %mul3A_36 : i32 to index
      %swap3A_38 = tpu.vector_load %arg8[%swap3A_37] {strides = array<i32>} : memref<10000xi32, #tpu.memory_space<vmem>>, vector<16xi32>,
      tpu.vector_store %arg8[%swap3A_37], %broadcast_in_dim3A_5 {strides = array<i32>} : memref<10000xi32, #tpu.memory_space<vmem>>, vector<16xi32>,
      %mul3A_39 = arith.constant 16 : i32
      %mul3A_40 = arith.muli %scan3A_31, %mul3A_39 : i32
      %swap3A_41 = arith.index_cast %mul3A_40 : i32 to index
      %swap3A_42 = tpu.vector_load %arg9[%swap3A_41] {strides = array<i32>} : memref<10000xi32, #tpu.memory_space<vmem>>, vector<16xi32>,
      tpu.vector_store %arg9[%swap3A_41], %broadcast_in_dim3A_5 {strides = array<i32>} : memref<10000xi32, #tpu.memory_space<vmem>>, vector<16xi32>,
      %mul3A_43 = arith.constant 16 : i32
      %mul3A_44 = arith.muli %scan3A_31, %mul3A_43 : i32
      %swap3A_45 = arith.index_cast %mul3A_44 : i32 to index
      %swap3A_46 = tpu.vector_load %arg10[%swap3A_45] {strides = array<i32>} : memref<10000xi32, #tpu.memory_space<vmem>>, vector<16xi32>,
      tpu.vector_store %arg10[%swap3A_45], %broadcast_in_dim3A_5 {strides = array<i32>} : memref<10000xi32, #tpu.memory_space<vmem>>, vector<16xi32>,
      %mul3A_47 = arith.constant 16 : i32
      %mul3A_48 = arith.muli %scan3A_31, %mul3A_47 : i32
      %swap3A_49 = arith.index_cast %mul3A_48 : i32 to index
      %swap3A_50 = tpu.vector_load %arg11[%swap3A_49] {strides = array<i32>} : memref<10000xi32, #tpu.memory_space<vmem>>, vector<16xi32>,
      tpu.vector_store %arg11[%swap3A_49], %broadcast_in_dim3A_5 {strides = array<i32>} : memref<10000xi32, #tpu.memory_space<vmem>>, vector<16xi32>,
      %mul3A_51 = arith.constant 16 : i32
      %mul3A_52 = arith.muli %scan3A_31, %mul3A_51 : i32
      %swap3A_53 = arith.index_cast %mul3A_52 : i32 to index
      %swap3A_54 = tpu.vector_load %arg12[%swap3A_53] {strides = array<i32>} : memref<10000xi32, #tpu.memory_space<vmem>>, vector<16xi32>,
      tpu.vector_store %arg12[%swap3A_53], %broadcast_in_dim3A_5 {strides = array<i32>} : memref<10000xi32, #tpu.memory_space<vmem>>, vector<16xi32>,
      %mul3A_55 = arith.constant 16 : i32
      %mul3A_56 = arith.muli %scan3A_31, %mul3A_55 : i32
      %swap3A_57 = arith.index_cast %mul3A_56 : i32 to index
      %swap3A_58 = tpu.vector_load %arg13[%swap3A_57] {strides = array<i32>} : memref<10000xi32, #tpu.memory_space<vmem>>, vector<16xi32>,
      tpu.vector_store %arg13[%swap3A_57], %broadcast_in_dim3A_5 {strides = array<i32>} : memref<10000xi32, #tpu.memory_space<vmem>>, vector<16xi32>,
      %mul3A_59 = arith.constant 16 : i32
      %mul3A_60 = arith.muli %scan3A_31, %mul3A_59 : i32
      %swap3A_61 = arith.index_cast %mul3A_60 : i32 to index
      %swap3A_62 = tpu.vector_load %arg14[%swap3A_61] {strides = array<i32>} : memref<10000xi32, #tpu.memory_space<vmem>>, vector<16xi32>,
      tpu.vector_store %arg14[%swap3A_61], %broadcast_in_dim3A_5 {strides = array<i32>} : memref<10000xi32, #tpu.memory_space<vmem>>, vector<16xi32>,
    }
    %scan3A_10 = arith.constant 625 : i32
    %add3A_11 = arith.constant 1 : i32
    %add3A_12 = vector.broadcast %add3A_11 : i32 to vector<16xi32>
    %add3A_13 = arith.addi %unique3A_2, %add3A_12 : vector<16xi32>
    %dma_start3A = arith.constant 0 : i32
    %dma_start3A_14 = tpu.memref_slice %arg3[%dma_start3A] : memref<320000xi32, #tpu.memory_space<hbm>> -> memref<6400xi32, #tpu.memory_space<hbm>>
    %dma_start3A_15 = arith.constant 0 : i32
    %dma_start3A_16 = tpu.memref_slice %arg3[%dma_start3A_15] : memref<320000xi32, #tpu.memory_space<hbm>> -> memref<6400xi32, #tpu.memory_space<hbm>>
    tpu.enqueue_dma source(%dma_start3A_16 : memref<6400xi32, #tpu.memory_space<hbm>>) target(%arg15 : memref<6400xi32, #tpu.memory_space<vmem>>) target_semaphore(%arg17 : memref<!tpu.dma_semaphore, #tpu.memory_space<semaphore_mem>>)
    %scan3A_17 = arith.constant 0 : i32
    %scan3A_18 = arith.constant 0 : i32
    %scan3A_19 = arith.constant 25 : i32
    %scan3A_20 = arith.addi %scan3A_18, %scan3A_19 : i32
    %scan3A_21 = arith.constant 1 : i32
    scf.for %scan3A_31 = %scan3A_18 to %scan3A_20 step %scan3A_21  : i32 {
      %mul3A_32 = arith.constant 2 : i32
      %mul3A_33 = arith.muli %mul3A_32, %scan3A_31 : i32
      %add3A_34 = arith.constant 1 : i32
      %add3A_35 = arith.addi %mul3A_33, %add3A_34 : i32
      %mul3A_36 = arith.constant 6400 : i32
      %mul3A_37 = arith.muli %add3A_35, %mul3A_36 : i32
      %dma_start3A_38 = tpu.memref_slice %arg3[%mul3A_37] : memref<320000xi32, #tpu.memory_space<hbm>> -> memref<6400xi32, #tpu.memory_space<hbm>>
      %dma_start3A_39 = tpu.memref_slice %arg3[%mul3A_37] : memref<320000xi32, #tpu.memory_space<hbm>> -> memref<6400xi32, #tpu.memory_space<hbm>>
      tpu.enqueue_dma source(%dma_start3A_39 : memref<6400xi32, #tpu.memory_space<hbm>>) target(%arg16 : memref<6400xi32, #tpu.memory_space<vmem>>) target_semaphore(%arg18 : memref<!tpu.dma_semaphore, #tpu.memory_space<semaphore_mem>>)
      %dma_wait3A = arith.constant 0 : i32
      %dma_wait3A_40 = tpu.memref_slice %arg3[%dma_wait3A] : memref<320000xi32, #tpu.memory_space<hbm>> -> memref<6400xi32, #tpu.memory_space<hbm>>
      %dma_wait3A_41 = arith.constant 0 : i32
      %dma_wait3A_42 = tpu.memref_slice %arg3[%dma_wait3A_41] : memref<320000xi32, #tpu.memory_space<hbm>> -> memref<6400xi32, #tpu.memory_space<hbm>>
      tpu.wait_dma2 semaphore(%arg17 : memref<!tpu.dma_semaphore, #tpu.memory_space<semaphore_mem>>) src(%dma_wait3A_42 : memref<6400xi32, #tpu.memory_space<hbm>>) dst(%arg15 : memref<6400xi32, #tpu.memory_space<vmem>>)
      %broadcast_in_dim3A_43 = arith.constant false
      %broadcast_in_dim3A_44 = vector.broadcast %broadcast_in_dim3A_43 : i1 to vector<16xi1>
      %scan3A_45 = arith.constant 0 : i32
      %scan3A_46 = arith.constant 100 : i32
      %scan3A_47 = arith.addi %scan3A_45, %scan3A_46 : i32
      %scan3A_48 = arith.constant 1 : i32
      %scan3A_49 = scf.for %scan3A_81 = %scan3A_45 to %scan3A_47 step %scan3A_48 iter_args(%scan3A_82 = %broadcast_in_dim3A_44) -> (vector<16xi1>)  : i32 {
        %mul3A_83 = arith.constant 64 : i32
        %mul3A_84 = arith.muli %scan3A_81, %mul3A_83 : i32
        %add3A_85 = arith.constant 0 : i32
        %add3A_86 = arith.addi %mul3A_84, %add3A_85 : i32
        %get3A = arith.index_cast %add3A_86 : i32 to index
        %get3A_87 = tpu.vector_load %arg15[%get3A] {strides = array<i32>} : memref<6400xi32, #tpu.memory_space<vmem>>, vector<16xi32>,
        %add3A_88 = arith.constant 16 : i32
        %add3A_89 = arith.addi %mul3A_84, %add3A_88 : i32
        %get3A_90 = arith.index_cast %add3A_89 : i32 to index
        %get3A_91 = tpu.vector_load %arg15[%get3A_90] {strides = array<i32>} : memref<6400xi32, #tpu.memory_space<vmem>>, vector<16xi32>,
        %add3A_92 = arith.constant 32 : i32
        %add3A_93 = arith.addi %mul3A_84, %add3A_92 : i32
        %get3A_94 = arith.index_cast %add3A_93 : i32 to index
        %get3A_95 = tpu.vector_load %arg15[%get3A_94] {strides = array<i32>} : memref<6400xi32, #tpu.memory_space<vmem>>, vector<16xi32>,
        %add3A_96 = arith.constant 48 : i32
        %add3A_97 = arith.addi %mul3A_84, %add3A_96 : i32
        %get3A_98 = arith.index_cast %add3A_97 : i32 to index
        %get3A_99 = tpu.vector_load %arg15[%get3A_98] {strides = array<i32>} : memref<6400xi32, #tpu.memory_space<vmem>>, vector<16xi32>,
        %and3A = arith.constant 65535 : i32
        %and3A_100 = vector.broadcast %and3A : i32 to vector<16xi32>
        %and3A_101 = arith.andi %get3A_87, %and3A_100 : vector<16xi32>
        %and3A_102 = arith.constant 65535 : i32
        %and3A_103 = vector.broadcast %and3A_102 : i32 to vector<16xi32>
        %and3A_104 = arith.andi %get3A_91, %and3A_103 : vector<16xi32>
        %and3A_105 = arith.constant 65535 : i32
        %and3A_106 = vector.broadcast %and3A_105 : i32 to vector<16xi32>
        %and3A_107 = arith.andi %get3A_95, %and3A_106 : vector<16xi32>
        %and3A_108 = arith.constant 65535 : i32
        %and3A_109 = vector.broadcast %and3A_108 : i32 to vector<16xi32>
        %and3A_110 = arith.andi %get3A_99, %and3A_109 : vector<16xi32>
        %shift_right_logical3A = arith.constant 16 : i32
        %shift_right_logical3A_111 = vector.broadcast %shift_right_logical3A : i32 to vector<16xi32>
        %shift_right_logical3A_112 = arith.shrui %get3A_87, %shift_right_logical3A_111 : vector<16xi32>
        %shift_right_logical3A_113 = arith.constant 16 : i32
        %shift_right_logical3A_114 = vector.broadcast %shift_right_logical3A_113 : i32 to vector<16xi32>
        %shift_right_logical3A_115 = arith.shrui %get3A_91, %shift_right_logical3A_114 : vector<16xi32>
        %shift_right_logical3A_116 = arith.constant 16 : i32
        %shift_right_logical3A_117 = vector.broadcast %shift_right_logical3A_116 : i32 to vector<16xi32>
        %shift_right_logical3A_118 = arith.shrui %get3A_95, %shift_right_logical3A_117 : vector<16xi32>
        %shift_right_logical3A_119 = arith.constant 16 : i32
        %shift_right_logical3A_120 = vector.broadcast %shift_right_logical3A_119 : i32 to vector<16xi32>
        %shift_right_logical3A_121 = arith.shrui %get3A_99, %shift_right_logical3A_120 : vector<16xi32>
        %broadcast_in_dim3A_122 = arith.constant true
        %broadcast_in_dim3A_123 = vector.broadcast %broadcast_in_dim3A_122 : i1 to vector<16xi1>
        %unique3A_124, %unique3A_125 = tpu.scan_count mask(%broadcast_in_dim3A_123 : vector<16xi1>) value(%shift_right_logical3A_112 : vector<16xi32>) : vector<16xi1>, vector<16xi32>
        %gt3A_126 = arith.cmpi sgt, %unique3A_125, %add3A_13 : vector<16xi32>
        %broadcast_in_dim3A_127 = arith.constant true
        %broadcast_in_dim3A_128 = vector.broadcast %broadcast_in_dim3A_127 : i1 to vector<16xi1>
        %unique3A_129, %unique3A_130 = tpu.scan_count mask(%broadcast_in_dim3A_128 : vector<16xi1>) value(%shift_right_logical3A_115 : vector<16xi32>) : vector<16xi1>, vector<16xi32>
        %gt3A_131 = arith.cmpi sgt, %unique3A_130, %add3A_13 : vector<16xi32>
        %or3A = arith.ori %gt3A_126, %gt3A_131 : vector<16xi1>
        %broadcast_in_dim3A_132 = arith.constant true
        %broadcast_in_dim3A_133 = vector.broadcast %broadcast_in_dim3A_132 : i1 to vector<16xi1>
        %unique3A_134, %unique3A_135 = tpu.scan_count mask(%broadcast_in_dim3A_133 : vector<16xi1>) value(%shift_right_logical3A_118 : vector<16xi32>) : vector<16xi1>, vector<16xi32>
        %gt3A_136 = arith.cmpi sgt, %unique3A_135, %add3A_13 : vector<16xi32>
        %or3A_137 = arith.ori %or3A, %gt3A_136 : vector<16xi1>
        %broadcast_in_dim3A_138 = arith.constant true
        %broadcast_in_dim3A_139 = vector.broadcast %broadcast_in_dim3A_138 : i1 to vector<16xi1>
        %unique3A_140, %unique3A_141 = tpu.scan_count mask(%broadcast_in_dim3A_139 : vector<16xi1>) value(%shift_right_logical3A_121 : vector<16xi32>) : vector<16xi1>, vector<16xi32>
        %gt3A_142 = arith.cmpi sgt, %unique3A_141, %add3A_13 : vector<16xi32>
        %or3A_143 = arith.ori %or3A_137, %gt3A_142 : vector<16xi1>
        %gather3A = tpu.vector_load_idx %arg5[%and3A_101] : memref<10000xi32, #tpu.memory_space<vmem>>[vector<16xi32>], vector<16xi32>,
        %gather3A_144 = tpu.vector_load_idx %arg6[%and3A_101] : memref<10000xi32, #tpu.memory_space<vmem>>[vector<16xi32>], vector<16xi32>,
        %gather3A_145 = tpu.vector_load_idx %arg5[%and3A_104] : memref<10000xi32, #tpu.memory_space<vmem>>[vector<16xi32>], vector<16xi32>,
        %gather3A_146 = tpu.vector_load_idx %arg6[%and3A_104] : memref<10000xi32, #tpu.memory_space<vmem>>[vector<16xi32>], vector<16xi32>,
        %gather3A_147 = tpu.vector_load_idx %arg5[%and3A_107] : memref<10000xi32, #tpu.memory_space<vmem>>[vector<16xi32>], vector<16xi32>,
        %gather3A_148 = tpu.vector_load_idx %arg6[%and3A_107] : memref<10000xi32, #tpu.memory_space<vmem>>[vector<16xi32>], vector<16xi32>,
        %gather3A_149 = tpu.vector_load_idx %arg5[%and3A_110] : memref<10000xi32, #tpu.memory_space<vmem>>[vector<16xi32>], vector<16xi32>,
        %gather3A_150 = tpu.vector_load_idx %arg6[%and3A_110] : memref<10000xi32, #tpu.memory_space<vmem>>[vector<16xi32>], vector<16xi32>,
        %gather3A_151 = tpu.vector_load_idx %arg7[%shift_right_logical3A_112] : memref<10000xi32, #tpu.memory_space<vmem>>[vector<16xi32>], vector<16xi32>,
        %gather3A_152 = tpu.vector_load_idx %arg8[%shift_right_logical3A_112] : memref<10000xi32, #tpu.memory_space<vmem>>[vector<16xi32>], vector<16xi32>,
        %gather3A_153 = tpu.vector_load_idx %arg9[%shift_right_logical3A_115] : memref<10000xi32, #tpu.memory_space<vmem>>[vector<16xi32>], vector<16xi32>,
        %gather3A_154 = tpu.vector_load_idx %arg10[%shift_right_logical3A_115] : memref<10000xi32, #tpu.memory_space<vmem>>[vector<16xi32>], vector<16xi32>,
        %gather3A_155 = tpu.vector_load_idx %arg11[%shift_right_logical3A_118] : memref<10000xi32, #tpu.memory_space<vmem>>[vector<16xi32>], vector<16xi32>,
        %gather3A_156 = tpu.vector_load_idx %arg12[%shift_right_logical3A_118] : memref<10000xi32, #tpu.memory_space<vmem>>[vector<16xi32>], vector<16xi32>,
        %gather3A_157 = tpu.vector_load_idx %arg13[%shift_right_logical3A_121] : memref<10000xi32, #tpu.memory_space<vmem>>[vector<16xi32>], vector<16xi32>,
        %gather3A_158 = tpu.vector_load_idx %arg14[%shift_right_logical3A_121] : memref<10000xi32, #tpu.memory_space<vmem>>[vector<16xi32>], vector<16xi32>,
        %bitcast3A = vector.bitcast %gather3A_151 : vector<16xi32> to vector<32xbf16>
        %bitcast3A_159 = vector.bitcast %gather3A : vector<16xi32> to vector<32xbf16>
        %max3A = arith.maximumf %bitcast3A, %bitcast3A_159 : vector<32xbf16>
        %bitcast3A_160 = vector.bitcast %max3A : vector<32xbf16> to vector<16xi32>
        %ne3A = arith.cmpi ne, %bitcast3A_160, %gather3A_151 : vector<16xi32>
        tpu.vector_store_idx %arg7[%shift_right_logical3A_112], %bitcast3A_160 masked %ne3A : memref<10000xi32, #tpu.memory_space<vmem>>[vector<16xi32>], vector<16xi32>, vector<16xi1>
        %bitcast3A_161 = vector.bitcast %gather3A_152 : vector<16xi32> to vector<32xbf16>
        %bitcast3A_162 = vector.bitcast %gather3A_144 : vector<16xi32> to vector<32xbf16>
        %max3A_163 = arith.maximumf %bitcast3A_161, %bitcast3A_162 : vector<32xbf16>
        %bitcast3A_164 = vector.bitcast %max3A_163 : vector<32xbf16> to vector<16xi32>
        %ne3A_165 = arith.cmpi ne, %bitcast3A_164, %gather3A_152 : vector<16xi32>
        tpu.vector_store_idx %arg8[%shift_right_logical3A_112], %bitcast3A_164 masked %ne3A_165 : memref<10000xi32, #tpu.memory_space<vmem>>[vector<16xi32>], vector<16xi32>, vector<16xi1>
        %bitcast3A_166 = vector.bitcast %gather3A_153 : vector<16xi32> to vector<32xbf16>
        %bitcast3A_167 = vector.bitcast %gather3A_145 : vector<16xi32> to vector<32xbf16>
        %max3A_168 = arith.maximumf %bitcast3A_166, %bitcast3A_167 : vector<32xbf16>
        %bitcast3A_169 = vector.bitcast %max3A_168 : vector<32xbf16> to vector<16xi32>
        %ne3A_170 = arith.cmpi ne, %bitcast3A_169, %gather3A_153 : vector<16xi32>
        tpu.vector_store_idx %arg9[%shift_right_logical3A_115], %bitcast3A_169 masked %ne3A_170 : memref<10000xi32, #tpu.memory_space<vmem>>[vector<16xi32>], vector<16xi32>, vector<16xi1>
        %bitcast3A_171 = vector.bitcast %gather3A_154 : vector<16xi32> to vector<32xbf16>
        %bitcast3A_172 = vector.bitcast %gather3A_146 : vector<16xi32> to vector<32xbf16>
        %max3A_173 = arith.maximumf %bitcast3A_171, %bitcast3A_172 : vector<32xbf16>
        %bitcast3A_174 = vector.bitcast %max3A_173 : vector<32xbf16> to vector<16xi32>
        %ne3A_175 = arith.cmpi ne, %bitcast3A_174, %gather3A_154 : vector<16xi32>
        tpu.vector_store_idx %arg10[%shift_right_logical3A_115], %bitcast3A_174 masked %ne3A_175 : memref<10000xi32, #tpu.memory_space<vmem>>[vector<16xi32>], vector<16xi32>, vector<16xi1>
        %bitcast3A_176 = vector.bitcast %gather3A_155 : vector<16xi32> to vector<32xbf16>
        %bitcast3A_177 = vector.bitcast %gather3A_147 : vector<16xi32> to vector<32xbf16>
        %max3A_178 = arith.maximumf %bitcast3A_176, %bitcast3A_177 : vector<32xbf16>
        %bitcast3A_179 = vector.bitcast %max3A_178 : vector<32xbf16> to vector<16xi32>
        %ne3A_180 = arith.cmpi ne, %bitcast3A_179, %gather3A_155 : vector<16xi32>
        tpu.vector_store_idx %arg11[%shift_right_logical3A_118], %bitcast3A_179 masked %ne3A_180 : memref<10000xi32, #tpu.memory_space<vmem>>[vector<16xi32>], vector<16xi32>, vector<16xi1>
        %bitcast3A_181 = vector.bitcast %gather3A_156 : vector<16xi32> to vector<32xbf16>
        %bitcast3A_182 = vector.bitcast %gather3A_148 : vector<16xi32> to vector<32xbf16>
        %max3A_183 = arith.maximumf %bitcast3A_181, %bitcast3A_182 : vector<32xbf16>
        %bitcast3A_184 = vector.bitcast %max3A_183 : vector<32xbf16> to vector<16xi32>
        %ne3A_185 = arith.cmpi ne, %bitcast3A_184, %gather3A_156 : vector<16xi32>
        tpu.vector_store_idx %arg12[%shift_right_logical3A_118], %bitcast3A_184 masked %ne3A_185 : memref<10000xi32, #tpu.memory_space<vmem>>[vector<16xi32>], vector<16xi32>, vector<16xi1>
        %bitcast3A_186 = vector.bitcast %gather3A_157 : vector<16xi32> to vector<32xbf16>
        %bitcast3A_187 = vector.bitcast %gather3A_149 : vector<16xi32> to vector<32xbf16>
        %max3A_188 = arith.maximumf %bitcast3A_186, %bitcast3A_187 : vector<32xbf16>
        %bitcast3A_189 = vector.bitcast %max3A_188 : vector<32xbf16> to vector<16xi32>
        %ne3A_190 = arith.cmpi ne, %bitcast3A_189, %gather3A_157 : vector<16xi32>
        tpu.vector_store_idx %arg13[%shift_right_logical3A_121], %bitcast3A_189 masked %ne3A_190 : memref<10000xi32, #tpu.memory_space<vmem>>[vector<16xi32>], vector<16xi32>, vector<16xi1>
        %bitcast3A_191 = vector.bitcast %gather3A_158 : vector<16xi32> to vector<32xbf16>
        %bitcast3A_192 = vector.bitcast %gather3A_150 : vector<16xi32> to vector<32xbf16>
        %max3A_193 = arith.maximumf %bitcast3A_191, %bitcast3A_192 : vector<32xbf16>
        %bitcast3A_194 = vector.bitcast %max3A_193 : vector<32xbf16> to vector<16xi32>
        %ne3A_195 = arith.cmpi ne, %bitcast3A_194, %gather3A_158 : vector<16xi32>
        tpu.vector_store_idx %arg14[%shift_right_logical3A_121], %bitcast3A_194 masked %ne3A_195 : memref<10000xi32, #tpu.memory_space<vmem>>[vector<16xi32>], vector<16xi32>, vector<16xi1>
        %gather3A_196 = tpu.vector_load_idx %arg7[%shift_right_logical3A_112] : memref<10000xi32, #tpu.memory_space<vmem>>[vector<16xi32>], vector<16xi32>,
        %gather3A_197 = tpu.vector_load_idx %arg8[%shift_right_logical3A_112] : memref<10000xi32, #tpu.memory_space<vmem>>[vector<16xi32>], vector<16xi32>,
        %gather3A_198 = tpu.vector_load_idx %arg9[%shift_right_logical3A_115] : memref<10000xi32, #tpu.memory_space<vmem>>[vector<16xi32>], vector<16xi32>,
        %gather3A_199 = tpu.vector_load_idx %arg10[%shift_right_logical3A_115] : memref<10000xi32, #tpu.memory_space<vmem>>[vector<16xi32>], vector<16xi32>,
        %gather3A_200 = tpu.vector_load_idx %arg11[%shift_right_logical3A_118] : memref<10000xi32, #tpu.memory_space<vmem>>[vector<16xi32>], vector<16xi32>,
        %gather3A_201 = tpu.vector_load_idx %arg12[%shift_right_logical3A_118] : memref<10000xi32, #tpu.memory_space<vmem>>[vector<16xi32>], vector<16xi32>,
        %gather3A_202 = tpu.vector_load_idx %arg13[%shift_right_logical3A_121] : memref<10000xi32, #tpu.memory_space<vmem>>[vector<16xi32>], vector<16xi32>,
        %gather3A_203 = tpu.vector_load_idx %arg14[%shift_right_logical3A_121] : memref<10000xi32, #tpu.memory_space<vmem>>[vector<16xi32>], vector<16xi32>,
        %bitcast3A_204 = vector.bitcast %gather3A_196 : vector<16xi32> to vector<32xbf16>
        %bitcast3A_205 = vector.bitcast %gather3A : vector<16xi32> to vector<32xbf16>
        %max3A_206 = arith.maximumf %bitcast3A_204, %bitcast3A_205 : vector<32xbf16>
        %bitcast3A_207 = vector.bitcast %max3A_206 : vector<32xbf16> to vector<16xi32>
        %ne3A_208 = arith.cmpi ne, %bitcast3A_207, %gather3A_196 : vector<16xi32>
        tpu.vector_store_idx %arg7[%shift_right_logical3A_112], %bitcast3A_207 masked %ne3A_208 : memref<10000xi32, #tpu.memory_space<vmem>>[vector<16xi32>], vector<16xi32>, vector<16xi1>
        %bitcast3A_209 = vector.bitcast %gather3A_197 : vector<16xi32> to vector<32xbf16>
        %bitcast3A_210 = vector.bitcast %gather3A_144 : vector<16xi32> to vector<32xbf16>
        %max3A_211 = arith.maximumf %bitcast3A_209, %bitcast3A_210 : vector<32xbf16>
        %bitcast3A_212 = vector.bitcast %max3A_211 : vector<32xbf16> to vector<16xi32>
        %ne3A_213 = arith.cmpi ne, %bitcast3A_212, %gather3A_197 : vector<16xi32>
        tpu.vector_store_idx %arg8[%shift_right_logical3A_112], %bitcast3A_212 masked %ne3A_213 : memref<10000xi32, #tpu.memory_space<vmem>>[vector<16xi32>], vector<16xi32>, vector<16xi1>
        %bitcast3A_214 = vector.bitcast %gather3A_198 : vector<16xi32> to vector<32xbf16>
        %bitcast3A_215 = vector.bitcast %gather3A_145 : vector<16xi32> to vector<32xbf16>
        %max3A_216 = arith.maximumf %bitcast3A_214, %bitcast3A_215 : vector<32xbf16>
        %bitcast3A_217 = vector.bitcast %max3A_216 : vector<32xbf16> to vector<16xi32>
        %ne3A_218 = arith.cmpi ne, %bitcast3A_217, %gather3A_198 : vector<16xi32>
        tpu.vector_store_idx %arg9[%shift_right_logical3A_115], %bitcast3A_217 masked %ne3A_218 : memref<10000xi32, #tpu.memory_space<vmem>>[vector<16xi32>], vector<16xi32>, vector<16xi1>
        %bitcast3A_219 = vector.bitcast %gather3A_199 : vector<16xi32> to vector<32xbf16>
        %bitcast3A_220 = vector.bitcast %gather3A_146 : vector<16xi32> to vector<32xbf16>
        %max3A_221 = arith.maximumf %bitcast3A_219, %bitcast3A_220 : vector<32xbf16>
        %bitcast3A_222 = vector.bitcast %max3A_221 : vector<32xbf16> to vector<16xi32>
        %ne3A_223 = arith.cmpi ne, %bitcast3A_222, %gather3A_199 : vector<16xi32>
        tpu.vector_store_idx %arg10[%shift_right_logical3A_115], %bitcast3A_222 masked %ne3A_223 : memref<10000xi32, #tpu.memory_space<vmem>>[vector<16xi32>], vector<16xi32>, vector<16xi1>
        %bitcast3A_224 = vector.bitcast %gather3A_200 : vector<16xi32> to vector<32xbf16>
        %bitcast3A_225 = vector.bitcast %gather3A_147 : vector<16xi32> to vector<32xbf16>
        %max3A_226 = arith.maximumf %bitcast3A_224, %bitcast3A_225 : vector<32xbf16>
        %bitcast3A_227 = vector.bitcast %max3A_226 : vector<32xbf16> to vector<16xi32>
        %ne3A_228 = arith.cmpi ne, %bitcast3A_227, %gather3A_200 : vector<16xi32>
        tpu.vector_store_idx %arg11[%shift_right_logical3A_118], %bitcast3A_227 masked %ne3A_228 : memref<10000xi32, #tpu.memory_space<vmem>>[vector<16xi32>], vector<16xi32>, vector<16xi1>
        %bitcast3A_229 = vector.bitcast %gather3A_201 : vector<16xi32> to vector<32xbf16>
        %bitcast3A_230 = vector.bitcast %gather3A_148 : vector<16xi32> to vector<32xbf16>
        %max3A_231 = arith.maximumf %bitcast3A_229, %bitcast3A_230 : vector<32xbf16>
        %bitcast3A_232 = vector.bitcast %max3A_231 : vector<32xbf16> to vector<16xi32>
        %ne3A_233 = arith.cmpi ne, %bitcast3A_232, %gather3A_201 : vector<16xi32>
        tpu.vector_store_idx %arg12[%shift_right_logical3A_118], %bitcast3A_232 masked %ne3A_233 : memref<10000xi32, #tpu.memory_space<vmem>>[vector<16xi32>], vector<16xi32>, vector<16xi1>
        %bitcast3A_234 = vector.bitcast %gather3A_202 : vector<16xi32> to vector<32xbf16>
        %bitcast3A_235 = vector.bitcast %gather3A_149 : vector<16xi32> to vector<32xbf16>
        %max3A_236 = arith.maximumf %bitcast3A_234, %bitcast3A_235 : vector<32xbf16>
        %bitcast3A_237 = vector.bitcast %max3A_236 : vector<32xbf16> to vector<16xi32>
        %ne3A_238 = arith.cmpi ne, %bitcast3A_237, %gather3A_202 : vector<16xi32>
        tpu.vector_store_idx %arg13[%shift_right_logical3A_121], %bitcast3A_237 masked %ne3A_238 : memref<10000xi32, #tpu.memory_space<vmem>>[vector<16xi32>], vector<16xi32>, vector<16xi1>
        %bitcast3A_239 = vector.bitcast %gather3A_203 : vector<16xi32> to vector<32xbf16>
        %bitcast3A_240 = vector.bitcast %gather3A_150 : vector<16xi32> to vector<32xbf16>
        %max3A_241 = arith.maximumf %bitcast3A_239, %bitcast3A_240 : vector<32xbf16>
        %bitcast3A_242 = vector.bitcast %max3A_241 : vector<32xbf16> to vector<16xi32>
        %ne3A_243 = arith.cmpi ne, %bitcast3A_242, %gather3A_203 : vector<16xi32>
        tpu.vector_store_idx %arg14[%shift_right_logical3A_121], %bitcast3A_242 masked %ne3A_243 : memref<10000xi32, #tpu.memory_space<vmem>>[vector<16xi32>], vector<16xi32>, vector<16xi1>
        %or3A_244 = arith.ori %scan3A_82, %or3A_143 : vector<16xi1>
        scf.yield %or3A_244 : vector<16xi1>
      }
      %scan3A_50 = arith.constant 100 : i32
      %all_reduce_population_count3A = tpu.all_reduce %scan3A_49 {dim = 0 : i64, kind = #tpu.reduction_kind<sum>} : vector<16xi1> -> vector<16xi32>
      %slice3A = vector.extract_strided_slice %all_reduce_population_count3A {offsets = [0], sizes = [1], strides = [1]} : vector<16xi32> to vector<1xi32>
      %squeeze3A = vector.extract %slice3A[0] : i32 from vector<1xi32>
      %gt3A = arith.constant 0 : i32
      %gt3A_51 = arith.cmpi sgt, %squeeze3A, %gt3A : i32
      %convert_element_type3A = arith.extui %gt3A_51 : i1 to i32
      %cond3A = arith.constant 0 : i32
      %cond3A_52 = arith.cmpi ne, %convert_element_type3A, %cond3A : i32
      scf.if %cond3A_52 {
        %scan3A_81 = arith.constant 0 : i32
        %scan3A_82 = arith.constant 0 : i32
        %scan3A_83 = arith.constant 100 : i32
        %scan3A_84 = arith.addi %scan3A_82, %scan3A_83 : i32
        %scan3A_85 = arith.constant 1 : i32
        scf.for %scan3A_87 = %scan3A_82 to %scan3A_84 step %scan3A_85  : i32 {
          %mul3A_88 = arith.constant 64 : i32
          %mul3A_89 = arith.muli %scan3A_87, %mul3A_88 : i32
          %add3A_90 = arith.constant 0 : i32
          %add3A_91 = arith.addi %mul3A_89, %add3A_90 : i32
          %get3A = arith.index_cast %add3A_91 : i32 to index
          %get3A_92 = tpu.vector_load %arg15[%get3A] {strides = array<i32>} : memref<6400xi32, #tpu.memory_space<vmem>>, vector<16xi32>,
          %add3A_93 = arith.constant 16 : i32
          %add3A_94 = arith.addi %mul3A_89, %add3A_93 : i32
          %get3A_95 = arith.index_cast %add3A_94 : i32 to index
          %get3A_96 = tpu.vector_load %arg15[%get3A_95] {strides = array<i32>} : memref<6400xi32, #tpu.memory_space<vmem>>, vector<16xi32>,
          %add3A_97 = arith.constant 32 : i32
          %add3A_98 = arith.addi %mul3A_89, %add3A_97 : i32
          %get3A_99 = arith.index_cast %add3A_98 : i32 to index
          %get3A_100 = tpu.vector_load %arg15[%get3A_99] {strides = array<i32>} : memref<6400xi32, #tpu.memory_space<vmem>>, vector<16xi32>,
          %add3A_101 = arith.constant 48 : i32
          %add3A_102 = arith.addi %mul3A_89, %add3A_101 : i32
          %get3A_103 = arith.index_cast %add3A_102 : i32 to index
          %get3A_104 = tpu.vector_load %arg15[%get3A_103] {strides = array<i32>} : memref<6400xi32, #tpu.memory_space<vmem>>, vector<16xi32>,
          %and3A = arith.constant 65535 : i32
          %and3A_105 = vector.broadcast %and3A : i32 to vector<16xi32>
          %and3A_106 = arith.andi %get3A_92, %and3A_105 : vector<16xi32>
          %and3A_107 = arith.constant 65535 : i32
          %and3A_108 = vector.broadcast %and3A_107 : i32 to vector<16xi32>
          %and3A_109 = arith.andi %get3A_96, %and3A_108 : vector<16xi32>
          %and3A_110 = arith.constant 65535 : i32
          %and3A_111 = vector.broadcast %and3A_110 : i32 to vector<16xi32>
          %and3A_112 = arith.andi %get3A_100, %and3A_111 : vector<16xi32>
          %and3A_113 = arith.constant 65535 : i32
          %and3A_114 = vector.broadcast %and3A_113 : i32 to vector<16xi32>
          %and3A_115 = arith.andi %get3A_104, %and3A_114 : vector<16xi32>
          %shift_right_logical3A = arith.constant 16 : i32
          %shift_right_logical3A_116 = vector.broadcast %shift_right_logical3A : i32 to vector<16xi32>
          %shift_right_logical3A_117 = arith.shrui %get3A_92, %shift_right_logical3A_116 : vector<16xi32>
          %shift_right_logical3A_118 = arith.constant 16 : i32
          %shift_right_logical3A_119 = vector.broadcast %shift_right_logical3A_118 : i32 to vector<16xi32>
          %shift_right_logical3A_120 = arith.shrui %get3A_96, %shift_right_logical3A_119 : vector<16xi32>
          %shift_right_logical3A_121 = arith.constant 16 : i32
          %shift_right_logical3A_122 = vector.broadcast %shift_right_logical3A_121 : i32 to vector<16xi32>
          %shift_right_logical3A_123 = arith.shrui %get3A_100, %shift_right_logical3A_122 : vector<16xi32>
          %shift_right_logical3A_124 = arith.constant 16 : i32
          %shift_right_logical3A_125 = vector.broadcast %shift_right_logical3A_124 : i32 to vector<16xi32>
          %shift_right_logical3A_126 = arith.shrui %get3A_104, %shift_right_logical3A_125 : vector<16xi32>
          %gather3A = tpu.vector_load_idx %arg5[%and3A_106] : memref<10000xi32, #tpu.memory_space<vmem>>[vector<16xi32>], vector<16xi32>,
          %while3A = arith.constant true
          %while3A_127 = scf.while (%while3A_149 = %while3A) : (i1) -> i1 {
            scf.condition(%while3A_149) %while3A_149 : i1
          } do {
          ^bb0(%while3A_149: i1):
            %gather3A_150 = tpu.vector_load_idx %arg7[%shift_right_logical3A_117] : memref<10000xi32, #tpu.memory_space<vmem>>[vector<16xi32>], vector<16xi32>,
            %bitcast3A = vector.bitcast %gather3A_150 : vector<16xi32> to vector<32xbf16>
            %bitcast3A_151 = vector.bitcast %gather3A : vector<16xi32> to vector<32xbf16>
            %max3A = arith.maximumf %bitcast3A, %bitcast3A_151 : vector<32xbf16>
            %bitcast3A_152 = vector.bitcast %max3A : vector<32xbf16> to vector<16xi32>
            %ne3A = arith.cmpi ne, %bitcast3A_152, %gather3A_150 : vector<16xi32>
            tpu.vector_store_idx %arg7[%shift_right_logical3A_117], %bitcast3A_152 masked %ne3A : memref<10000xi32, #tpu.memory_space<vmem>>[vector<16xi32>], vector<16xi32>, vector<16xi1>
            %gather3A_153 = tpu.vector_load_idx %arg7[%shift_right_logical3A_117] : memref<10000xi32, #tpu.memory_space<vmem>>[vector<16xi32>], vector<16xi32>,
            %bitcast3A_154 = vector.bitcast %gather3A_153 : vector<16xi32> to vector<32xbf16>
            %bitcast3A_155 = vector.bitcast %gather3A : vector<16xi32> to vector<32xbf16>
            %max3A_156 = arith.maximumf %bitcast3A_154, %bitcast3A_155 : vector<32xbf16>
            %bitcast3A_157 = vector.bitcast %max3A_156 : vector<32xbf16> to vector<16xi32>
            %ne3A_158 = arith.cmpi ne, %bitcast3A_157, %gather3A_153 : vector<16xi32>
            %all_reduce_population_count3A_159 = tpu.all_reduce %ne3A_158 {dim = 0 : i64, kind = #tpu.reduction_kind<sum>} : vector<16xi1> -> vector<16xi32>
            %slice3A_160 = vector.extract_strided_slice %all_reduce_population_count3A_159 {offsets = [0], sizes = [1], strides = [1]} : vector<16xi32> to vector<1xi32>
            %squeeze3A_161 = vector.extract %slice3A_160[0] : i32 from vector<1xi32>
            %gt3A_162 = arith.constant 0 : i32
            %gt3A_163 = arith.cmpi sgt, %squeeze3A_161, %gt3A_162 : i32
            scf.yield %gt3A_163 : i1
          }
          %gather3A_128 = tpu.vector_load_idx %arg6[%and3A_106] : memref<10000xi32, #tpu.memory_space<vmem>>[vector<16xi32>], vector<16xi32>,
          %while3A_129 = arith.constant true
          %while3A_130 = scf.while (%while3A_149 = %while3A_129) : (i1) -> i1 {
            scf.condition(%while3A_149) %while3A_149 : i1
          } do {
          ^bb0(%while3A_149: i1):
            %gather3A_150 = tpu.vector_load_idx %arg8[%shift_right_logical3A_117] : memref<10000xi32, #tpu.memory_space<vmem>>[vector<16xi32>], vector<16xi32>,
            %bitcast3A = vector.bitcast %gather3A_150 : vector<16xi32> to vector<32xbf16>
            %bitcast3A_151 = vector.bitcast %gather3A_128 : vector<16xi32> to vector<32xbf16>
            %max3A = arith.maximumf %bitcast3A, %bitcast3A_151 : vector<32xbf16>
            %bitcast3A_152 = vector.bitcast %max3A : vector<32xbf16> to vector<16xi32>
            %ne3A = arith.cmpi ne, %bitcast3A_152, %gather3A_150 : vector<16xi32>
            tpu.vector_store_idx %arg8[%shift_right_logical3A_117], %bitcast3A_152 masked %ne3A : memref<10000xi32, #tpu.memory_space<vmem>>[vector<16xi32>], vector<16xi32>, vector<16xi1>
            %gather3A_153 = tpu.vector_load_idx %arg8[%shift_right_logical3A_117] : memref<10000xi32, #tpu.memory_space<vmem>>[vector<16xi32>], vector<16xi32>,
            %bitcast3A_154 = vector.bitcast %gather3A_153 : vector<16xi32> to vector<32xbf16>
            %bitcast3A_155 = vector.bitcast %gather3A_128 : vector<16xi32> to vector<32xbf16>
            %max3A_156 = arith.maximumf %bitcast3A_154, %bitcast3A_155 : vector<32xbf16>
            %bitcast3A_157 = vector.bitcast %max3A_156 : vector<32xbf16> to vector<16xi32>
            %ne3A_158 = arith.cmpi ne, %bitcast3A_157, %gather3A_153 : vector<16xi32>
            %all_reduce_population_count3A_159 = tpu.all_reduce %ne3A_158 {dim = 0 : i64, kind = #tpu.reduction_kind<sum>} : vector<16xi1> -> vector<16xi32>
            %slice3A_160 = vector.extract_strided_slice %all_reduce_population_count3A_159 {offsets = [0], sizes = [1], strides = [1]} : vector<16xi32> to vector<1xi32>
            %squeeze3A_161 = vector.extract %slice3A_160[0] : i32 from vector<1xi32>
            %gt3A_162 = arith.constant 0 : i32
            %gt3A_163 = arith.cmpi sgt, %squeeze3A_161, %gt3A_162 : i32
            scf.yield %gt3A_163 : i1
          }
          %gather3A_131 = tpu.vector_load_idx %arg5[%and3A_109] : memref<10000xi32, #tpu.memory_space<vmem>>[vector<16xi32>], vector<16xi32>,
          %while3A_132 = arith.constant true
          %while3A_133 = scf.while (%while3A_149 = %while3A_132) : (i1) -> i1 {
            scf.condition(%while3A_149) %while3A_149 : i1
          } do {
          ^bb0(%while3A_149: i1):
            %gather3A_150 = tpu.vector_load_idx %arg9[%shift_right_logical3A_120] : memref<10000xi32, #tpu.memory_space<vmem>>[vector<16xi32>], vector<16xi32>,
            %bitcast3A = vector.bitcast %gather3A_150 : vector<16xi32> to vector<32xbf16>
            %bitcast3A_151 = vector.bitcast %gather3A_131 : vector<16xi32> to vector<32xbf16>
            %max3A = arith.maximumf %bitcast3A, %bitcast3A_151 : vector<32xbf16>
            %bitcast3A_152 = vector.bitcast %max3A : vector<32xbf16> to vector<16xi32>
            %ne3A = arith.cmpi ne, %bitcast3A_152, %gather3A_150 : vector<16xi32>
            tpu.vector_store_idx %arg9[%shift_right_logical3A_120], %bitcast3A_152 masked %ne3A : memref<10000xi32, #tpu.memory_space<vmem>>[vector<16xi32>], vector<16xi32>, vector<16xi1>
            %gather3A_153 = tpu.vector_load_idx %arg9[%shift_right_logical3A_120] : memref<10000xi32, #tpu.memory_space<vmem>>[vector<16xi32>], vector<16xi32>,
            %bitcast3A_154 = vector.bitcast %gather3A_153 : vector<16xi32> to vector<32xbf16>
            %bitcast3A_155 = vector.bitcast %gather3A_131 : vector<16xi32> to vector<32xbf16>
            %max3A_156 = arith.maximumf %bitcast3A_154, %bitcast3A_155 : vector<32xbf16>
            %bitcast3A_157 = vector.bitcast %max3A_156 : vector<32xbf16> to vector<16xi32>
            %ne3A_158 = arith.cmpi ne, %bitcast3A_157, %gather3A_153 : vector<16xi32>
            %all_reduce_population_count3A_159 = tpu.all_reduce %ne3A_158 {dim = 0 : i64, kind = #tpu.reduction_kind<sum>} : vector<16xi1> -> vector<16xi32>
            %slice3A_160 = vector.extract_strided_slice %all_reduce_population_count3A_159 {offsets = [0], sizes = [1], strides = [1]} : vector<16xi32> to vector<1xi32>
            %squeeze3A_161 = vector.extract %slice3A_160[0] : i32 from vector<1xi32>
            %gt3A_162 = arith.constant 0 : i32
            %gt3A_163 = arith.cmpi sgt, %squeeze3A_161, %gt3A_162 : i32
            scf.yield %gt3A_163 : i1
          }
          %gather3A_134 = tpu.vector_load_idx %arg6[%and3A_109] : memref<10000xi32, #tpu.memory_space<vmem>>[vector<16xi32>], vector<16xi32>,
          %while3A_135 = arith.constant true
          %while3A_136 = scf.while (%while3A_149 = %while3A_135) : (i1) -> i1 {
            scf.condition(%while3A_149) %while3A_149 : i1
          } do {
          ^bb0(%while3A_149: i1):
            %gather3A_150 = tpu.vector_load_idx %arg10[%shift_right_logical3A_120] : memref<10000xi32, #tpu.memory_space<vmem>>[vector<16xi32>], vector<16xi32>,
            %bitcast3A = vector.bitcast %gather3A_150 : vector<16xi32> to vector<32xbf16>
            %bitcast3A_151 = vector.bitcast %gather3A_134 : vector<16xi32> to vector<32xbf16>
            %max3A = arith.maximumf %bitcast3A, %bitcast3A_151 : vector<32xbf16>
            %bitcast3A_152 = vector.bitcast %max3A : vector<32xbf16> to vector<16xi32>
            %ne3A = arith.cmpi ne, %bitcast3A_152, %gather3A_150 : vector<16xi32>
            tpu.vector_store_idx %arg10[%shift_right_logical3A_120], %bitcast3A_152 masked %ne3A : memref<10000xi32, #tpu.memory_space<vmem>>[vector<16xi32>], vector<16xi32>, vector<16xi1>
            %gather3A_153 = tpu.vector_load_idx %arg10[%shift_right_logical3A_120] : memref<10000xi32, #tpu.memory_space<vmem>>[vector<16xi32>], vector<16xi32>,
            %bitcast3A_154 = vector.bitcast %gather3A_153 : vector<16xi32> to vector<32xbf16>
            %bitcast3A_155 = vector.bitcast %gather3A_134 : vector<16xi32> to vector<32xbf16>
            %max3A_156 = arith.maximumf %bitcast3A_154, %bitcast3A_155 : vector<32xbf16>
            %bitcast3A_157 = vector.bitcast %max3A_156 : vector<32xbf16> to vector<16xi32>
            %ne3A_158 = arith.cmpi ne, %bitcast3A_157, %gather3A_153 : vector<16xi32>
            %all_reduce_population_count3A_159 = tpu.all_reduce %ne3A_158 {dim = 0 : i64, kind = #tpu.reduction_kind<sum>} : vector<16xi1> -> vector<16xi32>
            %slice3A_160 = vector.extract_strided_slice %all_reduce_population_count3A_159 {offsets = [0], sizes = [1], strides = [1]} : vector<16xi32> to vector<1xi32>
            %squeeze3A_161 = vector.extract %slice3A_160[0] : i32 from vector<1xi32>
            %gt3A_162 = arith.constant 0 : i32
            %gt3A_163 = arith.cmpi sgt, %squeeze3A_161, %gt3A_162 : i32
            scf.yield %gt3A_163 : i1
          }
          %gather3A_137 = tpu.vector_load_idx %arg5[%and3A_112] : memref<10000xi32, #tpu.memory_space<vmem>>[vector<16xi32>], vector<16xi32>,
          %while3A_138 = arith.constant true
          %while3A_139 = scf.while (%while3A_149 = %while3A_138) : (i1) -> i1 {
            scf.condition(%while3A_149) %while3A_149 : i1
          } do {
          ^bb0(%while3A_149: i1):
            %gather3A_150 = tpu.vector_load_idx %arg11[%shift_right_logical3A_123] : memref<10000xi32, #tpu.memory_space<vmem>>[vector<16xi32>], vector<16xi32>,
            %bitcast3A = vector.bitcast %gather3A_150 : vector<16xi32> to vector<32xbf16>
            %bitcast3A_151 = vector.bitcast %gather3A_137 : vector<16xi32> to vector<32xbf16>
            %max3A = arith.maximumf %bitcast3A, %bitcast3A_151 : vector<32xbf16>
            %bitcast3A_152 = vector.bitcast %max3A : vector<32xbf16> to vector<16xi32>
            %ne3A = arith.cmpi ne, %bitcast3A_152, %gather3A_150 : vector<16xi32>
            tpu.vector_store_idx %arg11[%shift_right_logical3A_123], %bitcast3A_152 masked %ne3A : memref<10000xi32, #tpu.memory_space<vmem>>[vector<16xi32>], vector<16xi32>, vector<16xi1>
            %gather3A_153 = tpu.vector_load_idx %arg11[%shift_right_logical3A_123] : memref<10000xi32, #tpu.memory_space<vmem>>[vector<16xi32>], vector<16xi32>,
            %bitcast3A_154 = vector.bitcast %gather3A_153 : vector<16xi32> to vector<32xbf16>
            %bitcast3A_155 = vector.bitcast %gather3A_137 : vector<16xi32> to vector<32xbf16>
            %max3A_156 = arith.maximumf %bitcast3A_154, %bitcast3A_155 : vector<32xbf16>
            %bitcast3A_157 = vector.bitcast %max3A_156 : vector<32xbf16> to vector<16xi32>
            %ne3A_158 = arith.cmpi ne, %bitcast3A_157, %gather3A_153 : vector<16xi32>
            %all_reduce_population_count3A_159 = tpu.all_reduce %ne3A_158 {dim = 0 : i64, kind = #tpu.reduction_kind<sum>} : vector<16xi1> -> vector<16xi32>
            %slice3A_160 = vector.extract_strided_slice %all_reduce_population_count3A_159 {offsets = [0], sizes = [1], strides = [1]} : vector<16xi32> to vector<1xi32>
            %squeeze3A_161 = vector.extract %slice3A_160[0] : i32 from vector<1xi32>
            %gt3A_162 = arith.constant 0 : i32
            %gt3A_163 = arith.cmpi sgt, %squeeze3A_161, %gt3A_162 : i32
            scf.yield %gt3A_163 : i1
          }
          %gather3A_140 = tpu.vector_load_idx %arg6[%and3A_112] : memref<10000xi32, #tpu.memory_space<vmem>>[vector<16xi32>], vector<16xi32>,
          %while3A_141 = arith.constant true
          %while3A_142 = scf.while (%while3A_149 = %while3A_141) : (i1) -> i1 {
            scf.condition(%while3A_149) %while3A_149 : i1
          } do {
          ^bb0(%while3A_149: i1):
            %gather3A_150 = tpu.vector_load_idx %arg12[%shift_right_logical3A_123] : memref<10000xi32, #tpu.memory_space<vmem>>[vector<16xi32>], vector<16xi32>,
            %bitcast3A = vector.bitcast %gather3A_150 : vector<16xi32> to vector<32xbf16>
            %bitcast3A_151 = vector.bitcast %gather3A_140 : vector<16xi32> to vector<32xbf16>
            %max3A = arith.maximumf %bitcast3A, %bitcast3A_151 : vector<32xbf16>
            %bitcast3A_152 = vector.bitcast %max3A : vector<32xbf16> to vector<16xi32>
            %ne3A = arith.cmpi ne, %bitcast3A_152, %gather3A_150 : vector<16xi32>
            tpu.vector_store_idx %arg12[%shift_right_logical3A_123], %bitcast3A_152 masked %ne3A : memref<10000xi32, #tpu.memory_space<vmem>>[vector<16xi32>], vector<16xi32>, vector<16xi1>
            %gather3A_153 = tpu.vector_load_idx %arg12[%shift_right_logical3A_123] : memref<10000xi32, #tpu.memory_space<vmem>>[vector<16xi32>], vector<16xi32>,
            %bitcast3A_154 = vector.bitcast %gather3A_153 : vector<16xi32> to vector<32xbf16>
            %bitcast3A_155 = vector.bitcast %gather3A_140 : vector<16xi32> to vector<32xbf16>
            %max3A_156 = arith.maximumf %bitcast3A_154, %bitcast3A_155 : vector<32xbf16>
            %bitcast3A_157 = vector.bitcast %max3A_156 : vector<32xbf16> to vector<16xi32>
            %ne3A_158 = arith.cmpi ne, %bitcast3A_157, %gather3A_153 : vector<16xi32>
            %all_reduce_population_count3A_159 = tpu.all_reduce %ne3A_158 {dim = 0 : i64, kind = #tpu.reduction_kind<sum>} : vector<16xi1> -> vector<16xi32>
            %slice3A_160 = vector.extract_strided_slice %all_reduce_population_count3A_159 {offsets = [0], sizes = [1], strides = [1]} : vector<16xi32> to vector<1xi32>
            %squeeze3A_161 = vector.extract %slice3A_160[0] : i32 from vector<1xi32>
            %gt3A_162 = arith.constant 0 : i32
            %gt3A_163 = arith.cmpi sgt, %squeeze3A_161, %gt3A_162 : i32
            scf.yield %gt3A_163 : i1
          }
          %gather3A_143 = tpu.vector_load_idx %arg5[%and3A_115] : memref<10000xi32, #tpu.memory_space<vmem>>[vector<16xi32>], vector<16xi32>,
          %while3A_144 = arith.constant true
          %while3A_145 = scf.while (%while3A_149 = %while3A_144) : (i1) -> i1 {
            scf.condition(%while3A_149) %while3A_149 : i1
          } do {
          ^bb0(%while3A_149: i1):
            %gather3A_150 = tpu.vector_load_idx %arg13[%shift_right_logical3A_126] : memref<10000xi32, #tpu.memory_space<vmem>>[vector<16xi32>], vector<16xi32>,
            %bitcast3A = vector.bitcast %gather3A_150 : vector<16xi32> to vector<32xbf16>
            %bitcast3A_151 = vector.bitcast %gather3A_143 : vector<16xi32> to vector<32xbf16>
            %max3A = arith.maximumf %bitcast3A, %bitcast3A_151 : vector<32xbf16>
            %bitcast3A_152 = vector.bitcast %max3A : vector<32xbf16> to vector<16xi32>
            %ne3A = arith.cmpi ne, %bitcast3A_152, %gather3A_150 : vector<16xi32>
            tpu.vector_store_idx %arg13[%shift_right_logical3A_126], %bitcast3A_152 masked %ne3A : memref<10000xi32, #tpu.memory_space<vmem>>[vector<16xi32>], vector<16xi32>, vector<16xi1>
            %gather3A_153 = tpu.vector_load_idx %arg13[%shift_right_logical3A_126] : memref<10000xi32, #tpu.memory_space<vmem>>[vector<16xi32>], vector<16xi32>,
            %bitcast3A_154 = vector.bitcast %gather3A_153 : vector<16xi32> to vector<32xbf16>
            %bitcast3A_155 = vector.bitcast %gather3A_143 : vector<16xi32> to vector<32xbf16>
            %max3A_156 = arith.maximumf %bitcast3A_154, %bitcast3A_155 : vector<32xbf16>
            %bitcast3A_157 = vector.bitcast %max3A_156 : vector<32xbf16> to vector<16xi32>
            %ne3A_158 = arith.cmpi ne, %bitcast3A_157, %gather3A_153 : vector<16xi32>
            %all_reduce_population_count3A_159 = tpu.all_reduce %ne3A_158 {dim = 0 : i64, kind = #tpu.reduction_kind<sum>} : vector<16xi1> -> vector<16xi32>
            %slice3A_160 = vector.extract_strided_slice %all_reduce_population_count3A_159 {offsets = [0], sizes = [1], strides = [1]} : vector<16xi32> to vector<1xi32>
            %squeeze3A_161 = vector.extract %slice3A_160[0] : i32 from vector<1xi32>
            %gt3A_162 = arith.constant 0 : i32
            %gt3A_163 = arith.cmpi sgt, %squeeze3A_161, %gt3A_162 : i32
            scf.yield %gt3A_163 : i1
          }
          %gather3A_146 = tpu.vector_load_idx %arg6[%and3A_115] : memref<10000xi32, #tpu.memory_space<vmem>>[vector<16xi32>], vector<16xi32>,
          %while3A_147 = arith.constant true
          %while3A_148 = scf.while (%while3A_149 = %while3A_147) : (i1) -> i1 {
            scf.condition(%while3A_149) %while3A_149 : i1
          } do {
          ^bb0(%while3A_149: i1):
            %gather3A_150 = tpu.vector_load_idx %arg14[%shift_right_logical3A_126] : memref<10000xi32, #tpu.memory_space<vmem>>[vector<16xi32>], vector<16xi32>,
            %bitcast3A = vector.bitcast %gather3A_150 : vector<16xi32> to vector<32xbf16>
            %bitcast3A_151 = vector.bitcast %gather3A_146 : vector<16xi32> to vector<32xbf16>
            %max3A = arith.maximumf %bitcast3A, %bitcast3A_151 : vector<32xbf16>
            %bitcast3A_152 = vector.bitcast %max3A : vector<32xbf16> to vector<16xi32>
            %ne3A = arith.cmpi ne, %bitcast3A_152, %gather3A_150 : vector<16xi32>
            tpu.vector_store_idx %arg14[%shift_right_logical3A_126], %bitcast3A_152 masked %ne3A : memref<10000xi32, #tpu.memory_space<vmem>>[vector<16xi32>], vector<16xi32>, vector<16xi1>
            %gather3A_153 = tpu.vector_load_idx %arg14[%shift_right_logical3A_126] : memref<10000xi32, #tpu.memory_space<vmem>>[vector<16xi32>], vector<16xi32>,
            %bitcast3A_154 = vector.bitcast %gather3A_153 : vector<16xi32> to vector<32xbf16>
            %bitcast3A_155 = vector.bitcast %gather3A_146 : vector<16xi32> to vector<32xbf16>
            %max3A_156 = arith.maximumf %bitcast3A_154, %bitcast3A_155 : vector<32xbf16>
            %bitcast3A_157 = vector.bitcast %max3A_156 : vector<32xbf16> to vector<16xi32>
            %ne3A_158 = arith.cmpi ne, %bitcast3A_157, %gather3A_153 : vector<16xi32>
            %all_reduce_population_count3A_159 = tpu.all_reduce %ne3A_158 {dim = 0 : i64, kind = #tpu.reduction_kind<sum>} : vector<16xi1> -> vector<16xi32>
            %slice3A_160 = vector.extract_strided_slice %all_reduce_population_count3A_159 {offsets = [0], sizes = [1], strides = [1]} : vector<16xi32> to vector<1xi32>
            %squeeze3A_161 = vector.extract %slice3A_160[0] : i32 from vector<1xi32>
            %gt3A_162 = arith.constant 0 : i32
            %gt3A_163 = arith.cmpi sgt, %squeeze3A_161, %gt3A_162 : i32
            scf.yield %gt3A_163 : i1
          }
        }
        %scan3A_86 = arith.constant 100 : i32
      } else {
      }
      %mul3A_53 = arith.constant 2 : i32
      %mul3A_54 = arith.muli %mul3A_53, %scan3A_31 : i32
      %add3A_55 = arith.constant 2 : i32
      %add3A_56 = arith.addi %mul3A_54, %add3A_55 : i32
      %lt3A = arith.constant 50 : i32
      %lt3A_57 = arith.cmpi slt, %add3A_56, %lt3A : i32
      %convert_element_type3A_58 = arith.extui %lt3A_57 : i1 to i32
      %cond3A_59 = arith.constant 0 : i32
      %cond3A_60 = arith.cmpi ne, %convert_element_type3A_58, %cond3A_59 : i32
      scf.if %cond3A_60 {
        %mul3A_81 = arith.constant 2 : i32
        %mul3A_82 = arith.muli %mul3A_81, %scan3A_31 : i32
        %add3A_83 = arith.constant 2 : i32
        %add3A_84 = arith.addi %mul3A_82, %add3A_83 : i32
        %mul3A_85 = arith.constant 6400 : i32
        %mul3A_86 = arith.muli %add3A_84, %mul3A_85 : i32
        %dma_start3A_87 = tpu.memref_slice %arg3[%mul3A_86] : memref<320000xi32, #tpu.memory_space<hbm>> -> memref<6400xi32, #tpu.memory_space<hbm>>
        %dma_start3A_88 = tpu.memref_slice %arg3[%mul3A_86] : memref<320000xi32, #tpu.memory_space<hbm>> -> memref<6400xi32, #tpu.memory_space<hbm>>
        tpu.enqueue_dma source(%dma_start3A_88 : memref<6400xi32, #tpu.memory_space<hbm>>) target(%arg15 : memref<6400xi32, #tpu.memory_space<vmem>>) target_semaphore(%arg17 : memref<!tpu.dma_semaphore, #tpu.memory_space<semaphore_mem>>)
      } else {
      }
      %dma_wait3A_61 = arith.constant 0 : i32
      %dma_wait3A_62 = tpu.memref_slice %arg3[%dma_wait3A_61] : memref<320000xi32, #tpu.memory_space<hbm>> -> memref<6400xi32, #tpu.memory_space<hbm>>
      %dma_wait3A_63 = arith.constant 0 : i32
      %dma_wait3A_64 = tpu.memref_slice %arg3[%dma_wait3A_63] : memref<320000xi32, #tpu.memory_space<hbm>> -> memref<6400xi32, #tpu.memory_space<hbm>>
      tpu.wait_dma2 semaphore(%arg18 : memref<!tpu.dma_semaphore, #tpu.memory_space<semaphore_mem>>) src(%dma_wait3A_64 : memref<6400xi32, #tpu.memory_space<hbm>>) dst(%arg16 : memref<6400xi32, #tpu.memory_space<vmem>>)
      %broadcast_in_dim3A_65 = arith.constant false
      %broadcast_in_dim3A_66 = vector.broadcast %broadcast_in_dim3A_65 : i1 to vector<16xi1>
      %scan3A_67 = arith.constant 0 : i32
      %scan3A_68 = arith.constant 100 : i32
      %scan3A_69 = arith.addi %scan3A_67, %scan3A_68 : i32
      %scan3A_70 = arith.constant 1 : i32
      %scan3A_71 = scf.for %scan3A_81 = %scan3A_67 to %scan3A_69 step %scan3A_70 iter_args(%scan3A_82 = %broadcast_in_dim3A_66) -> (vector<16xi1>)  : i32 {
        %mul3A_83 = arith.constant 64 : i32
        %mul3A_84 = arith.muli %scan3A_81, %mul3A_83 : i32
        %add3A_85 = arith.constant 0 : i32
        %add3A_86 = arith.addi %mul3A_84, %add3A_85 : i32
        %get3A = arith.index_cast %add3A_86 : i32 to index
        %get3A_87 = tpu.vector_load %arg16[%get3A] {strides = array<i32>} : memref<6400xi32, #tpu.memory_space<vmem>>, vector<16xi32>,
        %add3A_88 = arith.constant 16 : i32
        %add3A_89 = arith.addi %mul3A_84, %add3A_88 : i32
        %get3A_90 = arith.index_cast %add3A_89 : i32 to index
        %get3A_91 = tpu.vector_load %arg16[%get3A_90] {strides = array<i32>} : memref<6400xi32, #tpu.memory_space<vmem>>, vector<16xi32>,
        %add3A_92 = arith.constant 32 : i32
        %add3A_93 = arith.addi %mul3A_84, %add3A_92 : i32
        %get3A_94 = arith.index_cast %add3A_93 : i32 to index
        %get3A_95 = tpu.vector_load %arg16[%get3A_94] {strides = array<i32>} : memref<6400xi32, #tpu.memory_space<vmem>>, vector<16xi32>,
        %add3A_96 = arith.constant 48 : i32
        %add3A_97 = arith.addi %mul3A_84, %add3A_96 : i32
        %get3A_98 = arith.index_cast %add3A_97 : i32 to index
        %get3A_99 = tpu.vector_load %arg16[%get3A_98] {strides = array<i32>} : memref<6400xi32, #tpu.memory_space<vmem>>, vector<16xi32>,
        %and3A = arith.constant 65535 : i32
        %and3A_100 = vector.broadcast %and3A : i32 to vector<16xi32>
        %and3A_101 = arith.andi %get3A_87, %and3A_100 : vector<16xi32>
        %and3A_102 = arith.constant 65535 : i32
        %and3A_103 = vector.broadcast %and3A_102 : i32 to vector<16xi32>
        %and3A_104 = arith.andi %get3A_91, %and3A_103 : vector<16xi32>
        %and3A_105 = arith.constant 65535 : i32
        %and3A_106 = vector.broadcast %and3A_105 : i32 to vector<16xi32>
        %and3A_107 = arith.andi %get3A_95, %and3A_106 : vector<16xi32>
        %and3A_108 = arith.constant 65535 : i32
        %and3A_109 = vector.broadcast %and3A_108 : i32 to vector<16xi32>
        %and3A_110 = arith.andi %get3A_99, %and3A_109 : vector<16xi32>
        %shift_right_logical3A = arith.constant 16 : i32
        %shift_right_logical3A_111 = vector.broadcast %shift_right_logical3A : i32 to vector<16xi32>
        %shift_right_logical3A_112 = arith.shrui %get3A_87, %shift_right_logical3A_111 : vector<16xi32>
        %shift_right_logical3A_113 = arith.constant 16 : i32
        %shift_right_logical3A_114 = vector.broadcast %shift_right_logical3A_113 : i32 to vector<16xi32>
        %shift_right_logical3A_115 = arith.shrui %get3A_91, %shift_right_logical3A_114 : vector<16xi32>
        %shift_right_logical3A_116 = arith.constant 16 : i32
        %shift_right_logical3A_117 = vector.broadcast %shift_right_logical3A_116 : i32 to vector<16xi32>
        %shift_right_logical3A_118 = arith.shrui %get3A_95, %shift_right_logical3A_117 : vector<16xi32>
        %shift_right_logical3A_119 = arith.constant 16 : i32
        %shift_right_logical3A_120 = vector.broadcast %shift_right_logical3A_119 : i32 to vector<16xi32>
        %shift_right_logical3A_121 = arith.shrui %get3A_99, %shift_right_logical3A_120 : vector<16xi32>
        %broadcast_in_dim3A_122 = arith.constant true
        %broadcast_in_dim3A_123 = vector.broadcast %broadcast_in_dim3A_122 : i1 to vector<16xi1>
        %unique3A_124, %unique3A_125 = tpu.scan_count mask(%broadcast_in_dim3A_123 : vector<16xi1>) value(%shift_right_logical3A_112 : vector<16xi32>) : vector<16xi1>, vector<16xi32>
        %gt3A_126 = arith.cmpi sgt, %unique3A_125, %add3A_13 : vector<16xi32>
        %broadcast_in_dim3A_127 = arith.constant true
        %broadcast_in_dim3A_128 = vector.broadcast %broadcast_in_dim3A_127 : i1 to vector<16xi1>
        %unique3A_129, %unique3A_130 = tpu.scan_count mask(%broadcast_in_dim3A_128 : vector<16xi1>) value(%shift_right_logical3A_115 : vector<16xi32>) : vector<16xi1>, vector<16xi32>
        %gt3A_131 = arith.cmpi sgt, %unique3A_130, %add3A_13 : vector<16xi32>
        %or3A = arith.ori %gt3A_126, %gt3A_131 : vector<16xi1>
        %broadcast_in_dim3A_132 = arith.constant true
        %broadcast_in_dim3A_133 = vector.broadcast %broadcast_in_dim3A_132 : i1 to vector<16xi1>
        %unique3A_134, %unique3A_135 = tpu.scan_count mask(%broadcast_in_dim3A_133 : vector<16xi1>) value(%shift_right_logical3A_118 : vector<16xi32>) : vector<16xi1>, vector<16xi32>
        %gt3A_136 = arith.cmpi sgt, %unique3A_135, %add3A_13 : vector<16xi32>
        %or3A_137 = arith.ori %or3A, %gt3A_136 : vector<16xi1>
        %broadcast_in_dim3A_138 = arith.constant true
        %broadcast_in_dim3A_139 = vector.broadcast %broadcast_in_dim3A_138 : i1 to vector<16xi1>
        %unique3A_140, %unique3A_141 = tpu.scan_count mask(%broadcast_in_dim3A_139 : vector<16xi1>) value(%shift_right_logical3A_121 : vector<16xi32>) : vector<16xi1>, vector<16xi32>
        %gt3A_142 = arith.cmpi sgt, %unique3A_141, %add3A_13 : vector<16xi32>
        %or3A_143 = arith.ori %or3A_137, %gt3A_142 : vector<16xi1>
        %gather3A = tpu.vector_load_idx %arg5[%and3A_101] : memref<10000xi32, #tpu.memory_space<vmem>>[vector<16xi32>], vector<16xi32>,
        %gather3A_144 = tpu.vector_load_idx %arg6[%and3A_101] : memref<10000xi32, #tpu.memory_space<vmem>>[vector<16xi32>], vector<16xi32>,
        %gather3A_145 = tpu.vector_load_idx %arg5[%and3A_104] : memref<10000xi32, #tpu.memory_space<vmem>>[vector<16xi32>], vector<16xi32>,
        %gather3A_146 = tpu.vector_load_idx %arg6[%and3A_104] : memref<10000xi32, #tpu.memory_space<vmem>>[vector<16xi32>], vector<16xi32>,
        %gather3A_147 = tpu.vector_load_idx %arg5[%and3A_107] : memref<10000xi32, #tpu.memory_space<vmem>>[vector<16xi32>], vector<16xi32>,
        %gather3A_148 = tpu.vector_load_idx %arg6[%and3A_107] : memref<10000xi32, #tpu.memory_space<vmem>>[vector<16xi32>], vector<16xi32>,
        %gather3A_149 = tpu.vector_load_idx %arg5[%and3A_110] : memref<10000xi32, #tpu.memory_space<vmem>>[vector<16xi32>], vector<16xi32>,
        %gather3A_150 = tpu.vector_load_idx %arg6[%and3A_110] : memref<10000xi32, #tpu.memory_space<vmem>>[vector<16xi32>], vector<16xi32>,
        %gather3A_151 = tpu.vector_load_idx %arg7[%shift_right_logical3A_112] : memref<10000xi32, #tpu.memory_space<vmem>>[vector<16xi32>], vector<16xi32>,
        %gather3A_152 = tpu.vector_load_idx %arg8[%shift_right_logical3A_112] : memref<10000xi32, #tpu.memory_space<vmem>>[vector<16xi32>], vector<16xi32>,
        %gather3A_153 = tpu.vector_load_idx %arg9[%shift_right_logical3A_115] : memref<10000xi32, #tpu.memory_space<vmem>>[vector<16xi32>], vector<16xi32>,
        %gather3A_154 = tpu.vector_load_idx %arg10[%shift_right_logical3A_115] : memref<10000xi32, #tpu.memory_space<vmem>>[vector<16xi32>], vector<16xi32>,
        %gather3A_155 = tpu.vector_load_idx %arg11[%shift_right_logical3A_118] : memref<10000xi32, #tpu.memory_space<vmem>>[vector<16xi32>], vector<16xi32>,
        %gather3A_156 = tpu.vector_load_idx %arg12[%shift_right_logical3A_118] : memref<10000xi32, #tpu.memory_space<vmem>>[vector<16xi32>], vector<16xi32>,
        %gather3A_157 = tpu.vector_load_idx %arg13[%shift_right_logical3A_121] : memref<10000xi32, #tpu.memory_space<vmem>>[vector<16xi32>], vector<16xi32>,
        %gather3A_158 = tpu.vector_load_idx %arg14[%shift_right_logical3A_121] : memref<10000xi32, #tpu.memory_space<vmem>>[vector<16xi32>], vector<16xi32>,
        %bitcast3A = vector.bitcast %gather3A_151 : vector<16xi32> to vector<32xbf16>
        %bitcast3A_159 = vector.bitcast %gather3A : vector<16xi32> to vector<32xbf16>
        %max3A = arith.maximumf %bitcast3A, %bitcast3A_159 : vector<32xbf16>
        %bitcast3A_160 = vector.bitcast %max3A : vector<32xbf16> to vector<16xi32>
        %ne3A = arith.cmpi ne, %bitcast3A_160, %gather3A_151 : vector<16xi32>
        tpu.vector_store_idx %arg7[%shift_right_logical3A_112], %bitcast3A_160 masked %ne3A : memref<10000xi32, #tpu.memory_space<vmem>>[vector<16xi32>], vector<16xi32>, vector<16xi1>
        %bitcast3A_161 = vector.bitcast %gather3A_152 : vector<16xi32> to vector<32xbf16>
        %bitcast3A_162 = vector.bitcast %gather3A_144 : vector<16xi32> to vector<32xbf16>
        %max3A_163 = arith.maximumf %bitcast3A_161, %bitcast3A_162 : vector<32xbf16>
        %bitcast3A_164 = vector.bitcast %max3A_163 : vector<32xbf16> to vector<16xi32>
        %ne3A_165 = arith.cmpi ne, %bitcast3A_164, %gather3A_152 : vector<16xi32>
        tpu.vector_store_idx %arg8[%shift_right_logical3A_112], %bitcast3A_164 masked %ne3A_165 : memref<10000xi32, #tpu.memory_space<vmem>>[vector<16xi32>], vector<16xi32>, vector<16xi1>
        %bitcast3A_166 = vector.bitcast %gather3A_153 : vector<16xi32> to vector<32xbf16>
        %bitcast3A_167 = vector.bitcast %gather3A_145 : vector<16xi32> to vector<32xbf16>
        %max3A_168 = arith.maximumf %bitcast3A_166, %bitcast3A_167 : vector<32xbf16>
        %bitcast3A_169 = vector.bitcast %max3A_168 : vector<32xbf16> to vector<16xi32>
        %ne3A_170 = arith.cmpi ne, %bitcast3A_169, %gather3A_153 : vector<16xi32>
        tpu.vector_store_idx %arg9[%shift_right_logical3A_115], %bitcast3A_169 masked %ne3A_170 : memref<10000xi32, #tpu.memory_space<vmem>>[vector<16xi32>], vector<16xi32>, vector<16xi1>
        %bitcast3A_171 = vector.bitcast %gather3A_154 : vector<16xi32> to vector<32xbf16>
        %bitcast3A_172 = vector.bitcast %gather3A_146 : vector<16xi32> to vector<32xbf16>
        %max3A_173 = arith.maximumf %bitcast3A_171, %bitcast3A_172 : vector<32xbf16>
        %bitcast3A_174 = vector.bitcast %max3A_173 : vector<32xbf16> to vector<16xi32>
        %ne3A_175 = arith.cmpi ne, %bitcast3A_174, %gather3A_154 : vector<16xi32>
        tpu.vector_store_idx %arg10[%shift_right_logical3A_115], %bitcast3A_174 masked %ne3A_175 : memref<10000xi32, #tpu.memory_space<vmem>>[vector<16xi32>], vector<16xi32>, vector<16xi1>
        %bitcast3A_176 = vector.bitcast %gather3A_155 : vector<16xi32> to vector<32xbf16>
        %bitcast3A_177 = vector.bitcast %gather3A_147 : vector<16xi32> to vector<32xbf16>
        %max3A_178 = arith.maximumf %bitcast3A_176, %bitcast3A_177 : vector<32xbf16>
        %bitcast3A_179 = vector.bitcast %max3A_178 : vector<32xbf16> to vector<16xi32>
        %ne3A_180 = arith.cmpi ne, %bitcast3A_179, %gather3A_155 : vector<16xi32>
        tpu.vector_store_idx %arg11[%shift_right_logical3A_118], %bitcast3A_179 masked %ne3A_180 : memref<10000xi32, #tpu.memory_space<vmem>>[vector<16xi32>], vector<16xi32>, vector<16xi1>
        %bitcast3A_181 = vector.bitcast %gather3A_156 : vector<16xi32> to vector<32xbf16>
        %bitcast3A_182 = vector.bitcast %gather3A_148 : vector<16xi32> to vector<32xbf16>
        %max3A_183 = arith.maximumf %bitcast3A_181, %bitcast3A_182 : vector<32xbf16>
        %bitcast3A_184 = vector.bitcast %max3A_183 : vector<32xbf16> to vector<16xi32>
        %ne3A_185 = arith.cmpi ne, %bitcast3A_184, %gather3A_156 : vector<16xi32>
        tpu.vector_store_idx %arg12[%shift_right_logical3A_118], %bitcast3A_184 masked %ne3A_185 : memref<10000xi32, #tpu.memory_space<vmem>>[vector<16xi32>], vector<16xi32>, vector<16xi1>
        %bitcast3A_186 = vector.bitcast %gather3A_157 : vector<16xi32> to vector<32xbf16>
        %bitcast3A_187 = vector.bitcast %gather3A_149 : vector<16xi32> to vector<32xbf16>
        %max3A_188 = arith.maximumf %bitcast3A_186, %bitcast3A_187 : vector<32xbf16>
        %bitcast3A_189 = vector.bitcast %max3A_188 : vector<32xbf16> to vector<16xi32>
        %ne3A_190 = arith.cmpi ne, %bitcast3A_189, %gather3A_157 : vector<16xi32>
        tpu.vector_store_idx %arg13[%shift_right_logical3A_121], %bitcast3A_189 masked %ne3A_190 : memref<10000xi32, #tpu.memory_space<vmem>>[vector<16xi32>], vector<16xi32>, vector<16xi1>
        %bitcast3A_191 = vector.bitcast %gather3A_158 : vector<16xi32> to vector<32xbf16>
        %bitcast3A_192 = vector.bitcast %gather3A_150 : vector<16xi32> to vector<32xbf16>
        %max3A_193 = arith.maximumf %bitcast3A_191, %bitcast3A_192 : vector<32xbf16>
        %bitcast3A_194 = vector.bitcast %max3A_193 : vector<32xbf16> to vector<16xi32>
        %ne3A_195 = arith.cmpi ne, %bitcast3A_194, %gather3A_158 : vector<16xi32>
        tpu.vector_store_idx %arg14[%shift_right_logical3A_121], %bitcast3A_194 masked %ne3A_195 : memref<10000xi32, #tpu.memory_space<vmem>>[vector<16xi32>], vector<16xi32>, vector<16xi1>
        %gather3A_196 = tpu.vector_load_idx %arg7[%shift_right_logical3A_112] : memref<10000xi32, #tpu.memory_space<vmem>>[vector<16xi32>], vector<16xi32>,
        %gather3A_197 = tpu.vector_load_idx %arg8[%shift_right_logical3A_112] : memref<10000xi32, #tpu.memory_space<vmem>>[vector<16xi32>], vector<16xi32>,
        %gather3A_198 = tpu.vector_load_idx %arg9[%shift_right_logical3A_115] : memref<10000xi32, #tpu.memory_space<vmem>>[vector<16xi32>], vector<16xi32>,
        %gather3A_199 = tpu.vector_load_idx %arg10[%shift_right_logical3A_115] : memref<10000xi32, #tpu.memory_space<vmem>>[vector<16xi32>], vector<16xi32>,
        %gather3A_200 = tpu.vector_load_idx %arg11[%shift_right_logical3A_118] : memref<10000xi32, #tpu.memory_space<vmem>>[vector<16xi32>], vector<16xi32>,
        %gather3A_201 = tpu.vector_load_idx %arg12[%shift_right_logical3A_118] : memref<10000xi32, #tpu.memory_space<vmem>>[vector<16xi32>], vector<16xi32>,
        %gather3A_202 = tpu.vector_load_idx %arg13[%shift_right_logical3A_121] : memref<10000xi32, #tpu.memory_space<vmem>>[vector<16xi32>], vector<16xi32>,
        %gather3A_203 = tpu.vector_load_idx %arg14[%shift_right_logical3A_121] : memref<10000xi32, #tpu.memory_space<vmem>>[vector<16xi32>], vector<16xi32>,
        %bitcast3A_204 = vector.bitcast %gather3A_196 : vector<16xi32> to vector<32xbf16>
        %bitcast3A_205 = vector.bitcast %gather3A : vector<16xi32> to vector<32xbf16>
        %max3A_206 = arith.maximumf %bitcast3A_204, %bitcast3A_205 : vector<32xbf16>
        %bitcast3A_207 = vector.bitcast %max3A_206 : vector<32xbf16> to vector<16xi32>
        %ne3A_208 = arith.cmpi ne, %bitcast3A_207, %gather3A_196 : vector<16xi32>
        tpu.vector_store_idx %arg7[%shift_right_logical3A_112], %bitcast3A_207 masked %ne3A_208 : memref<10000xi32, #tpu.memory_space<vmem>>[vector<16xi32>], vector<16xi32>, vector<16xi1>
        %bitcast3A_209 = vector.bitcast %gather3A_197 : vector<16xi32> to vector<32xbf16>
        %bitcast3A_210 = vector.bitcast %gather3A_144 : vector<16xi32> to vector<32xbf16>
        %max3A_211 = arith.maximumf %bitcast3A_209, %bitcast3A_210 : vector<32xbf16>
        %bitcast3A_212 = vector.bitcast %max3A_211 : vector<32xbf16> to vector<16xi32>
        %ne3A_213 = arith.cmpi ne, %bitcast3A_212, %gather3A_197 : vector<16xi32>
        tpu.vector_store_idx %arg8[%shift_right_logical3A_112], %bitcast3A_212 masked %ne3A_213 : memref<10000xi32, #tpu.memory_space<vmem>>[vector<16xi32>], vector<16xi32>, vector<16xi1>
        %bitcast3A_214 = vector.bitcast %gather3A_198 : vector<16xi32> to vector<32xbf16>
        %bitcast3A_215 = vector.bitcast %gather3A_145 : vector<16xi32> to vector<32xbf16>
        %max3A_216 = arith.maximumf %bitcast3A_214, %bitcast3A_215 : vector<32xbf16>
        %bitcast3A_217 = vector.bitcast %max3A_216 : vector<32xbf16> to vector<16xi32>
        %ne3A_218 = arith.cmpi ne, %bitcast3A_217, %gather3A_198 : vector<16xi32>
        tpu.vector_store_idx %arg9[%shift_right_logical3A_115], %bitcast3A_217 masked %ne3A_218 : memref<10000xi32, #tpu.memory_space<vmem>>[vector<16xi32>], vector<16xi32>, vector<16xi1>
        %bitcast3A_219 = vector.bitcast %gather3A_199 : vector<16xi32> to vector<32xbf16>
        %bitcast3A_220 = vector.bitcast %gather3A_146 : vector<16xi32> to vector<32xbf16>
        %max3A_221 = arith.maximumf %bitcast3A_219, %bitcast3A_220 : vector<32xbf16>
        %bitcast3A_222 = vector.bitcast %max3A_221 : vector<32xbf16> to vector<16xi32>
        %ne3A_223 = arith.cmpi ne, %bitcast3A_222, %gather3A_199 : vector<16xi32>
        tpu.vector_store_idx %arg10[%shift_right_logical3A_115], %bitcast3A_222 masked %ne3A_223 : memref<10000xi32, #tpu.memory_space<vmem>>[vector<16xi32>], vector<16xi32>, vector<16xi1>
        %bitcast3A_224 = vector.bitcast %gather3A_200 : vector<16xi32> to vector<32xbf16>
        %bitcast3A_225 = vector.bitcast %gather3A_147 : vector<16xi32> to vector<32xbf16>
        %max3A_226 = arith.maximumf %bitcast3A_224, %bitcast3A_225 : vector<32xbf16>
        %bitcast3A_227 = vector.bitcast %max3A_226 : vector<32xbf16> to vector<16xi32>
        %ne3A_228 = arith.cmpi ne, %bitcast3A_227, %gather3A_200 : vector<16xi32>
        tpu.vector_store_idx %arg11[%shift_right_logical3A_118], %bitcast3A_227 masked %ne3A_228 : memref<10000xi32, #tpu.memory_space<vmem>>[vector<16xi32>], vector<16xi32>, vector<16xi1>
        %bitcast3A_229 = vector.bitcast %gather3A_201 : vector<16xi32> to vector<32xbf16>
        %bitcast3A_230 = vector.bitcast %gather3A_148 : vector<16xi32> to vector<32xbf16>
        %max3A_231 = arith.maximumf %bitcast3A_229, %bitcast3A_230 : vector<32xbf16>
        %bitcast3A_232 = vector.bitcast %max3A_231 : vector<32xbf16> to vector<16xi32>
        %ne3A_233 = arith.cmpi ne, %bitcast3A_232, %gather3A_201 : vector<16xi32>
        tpu.vector_store_idx %arg12[%shift_right_logical3A_118], %bitcast3A_232 masked %ne3A_233 : memref<10000xi32, #tpu.memory_space<vmem>>[vector<16xi32>], vector<16xi32>, vector<16xi1>
        %bitcast3A_234 = vector.bitcast %gather3A_202 : vector<16xi32> to vector<32xbf16>
        %bitcast3A_235 = vector.bitcast %gather3A_149 : vector<16xi32> to vector<32xbf16>
        %max3A_236 = arith.maximumf %bitcast3A_234, %bitcast3A_235 : vector<32xbf16>
        %bitcast3A_237 = vector.bitcast %max3A_236 : vector<32xbf16> to vector<16xi32>
        %ne3A_238 = arith.cmpi ne, %bitcast3A_237, %gather3A_202 : vector<16xi32>
        tpu.vector_store_idx %arg13[%shift_right_logical3A_121], %bitcast3A_237 masked %ne3A_238 : memref<10000xi32, #tpu.memory_space<vmem>>[vector<16xi32>], vector<16xi32>, vector<16xi1>
        %bitcast3A_239 = vector.bitcast %gather3A_203 : vector<16xi32> to vector<32xbf16>
        %bitcast3A_240 = vector.bitcast %gather3A_150 : vector<16xi32> to vector<32xbf16>
        %max3A_241 = arith.maximumf %bitcast3A_239, %bitcast3A_240 : vector<32xbf16>
        %bitcast3A_242 = vector.bitcast %max3A_241 : vector<32xbf16> to vector<16xi32>
        %ne3A_243 = arith.cmpi ne, %bitcast3A_242, %gather3A_203 : vector<16xi32>
        tpu.vector_store_idx %arg14[%shift_right_logical3A_121], %bitcast3A_242 masked %ne3A_243 : memref<10000xi32, #tpu.memory_space<vmem>>[vector<16xi32>], vector<16xi32>, vector<16xi1>
        %or3A_244 = arith.ori %scan3A_82, %or3A_143 : vector<16xi1>
        scf.yield %or3A_244 : vector<16xi1>
      }
      %scan3A_72 = arith.constant 100 : i32
      %all_reduce_population_count3A_73 = tpu.all_reduce %scan3A_71 {dim = 0 : i64, kind = #tpu.reduction_kind<sum>} : vector<16xi1> -> vector<16xi32>
      %slice3A_74 = vector.extract_strided_slice %all_reduce_population_count3A_73 {offsets = [0], sizes = [1], strides = [1]} : vector<16xi32> to vector<1xi32>
      %squeeze3A_75 = vector.extract %slice3A_74[0] : i32 from vector<1xi32>
      %gt3A_76 = arith.constant 0 : i32
      %gt3A_77 = arith.cmpi sgt, %squeeze3A_75, %gt3A_76 : i32
      %convert_element_type3A_78 = arith.extui %gt3A_77 : i1 to i32
      %cond3A_79 = arith.constant 0 : i32
      %cond3A_80 = arith.cmpi ne, %convert_element_type3A_78, %cond3A_79 : i32
      scf.if %cond3A_80 {
        %scan3A_81 = arith.constant 0 : i32
        %scan3A_82 = arith.constant 0 : i32
        %scan3A_83 = arith.constant 100 : i32
        %scan3A_84 = arith.addi %scan3A_82, %scan3A_83 : i32
        %scan3A_85 = arith.constant 1 : i32
        scf.for %scan3A_87 = %scan3A_82 to %scan3A_84 step %scan3A_85  : i32 {
          %mul3A_88 = arith.constant 64 : i32
          %mul3A_89 = arith.muli %scan3A_87, %mul3A_88 : i32
          %add3A_90 = arith.constant 0 : i32
          %add3A_91 = arith.addi %mul3A_89, %add3A_90 : i32
          %get3A = arith.index_cast %add3A_91 : i32 to index
          %get3A_92 = tpu.vector_load %arg16[%get3A] {strides = array<i32>} : memref<6400xi32, #tpu.memory_space<vmem>>, vector<16xi32>,
          %add3A_93 = arith.constant 16 : i32
          %add3A_94 = arith.addi %mul3A_89, %add3A_93 : i32
          %get3A_95 = arith.index_cast %add3A_94 : i32 to index
          %get3A_96 = tpu.vector_load %arg16[%get3A_95] {strides = array<i32>} : memref<6400xi32, #tpu.memory_space<vmem>>, vector<16xi32>,
          %add3A_97 = arith.constant 32 : i32
          %add3A_98 = arith.addi %mul3A_89, %add3A_97 : i32
          %get3A_99 = arith.index_cast %add3A_98 : i32 to index
          %get3A_100 = tpu.vector_load %arg16[%get3A_99] {strides = array<i32>} : memref<6400xi32, #tpu.memory_space<vmem>>, vector<16xi32>,
          %add3A_101 = arith.constant 48 : i32
          %add3A_102 = arith.addi %mul3A_89, %add3A_101 : i32
          %get3A_103 = arith.index_cast %add3A_102 : i32 to index
          %get3A_104 = tpu.vector_load %arg16[%get3A_103] {strides = array<i32>} : memref<6400xi32, #tpu.memory_space<vmem>>, vector<16xi32>,
          %and3A = arith.constant 65535 : i32
          %and3A_105 = vector.broadcast %and3A : i32 to vector<16xi32>
          %and3A_106 = arith.andi %get3A_92, %and3A_105 : vector<16xi32>
          %and3A_107 = arith.constant 65535 : i32
          %and3A_108 = vector.broadcast %and3A_107 : i32 to vector<16xi32>
          %and3A_109 = arith.andi %get3A_96, %and3A_108 : vector<16xi32>
          %and3A_110 = arith.constant 65535 : i32
          %and3A_111 = vector.broadcast %and3A_110 : i32 to vector<16xi32>
          %and3A_112 = arith.andi %get3A_100, %and3A_111 : vector<16xi32>
          %and3A_113 = arith.constant 65535 : i32
          %and3A_114 = vector.broadcast %and3A_113 : i32 to vector<16xi32>
          %and3A_115 = arith.andi %get3A_104, %and3A_114 : vector<16xi32>
          %shift_right_logical3A = arith.constant 16 : i32
          %shift_right_logical3A_116 = vector.broadcast %shift_right_logical3A : i32 to vector<16xi32>
          %shift_right_logical3A_117 = arith.shrui %get3A_92, %shift_right_logical3A_116 : vector<16xi32>
          %shift_right_logical3A_118 = arith.constant 16 : i32
          %shift_right_logical3A_119 = vector.broadcast %shift_right_logical3A_118 : i32 to vector<16xi32>
          %shift_right_logical3A_120 = arith.shrui %get3A_96, %shift_right_logical3A_119 : vector<16xi32>
          %shift_right_logical3A_121 = arith.constant 16 : i32
          %shift_right_logical3A_122 = vector.broadcast %shift_right_logical3A_121 : i32 to vector<16xi32>
          %shift_right_logical3A_123 = arith.shrui %get3A_100, %shift_right_logical3A_122 : vector<16xi32>
          %shift_right_logical3A_124 = arith.constant 16 : i32
          %shift_right_logical3A_125 = vector.broadcast %shift_right_logical3A_124 : i32 to vector<16xi32>
          %shift_right_logical3A_126 = arith.shrui %get3A_104, %shift_right_logical3A_125 : vector<16xi32>
          %gather3A = tpu.vector_load_idx %arg5[%and3A_106] : memref<10000xi32, #tpu.memory_space<vmem>>[vector<16xi32>], vector<16xi32>,
          %while3A = arith.constant true
          %while3A_127 = scf.while (%while3A_149 = %while3A) : (i1) -> i1 {
            scf.condition(%while3A_149) %while3A_149 : i1
          } do {
          ^bb0(%while3A_149: i1):
            %gather3A_150 = tpu.vector_load_idx %arg7[%shift_right_logical3A_117] : memref<10000xi32, #tpu.memory_space<vmem>>[vector<16xi32>], vector<16xi32>,
            %bitcast3A = vector.bitcast %gather3A_150 : vector<16xi32> to vector<32xbf16>
            %bitcast3A_151 = vector.bitcast %gather3A : vector<16xi32> to vector<32xbf16>
            %max3A = arith.maximumf %bitcast3A, %bitcast3A_151 : vector<32xbf16>
            %bitcast3A_152 = vector.bitcast %max3A : vector<32xbf16> to vector<16xi32>
            %ne3A = arith.cmpi ne, %bitcast3A_152, %gather3A_150 : vector<16xi32>
            tpu.vector_store_idx %arg7[%shift_right_logical3A_117], %bitcast3A_152 masked %ne3A : memref<10000xi32, #tpu.memory_space<vmem>>[vector<16xi32>], vector<16xi32>, vector<16xi1>
            %gather3A_153 = tpu.vector_load_idx %arg7[%shift_right_logical3A_117] : memref<10000xi32, #tpu.memory_space<vmem>>[vector<16xi32>], vector<16xi32>,
            %bitcast3A_154 = vector.bitcast %gather3A_153 : vector<16xi32> to vector<32xbf16>
            %bitcast3A_155 = vector.bitcast %gather3A : vector<16xi32> to vector<32xbf16>
            %max3A_156 = arith.maximumf %bitcast3A_154, %bitcast3A_155 : vector<32xbf16>
            %bitcast3A_157 = vector.bitcast %max3A_156 : vector<32xbf16> to vector<16xi32>
            %ne3A_158 = arith.cmpi ne, %bitcast3A_157, %gather3A_153 : vector<16xi32>
            %all_reduce_population_count3A_159 = tpu.all_reduce %ne3A_158 {dim = 0 : i64, kind = #tpu.reduction_kind<sum>} : vector<16xi1> -> vector<16xi32>
            %slice3A_160 = vector.extract_strided_slice %all_reduce_population_count3A_159 {offsets = [0], sizes = [1], strides = [1]} : vector<16xi32> to vector<1xi32>
            %squeeze3A_161 = vector.extract %slice3A_160[0] : i32 from vector<1xi32>
            %gt3A_162 = arith.constant 0 : i32
            %gt3A_163 = arith.cmpi sgt, %squeeze3A_161, %gt3A_162 : i32
            scf.yield %gt3A_163 : i1
          }
          %gather3A_128 = tpu.vector_load_idx %arg6[%and3A_106] : memref<10000xi32, #tpu.memory_space<vmem>>[vector<16xi32>], vector<16xi32>,
          %while3A_129 = arith.constant true
          %while3A_130 = scf.while (%while3A_149 = %while3A_129) : (i1) -> i1 {
            scf.condition(%while3A_149) %while3A_149 : i1
          } do {
          ^bb0(%while3A_149: i1):
            %gather3A_150 = tpu.vector_load_idx %arg8[%shift_right_logical3A_117] : memref<10000xi32, #tpu.memory_space<vmem>>[vector<16xi32>], vector<16xi32>,
            %bitcast3A = vector.bitcast %gather3A_150 : vector<16xi32> to vector<32xbf16>
            %bitcast3A_151 = vector.bitcast %gather3A_128 : vector<16xi32> to vector<32xbf16>
            %max3A = arith.maximumf %bitcast3A, %bitcast3A_151 : vector<32xbf16>
            %bitcast3A_152 = vector.bitcast %max3A : vector<32xbf16> to vector<16xi32>
            %ne3A = arith.cmpi ne, %bitcast3A_152, %gather3A_150 : vector<16xi32>
            tpu.vector_store_idx %arg8[%shift_right_logical3A_117], %bitcast3A_152 masked %ne3A : memref<10000xi32, #tpu.memory_space<vmem>>[vector<16xi32>], vector<16xi32>, vector<16xi1>
            %gather3A_153 = tpu.vector_load_idx %arg8[%shift_right_logical3A_117] : memref<10000xi32, #tpu.memory_space<vmem>>[vector<16xi32>], vector<16xi32>,
            %bitcast3A_154 = vector.bitcast %gather3A_153 : vector<16xi32> to vector<32xbf16>
            %bitcast3A_155 = vector.bitcast %gather3A_128 : vector<16xi32> to vector<32xbf16>
            %max3A_156 = arith.maximumf %bitcast3A_154, %bitcast3A_155 : vector<32xbf16>
            %bitcast3A_157 = vector.bitcast %max3A_156 : vector<32xbf16> to vector<16xi32>
            %ne3A_158 = arith.cmpi ne, %bitcast3A_157, %gather3A_153 : vector<16xi32>
            %all_reduce_population_count3A_159 = tpu.all_reduce %ne3A_158 {dim = 0 : i64, kind = #tpu.reduction_kind<sum>} : vector<16xi1> -> vector<16xi32>
            %slice3A_160 = vector.extract_strided_slice %all_reduce_population_count3A_159 {offsets = [0], sizes = [1], strides = [1]} : vector<16xi32> to vector<1xi32>
            %squeeze3A_161 = vector.extract %slice3A_160[0] : i32 from vector<1xi32>
            %gt3A_162 = arith.constant 0 : i32
            %gt3A_163 = arith.cmpi sgt, %squeeze3A_161, %gt3A_162 : i32
            scf.yield %gt3A_163 : i1
          }
          %gather3A_131 = tpu.vector_load_idx %arg5[%and3A_109] : memref<10000xi32, #tpu.memory_space<vmem>>[vector<16xi32>], vector<16xi32>,
          %while3A_132 = arith.constant true
          %while3A_133 = scf.while (%while3A_149 = %while3A_132) : (i1) -> i1 {
            scf.condition(%while3A_149) %while3A_149 : i1
          } do {
          ^bb0(%while3A_149: i1):
            %gather3A_150 = tpu.vector_load_idx %arg9[%shift_right_logical3A_120] : memref<10000xi32, #tpu.memory_space<vmem>>[vector<16xi32>], vector<16xi32>,
            %bitcast3A = vector.bitcast %gather3A_150 : vector<16xi32> to vector<32xbf16>
            %bitcast3A_151 = vector.bitcast %gather3A_131 : vector<16xi32> to vector<32xbf16>
            %max3A = arith.maximumf %bitcast3A, %bitcast3A_151 : vector<32xbf16>
            %bitcast3A_152 = vector.bitcast %max3A : vector<32xbf16> to vector<16xi32>
            %ne3A = arith.cmpi ne, %bitcast3A_152, %gather3A_150 : vector<16xi32>
            tpu.vector_store_idx %arg9[%shift_right_logical3A_120], %bitcast3A_152 masked %ne3A : memref<10000xi32, #tpu.memory_space<vmem>>[vector<16xi32>], vector<16xi32>, vector<16xi1>
            %gather3A_153 = tpu.vector_load_idx %arg9[%shift_right_logical3A_120] : memref<10000xi32, #tpu.memory_space<vmem>>[vector<16xi32>], vector<16xi32>,
            %bitcast3A_154 = vector.bitcast %gather3A_153 : vector<16xi32> to vector<32xbf16>
            %bitcast3A_155 = vector.bitcast %gather3A_131 : vector<16xi32> to vector<32xbf16>
            %max3A_156 = arith.maximumf %bitcast3A_154, %bitcast3A_155 : vector<32xbf16>
            %bitcast3A_157 = vector.bitcast %max3A_156 : vector<32xbf16> to vector<16xi32>
            %ne3A_158 = arith.cmpi ne, %bitcast3A_157, %gather3A_153 : vector<16xi32>
            %all_reduce_population_count3A_159 = tpu.all_reduce %ne3A_158 {dim = 0 : i64, kind = #tpu.reduction_kind<sum>} : vector<16xi1> -> vector<16xi32>
            %slice3A_160 = vector.extract_strided_slice %all_reduce_population_count3A_159 {offsets = [0], sizes = [1], strides = [1]} : vector<16xi32> to vector<1xi32>
            %squeeze3A_161 = vector.extract %slice3A_160[0] : i32 from vector<1xi32>
            %gt3A_162 = arith.constant 0 : i32
            %gt3A_163 = arith.cmpi sgt, %squeeze3A_161, %gt3A_162 : i32
            scf.yield %gt3A_163 : i1
          }
          %gather3A_134 = tpu.vector_load_idx %arg6[%and3A_109] : memref<10000xi32, #tpu.memory_space<vmem>>[vector<16xi32>], vector<16xi32>,
          %while3A_135 = arith.constant true
          %while3A_136 = scf.while (%while3A_149 = %while3A_135) : (i1) -> i1 {
            scf.condition(%while3A_149) %while3A_149 : i1
          } do {
          ^bb0(%while3A_149: i1):
            %gather3A_150 = tpu.vector_load_idx %arg10[%shift_right_logical3A_120] : memref<10000xi32, #tpu.memory_space<vmem>>[vector<16xi32>], vector<16xi32>,
            %bitcast3A = vector.bitcast %gather3A_150 : vector<16xi32> to vector<32xbf16>
            %bitcast3A_151 = vector.bitcast %gather3A_134 : vector<16xi32> to vector<32xbf16>
            %max3A = arith.maximumf %bitcast3A, %bitcast3A_151 : vector<32xbf16>
            %bitcast3A_152 = vector.bitcast %max3A : vector<32xbf16> to vector<16xi32>
            %ne3A = arith.cmpi ne, %bitcast3A_152, %gather3A_150 : vector<16xi32>
            tpu.vector_store_idx %arg10[%shift_right_logical3A_120], %bitcast3A_152 masked %ne3A : memref<10000xi32, #tpu.memory_space<vmem>>[vector<16xi32>], vector<16xi32>, vector<16xi1>
            %gather3A_153 = tpu.vector_load_idx %arg10[%shift_right_logical3A_120] : memref<10000xi32, #tpu.memory_space<vmem>>[vector<16xi32>], vector<16xi32>,
            %bitcast3A_154 = vector.bitcast %gather3A_153 : vector<16xi32> to vector<32xbf16>
            %bitcast3A_155 = vector.bitcast %gather3A_134 : vector<16xi32> to vector<32xbf16>
            %max3A_156 = arith.maximumf %bitcast3A_154, %bitcast3A_155 : vector<32xbf16>
            %bitcast3A_157 = vector.bitcast %max3A_156 : vector<32xbf16> to vector<16xi32>
            %ne3A_158 = arith.cmpi ne, %bitcast3A_157, %gather3A_153 : vector<16xi32>
            %all_reduce_population_count3A_159 = tpu.all_reduce %ne3A_158 {dim = 0 : i64, kind = #tpu.reduction_kind<sum>} : vector<16xi1> -> vector<16xi32>
            %slice3A_160 = vector.extract_strided_slice %all_reduce_population_count3A_159 {offsets = [0], sizes = [1], strides = [1]} : vector<16xi32> to vector<1xi32>
            %squeeze3A_161 = vector.extract %slice3A_160[0] : i32 from vector<1xi32>
            %gt3A_162 = arith.constant 0 : i32
            %gt3A_163 = arith.cmpi sgt, %squeeze3A_161, %gt3A_162 : i32
            scf.yield %gt3A_163 : i1
          }
          %gather3A_137 = tpu.vector_load_idx %arg5[%and3A_112] : memref<10000xi32, #tpu.memory_space<vmem>>[vector<16xi32>], vector<16xi32>,
          %while3A_138 = arith.constant true
          %while3A_139 = scf.while (%while3A_149 = %while3A_138) : (i1) -> i1 {
            scf.condition(%while3A_149) %while3A_149 : i1
          } do {
          ^bb0(%while3A_149: i1):
            %gather3A_150 = tpu.vector_load_idx %arg11[%shift_right_logical3A_123] : memref<10000xi32, #tpu.memory_space<vmem>>[vector<16xi32>], vector<16xi32>,
            %bitcast3A = vector.bitcast %gather3A_150 : vector<16xi32> to vector<32xbf16>
            %bitcast3A_151 = vector.bitcast %gather3A_137 : vector<16xi32> to vector<32xbf16>
            %max3A = arith.maximumf %bitcast3A, %bitcast3A_151 : vector<32xbf16>
            %bitcast3A_152 = vector.bitcast %max3A : vector<32xbf16> to vector<16xi32>
            %ne3A = arith.cmpi ne, %bitcast3A_152, %gather3A_150 : vector<16xi32>
            tpu.vector_store_idx %arg11[%shift_right_logical3A_123], %bitcast3A_152 masked %ne3A : memref<10000xi32, #tpu.memory_space<vmem>>[vector<16xi32>], vector<16xi32>, vector<16xi1>
            %gather3A_153 = tpu.vector_load_idx %arg11[%shift_right_logical3A_123] : memref<10000xi32, #tpu.memory_space<vmem>>[vector<16xi32>], vector<16xi32>,
            %bitcast3A_154 = vector.bitcast %gather3A_153 : vector<16xi32> to vector<32xbf16>
            %bitcast3A_155 = vector.bitcast %gather3A_137 : vector<16xi32> to vector<32xbf16>
            %max3A_156 = arith.maximumf %bitcast3A_154, %bitcast3A_155 : vector<32xbf16>
            %bitcast3A_157 = vector.bitcast %max3A_156 : vector<32xbf16> to vector<16xi32>
            %ne3A_158 = arith.cmpi ne, %bitcast3A_157, %gather3A_153 : vector<16xi32>
            %all_reduce_population_count3A_159 = tpu.all_reduce %ne3A_158 {dim = 0 : i64, kind = #tpu.reduction_kind<sum>} : vector<16xi1> -> vector<16xi32>
            %slice3A_160 = vector.extract_strided_slice %all_reduce_population_count3A_159 {offsets = [0], sizes = [1], strides = [1]} : vector<16xi32> to vector<1xi32>
            %squeeze3A_161 = vector.extract %slice3A_160[0] : i32 from vector<1xi32>
            %gt3A_162 = arith.constant 0 : i32
            %gt3A_163 = arith.cmpi sgt, %squeeze3A_161, %gt3A_162 : i32
            scf.yield %gt3A_163 : i1
          }
          %gather3A_140 = tpu.vector_load_idx %arg6[%and3A_112] : memref<10000xi32, #tpu.memory_space<vmem>>[vector<16xi32>], vector<16xi32>,
          %while3A_141 = arith.constant true
          %while3A_142 = scf.while (%while3A_149 = %while3A_141) : (i1) -> i1 {
            scf.condition(%while3A_149) %while3A_149 : i1
          } do {
          ^bb0(%while3A_149: i1):
            %gather3A_150 = tpu.vector_load_idx %arg12[%shift_right_logical3A_123] : memref<10000xi32, #tpu.memory_space<vmem>>[vector<16xi32>], vector<16xi32>,
            %bitcast3A = vector.bitcast %gather3A_150 : vector<16xi32> to vector<32xbf16>
            %bitcast3A_151 = vector.bitcast %gather3A_140 : vector<16xi32> to vector<32xbf16>
            %max3A = arith.maximumf %bitcast3A, %bitcast3A_151 : vector<32xbf16>
            %bitcast3A_152 = vector.bitcast %max3A : vector<32xbf16> to vector<16xi32>
            %ne3A = arith.cmpi ne, %bitcast3A_152, %gather3A_150 : vector<16xi32>
            tpu.vector_store_idx %arg12[%shift_right_logical3A_123], %bitcast3A_152 masked %ne3A : memref<10000xi32, #tpu.memory_space<vmem>>[vector<16xi32>], vector<16xi32>, vector<16xi1>
            %gather3A_153 = tpu.vector_load_idx %arg12[%shift_right_logical3A_123] : memref<10000xi32, #tpu.memory_space<vmem>>[vector<16xi32>], vector<16xi32>,
            %bitcast3A_154 = vector.bitcast %gather3A_153 : vector<16xi32> to vector<32xbf16>
            %bitcast3A_155 = vector.bitcast %gather3A_140 : vector<16xi32> to vector<32xbf16>
            %max3A_156 = arith.maximumf %bitcast3A_154, %bitcast3A_155 : vector<32xbf16>
            %bitcast3A_157 = vector.bitcast %max3A_156 : vector<32xbf16> to vector<16xi32>
            %ne3A_158 = arith.cmpi ne, %bitcast3A_157, %gather3A_153 : vector<16xi32>
            %all_reduce_population_count3A_159 = tpu.all_reduce %ne3A_158 {dim = 0 : i64, kind = #tpu.reduction_kind<sum>} : vector<16xi1> -> vector<16xi32>
            %slice3A_160 = vector.extract_strided_slice %all_reduce_population_count3A_159 {offsets = [0], sizes = [1], strides = [1]} : vector<16xi32> to vector<1xi32>
            %squeeze3A_161 = vector.extract %slice3A_160[0] : i32 from vector<1xi32>
            %gt3A_162 = arith.constant 0 : i32
            %gt3A_163 = arith.cmpi sgt, %squeeze3A_161, %gt3A_162 : i32
            scf.yield %gt3A_163 : i1
          }
          %gather3A_143 = tpu.vector_load_idx %arg5[%and3A_115] : memref<10000xi32, #tpu.memory_space<vmem>>[vector<16xi32>], vector<16xi32>,
          %while3A_144 = arith.constant true
          %while3A_145 = scf.while (%while3A_149 = %while3A_144) : (i1) -> i1 {
            scf.condition(%while3A_149) %while3A_149 : i1
          } do {
          ^bb0(%while3A_149: i1):
            %gather3A_150 = tpu.vector_load_idx %arg13[%shift_right_logical3A_126] : memref<10000xi32, #tpu.memory_space<vmem>>[vector<16xi32>], vector<16xi32>,
            %bitcast3A = vector.bitcast %gather3A_150 : vector<16xi32> to vector<32xbf16>
            %bitcast3A_151 = vector.bitcast %gather3A_143 : vector<16xi32> to vector<32xbf16>
            %max3A = arith.maximumf %bitcast3A, %bitcast3A_151 : vector<32xbf16>
            %bitcast3A_152 = vector.bitcast %max3A : vector<32xbf16> to vector<16xi32>
            %ne3A = arith.cmpi ne, %bitcast3A_152, %gather3A_150 : vector<16xi32>
            tpu.vector_store_idx %arg13[%shift_right_logical3A_126], %bitcast3A_152 masked %ne3A : memref<10000xi32, #tpu.memory_space<vmem>>[vector<16xi32>], vector<16xi32>, vector<16xi1>
            %gather3A_153 = tpu.vector_load_idx %arg13[%shift_right_logical3A_126] : memref<10000xi32, #tpu.memory_space<vmem>>[vector<16xi32>], vector<16xi32>,
            %bitcast3A_154 = vector.bitcast %gather3A_153 : vector<16xi32> to vector<32xbf16>
            %bitcast3A_155 = vector.bitcast %gather3A_143 : vector<16xi32> to vector<32xbf16>
            %max3A_156 = arith.maximumf %bitcast3A_154, %bitcast3A_155 : vector<32xbf16>
            %bitcast3A_157 = vector.bitcast %max3A_156 : vector<32xbf16> to vector<16xi32>
            %ne3A_158 = arith.cmpi ne, %bitcast3A_157, %gather3A_153 : vector<16xi32>
            %all_reduce_population_count3A_159 = tpu.all_reduce %ne3A_158 {dim = 0 : i64, kind = #tpu.reduction_kind<sum>} : vector<16xi1> -> vector<16xi32>
            %slice3A_160 = vector.extract_strided_slice %all_reduce_population_count3A_159 {offsets = [0], sizes = [1], strides = [1]} : vector<16xi32> to vector<1xi32>
            %squeeze3A_161 = vector.extract %slice3A_160[0] : i32 from vector<1xi32>
            %gt3A_162 = arith.constant 0 : i32
            %gt3A_163 = arith.cmpi sgt, %squeeze3A_161, %gt3A_162 : i32
            scf.yield %gt3A_163 : i1
          }
          %gather3A_146 = tpu.vector_load_idx %arg6[%and3A_115] : memref<10000xi32, #tpu.memory_space<vmem>>[vector<16xi32>], vector<16xi32>,
          %while3A_147 = arith.constant true
          %while3A_148 = scf.while (%while3A_149 = %while3A_147) : (i1) -> i1 {
            scf.condition(%while3A_149) %while3A_149 : i1
          } do {
          ^bb0(%while3A_149: i1):
            %gather3A_150 = tpu.vector_load_idx %arg14[%shift_right_logical3A_126] : memref<10000xi32, #tpu.memory_space<vmem>>[vector<16xi32>], vector<16xi32>,
            %bitcast3A = vector.bitcast %gather3A_150 : vector<16xi32> to vector<32xbf16>
            %bitcast3A_151 = vector.bitcast %gather3A_146 : vector<16xi32> to vector<32xbf16>
            %max3A = arith.maximumf %bitcast3A, %bitcast3A_151 : vector<32xbf16>
            %bitcast3A_152 = vector.bitcast %max3A : vector<32xbf16> to vector<16xi32>
            %ne3A = arith.cmpi ne, %bitcast3A_152, %gather3A_150 : vector<16xi32>
            tpu.vector_store_idx %arg14[%shift_right_logical3A_126], %bitcast3A_152 masked %ne3A : memref<10000xi32, #tpu.memory_space<vmem>>[vector<16xi32>], vector<16xi32>, vector<16xi1>
            %gather3A_153 = tpu.vector_load_idx %arg14[%shift_right_logical3A_126] : memref<10000xi32, #tpu.memory_space<vmem>>[vector<16xi32>], vector<16xi32>,
            %bitcast3A_154 = vector.bitcast %gather3A_153 : vector<16xi32> to vector<32xbf16>
            %bitcast3A_155 = vector.bitcast %gather3A_146 : vector<16xi32> to vector<32xbf16>
            %max3A_156 = arith.maximumf %bitcast3A_154, %bitcast3A_155 : vector<32xbf16>
            %bitcast3A_157 = vector.bitcast %max3A_156 : vector<32xbf16> to vector<16xi32>
            %ne3A_158 = arith.cmpi ne, %bitcast3A_157, %gather3A_153 : vector<16xi32>
            %all_reduce_population_count3A_159 = tpu.all_reduce %ne3A_158 {dim = 0 : i64, kind = #tpu.reduction_kind<sum>} : vector<16xi1> -> vector<16xi32>
            %slice3A_160 = vector.extract_strided_slice %all_reduce_population_count3A_159 {offsets = [0], sizes = [1], strides = [1]} : vector<16xi32> to vector<1xi32>
            %squeeze3A_161 = vector.extract %slice3A_160[0] : i32 from vector<1xi32>
            %gt3A_162 = arith.constant 0 : i32
            %gt3A_163 = arith.cmpi sgt, %squeeze3A_161, %gt3A_162 : i32
            scf.yield %gt3A_163 : i1
          }
        }
        %scan3A_86 = arith.constant 100 : i32
      } else {
      }
    }
    %scan3A_22 = arith.constant 25 : i32
    %scan3A_23 = arith.constant 0 : i32
    %scan3A_24 = arith.constant 0 : i32
    %scan3A_25 = arith.constant 625 : i32
    %scan3A_26 = arith.addi %scan3A_24, %scan3A_25 : i32
    %scan3A_27 = arith.constant 1 : i32
    scf.for %scan3A_31 = %scan3A_24 to %scan3A_26 step %scan3A_27  : i32 {
      %mul3A_32 = arith.constant 16 : i32
      %mul3A_33 = arith.muli %scan3A_31, %mul3A_32 : i32
      %get3A = arith.index_cast %mul3A_33 : i32 to index
      %get3A_34 = tpu.vector_load %arg7[%get3A] {strides = array<i32>} : memref<10000xi32, #tpu.memory_space<vmem>>, vector<16xi32>,
      %get3A_35 = arith.index_cast %mul3A_33 : i32 to index
      %get3A_36 = tpu.vector_load %arg9[%get3A_35] {strides = array<i32>} : memref<10000xi32, #tpu.memory_space<vmem>>, vector<16xi32>,
      %bitcast3A = vector.bitcast %get3A_34 : vector<16xi32> to vector<32xbf16>
      %bitcast3A_37 = vector.bitcast %get3A_36 : vector<16xi32> to vector<32xbf16>
      %max3A = arith.maximumf %bitcast3A, %bitcast3A_37 : vector<32xbf16>
      %bitcast3A_38 = vector.bitcast %max3A : vector<32xbf16> to vector<16xi32>
      %get3A_39 = arith.index_cast %mul3A_33 : i32 to index
      %get3A_40 = tpu.vector_load %arg11[%get3A_39] {strides = array<i32>} : memref<10000xi32, #tpu.memory_space<vmem>>, vector<16xi32>,
      %get3A_41 = arith.index_cast %mul3A_33 : i32 to index
      %get3A_42 = tpu.vector_load %arg13[%get3A_41] {strides = array<i32>} : memref<10000xi32, #tpu.memory_space<vmem>>, vector<16xi32>,
      %bitcast3A_43 = vector.bitcast %get3A_40 : vector<16xi32> to vector<32xbf16>
      %bitcast3A_44 = vector.bitcast %get3A_42 : vector<16xi32> to vector<32xbf16>
      %max3A_45 = arith.maximumf %bitcast3A_43, %bitcast3A_44 : vector<32xbf16>
      %bitcast3A_46 = vector.bitcast %max3A_45 : vector<32xbf16> to vector<16xi32>
      %bitcast3A_47 = vector.bitcast %bitcast3A_38 : vector<16xi32> to vector<32xbf16>
      %bitcast3A_48 = vector.bitcast %bitcast3A_46 : vector<16xi32> to vector<32xbf16>
      %max3A_49 = arith.maximumf %bitcast3A_47, %bitcast3A_48 : vector<32xbf16>
      %bitcast3A_50 = vector.bitcast %max3A_49 : vector<32xbf16> to vector<16xi32>
      %swap3A = arith.index_cast %mul3A_33 : i32 to index
      %swap3A_51 = tpu.vector_load %arg7[%swap3A] {strides = array<i32>} : memref<10000xi32, #tpu.memory_space<vmem>>, vector<16xi32>,
      tpu.vector_store %arg7[%swap3A], %bitcast3A_50 {strides = array<i32>} : memref<10000xi32, #tpu.memory_space<vmem>>, vector<16xi32>,
      %get3A_52 = arith.index_cast %mul3A_33 : i32 to index
      %get3A_53 = tpu.vector_load %arg8[%get3A_52] {strides = array<i32>} : memref<10000xi32, #tpu.memory_space<vmem>>, vector<16xi32>,
      %get3A_54 = arith.index_cast %mul3A_33 : i32 to index
      %get3A_55 = tpu.vector_load %arg10[%get3A_54] {strides = array<i32>} : memref<10000xi32, #tpu.memory_space<vmem>>, vector<16xi32>,
      %bitcast3A_56 = vector.bitcast %get3A_53 : vector<16xi32> to vector<32xbf16>
      %bitcast3A_57 = vector.bitcast %get3A_55 : vector<16xi32> to vector<32xbf16>
      %max3A_58 = arith.maximumf %bitcast3A_56, %bitcast3A_57 : vector<32xbf16>
      %bitcast3A_59 = vector.bitcast %max3A_58 : vector<32xbf16> to vector<16xi32>
      %get3A_60 = arith.index_cast %mul3A_33 : i32 to index
      %get3A_61 = tpu.vector_load %arg12[%get3A_60] {strides = array<i32>} : memref<10000xi32, #tpu.memory_space<vmem>>, vector<16xi32>,
      %get3A_62 = arith.index_cast %mul3A_33 : i32 to index
      %get3A_63 = tpu.vector_load %arg14[%get3A_62] {strides = array<i32>} : memref<10000xi32, #tpu.memory_space<vmem>>, vector<16xi32>,
      %bitcast3A_64 = vector.bitcast %get3A_61 : vector<16xi32> to vector<32xbf16>
      %bitcast3A_65 = vector.bitcast %get3A_63 : vector<16xi32> to vector<32xbf16>
      %max3A_66 = arith.maximumf %bitcast3A_64, %bitcast3A_65 : vector<32xbf16>
      %bitcast3A_67 = vector.bitcast %max3A_66 : vector<32xbf16> to vector<16xi32>
      %bitcast3A_68 = vector.bitcast %bitcast3A_59 : vector<16xi32> to vector<32xbf16>
      %bitcast3A_69 = vector.bitcast %bitcast3A_67 : vector<16xi32> to vector<32xbf16>
      %max3A_70 = arith.maximumf %bitcast3A_68, %bitcast3A_69 : vector<32xbf16>
      %bitcast3A_71 = vector.bitcast %max3A_70 : vector<32xbf16> to vector<16xi32>
      %swap3A_72 = arith.index_cast %mul3A_33 : i32 to index
      %swap3A_73 = tpu.vector_load %arg8[%swap3A_72] {strides = array<i32>} : memref<10000xi32, #tpu.memory_space<vmem>>, vector<16xi32>,
      tpu.vector_store %arg8[%swap3A_72], %bitcast3A_71 {strides = array<i32>} : memref<10000xi32, #tpu.memory_space<vmem>>, vector<16xi32>,
    }
    %scan3A_28 = arith.constant 625 : i32
    %run_scoped3A_29 = arith.constant 0 : i32
    "tpu.region"() ({
      %run_scoped3A_31 = tpu.sem_alloc : memref<!tpu.dma_semaphore, #tpu.memory_space<semaphore_mem>>
      %dma_start3A_32 = arith.constant 0 : i32
      %dma_start3A_33 = tpu.memref_slice %arg4[%add3A, %run_scoped3A_29, %dma_start3A_32] : memref<32x2x10000xi32, #tpu.memory_space<hbm>> -> memref<1x1x10000xi32, #tpu.memory_space<hbm>>
      %dma_start3A_34 = tpu.memref_squeeze %dma_start3A_33 : memref<1x1x10000xi32, #tpu.memory_space<hbm>> -> memref<10000xi32, #tpu.memory_space<hbm>>
      %dma_start3A_35 = arith.constant 0 : i32
      %dma_start3A_36 = tpu.memref_slice %arg4[%add3A, %run_scoped3A_29, %dma_start3A_35] : memref<32x2x10000xi32, #tpu.memory_space<hbm>> -> memref<1x1x10000xi32, #tpu.memory_space<hbm>>
      %dma_start3A_37 = tpu.memref_squeeze %dma_start3A_36 : memref<1x1x10000xi32, #tpu.memory_space<hbm>> -> memref<10000xi32, #tpu.memory_space<hbm>>
      tpu.enqueue_dma source(%arg7 : memref<10000xi32, #tpu.memory_space<vmem>>) target(%dma_start3A_37 : memref<10000xi32, #tpu.memory_space<hbm>>) target_semaphore(%run_scoped3A_31 : memref<!tpu.dma_semaphore, #tpu.memory_space<semaphore_mem>>)
      %dma_wait3A = arith.constant 0 : i32
      %dma_wait3A_38 = tpu.memref_slice %arg4[%add3A, %run_scoped3A_29, %dma_wait3A] : memref<32x2x10000xi32, #tpu.memory_space<hbm>> -> memref<1x1x10000xi32, #tpu.memory_space<hbm>>
      %dma_wait3A_39 = tpu.memref_squeeze %dma_wait3A_38 : memref<1x1x10000xi32, #tpu.memory_space<hbm>> -> memref<10000xi32, #tpu.memory_space<hbm>>
      %dma_wait3A_40 = arith.constant 0 : i32
      %dma_wait3A_41 = tpu.memref_slice %arg4[%add3A, %run_scoped3A_29, %dma_wait3A_40] : memref<32x2x10000xi32, #tpu.memory_space<hbm>> -> memref<1x1x10000xi32, #tpu.memory_space<hbm>>
      %dma_wait3A_42 = tpu.memref_squeeze %dma_wait3A_41 : memref<1x1x10000xi32, #tpu.memory_space<hbm>> -> memref<10000xi32, #tpu.memory_space<hbm>>
      tpu.wait_dma2 semaphore(%run_scoped3A_31 : memref<!tpu.dma_semaphore, #tpu.memory_space<semaphore_mem>>) src(%arg7 : memref<10000xi32, #tpu.memory_space<vmem>>) dst(%dma_wait3A_42 : memref<10000xi32, #tpu.memory_space<hbm>>)
      tpu.yield
    }) : () -> ()
    %run_scoped3A_30 = arith.constant 1 : i32
    "tpu.region"() ({
      %run_scoped3A_31 = tpu.sem_alloc : memref<!tpu.dma_semaphore, #tpu.memory_space<semaphore_mem>>
      %dma_start3A_32 = arith.constant 0 : i32
      %dma_start3A_33 = tpu.memref_slice %arg4[%add3A, %run_scoped3A_30, %dma_start3A_32] : memref<32x2x10000xi32, #tpu.memory_space<hbm>> -> memref<1x1x10000xi32, #tpu.memory_space<hbm>>
      %dma_start3A_34 = tpu.memref_squeeze %dma_start3A_33 : memref<1x1x10000xi32, #tpu.memory_space<hbm>> -> memref<10000xi32, #tpu.memory_space<hbm>>
      %dma_start3A_35 = arith.constant 0 : i32
      %dma_start3A_36 = tpu.memref_slice %arg4[%add3A, %run_scoped3A_30, %dma_start3A_35] : memref<32x2x10000xi32, #tpu.memory_space<hbm>> -> memref<1x1x10000xi32, #tpu.memory_space<hbm>>
      %dma_start3A_37 = tpu.memref_squeeze %dma_start3A_36 : memref<1x1x10000xi32, #tpu.memory_space<hbm>> -> memref<10000xi32, #tpu.memory_space<hbm>>
      tpu.enqueue_dma source(%arg8 : memref<10000xi32, #tpu.memory_space<vmem>>) target(%dma_start3A_37 : memref<10000xi32, #tpu.memory_space<hbm>>) target_semaphore(%run_scoped3A_31 : memref<!tpu.dma_semaphore, #tpu.memory_space<semaphore_mem>>)
      %dma_wait3A = arith.constant 0 : i32
      %dma_wait3A_38 = tpu.memref_slice %arg4[%add3A, %run_scoped3A_30, %dma_wait3A] : memref<32x2x10000xi32, #tpu.memory_space<hbm>> -> memref<1x1x10000xi32, #tpu.memory_space<hbm>>
      %dma_wait3A_39 = tpu.memref_squeeze %dma_wait3A_38 : memref<1x1x10000xi32, #tpu.memory_space<hbm>> -> memref<10000xi32, #tpu.memory_space<hbm>>
      %dma_wait3A_40 = arith.constant 0 : i32
      %dma_wait3A_41 = tpu.memref_slice %arg4[%add3A, %run_scoped3A_30, %dma_wait3A_40] : memref<32x2x10000xi32, #tpu.memory_space<hbm>> -> memref<1x1x10000xi32, #tpu.memory_space<hbm>>
      %dma_wait3A_42 = tpu.memref_squeeze %dma_wait3A_41 : memref<1x1x10000xi32, #tpu.memory_space<hbm>> -> memref<10000xi32, #tpu.memory_space<hbm>>
      tpu.wait_dma2 semaphore(%run_scoped3A_31 : memref<!tpu.dma_semaphore, #tpu.memory_space<semaphore_mem>>) src(%arg8 : memref<10000xi32, #tpu.memory_space<vmem>>) dst(%dma_wait3A_42 : memref<10000xi32, #tpu.memory_space<hbm>>)
      tpu.yield
    }) : () -> ()
    return
  }
}

module attributes {stable_mosaic.version = 14 : i64} {
  func.func @_tc_msg0_body(%arg0: memref<10000x128xf32, #tpu.memory_space<vmem>>, %arg1: memref<128x128xf32, #tpu.memory_space<vmem>>, %arg2: memref<128x1xf32, #tpu.memory_space<vmem>>, %arg3: memref<2500x128xi32, #tpu.memory_space<vmem>>, %arg4: memref<2500x128xi32, #tpu.memory_space<vmem>>, %arg5: memref<64x10000xi32, #tpu.memory_space<vmem>>, %arg6: memref<2500x128xi32, #tpu.memory_space<vmem>>) attributes {dimension_semantics = [], scalar_prefetch = 0 : i64, scratch_operands = 0 : i64, tpu.core_type = #tpu.core_type<tc>} {
    %get3A = arith.constant 0 : index
    %get3A_0 = arith.constant 0 : index
    %get3A_1 = vector.load %arg1[%get3A, %get3A_0] : memref<128x128xf32, #tpu.memory_space<vmem>>, vector<128x128xf32>
    %get3A_2 = arith.constant 0 : index
    %get3A_3 = arith.constant 0 : index
    %get3A_4 = vector.load %arg0[%get3A_2, %get3A_3] : memref<10000x128xf32, #tpu.memory_space<vmem>>, vector<10000x128xf32>
    %dot_general3A = arith.constant dense<0.000000e+00> : vector<128x10000xf32>
    %dot_general3A_5 = tpu.matmul %get3A_1, %get3A_4, %dot_general3A {dimension_numbers = #tpu.dot_dimension_numbers<[0], [1], [1], [0], [0, 1, 1, 0], [], []>, transpose_lhs_hint = false} : vector<128x128xf32>, vector<10000x128xf32>, vector<128x10000xf32> -> vector<128x10000xf32>
    %get3A_6 = arith.constant 0 : index
    %get3A_7 = arith.constant 0 : index
    %get3A_8 = vector.load %arg2[%get3A_6, %get3A_7] : memref<128x1xf32, #tpu.memory_space<vmem>>, vector<128x1xf32>
    %add3A = vector.broadcast %get3A_8 : vector<128x1xf32> to vector<128x10000xf32>
    %add3A_9 = arith.addf %dot_general3A_5, %add3A : vector<128x10000xf32>
    %max3A = arith.constant 0.000000e+00 : f32
    %max3A_10 = vector.broadcast %max3A : f32 to vector<128x10000xf32>
    %max3A_11 = arith.maximumf %add3A_9, %max3A_10 : vector<128x10000xf32>
    %slice3A = vector.extract_strided_slice %max3A_11 {offsets = [0, 0], sizes = [64, 10000], strides = [1, 1]} : vector<128x10000xf32> to vector<64x10000xf32>
    %slice3A_12 = vector.extract_strided_slice %max3A_11 {offsets = [64, 0], sizes = [64, 10000], strides = [1, 1]} : vector<128x10000xf32> to vector<64x10000xf32>
    %convert_element_type3A = arith.truncf %slice3A : vector<64x10000xf32> to vector<64x10000xbf16>
    %bitcast_convert_type3A = tpu.bitcast %convert_element_type3A : vector<64x10000xbf16> -> vector<64x10000xi16>
    %convert_element_type3A_13 = arith.extui %bitcast_convert_type3A : vector<64x10000xi16> to vector<64x10000xi32>
    %convert_element_type3A_14 = arith.truncf %slice3A_12 : vector<64x10000xf32> to vector<64x10000xbf16>
    %bitcast_convert_type3A_15 = tpu.bitcast %convert_element_type3A_14 : vector<64x10000xbf16> -> vector<64x10000xi16>
    %convert_element_type3A_16 = arith.extui %bitcast_convert_type3A_15 : vector<64x10000xi16> to vector<64x10000xi32>
    %shift_left3A = arith.constant 16 : i32
    %shift_left3A_17 = vector.broadcast %shift_left3A : i32 to vector<64x10000xi32>
    %shift_left3A_18 = arith.shli %convert_element_type3A_16, %shift_left3A_17 : vector<64x10000xi32>
    %or3A = arith.ori %convert_element_type3A_13, %shift_left3A_18 : vector<64x10000xi32>
    %bitcast_convert_type3A_19 = tpu.bitcast %or3A : vector<64x10000xi32> -> vector<64x10000xi32>
    %swap3A = arith.constant 0 : index
    %swap3A_20 = arith.constant 0 : index
    %swap3A_21 = vector.load %arg5[%swap3A, %swap3A_20] : memref<64x10000xi32, #tpu.memory_space<vmem>>, vector<64x10000xi32>
    tpu.vector_store %arg5[%swap3A, %swap3A_20], %bitcast_convert_type3A_19 {strides = array<i32>} : memref<64x10000xi32, #tpu.memory_space<vmem>>, vector<64x10000xi32>,
    %get3A_22 = arith.constant 0 : index
    %get3A_23 = arith.constant 0 : index
    %get3A_24 = vector.load %arg3[%get3A_22, %get3A_23] : memref<2500x128xi32, #tpu.memory_space<vmem>>, vector<2500x128xi32>
    %get3A_25 = arith.constant 0 : index
    %get3A_26 = arith.constant 0 : index
    %get3A_27 = vector.load %arg4[%get3A_25, %get3A_26] : memref<2500x128xi32, #tpu.memory_space<vmem>>, vector<2500x128xi32>
    %shift_left3A_28 = arith.constant 16 : i32
    %shift_left3A_29 = vector.broadcast %shift_left3A_28 : i32 to vector<2500x128xi32>
    %shift_left3A_30 = arith.shli %get3A_27, %shift_left3A_29 : vector<2500x128xi32>
    %or3A_31 = arith.ori %get3A_24, %shift_left3A_30 : vector<2500x128xi32>
    %swap3A_32 = arith.constant 0 : index
    %swap3A_33 = arith.constant 0 : index
    %swap3A_34 = vector.load %arg6[%swap3A_32, %swap3A_33] : memref<2500x128xi32, #tpu.memory_space<vmem>>, vector<2500x128xi32>
    tpu.vector_store %arg6[%swap3A_32, %swap3A_33], %or3A_31 {strides = array<i32>} : memref<2500x128xi32, #tpu.memory_space<vmem>>, vector<2500x128xi32>,
    return
  }
}

module attributes {stable_mosaic.version = 14 : i64} {
  func.func @_tc_mid_body(%arg0: memref<10000x128xf32, #tpu.memory_space<vmem>>, %arg1: memref<64x10000xi32, #tpu.memory_space<vmem>>, %arg2: memref<256x128xf32, #tpu.memory_space<vmem>>, %arg3: memref<1x128xf32, #tpu.memory_space<vmem>>, %arg4: memref<128x128xf32, #tpu.memory_space<vmem>>, %arg5: memref<128x1xf32, #tpu.memory_space<vmem>>, %arg6: memref<10000x128xf32, #tpu.memory_space<vmem>>, %arg7: memref<64x10000xi32, #tpu.memory_space<vmem>>) attributes {dimension_semantics = [], scalar_prefetch = 0 : i64, scratch_operands = 0 : i64, tpu.core_type = #tpu.core_type<tc>} {
    %get3A = arith.constant 0 : index
    %get3A_0 = arith.constant 0 : index
    %get3A_1 = vector.load %arg0[%get3A, %get3A_0] : memref<10000x128xf32, #tpu.memory_space<vmem>>, vector<10000x128xf32>
    %get3A_2 = arith.constant 0 : index
    %get3A_3 = arith.constant 0 : index
    %get3A_4 = vector.load %arg2[%get3A_2, %get3A_3] : memref<256x128xf32, #tpu.memory_space<vmem>>, vector<128x128xf32>
    %dot_general3A = arith.constant dense<0.000000e+00> : vector<10000x128xf32>
    %dot_general3A_5 = tpu.matmul %get3A_1, %get3A_4, %dot_general3A {dimension_numbers = #tpu.dot_dimension_numbers<[1], [0], [0], [1], [0, 0, 1, 1], [], []>, transpose_lhs_hint = false} : vector<10000x128xf32>, vector<128x128xf32>, vector<10000x128xf32> -> vector<10000x128xf32>
    %get3A_6 = arith.constant 0 : index
    %get3A_7 = arith.constant 0 : index
    %get3A_8 = vector.load %arg1[%get3A_6, %get3A_7] : memref<64x10000xi32, #tpu.memory_space<vmem>>, vector<64x10000xi32>
    %get3A_9 = arith.constant 128 : index
    %get3A_10 = arith.constant 0 : index
    %get3A_11 = vector.load %arg2[%get3A_9, %get3A_10] : memref<256x128xf32, #tpu.memory_space<vmem>>, vector<128x128xf32>
    %bitcast_convert_type3A = tpu.bitcast %get3A_8 : vector<64x10000xi32> -> vector<64x10000xi32>
    %and3A = arith.constant 65535 : i32
    %and3A_12 = vector.broadcast %and3A : i32 to vector<64x10000xi32>
    %and3A_13 = arith.andi %bitcast_convert_type3A, %and3A_12 : vector<64x10000xi32>
    %convert_element_type3A = arith.trunci %and3A_13 : vector<64x10000xi32> to vector<64x10000xi16>
    %bitcast_convert_type3A_14 = tpu.bitcast %convert_element_type3A : vector<64x10000xi16> -> vector<64x10000xbf16>
    %convert_element_type3A_15 = arith.extf %bitcast_convert_type3A_14 : vector<64x10000xbf16> to vector<64x10000xf32>
    %shift_right_logical3A = arith.constant 16 : i32
    %shift_right_logical3A_16 = vector.broadcast %shift_right_logical3A : i32 to vector<64x10000xi32>
    %shift_right_logical3A_17 = arith.shrui %bitcast_convert_type3A, %shift_right_logical3A_16 : vector<64x10000xi32>
    %convert_element_type3A_18 = arith.trunci %shift_right_logical3A_17 : vector<64x10000xi32> to vector<64x10000xi16>
    %bitcast_convert_type3A_19 = tpu.bitcast %convert_element_type3A_18 : vector<64x10000xi16> -> vector<64x10000xbf16>
    %convert_element_type3A_20 = arith.extf %bitcast_convert_type3A_19 : vector<64x10000xbf16> to vector<64x10000xf32>
    %slice3A = vector.extract_strided_slice %get3A_11 {offsets = [0, 0], sizes = [64, 128], strides = [1, 1]} : vector<128x128xf32> to vector<64x128xf32>
    %dot_general3A_21 = arith.constant dense<0.000000e+00> : vector<10000x128xf32>
    %dot_general3A_22 = tpu.matmul %convert_element_type3A_15, %slice3A, %dot_general3A_21 {dimension_numbers = #tpu.dot_dimension_numbers<[0], [0], [1], [1], [0, 1, 1, 1], [], []>, transpose_lhs_hint = false} : vector<64x10000xf32>, vector<64x128xf32>, vector<10000x128xf32> -> vector<10000x128xf32>
    %slice3A_23 = vector.extract_strided_slice %get3A_11 {offsets = [64, 0], sizes = [64, 128], strides = [1, 1]} : vector<128x128xf32> to vector<64x128xf32>
    %dot_general3A_24 = arith.constant dense<0.000000e+00> : vector<10000x128xf32>
    %dot_general3A_25 = tpu.matmul %convert_element_type3A_20, %slice3A_23, %dot_general3A_24 {dimension_numbers = #tpu.dot_dimension_numbers<[0], [0], [1], [1], [0, 1, 1, 1], [], []>, transpose_lhs_hint = false} : vector<64x10000xf32>, vector<64x128xf32>, vector<10000x128xf32> -> vector<10000x128xf32>
    %add3A = arith.addf %dot_general3A_22, %dot_general3A_25 : vector<10000x128xf32>
    %add3A_26 = arith.addf %dot_general3A_5, %add3A : vector<10000x128xf32>
    %get3A_27 = arith.constant 0 : index
    %get3A_28 = arith.constant 0 : index
    %get3A_29 = vector.load %arg3[%get3A_27, %get3A_28] : memref<1x128xf32, #tpu.memory_space<vmem>>, vector<1x128xf32>
    %add3A_30 = vector.broadcast %get3A_29 : vector<1x128xf32> to vector<10000x128xf32>
    %add3A_31 = arith.addf %add3A_26, %add3A_30 : vector<10000x128xf32>
    %max3A = arith.constant 0.000000e+00 : f32
    %max3A_32 = vector.broadcast %max3A : f32 to vector<10000x128xf32>
    %max3A_33 = arith.maximumf %add3A_31, %max3A_32 : vector<10000x128xf32>
    %swap3A = arith.constant 0 : index
    %swap3A_34 = arith.constant 0 : index
    %swap3A_35 = vector.load %arg6[%swap3A, %swap3A_34] : memref<10000x128xf32, #tpu.memory_space<vmem>>, vector<10000x128xf32>
    tpu.vector_store %arg6[%swap3A, %swap3A_34], %max3A_33 {strides = array<i32>} : memref<10000x128xf32, #tpu.memory_space<vmem>>, vector<10000x128xf32>,
    %get3A_36 = arith.constant 0 : index
    %get3A_37 = arith.constant 0 : index
    %get3A_38 = vector.load %arg4[%get3A_36, %get3A_37] : memref<128x128xf32, #tpu.memory_space<vmem>>, vector<128x128xf32>
    %dot_general3A_39 = arith.constant dense<0.000000e+00> : vector<128x10000xf32>
    %dot_general3A_40 = tpu.matmul %get3A_38, %max3A_33, %dot_general3A_39 {dimension_numbers = #tpu.dot_dimension_numbers<[0], [1], [1], [0], [0, 1, 1, 0], [], []>, transpose_lhs_hint = false} : vector<128x128xf32>, vector<10000x128xf32>, vector<128x10000xf32> -> vector<128x10000xf32>
    %get3A_41 = arith.constant 0 : index
    %get3A_42 = arith.constant 0 : index
    %get3A_43 = vector.load %arg5[%get3A_41, %get3A_42] : memref<128x1xf32, #tpu.memory_space<vmem>>, vector<128x1xf32>
    %add3A_44 = vector.broadcast %get3A_43 : vector<128x1xf32> to vector<128x10000xf32>
    %add3A_45 = arith.addf %dot_general3A_40, %add3A_44 : vector<128x10000xf32>
    %max3A_46 = arith.constant 0.000000e+00 : f32
    %max3A_47 = vector.broadcast %max3A_46 : f32 to vector<128x10000xf32>
    %max3A_48 = arith.maximumf %add3A_45, %max3A_47 : vector<128x10000xf32>
    %slice3A_49 = vector.extract_strided_slice %max3A_48 {offsets = [0, 0], sizes = [64, 10000], strides = [1, 1]} : vector<128x10000xf32> to vector<64x10000xf32>
    %slice3A_50 = vector.extract_strided_slice %max3A_48 {offsets = [64, 0], sizes = [64, 10000], strides = [1, 1]} : vector<128x10000xf32> to vector<64x10000xf32>
    %convert_element_type3A_51 = arith.truncf %slice3A_49 : vector<64x10000xf32> to vector<64x10000xbf16>
    %bitcast_convert_type3A_52 = tpu.bitcast %convert_element_type3A_51 : vector<64x10000xbf16> -> vector<64x10000xi16>
    %convert_element_type3A_53 = arith.extui %bitcast_convert_type3A_52 : vector<64x10000xi16> to vector<64x10000xi32>
    %convert_element_type3A_54 = arith.truncf %slice3A_50 : vector<64x10000xf32> to vector<64x10000xbf16>
    %bitcast_convert_type3A_55 = tpu.bitcast %convert_element_type3A_54 : vector<64x10000xbf16> -> vector<64x10000xi16>
    %convert_element_type3A_56 = arith.extui %bitcast_convert_type3A_55 : vector<64x10000xi16> to vector<64x10000xi32>
    %shift_left3A = arith.constant 16 : i32
    %shift_left3A_57 = vector.broadcast %shift_left3A : i32 to vector<64x10000xi32>
    %shift_left3A_58 = arith.shli %convert_element_type3A_56, %shift_left3A_57 : vector<64x10000xi32>
    %or3A = arith.ori %convert_element_type3A_53, %shift_left3A_58 : vector<64x10000xi32>
    %bitcast_convert_type3A_59 = tpu.bitcast %or3A : vector<64x10000xi32> -> vector<64x10000xi32>
    %swap3A_60 = arith.constant 0 : index
    %swap3A_61 = arith.constant 0 : index
    %swap3A_62 = vector.load %arg7[%swap3A_60, %swap3A_61] : memref<64x10000xi32, #tpu.memory_space<vmem>>, vector<64x10000xi32>
    tpu.vector_store %arg7[%swap3A_60, %swap3A_61], %bitcast_convert_type3A_59 {strides = array<i32>} : memref<64x10000xi32, #tpu.memory_space<vmem>>, vector<64x10000xi32>,
    return
  }
}

module attributes {stable_mosaic.version = 14 : i64} {
  func.func @_tc_out_body(%arg0: memref<10000x128xf32, #tpu.memory_space<vmem>>, %arg1: memref<64x10000xi32, #tpu.memory_space<vmem>>, %arg2: memref<256x128xf32, #tpu.memory_space<vmem>>, %arg3: memref<1x128xf32, #tpu.memory_space<vmem>>, %arg4: memref<10000x128xf32, #tpu.memory_space<vmem>>) attributes {dimension_semantics = [], scalar_prefetch = 0 : i64, scratch_operands = 0 : i64, tpu.core_type = #tpu.core_type<tc>} {
    %get3A = arith.constant 0 : index
    %get3A_0 = arith.constant 0 : index
    %get3A_1 = vector.load %arg0[%get3A, %get3A_0] : memref<10000x128xf32, #tpu.memory_space<vmem>>, vector<10000x128xf32>
    %get3A_2 = arith.constant 0 : index
    %get3A_3 = arith.constant 0 : index
    %get3A_4 = vector.load %arg2[%get3A_2, %get3A_3] : memref<256x128xf32, #tpu.memory_space<vmem>>, vector<128x128xf32>
    %dot_general3A = arith.constant dense<0.000000e+00> : vector<10000x128xf32>
    %dot_general3A_5 = tpu.matmul %get3A_1, %get3A_4, %dot_general3A {dimension_numbers = #tpu.dot_dimension_numbers<[1], [0], [0], [1], [0, 0, 1, 1], [], []>, transpose_lhs_hint = false} : vector<10000x128xf32>, vector<128x128xf32>, vector<10000x128xf32> -> vector<10000x128xf32>
    %get3A_6 = arith.constant 0 : index
    %get3A_7 = arith.constant 0 : index
    %get3A_8 = vector.load %arg1[%get3A_6, %get3A_7] : memref<64x10000xi32, #tpu.memory_space<vmem>>, vector<64x10000xi32>
    %get3A_9 = arith.constant 128 : index
    %get3A_10 = arith.constant 0 : index
    %get3A_11 = vector.load %arg2[%get3A_9, %get3A_10] : memref<256x128xf32, #tpu.memory_space<vmem>>, vector<128x128xf32>
    %bitcast_convert_type3A = tpu.bitcast %get3A_8 : vector<64x10000xi32> -> vector<64x10000xi32>
    %and3A = arith.constant 65535 : i32
    %and3A_12 = vector.broadcast %and3A : i32 to vector<64x10000xi32>
    %and3A_13 = arith.andi %bitcast_convert_type3A, %and3A_12 : vector<64x10000xi32>
    %convert_element_type3A = arith.trunci %and3A_13 : vector<64x10000xi32> to vector<64x10000xi16>
    %bitcast_convert_type3A_14 = tpu.bitcast %convert_element_type3A : vector<64x10000xi16> -> vector<64x10000xbf16>
    %convert_element_type3A_15 = arith.extf %bitcast_convert_type3A_14 : vector<64x10000xbf16> to vector<64x10000xf32>
    %shift_right_logical3A = arith.constant 16 : i32
    %shift_right_logical3A_16 = vector.broadcast %shift_right_logical3A : i32 to vector<64x10000xi32>
    %shift_right_logical3A_17 = arith.shrui %bitcast_convert_type3A, %shift_right_logical3A_16 : vector<64x10000xi32>
    %convert_element_type3A_18 = arith.trunci %shift_right_logical3A_17 : vector<64x10000xi32> to vector<64x10000xi16>
    %bitcast_convert_type3A_19 = tpu.bitcast %convert_element_type3A_18 : vector<64x10000xi16> -> vector<64x10000xbf16>
    %convert_element_type3A_20 = arith.extf %bitcast_convert_type3A_19 : vector<64x10000xbf16> to vector<64x10000xf32>
    %slice3A = vector.extract_strided_slice %get3A_11 {offsets = [0, 0], sizes = [64, 128], strides = [1, 1]} : vector<128x128xf32> to vector<64x128xf32>
    %dot_general3A_21 = arith.constant dense<0.000000e+00> : vector<10000x128xf32>
    %dot_general3A_22 = tpu.matmul %convert_element_type3A_15, %slice3A, %dot_general3A_21 {dimension_numbers = #tpu.dot_dimension_numbers<[0], [0], [1], [1], [0, 1, 1, 1], [], []>, transpose_lhs_hint = false} : vector<64x10000xf32>, vector<64x128xf32>, vector<10000x128xf32> -> vector<10000x128xf32>
    %slice3A_23 = vector.extract_strided_slice %get3A_11 {offsets = [64, 0], sizes = [64, 128], strides = [1, 1]} : vector<128x128xf32> to vector<64x128xf32>
    %dot_general3A_24 = arith.constant dense<0.000000e+00> : vector<10000x128xf32>
    %dot_general3A_25 = tpu.matmul %convert_element_type3A_20, %slice3A_23, %dot_general3A_24 {dimension_numbers = #tpu.dot_dimension_numbers<[0], [0], [1], [1], [0, 1, 1, 1], [], []>, transpose_lhs_hint = false} : vector<64x10000xf32>, vector<64x128xf32>, vector<10000x128xf32> -> vector<10000x128xf32>
    %add3A = arith.addf %dot_general3A_22, %dot_general3A_25 : vector<10000x128xf32>
    %add3A_26 = arith.addf %dot_general3A_5, %add3A : vector<10000x128xf32>
    %get3A_27 = arith.constant 0 : index
    %get3A_28 = arith.constant 0 : index
    %get3A_29 = vector.load %arg3[%get3A_27, %get3A_28] : memref<1x128xf32, #tpu.memory_space<vmem>>, vector<1x128xf32>
    %add3A_30 = vector.broadcast %get3A_29 : vector<1x128xf32> to vector<10000x128xf32>
    %add3A_31 = arith.addf %add3A_26, %add3A_30 : vector<10000x128xf32>
    %swap3A = arith.constant 0 : index
    %swap3A_32 = arith.constant 0 : index
    %swap3A_33 = vector.load %arg4[%swap3A, %swap3A_32] : memref<10000x128xf32, #tpu.memory_space<vmem>>, vector<10000x128xf32>
    tpu.vector_store %arg4[%swap3A, %swap3A_32], %add3A_31 {strides = array<i32>} : memref<10000x128xf32, #tpu.memory_space<vmem>>, vector<10000x128xf32>,
    return
  }
}

</mosaic_0001>

<sc_bundles>
// kernel: kernel.10.cloned.1.call-start
scs
__scs_entry_jumppad:
0x0: {  	(pc) =	sbr.rel $0x88, $3  }
0x1: {  	(tag) =	ssettag $0x0;
	lr =	simm.s32 $0x1  }
0x2: {  	[smem:$0x3F97] =	sst lr;
	_ =	strace $0xD0000000  }
0x3: {  	_ = 	snop  }
0x4: {  	_ = 	snop  }
0x5: {  	_ = 	snop  }
0x6: {  	_ = 	snop  }
0x7: {  	_ = 	snop  }
__scs_overlays_trampoline_lowered:
0x8: {  	[smem:$0x3FA6] =	sst s0  }
0x9: {  	[smem:$0x3FA7] =	sst s1  }
0xa: {  	[smem:$0x3FA8] =	sst s2  }
0xb: {  	[smem:$0x3FA9] =	sst s3  }
0xc: {  	[smem:$0x3FAA] =	sst s4  }
0xd: {  	[smem:$0x3FAB] =	sst s5  }
0xe: {  	[smem:$0x3FAC] =	sst s6  }
0xf: {  	[smem:$0x3FAD] =	sst s7  }
0x10: {  	[smem:$0x3FAE] =	sst s8  }
0x11: {  	[smem:$0x3FAF] =	sst s9;
	s0 =	simm.s32 @!p0 $0x0  }
0x12: {  	s1 =	sld [smem:$0x3F95];
	s0 =	simm.s32 @p0 $0x1  }
0x13: {  	[smem:$0x3FB0] =	sst s0;
	s0 =	simm.s32 @!p1 $0x0  }
0x14: {  	s2 =	sld [smem:$0x3F94];
	s0 =	simm.s32 @p1 $0x1  }
0x15: {  	[smem:$0x3FB1] =	sst s0;
	s0 =	simm.s32 @!p2 $0x0  }
0x16: {  	s3 =	sld [smem:$0x3FDB];
	s0 =	simm.s32 @p2 $0x1  }
0x17: {  	s4 =	simm.s32 $0x1BF5;
	[smem:$0x3FB3] =	sst s0  }
0x18: {  	s0 =	sld [smem:$0x3F96];
	_ =	swait.ge [sflag:s4], $0x0  }
0x19: {  	s7 =	sld [smem:$0x3F97]  }
0x1a: {  	s8 =	sadd.s32 $0xFFFFE003, lr  }
0x1b: {  	s9 =	sadd.s32 $0xFFFFFEF7, lr;
	s5 =	simm.s32 $0xFFFFFFFF;
	p2 =	slt.u32 s8, $0xFFFFF086  }
0x1c: {  	p1 =	slt.u32 s9, $0xF7A;
	s5 =	simm.s32 @!p2 $0x0  }
0x1d: {  	s5 =	simm.s32 @p1 $0x1;
	p0 =	seq.s32 s7, s2  }
0x1e: {  	s7 =	smul.u32 @!p0 $0xF7A, s2;
	p2 =	seq.s32 @!p0 s5, $0x0  }
0x1f: {  	s9 =	smul.u32 $0xF7A, s1;
	s8 =	simm.s32 @!p0 $0x1BF5;
	p2 =	por !p2, p0  }
0x20: {  	[sflag:s8] =	ssyncset.s32 @!p0 $0xFFFFF086;
	s6 =	sadd.s32 @!p0 s3, s7;
	s7 =	simm.s32 @!p0 $0x108  }
0x21: {  	s3 =	sadd.s32 s3, s9;
	s6 =	sadd.s32 @!p0 $0x88, s6;
	s7 =	simm.s32 @p2 $0x1082  }
0x22: {  	[simem:s7], [sflag:s8] =	dma.local @!p0 [hbm:s6], $0xF7A  }
0x23: {  	s9 =	sor.u32 $0xD0000000, s2;
	s6 =	simm.s32 $0x108;
	_ =	swait.ge @!p0 [sflag:s8], $0x0  }
0x24: {  	s3 =	sadd.s32 $0x88, s3;
	s6 =	simm.s32 @!p1 $0x1082;
	[sflag:s4] =	ssyncset.s32 $0xFFFFF086  }
0x25: {  	[simem:s6], [sflag:s4] =	dma.local [hbm:s3], $0xF7A  }
0x26: {  	[smem:$0x3F97] =	sst s1;
	(tag) =	ssettag s2;
	_ =	strace s9  }
0x27: {  	s1 =	sld [smem:$0x3FA7]  }
0x28: {  	s2 =	sld [smem:$0x3FA8]  }
0x29: {  	s4 =	sld [smem:$0x3FAA]  }
0x2a: {  	p0 =	seq.s32 s5, $0x0;
	s5 =	sld [smem:$0x3FAB]  }
0x2b: {  	s6 =	sld [smem:$0x3FAC]  }
0x2c: {  	s7 =	sld [smem:$0x3FAD]  }
0x2d: {  	s3 =	simm.s32 $0x108;
	s8 =	sld [smem:$0x3FAE]  }
0x2e: {  	s3 =	simm.s32 @!p0 $0x1082;
	s9 =	sld [smem:$0x3FAF]  }
0x2f: {  	lr =	sadd.s32 s0, s3;
	s0 =	sld [smem:$0x3FA6]  }
0x30: {  	s3 =	sld [smem:$0x3FA9]  }
0x31: {  	[smem:$0x3FB2] =	sst s10  }
0x32: {  	s10 =	sld [smem:$0x3FB0];
	_ =	sdelay $0x3  }
0x33: {  	p0 =	seq.s32 s10, $0x1;
	s10 =	sld [smem:$0x3FB2];
	_ =	sdelay $0x3  }
0x34: {  	[smem:$0x3FB2] =	sst s10  }
0x35: {  	s10 =	sld [smem:$0x3FB1];
	_ =	sdelay $0x3  }
0x36: {  	p1 =	seq.s32 s10, $0x1;
	s10 =	sld [smem:$0x3FB2];
	_ =	sdelay $0x3  }
0x37: {  	[smem:$0x3FB2] =	sst s10  }
0x38: {  	s10 =	sld [smem:$0x3FB3]  }
0x39: {  	_ = 	snop;
	(pc) =	sbr.ind lr, $3  }
0x3a: {  	_ = 	snop  }
0x3b: {  	_ = 	snop  }
0x3c: {  	p2 =	seq.s32 s10, $0x1;
	s10 =	sld [smem:$0x3FB2]  }
0x3d: {  	_ =	shalt  }
0x3e: {  	_ =	shalt  }
0x3f: {  	_ =	shalt  }
0x40: {  	_ =	shalt  }
0x41: {  	_ =	shalt  }
0x42: {  	_ =	shalt  }
0x43: {  	_ =	shalt  }
0x44: {  	_ =	shalt  }
0x45: {  	_ =	shalt  }
0x46: {  	_ =	shalt  }
0x47: {  	_ =	shalt  }
0x48: {  	_ =	shalt  }
0x49: {  	_ =	shalt  }
0x4a: {  	_ =	shalt  }
0x4b: {  	_ =	shalt  }
0x4c: {  	_ =	shalt  }
0x4d: {  	_ =	shalt  }
0x4e: {  	_ =	shalt  }
0x4f: {  	_ =	shalt  }
0x50: {  	_ =	shalt  }
0x51: {  	_ =	shalt  }
0x52: {  	_ =	shalt  }
0x53: {  	_ =	shalt  }
0x54: {  	_ =	shalt  }
0x55: {  	_ =	shalt  }
0x56: {  	_ =	shalt  }
0x57: {  	_ =	shalt  }
0x58: {  	_ =	shalt  }
0x59: {  	_ =	shalt  }
0x5a: {  	_ =	shalt  }
0x5b: {  	_ =	shalt  }
0x5c: {  	_ =	shalt  }
0x5d: {  	_ =	shalt  }
0x5e: {  	_ =	shalt  }
0x5f: {  	_ =	shalt  }
0x60: {  	_ =	shalt  }
0x61: {  	_ =	shalt  }
0x62: {  	_ =	shalt  }
0x63: {  	_ =	shalt  }
0x64: {  	_ =	shalt  }
0x65: {  	_ =	shalt  }
0x66: {  	_ =	shalt  }
0x67: {  	_ =	shalt  }
0x68: {  	_ =	shalt  }
0x69: {  	_ =	shalt  }
0x6a: {  	_ =	shalt  }
0x6b: {  	_ =	shalt  }
0x6c: {  	_ =	shalt  }
0x6d: {  	_ =	shalt  }
0x6e: {  	_ =	shalt  }
0x6f: {  	_ =	shalt  }
0x70: {  	_ =	shalt  }
0x71: {  	_ =	shalt  }
0x72: {  	_ =	shalt  }
0x73: {  	_ =	shalt  }
0x74: {  	_ =	shalt  }
0x75: {  	_ =	shalt  }
0x76: {  	_ =	shalt  }
0x77: {  	_ =	shalt  }
0x78: {  	_ =	shalt  }
0x79: {  	_ =	shalt  }
0x7a: {  	_ =	shalt  }
0x7b: {  	_ =	shalt  }
0x7c: {  	_ =	shalt  }
0x7d: {  	_ =	shalt  }
0x7e: {  	_ =	shalt  }
0x7f: {  	_ =	shalt  }
0x80: {  	_ =	shalt  }
0x81: {  	_ =	shalt  }
0x82: {  	_ =	shalt  }
0x83: {  	_ =	shalt  }
0x84: {  	_ =	shalt  }
0x85: {  	_ =	shalt  }
0x86: {  	_ =	shalt  }
0x87: {  	_ =	shalt  }
.Lfunc_end0:
.L_simem_size_0:
called_computation.1_lowered:
.L_overlay_start_0:
0x88: {  	s2 =	sld [smem:$0x3FD9]  }
0x89: {  	s3 =	sld [smem:$0x3FFE];
	_ =	sdelay $0x1  }
0x8a: {  	s1 =	srdreg.scid  }
0x8b: {  	s0 =	sand.u32 $0x1, s1  }
0x8c: {  	s17 =	sshll.u32 s0, $0xA;
	s2 =	sadd.s32 s3, s2  }
0x8d: {  	s2 =	sadd.s32 s2, s17  }
0x8e: {  	[smem:$0x3FBE] =	sst s2  }
0x8f: {  	_ = 	snop  }
0x90: {  	s2 =	sld [smem:$0x3FD0];
	(tm) =	ssettm $0x1  }
0x91: {  	s18 =	sld [smem:$0x3FFB];
	_ =	sdelay $0x3  }
0x92: {  	_ =	strace s18  }
0x93: {  	s3 =	sld [smem:$0x3FFC];
	_ =	sdelay $0x3  }
0x94: {  	_ =	strace s3  }
0x95: {  	s3 =	sld [smem:$0x3FFD];
	_ =	sdelay $0x3  }
0x96: {  	_ =	strace s3  }
0x97: {  	_ =	strace $0x8FFFFFFF  }
0x98: {  	s19 =	sld [smem:$0x3FDB];
	_ =	sdelay $0x1  }
0x99: {  	s4 =	simm.s32 $_scs_section_size  }
0x9a: {  	s5 =	simm.s32 $_size__tile_overlayer_lowered;
	s6 =	simm.s32 $_tile_overlayer_lowered  }
0x9b: {  	s22 =	simm.s32 $0x1BFF;
	s21 =	sshll.u32 s6, $0x1;
	s3 =	sadd.s32 s4, s19  }
0x9c: {  	s7 =	simm.s32 $0x0;
	s20 =	sshll.u32 s5, $0x1;
	s5 =	sadd.s32 s21, s3  }
0x9d: {  	[timem:s7], [sflag:s22] =	dma.local [hbm:s5], s20  }
0x9e: {  	_ =	swait.ge [sflag:s22], s20  }
0x9f: {  	s4 =	ssub.s32 $0x0, s20;
	[sflag:s22] =	ssyncset.done $0x0  }
0xa0: {  	[sflag:s22] =	ssyncadd.s32 s4;
	_ =	sdelay $0x1  }
0xa1: {  	s23 =	simm.s32 $0x1B8B  }
0xa2: {  	_ =	swait.ge [sflag:s23], $0x1  }
0xa3: {  	[sflag:s23] =	ssyncset.done $0x0  }
0xa4: {  	s25 =	simm.s32 $0x1B8E;
	s24 =	sld [smem:$0x3FFE];
	[sflag:s23] =	ssyncadd.s32 $0xFFFFFFFF  }
0xa5: {  	s26 =	simm.s32 $execute0_lowered;
	[smem:$0x3FD2] =	sst s25  }
0xa6: {  	s5 =	sshll.u32 s26, $0x1;
	_ =	strace $0x80000049;
	[dreg:$0x1] =	wrdreg $0xFFFFFFFF  }
0xa7: {  	s28 =	simm.s32 $_size_execute0_lowered;
	s3 =	sadd.s32 s3, s5;
	[dreg:$0x0] =	wrdreg $0x0  }
0xa8: {  	s5 =	sshll.u32 s28, $0x1;
	[dreg:$0x2] =	wrdreg s3  }
0xa9: {  	[dreg:$0x3] =	wrdreg s5  }
0xaa: {  	[dreg:$0x4] =	wrdreg $0xC0  }
0xab: {  	_ =	task [dreg:s7], $0x5FFFF  }
0xac: {  	[dreg:$0x1] =	wrdreg $0xFFFFFFFF  }
0xad: {  	[dreg:$0x0] =	wrdreg $0x60  }
0xae: {  	[dreg:$0x2] =	wrdreg s2  }
0xaf: {  	[dreg:$0x3] =	wrdreg s24  }
0xb0: {  	[dreg:$0x4] =	wrdreg $0x9  }
0xb1: {  	_ =	task.clear_ibuf [dreg:s7], $0x5FFFF;
	_ =	strace $0x90000049  }
0xb2: {  	s29 =	simm.s32 $0x9;
	_ =	strace $0x8000004B  }
0xb3: {  	_ =	swait.ge [sflag:s29], $0x1  }
0xb4: {  	[sflag:s29] =	ssyncadd.s32 $0xFFFFFFFF  }
0xb5: {  	_ =	strace $0x9000004B  }
0xb6: {  	_ =	sfence  }
0xb7: {  	s30 =	sld [smem:$0x0];
	_ =	sdelay $0x2  }
0xb8: {  	s31 =	sshll.u32 s1, $0xD;
	s1 =	sshrl.u32 s1, $0x2  }
0xb9: {  	s3 =	sand.u32 $0x4000, s31;
	s1 =	sadd.s32 s1, s30  }
0xba: {  	s0 =	sor.u32 s3, s0;
	s1 =	sshll.u32 s1, $0x11  }
0xbb: {  	s0 =	sor.u32 s1, s0  }
0xbc: {  	s0 =	sadd.s32 $0x8F2B, s0  }
0xbd: {  	[sflag:s0] =	ssyncadd.remote.s32 $0x1  }
0xbe: {  	_ =	sfence.sel $0xFFFF  }
0xbf: {  	[dreg:$0x0] =	wrdreg $0xFFFFFFFF;
	(pc) =	sbr.abs _section_cstart, $3  }
0xc0: {  	[dreg:$0x1] =	wrdreg $0xFFFFFFFF  }
0xc1: {  	_ =	task.clear_ibuf [dreg:s7], $0x2FFFF;
	_ =	strace $0x9FFFFFFF  }
0xc2: {  	(tm) =	ssettm $0x7FFFFFFF  }
0xc3: {  	_ =	shalt  }
tec
execute0_lowered:
.L_overlay_start_1:
0x0: {  	(tag) =	ssettag $0x1  }
0x1: {  	s5 =	rddreg [dreg:$0x0]  }
0x2: {  	s4 =	rddreg [dreg:$0x1];
	s1 =	simm.s32 $0x0  }
0x3: {  	[smem:$0x7FF] =	sst s1  }
0x4: {  	s0 =	rddreg [dreg:$0x2];
	v0 =	vlaneseq.u32;
	_ =	strace $0x8000004A  }
0x5: {  	(xrf1) =	vunique.msk.u32 $0xffff, v0;
	_ =	sdelay $0x3  }
0x6: {  	s3 =	srdreg.scid  }
0x7: {  	s2 =	stileid.u32;
	s10 =	simm.s32 $0x100;
	s11 =	simm.s32 $0x3  }
0x8: {  	s12 =	simm.s32 $0x2780;
	s13 =	simm.s32 $0x18B00;
	s14 =	simm.s32 $0x1A400  }
0x9: {  	s15 =	simm.s32 $0x1;
	s16 =	simm.s32 $0x4F00;
	s17 =	simm.s32 $0x7680  }
0xa: {  	s18 =	simm.s32 $0x9E00;
	s19 =	simm.s32 $0xC580;
	s20 =	simm.s32 $0xED00  }
0xb: {  	s21 =	simm.s32 $0x11480;
	s3 =	sand.u32 $0x1, s3;
	s6 =	sshll.u32 s2, $0x1  }
0xc: {  	s22 =	simm.s32 $0x13C00;
	s23 =	simm.s32 $0x16380;
	s6 =	sor.u32 s3, s6  }
0xd: {  	s24 =	simm.s32 $0x2;
	s7 =	ssub.s32 $0x2, s3;
	s6 =	smul.u32 $0x9E0, s6  }
0xe: {  	s25 =	simm.s32 $0x0;
	s8 =	sadd.s32 $0xB400, s4;
	s30 =	sshrl.u32 s7, $0x1  }
0xf: {  	s3 =	sadd.s32 $0x1600, s4;
	s9 =	ssub.s32 s7, s30;
	s31 =	sor.u32 $0x10, s6  }
0x10: {  	s4 =	sadd.s32 s5, s6;
	s6 =	sadd.s32 s8, s6;
	s5 =	sadd.s32 s5, s31;
	_, v0, _ =	vpop (xrf1)  }
0x11: {  	v1 =	vimm.s32 $0x0;
	vm0 =	vmxor vm0, vm0;
	s7 =	sadd.s32 s8, s31;
	s8 =	smax.u32 s9, $0x1;
	s9 =	simm.s32 $0x80;
	v0 =	vadd.s32 $0x1, v0  }
.LBB2_1:
0x12: {  	[tilespmem:s1], [sflag:$0x3] =	stream.strided.gather [hbm4b:s4+s9], $0x2780, s10, s9, $0x38;
	[tilespmem:$0x1BD00] =	vst v63  }
0x13: {  	_ =	swait.ge [sflag:s11], $0x2780  }
0x14: {  	[sflag:s11] =	ssyncset.done $0x0  }
0x15: {  	[sflag:s11] =	ssyncadd.s32 $0xFFFFD880  }
0x16: {  	[tilespmem:s12], [sflag:$0x3] =	stream.strided.gather [hbm4b:s5+s9], $0x2780, s10, s9, $0x38;
	[tilespmem:$0x1BD00] =	vst v63  }
0x17: {  	_ =	swait.ge [sflag:s11], $0x2780  }
0x18: {  	[sflag:s11] =	ssyncset.done $0x0  }
0x19: {  	s26 =	simm.s32 $0x0;
	s28 =	simm.s32 $0x40;
	[sflag:s11] =	ssyncadd.s32 $0xFFFFD880  }
.LBB2_2:
0x1a: {  	p0 =	sne.s32 s28, $0x9C00;
	[tilespmem:s26+$0x16380] =	vst v1  }
0x1b: {  	[tilespmem:s26+$0x4F00] =	vst v1  }
0x1c: {  	[tilespmem:s26+$0x7680] =	vst v1  }
.Ltmp0:
0x1d: {  	[tilespmem:s26+$0x9E00] =	vst v1;
	(pc) =	sbr.rel @p0 .LBB2_2-.Ltmp0, $4  }
0x1e: {  	[tilespmem:s26+$0xC580] =	vst v1  }
0x1f: {  	[tilespmem:s26+$0xED00] =	vst v1  }
0x20: {  	[tilespmem:s26+$0x11480] =	vst v1  }
0x21: {  	[tilespmem:s26+$0x13C00] =	vst v1;
	s26 =	sshra.s32 s28, $0x2;
	s28 =	sadd.s32 $0x40, s28  }
0x22: {  	[tilespmem:s26+$0x16380] =	vst v1  }
0x23: {  	[tilespmem:s26+$0x4F00] =	vst v1  }
0x24: {  	[tilespmem:s26+$0x7680] =	vst v1  }
0x25: {  	[tilespmem:s26+$0x9E00] =	vst v1  }
.Ltmp1:
0x26: {  	[tilespmem:s26+$0xC580] =	vst v1;
	(pc) =	sbr.rel .LBB2_4-.Ltmp1, $4  }
0x27: {  	[tilespmem:s26+$0xED00] =	vst v1  }
0x28: {  	[tilespmem:s26+$0x11480] =	vst v1  }
0x29: {  	[tilespmem:s26+$0x13C00] =	vst v1;
	s26 =	simm.s32 $0x0;
	s28 =	simm.s32 $0x0  }
0x2a: {  	[tilespmem:s13], [sflag:$0x1] =	stream.linear.gather [hbm4b:s3+s26], $0x1900, $0x38;
	[tilespmem:$0x1BD00] =	vst v63  }
.LBB2_44:
0x2b: {  	s28 =	sadd.s32 $0x1, s28  }
0x2c: {  	p0 =	sne.s32 s28, $0x19  }
.Ltmp2:
0x2d: {  	_ = 	snop;
	(pc) =	sbr.rel @!p0 .LBB2_45-.Ltmp2, $1  }
0x2e: {  	_ =	sdelay $0x3  }
.LBB2_4:
0x2f: {  	s29 =	smul.u32 $0x3200, s28;
	_ =	sdelay $0x1  }
0x30: {  	s30 =	sshrl.u32 s29, $0x3  }
0x31: {  	s30 =	sadd.s32 s3, s30  }
0x32: {  	s30 =	sadd.s32 $0x320, s30  }
0x33: {  	[tilespmem:s14], [sflag:$0x2] =	stream.linear.gather [hbm4b:s30+s26], $0x1900, $0x38;
	[tilespmem:$0x1BD00] =	vst v63  }
0x34: {  	_ =	swait.ge [sflag:s15], $0x1900  }
0x35: {  	[sflag:s15] =	ssyncset.done $0x0  }
0x36: {  	vm1 =	vmmov vm0;
	s30 =	simm.s32 $0x0;
	[sflag:s15] =	ssyncadd.s32 $0xFFFFE700  }
.LBB2_5:
0x37: {  	s31 =	sshra.s32 s30, $0x2  }
0x38: {  	v2 =	vld [tilespmem:s31+$0x18B00];
	_ =	sdelay $0x1  }
0x39: {  	v3 =	vld [tilespmem:s31+$0x18B10];
	_ =	sdelay $0x1  }
0x3a: {  	v4 =	vld [tilespmem:s31+$0x18B20]  }
0x3b: {  	v5 =	vand.u32 $0xFFFF, v2  }
0x3c: {  	v6 =	vld [tilespmem:s31+$0x18B30]  }
0x3d: {  	v7 =	vand.u32 $0xFFFF, v3;
	_ =	sdelay $0x1  }
0x3e: {  	v8 =	vand.u32 $0xFFFF, v4  }
0x3f: {  	v9 =	vld.idx.msk [tilespmem:v5+s1+$0x0], $0xffff  }
0x40: {  	v10 =	vand.u32 $0xFFFF, v6;
	v5 =	vld.idx.msk [tilespmem:v5+s12+$0x0], $0xffff  }
0x41: {  	v11 =	vld.idx.msk [tilespmem:v7+s1+$0x0], $0xffff  }
0x42: {  	v2 =	vshrl.u32 v2, $0x10;
	v7 =	vld.idx.msk [tilespmem:v7+s12+$0x0], $0xffff  }
0x43: {  	v12 =	vld.idx.msk [tilespmem:v8+s1+$0x0], $0xffff  }
0x44: {  	v3 =	vshrl.u32 v3, $0x10;
	v8 =	vld.idx.msk [tilespmem:v8+s12+$0x0], $0xffff  }
0x45: {  	v13 =	vld.idx.msk [tilespmem:v10+s1+$0x0], $0xffff  }
0x46: {  	v4 =	vshrl.u32 v4, $0x10;
	v10 =	vld.idx.msk [tilespmem:v10+s12+$0x0], $0xffff  }
0x47: {  	v14 =	vld.idx.msk [tilespmem:v2+s16+$0x0], $0xffff  }
0x48: {  	v6 =	vshrl.u32 v6, $0x10;
	v15 =	vld.idx.msk [tilespmem:v2+s17+$0x0], $0xffff  }
0x49: {  	v16 =	vld.idx.msk [tilespmem:v3+s18+$0x0], $0xffff  }
0x4a: {  	v17 =	vld.idx.msk [tilespmem:v3+s19+$0x0], $0xffff  }
0x4b: {  	v18 =	vld.idx.msk [tilespmem:v4+s20+$0x0], $0xffff  }
0x4c: {  	v19 =	vld.idx.msk [tilespmem:v4+s21+$0x0], $0xffff;
	v20 =	vmax.bf16 v14, v9  }
0x4d: {  	v21 =	vld.idx.msk [tilespmem:v6+s22+$0x0], $0xffff;
	v53 =	vmax.bf16 v15, v5;
	vm2 =	vne.s32 v14, v20  }
0x4e: {  	v22 =	vld.idx.msk [tilespmem:v6+s23+$0x0], $0xffff;
	v54 =	vmax.bf16 v16, v11;
	vm3 =	vne.s32 v15, v53  }
0x4f: {  	v55 =	vmax.bf16 v17, v7;
	vm4 =	vne.s32 v16, v54  }
0x50: {  	v56 =	vmax.bf16 v18, v12;
	vm5 =	vne.s32 v17, v55  }
0x51: {  	v57 =	vmax.bf16 v19, v8;
	vm6 =	vne.s32 v18, v56  }
0x52: {  	v58 =	vmax.bf16 v21, v13;
	vm7 =	vne.s32 v19, v57  }
0x53: {  	v59 =	vmax.bf16 v22, v10;
	[tilespmem:v2+s16+$0x0] =	vst.idx.msk vm2, v20;
	vm2 =	vne.s32 v21, v58  }
0x54: {  	[tilespmem:v2+s17+$0x0] =	vst.idx.msk vm3, v53;
	vm3 =	vne.s32 v22, v59  }
0x55: {  	[tilespmem:v3+s18+$0x0] =	vst.idx.msk vm4, v54  }
0x56: {  	[tilespmem:v3+s19+$0x0] =	vst.idx.msk vm5, v55  }
0x57: {  	[tilespmem:v4+s20+$0x0] =	vst.idx.msk vm6, v56  }
0x58: {  	[tilespmem:v4+s21+$0x0] =	vst.idx.msk vm7, v57  }
0x59: {  	[tilespmem:v6+s22+$0x0] =	vst.idx.msk vm2, v58  }
0x5a: {  	(xrf1) =	vunique.msk.u32 $0xffff, v2;
	[tilespmem:v6+s23+$0x0] =	vst.idx.msk vm3, v59  }
0x5b: {  	(xrf1) =	vunique.msk.u32 $0xffff, v3;
	v14 =	vld.idx.msk [tilespmem:v2+s16+$0x0], $0xffff  }
0x5c: {  	(xrf1) =	vunique.msk.u32 $0xffff, v4;
	v15 =	vld.idx.msk [tilespmem:v2+s17+$0x0], $0xffff  }
0x5d: {  	(xrf1) =	vunique.msk.u32 $0xffff, v6;
	v16 =	vld.idx.msk [tilespmem:v3+s18+$0x0], $0xffff  }
0x5e: {  	v17 =	vld.idx.msk [tilespmem:v3+s19+$0x0], $0xffff  }
0x5f: {  	v18 =	vld.idx.msk [tilespmem:v4+s20+$0x0], $0xffff  }
0x60: {  	v19 =	vld.idx.msk [tilespmem:v4+s21+$0x0], $0xffff;
	v9 =	vmax.bf16 v14, v9  }
0x61: {  	v20 =	vld.idx.msk [tilespmem:v6+s22+$0x0], $0xffff;
	v5 =	vmax.bf16 v15, v5;
	vm2 =	vne.s32 v14, v9  }
0x62: {  	v60 =	vld.idx.msk [tilespmem:v6+s23+$0x0], $0xffff;
	v11 =	vmax.bf16 v16, v11;
	vm3 =	vne.s32 v15, v5  }
0x63: {  	v7 =	vmax.bf16 v17, v7;
	vm15 =	vne.s32 v16, v11  }
0x64: {  	v12 =	vmax.bf16 v18, v12;
	vm9 =	vne.s32 v17, v7  }
0x65: {  	v8 =	vmax.bf16 v19, v8;
	vm10 =	vne.s32 v18, v12  }
0x66: {  	v13 =	vmax.bf16 v20, v13;
	vm11 =	vne.s32 v19, v8  }
0x67: {  	v61 =	vmax.bf16 v60, v10;
	[tilespmem:v2+s16+$0x0] =	vst.idx.msk vm2, v9;
	vm2 =	vne.s32 v20, v13  }
0x68: {  	_, v62, _ =	vpop (xrf1);
	[tilespmem:v2+s17+$0x0] =	vst.idx.msk vm3, v5;
	vm3 =	vne.s32 v60, v61  }
0x69: {  	p0 =	sne.s32 s30, $0x6300;
	_, v2, _ =	vpop (xrf1);
	[tilespmem:v3+s18+$0x0] =	vst.idx.msk vm15, v11  }
.Ltmp3:
0x6a: {  	vm12 =	vgt.s32 v62, v0;
	_, v63, _ =	vpop (xrf1);
	vm13 =	vgt.s32 v2, v0;
	[tilespmem:v3+s19+$0x0] =	vst.idx.msk vm9, v7;
	(pc) =	sbr.rel @p0 .LBB2_5-.Ltmp3, $4  }
0x6b: {  	vm4 =	vmor vm12, vm13;
	vm14 =	vgt.s32 v63, v0;
	_, v2, _ =	vpop (xrf1);
	[tilespmem:v4+s20+$0x0] =	vst.idx.msk vm10, v12  }
0x6c: {  	vm4 =	vmor vm4, vm14;
	vm15 =	vgt.s32 v2, v0;
	[tilespmem:v4+s21+$0x0] =	vst.idx.msk vm11, v8  }
0x6d: {  	vm4 =	vmor vm4, vm15;
	[tilespmem:v6+s22+$0x0] =	vst.idx.msk vm2, v13  }
0x6e: {  	s30 =	sadd.s32 $0x100, s30;
	vm1 =	vmor vm1, vm4;
	[tilespmem:v6+s23+$0x0] =	vst.idx.msk vm3, v61  }
0x6f: {  	v2 =	vmpcnt.ones.xlane vm1;
	_ =	sdelay $0x1  }
0x70: {  	(v2sf) =	vpush v2, $0x0;
	_ =	sdelay $0xe  }
0x71: {  	s30 =	spop (v2sf)  }
0x72: {  	p0 =	slt.s32 s30, $0x1  }
.Ltmp4:
0x73: {  	_ = 	snop;
	(pc) =	sbr.rel @p0 .LBB2_24-.Ltmp4, $2  }
0x74: {  	_ =	sdelay $0x2  }
0x75: {  	s30 =	simm.s32 $0x0  }
.LBB2_7:
0x76: {  	s31 =	sshll.u32 s30, $0x6  }
0x77: {  	s31 =	sand.u32 $0x3FFFFFC0, s31  }
0x78: {  	v5 =	vld [tilespmem:s31+$0x18B00];
	_ =	sdelay $0x4  }
0x79: {  	v6 =	vand.u32 $0xFFFF, v5  }
0x7a: {  	v5 =	vshrl.u32 v5, $0x10  }
0x7b: {  	v4 =	vld [tilespmem:s31+$0x18B10]  }
0x7c: {  	v3 =	vld [tilespmem:s31+$0x18B20]  }
0x7d: {  	v2 =	vld [tilespmem:s31+$0x18B30]  }
0x7e: {  	v7 =	vld.idx.msk [tilespmem:v6+s1+$0x0], $0xffff  }
.LBB2_8:
0x7f: {  	v8 =	vld.idx.msk [tilespmem:v5+s16+$0x0], $0xffff;
	_ =	sdelay $0x4  }
0x80: {  	v9 =	vmax.bf16 v8, v7  }
0x81: {  	vm1 =	vne.s32 v8, v9;
	_ =	sdelay $0x5  }
0x82: {  	[tilespmem:v5+s16+$0x0] =	vst.idx.msk vm1, v9  }
0x83: {  	v8 =	vld.idx.msk [tilespmem:v5+s16+$0x0], $0xffff;
	_ =	sdelay $0x4  }
0x84: {  	v63 =	vmax.bf16 v8, v7  }
0x85: {  	vm1 =	vne.s32 v8, v63  }
0x86: {  	v8 =	vmpcnt.ones.xlane vm1;
	_ =	sdelay $0x1  }
0x87: {  	(v2sf) =	vpush v8, $0x0;
	_ =	sdelay $0xe  }
0x88: {  	s31 =	spop (v2sf)  }
0x89: {  	p0 =	sgt.s32 s31, $0x0  }
.Ltmp5:
0x8a: {  	_ = 	snop;
	(pc) =	sbr.rel @p0 .LBB2_8-.Ltmp5, $1  }
0x8b: {  	_ =	sdelay $0x3  }
0x8c: {  	_ =	sdelay $0x3  }
0x8d: {  	v6 =	vld.idx.msk [tilespmem:v6+s12+$0x0], $0xffff  }
.LBB2_10:
0x8e: {  	v7 =	vld.idx.msk [tilespmem:v5+s17+$0x0], $0xffff;
	_ =	sdelay $0x4  }
0x8f: {  	v8 =	vmax.bf16 v7, v6  }
0x90: {  	vm1 =	vne.s32 v7, v8;
	_ =	sdelay $0x5  }
0x91: {  	[tilespmem:v5+s17+$0x0] =	vst.idx.msk vm1, v8  }
0x92: {  	v7 =	vld.idx.msk [tilespmem:v5+s17+$0x0], $0xffff;
	_ =	sdelay $0x4  }
0x93: {  	v8 =	vmax.bf16 v7, v6  }
0x94: {  	vm1 =	vne.s32 v7, v8  }
0x95: {  	v7 =	vmpcnt.ones.xlane vm1;
	_ =	sdelay $0x1  }
0x96: {  	(v2sf) =	vpush v7, $0x0;
	_ =	sdelay $0xe  }
0x97: {  	s31 =	spop (v2sf)  }
0x98: {  	p0 =	sgt.s32 s31, $0x0  }
.Ltmp6:
0x99: {  	_ = 	snop;
	(pc) =	sbr.rel @p0 .LBB2_10-.Ltmp6, $1  }
0x9a: {  	_ =	sdelay $0x3  }
0x9b: {  	v5 =	vand.u32 $0xFFFF, v4  }
0x9c: {  	v4 =	vshrl.u32 v4, $0x10;
	_ =	sdelay $0x3  }
0x9d: {  	v6 =	vld.idx.msk [tilespmem:v5+s1+$0x0], $0xffff  }
.LBB2_12:
0x9e: {  	v7 =	vld.idx.msk [tilespmem:v4+s18+$0x0], $0xffff;
	_ =	sdelay $0x4  }
0x9f: {  	v8 =	vmax.bf16 v7, v6  }
0xa0: {  	vm1 =	vne.s32 v7, v8;
	_ =	sdelay $0x5  }
0xa1: {  	[tilespmem:v4+s18+$0x0] =	vst.idx.msk vm1, v8  }
0xa2: {  	v7 =	vld.idx.msk [tilespmem:v4+s18+$0x0], $0xffff;
	_ =	sdelay $0x4  }
0xa3: {  	v8 =	vmax.bf16 v7, v6  }
0xa4: {  	vm1 =	vne.s32 v7, v8  }
0xa5: {  	v7 =	vmpcnt.ones.xlane vm1;
	_ =	sdelay $0x1  }
0xa6: {  	(v2sf) =	vpush v7, $0x0;
	_ =	sdelay $0xe  }
0xa7: {  	s31 =	spop (v2sf)  }
0xa8: {  	p0 =	sgt.s32 s31, $0x0  }
.Ltmp7:
0xa9: {  	_ = 	snop;
	(pc) =	sbr.rel @p0 .LBB2_12-.Ltmp7, $1  }
0xaa: {  	_ =	sdelay $0x3  }
0xab: {  	_ =	sdelay $0x3  }
0xac: {  	v5 =	vld.idx.msk [tilespmem:v5+s12+$0x0], $0xffff  }
.LBB2_14:
0xad: {  	v6 =	vld.idx.msk [tilespmem:v4+s19+$0x0], $0xffff;
	_ =	sdelay $0x4  }
0xae: {  	v7 =	vmax.bf16 v6, v5  }
0xaf: {  	vm1 =	vne.s32 v6, v7;
	_ =	sdelay $0x5  }
0xb0: {  	[tilespmem:v4+s19+$0x0] =	vst.idx.msk vm1, v7  }
0xb1: {  	v6 =	vld.idx.msk [tilespmem:v4+s19+$0x0], $0xffff;
	_ =	sdelay $0x4  }
0xb2: {  	v7 =	vmax.bf16 v6, v5  }
0xb3: {  	vm1 =	vne.s32 v6, v7  }
0xb4: {  	v6 =	vmpcnt.ones.xlane vm1;
	_ =	sdelay $0x1  }
0xb5: {  	(v2sf) =	vpush v6, $0x0;
	_ =	sdelay $0xe  }
0xb6: {  	s31 =	spop (v2sf)  }
0xb7: {  	p0 =	sgt.s32 s31, $0x0  }
.Ltmp8:
0xb8: {  	_ = 	snop;
	(pc) =	sbr.rel @p0 .LBB2_14-.Ltmp8, $1  }
0xb9: {  	_ =	sdelay $0x3  }
0xba: {  	v4 =	vand.u32 $0xFFFF, v3  }
0xbb: {  	v3 =	vshrl.u32 v3, $0x10;
	_ =	sdelay $0x3  }
0xbc: {  	v5 =	vld.idx.msk [tilespmem:v4+s1+$0x0], $0xffff  }
.LBB2_16:
0xbd: {  	v6 =	vld.idx.msk [tilespmem:v3+s20+$0x0], $0xffff;
	_ =	sdelay $0x4  }
0xbe: {  	v7 =	vmax.bf16 v6, v5  }
0xbf: {  	vm1 =	vne.s32 v6, v7;
	_ =	sdelay $0x5  }
0xc0: {  	[tilespmem:v3+s20+$0x0] =	vst.idx.msk vm1, v7  }
0xc1: {  	v6 =	vld.idx.msk [tilespmem:v3+s20+$0x0], $0xffff;
	_ =	sdelay $0x4  }
0xc2: {  	v7 =	vmax.bf16 v6, v5  }
0xc3: {  	vm1 =	vne.s32 v6, v7  }
0xc4: {  	v6 =	vmpcnt.ones.xlane vm1;
	_ =	sdelay $0x1  }
0xc5: {  	(v2sf) =	vpush v6, $0x0;
	_ =	sdelay $0xe  }
0xc6: {  	s31 =	spop (v2sf)  }
0xc7: {  	p0 =	sgt.s32 s31, $0x0  }
.Ltmp9:
0xc8: {  	_ = 	snop;
	(pc) =	sbr.rel @p0 .LBB2_16-.Ltmp9, $1  }
0xc9: {  	_ =	sdelay $0x3  }
0xca: {  	_ =	sdelay $0x3  }
0xcb: {  	v4 =	vld.idx.msk [tilespmem:v4+s12+$0x0], $0xffff  }
.LBB2_18:
0xcc: {  	v5 =	vld.idx.msk [tilespmem:v3+s21+$0x0], $0xffff;
	_ =	sdelay $0x4  }
0xcd: {  	v6 =	vmax.bf16 v5, v4  }
0xce: {  	vm1 =	vne.s32 v5, v6;
	_ =	sdelay $0x5  }
0xcf: {  	[tilespmem:v3+s21+$0x0] =	vst.idx.msk vm1, v6  }
0xd0: {  	v5 =	vld.idx.msk [tilespmem:v3+s21+$0x0], $0xffff;
	_ =	sdelay $0x4  }
0xd1: {  	v6 =	vmax.bf16 v5, v4  }
0xd2: {  	vm1 =	vne.s32 v5, v6  }
0xd3: {  	v5 =	vmpcnt.ones.xlane vm1;
	_ =	sdelay $0x1  }
0xd4: {  	(v2sf) =	vpush v5, $0x0;
	_ =	sdelay $0xe  }
0xd5: {  	s31 =	spop (v2sf)  }
0xd6: {  	p0 =	sgt.s32 s31, $0x0  }
.Ltmp10:
0xd7: {  	_ = 	snop;
	(pc) =	sbr.rel @p0 .LBB2_18-.Ltmp10, $1  }
0xd8: {  	_ =	sdelay $0x3  }
0xd9: {  	v3 =	vand.u32 $0xFFFF, v2  }
0xda: {  	v2 =	vshrl.u32 v2, $0x10;
	_ =	sdelay $0x3  }
0xdb: {  	v4 =	vld.idx.msk [tilespmem:v3+s1+$0x0], $0xffff  }
.LBB2_20:
0xdc: {  	v5 =	vld.idx.msk [tilespmem:v2+s22+$0x0], $0xffff;
	_ =	sdelay $0x4  }
0xdd: {  	v6 =	vmax.bf16 v5, v4  }
0xde: {  	vm1 =	vne.s32 v5, v6;
	_ =	sdelay $0x5  }
0xdf: {  	[tilespmem:v2+s22+$0x0] =	vst.idx.msk vm1, v6  }
0xe0: {  	v5 =	vld.idx.msk [tilespmem:v2+s22+$0x0], $0xffff;
	_ =	sdelay $0x4  }
0xe1: {  	v6 =	vmax.bf16 v5, v4  }
0xe2: {  	vm1 =	vne.s32 v5, v6  }
0xe3: {  	v5 =	vmpcnt.ones.xlane vm1;
	_ =	sdelay $0x1  }
0xe4: {  	(v2sf) =	vpush v5, $0x0;
	_ =	sdelay $0xe  }
0xe5: {  	s31 =	spop (v2sf)  }
0xe6: {  	p0 =	sgt.s32 s31, $0x0  }
.Ltmp11:
0xe7: {  	_ = 	snop;
	(pc) =	sbr.rel @p0 .LBB2_20-.Ltmp11, $1  }
0xe8: {  	_ =	sdelay $0x3  }
0xe9: {  	_ =	sdelay $0x3  }
0xea: {  	v3 =	vld.idx.msk [tilespmem:v3+s12+$0x0], $0xffff  }
.LBB2_22:
0xeb: {  	v4 =	vld.idx.msk [tilespmem:v2+s23+$0x0], $0xffff;
	_ =	sdelay $0x4  }
0xec: {  	v5 =	vmax.bf16 v4, v3  }
0xed: {  	vm1 =	vne.s32 v4, v5;
	_ =	sdelay $0x5  }
0xee: {  	[tilespmem:v2+s23+$0x0] =	vst.idx.msk vm1, v5  }
0xef: {  	v4 =	vld.idx.msk [tilespmem:v2+s23+$0x0], $0xffff;
	_ =	sdelay $0x4  }
0xf0: {  	v5 =	vmax.bf16 v4, v3  }
0xf1: {  	vm1 =	vne.s32 v4, v5  }
0xf2: {  	v4 =	vmpcnt.ones.xlane vm1;
	_ =	sdelay $0x1  }
0xf3: {  	(v2sf) =	vpush v4, $0x0;
	_ =	sdelay $0xe  }
0xf4: {  	s31 =	spop (v2sf)  }
0xf5: {  	p0 =	sgt.s32 s31, $0x0  }
.Ltmp12:
0xf6: {  	_ = 	snop;
	(pc) =	sbr.rel @p0 .LBB2_22-.Ltmp12, $1  }
0xf7: {  	_ =	sdelay $0x3  }
0xf8: {  	s30 =	sadd.s32 $0x1, s30  }
0xf9: {  	p0 =	sne.s32 s30, $0x64  }
.Ltmp13:
0xfa: {  	_ = 	snop;
	(pc) =	sbr.rel @p0 .LBB2_7-.Ltmp13, $1  }
0xfb: {  	_ =	sdelay $0x3  }
.LBB2_24:
0xfc: {  	p0 =	seq.s32 s28, $0x18  }
0xfd: {  	s29 =	sshrl.u32 @!p0 s29, $0x3  }
0xfe: {  	s29 =	sadd.s32 @!p0 s3, s29  }
0xff: {  	s30 =	simm.s32 @!p0 $0x0;
	s31 =	simm.s32 @!p0 $0x18B00;
	s29 =	sadd.s32 @!p0 $0x640, s29  }
0x100: {  	[tilespmem:s31], [sflag:$0x1] =	stream.linear.gather @!p0 [hbm4b:s29+s30], $0x1900, $0x38;
	[tilespmem:$0x1BD00] =	vst v63  }
0x101: {  	_ =	swait.ge [sflag:s24], $0x1900  }
0x102: {  	[sflag:s24] =	ssyncset.done $0x0  }
0x103: {  	vm1 =	vmmov vm0;
	s29 =	simm.s32 $0x0;
	[sflag:s24] =	ssyncadd.s32 $0xFFFFE700  }
.LBB2_25:
0x104: {  	s30 =	sshra.s32 s29, $0x2  }
0x105: {  	v2 =	vld [tilespmem:s30+$0x1A400];
	_ =	sdelay $0x1  }
0x106: {  	v3 =	vld [tilespmem:s30+$0x1A410];
	_ =	sdelay $0x1  }
0x107: {  	v4 =	vld [tilespmem:s30+$0x1A420]  }
0x108: {  	v5 =	vand.u32 $0xFFFF, v2  }
0x109: {  	v6 =	vld [tilespmem:s30+$0x1A430]  }
0x10a: {  	v7 =	vand.u32 $0xFFFF, v3;
	_ =	sdelay $0x1  }
0x10b: {  	v8 =	vand.u32 $0xFFFF, v4  }
0x10c: {  	v9 =	vld.idx.msk [tilespmem:v5+s1+$0x0], $0xffff  }
0x10d: {  	v10 =	vand.u32 $0xFFFF, v6;
	v5 =	vld.idx.msk [tilespmem:v5+s12+$0x0], $0xffff  }
0x10e: {  	v11 =	vld.idx.msk [tilespmem:v7+s1+$0x0], $0xffff  }
0x10f: {  	v2 =	vshrl.u32 v2, $0x10;
	v7 =	vld.idx.msk [tilespmem:v7+s12+$0x0], $0xffff  }
0x110: {  	v12 =	vld.idx.msk [tilespmem:v8+s1+$0x0], $0xffff  }
0x111: {  	v3 =	vshrl.u32 v3, $0x10;
	v8 =	vld.idx.msk [tilespmem:v8+s12+$0x0], $0xffff  }
0x112: {  	v13 =	vld.idx.msk [tilespmem:v10+s1+$0x0], $0xffff  }
0x113: {  	v4 =	vshrl.u32 v4, $0x10;
	v10 =	vld.idx.msk [tilespmem:v10+s12+$0x0], $0xffff  }
0x114: {  	v14 =	vld.idx.msk [tilespmem:v2+s16+$0x0], $0xffff  }
0x115: {  	v6 =	vshrl.u32 v6, $0x10;
	v15 =	vld.idx.msk [tilespmem:v2+s17+$0x0], $0xffff  }
0x116: {  	v16 =	vld.idx.msk [tilespmem:v3+s18+$0x0], $0xffff  }
0x117: {  	v17 =	vld.idx.msk [tilespmem:v3+s19+$0x0], $0xffff  }
0x118: {  	v18 =	vld.idx.msk [tilespmem:v4+s20+$0x0], $0xffff  }
0x119: {  	v19 =	vld.idx.msk [tilespmem:v4+s21+$0x0], $0xffff;
	v20 =	vmax.bf16 v14, v9  }
0x11a: {  	v21 =	vld.idx.msk [tilespmem:v6+s22+$0x0], $0xffff;
	v53 =	vmax.bf16 v15, v5;
	vm2 =	vne.s32 v14, v20  }
0x11b: {  	v22 =	vld.idx.msk [tilespmem:v6+s23+$0x0], $0xffff;
	v54 =	vmax.bf16 v16, v11;
	vm3 =	vne.s32 v15, v53  }
0x11c: {  	v55 =	vmax.bf16 v17, v7;
	vm4 =	vne.s32 v16, v54  }
0x11d: {  	v56 =	vmax.bf16 v18, v12;
	vm5 =	vne.s32 v17, v55  }
0x11e: {  	v57 =	vmax.bf16 v19, v8;
	vm6 =	vne.s32 v18, v56  }
0x11f: {  	v58 =	vmax.bf16 v21, v13;
	vm7 =	vne.s32 v19, v57  }
0x120: {  	v59 =	vmax.bf16 v22, v10;
	[tilespmem:v2+s16+$0x0] =	vst.idx.msk vm2, v20;
	vm2 =	vne.s32 v21, v58  }
0x121: {  	[tilespmem:v2+s17+$0x0] =	vst.idx.msk vm3, v53;
	vm3 =	vne.s32 v22, v59  }
0x122: {  	[tilespmem:v3+s18+$0x0] =	vst.idx.msk vm4, v54  }
0x123: {  	[tilespmem:v3+s19+$0x0] =	vst.idx.msk vm5, v55  }
0x124: {  	[tilespmem:v4+s20+$0x0] =	vst.idx.msk vm6, v56  }
0x125: {  	[tilespmem:v4+s21+$0x0] =	vst.idx.msk vm7, v57  }
0x126: {  	[tilespmem:v6+s22+$0x0] =	vst.idx.msk vm2, v58  }
0x127: {  	(xrf1) =	vunique.msk.u32 $0xffff, v2;
	[tilespmem:v6+s23+$0x0] =	vst.idx.msk vm3, v59  }
0x128: {  	(xrf1) =	vunique.msk.u32 $0xffff, v3;
	v14 =	vld.idx.msk [tilespmem:v2+s16+$0x0], $0xffff  }
0x129: {  	(xrf1) =	vunique.msk.u32 $0xffff, v4;
	v15 =	vld.idx.msk [tilespmem:v2+s17+$0x0], $0xffff  }
0x12a: {  	(xrf1) =	vunique.msk.u32 $0xffff, v6;
	v16 =	vld.idx.msk [tilespmem:v3+s18+$0x0], $0xffff  }
0x12b: {  	v17 =	vld.idx.msk [tilespmem:v3+s19+$0x0], $0xffff  }
0x12c: {  	v18 =	vld.idx.msk [tilespmem:v4+s20+$0x0], $0xffff  }
0x12d: {  	v19 =	vld.idx.msk [tilespmem:v4+s21+$0x0], $0xffff;
	v9 =	vmax.bf16 v14, v9  }
0x12e: {  	v20 =	vld.idx.msk [tilespmem:v6+s22+$0x0], $0xffff;
	v5 =	vmax.bf16 v15, v5;
	vm2 =	vne.s32 v14, v9  }
0x12f: {  	v60 =	vld.idx.msk [tilespmem:v6+s23+$0x0], $0xffff;
	v11 =	vmax.bf16 v16, v11;
	vm3 =	vne.s32 v15, v5  }
0x130: {  	v7 =	vmax.bf16 v17, v7;
	vm15 =	vne.s32 v16, v11  }
0x131: {  	v12 =	vmax.bf16 v18, v12;
	vm9 =	vne.s32 v17, v7  }
0x132: {  	v8 =	vmax.bf16 v19, v8;
	vm10 =	vne.s32 v18, v12  }
0x133: {  	v13 =	vmax.bf16 v20, v13;
	vm11 =	vne.s32 v19, v8  }
0x134: {  	v61 =	vmax.bf16 v60, v10;
	[tilespmem:v2+s16+$0x0] =	vst.idx.msk vm2, v9;
	vm2 =	vne.s32 v20, v13  }
0x135: {  	_, v62, _ =	vpop (xrf1);
	[tilespmem:v2+s17+$0x0] =	vst.idx.msk vm3, v5;
	vm3 =	vne.s32 v60, v61  }
0x136: {  	p0 =	sne.s32 s29, $0x6300;
	_, v2, _ =	vpop (xrf1);
	[tilespmem:v3+s18+$0x0] =	vst.idx.msk vm15, v11  }
.Ltmp14:
0x137: {  	vm12 =	vgt.s32 v62, v0;
	_, v63, _ =	vpop (xrf1);
	vm13 =	vgt.s32 v2, v0;
	[tilespmem:v3+s19+$0x0] =	vst.idx.msk vm9, v7;
	(pc) =	sbr.rel @p0 .LBB2_25-.Ltmp14, $4  }
0x138: {  	vm4 =	vmor vm12, vm13;
	vm14 =	vgt.s32 v63, v0;
	_, v2, _ =	vpop (xrf1);
	[tilespmem:v4+s20+$0x0] =	vst.idx.msk vm10, v12  }
0x139: {  	vm4 =	vmor vm4, vm14;
	vm15 =	vgt.s32 v2, v0;
	[tilespmem:v4+s21+$0x0] =	vst.idx.msk vm11, v8  }
0x13a: {  	vm4 =	vmor vm4, vm15;
	[tilespmem:v6+s22+$0x0] =	vst.idx.msk vm2, v13  }
0x13b: {  	s29 =	sadd.s32 $0x100, s29;
	vm1 =	vmor vm1, vm4;
	[tilespmem:v6+s23+$0x0] =	vst.idx.msk vm3, v61  }
0x13c: {  	v2 =	vmpcnt.ones.xlane vm1;
	_ =	sdelay $0x1  }
0x13d: {  	(v2sf) =	vpush v2, $0x0;
	_ =	sdelay $0xe  }
0x13e: {  	s29 =	spop (v2sf)  }
0x13f: {  	p0 =	slt.s32 s29, $0x1  }
.Ltmp15:
0x140: {  	_ = 	snop;
	(pc) =	sbr.rel @p0 .LBB2_44-.Ltmp15, $2  }
0x141: {  	_ =	sdelay $0x2  }
0x142: {  	s29 =	simm.s32 $0x0  }
.LBB2_27:
0x143: {  	s30 =	sshll.u32 s29, $0x6  }
0x144: {  	s30 =	sand.u32 $0x3FFFFFC0, s30  }
0x145: {  	v5 =	vld [tilespmem:s30+$0x1A400];
	_ =	sdelay $0x4  }
0x146: {  	v6 =	vand.u32 $0xFFFF, v5  }
0x147: {  	v5 =	vshrl.u32 v5, $0x10  }
0x148: {  	v4 =	vld [tilespmem:s30+$0x1A410]  }
0x149: {  	v3 =	vld [tilespmem:s30+$0x1A420]  }
0x14a: {  	v2 =	vld [tilespmem:s30+$0x1A430]  }
0x14b: {  	v7 =	vld.idx.msk [tilespmem:v6+s1+$0x0], $0xffff  }
.LBB2_28:
0x14c: {  	v8 =	vld.idx.msk [tilespmem:v5+s16+$0x0], $0xffff;
	_ =	sdelay $0x4  }
0x14d: {  	v9 =	vmax.bf16 v8, v7  }
0x14e: {  	vm1 =	vne.s32 v8, v9;
	_ =	sdelay $0x5  }
0x14f: {  	[tilespmem:v5+s16+$0x0] =	vst.idx.msk vm1, v9  }
0x150: {  	v8 =	vld.idx.msk [tilespmem:v5+s16+$0x0], $0xffff;
	_ =	sdelay $0x4  }
0x151: {  	v63 =	vmax.bf16 v8, v7  }
0x152: {  	vm1 =	vne.s32 v8, v63  }
0x153: {  	v8 =	vmpcnt.ones.xlane vm1;
	_ =	sdelay $0x1  }
0x154: {  	(v2sf) =	vpush v8, $0x0;
	_ =	sdelay $0xe  }
0x155: {  	s30 =	spop (v2sf)  }
0x156: {  	p0 =	sgt.s32 s30, $0x0  }
.Ltmp16:
0x157: {  	_ = 	snop;
	(pc) =	sbr.rel @p0 .LBB2_28-.Ltmp16, $1  }
0x158: {  	_ =	sdelay $0x3  }
0x159: {  	_ =	sdelay $0x3  }
0x15a: {  	v6 =	vld.idx.msk [tilespmem:v6+s12+$0x0], $0xffff  }
.LBB2_30:
0x15b: {  	v7 =	vld.idx.msk [tilespmem:v5+s17+$0x0], $0xffff;
	_ =	sdelay $0x4  }
0x15c: {  	v8 =	vmax.bf16 v7, v6  }
0x15d: {  	vm1 =	vne.s32 v7, v8;
	_ =	sdelay $0x5  }
0x15e: {  	[tilespmem:v5+s17+$0x0] =	vst.idx.msk vm1, v8  }
0x15f: {  	v7 =	vld.idx.msk [tilespmem:v5+s17+$0x0], $0xffff;
	_ =	sdelay $0x4  }
0x160: {  	v8 =	vmax.bf16 v7, v6  }
0x161: {  	vm1 =	vne.s32 v7, v8  }
0x162: {  	v7 =	vmpcnt.ones.xlane vm1;
	_ =	sdelay $0x1  }
0x163: {  	(v2sf) =	vpush v7, $0x0;
	_ =	sdelay $0xe  }
0x164: {  	s30 =	spop (v2sf)  }
0x165: {  	p0 =	sgt.s32 s30, $0x0  }
.Ltmp17:
0x166: {  	_ = 	snop;
	(pc) =	sbr.rel @p0 .LBB2_30-.Ltmp17, $1  }
0x167: {  	_ =	sdelay $0x3  }
0x168: {  	v5 =	vand.u32 $0xFFFF, v4  }
0x169: {  	v4 =	vshrl.u32 v4, $0x10;
	_ =	sdelay $0x3  }
0x16a: {  	v6 =	vld.idx.msk [tilespmem:v5+s1+$0x0], $0xffff  }
.LBB2_32:
0x16b: {  	v7 =	vld.idx.msk [tilespmem:v4+s18+$0x0], $0xffff;
	_ =	sdelay $0x4  }
0x16c: {  	v8 =	vmax.bf16 v7, v6  }
0x16d: {  	vm1 =	vne.s32 v7, v8;
	_ =	sdelay $0x5  }
0x16e: {  	[tilespmem:v4+s18+$0x0] =	vst.idx.msk vm1, v8  }
0x16f: {  	v7 =	vld.idx.msk [tilespmem:v4+s18+$0x0], $0xffff;
	_ =	sdelay $0x4  }
0x170: {  	v8 =	vmax.bf16 v7, v6  }
0x171: {  	vm1 =	vne.s32 v7, v8  }
0x172: {  	v7 =	vmpcnt.ones.xlane vm1;
	_ =	sdelay $0x1  }
0x173: {  	(v2sf) =	vpush v7, $0x0;
	_ =	sdelay $0xe  }
0x174: {  	s30 =	spop (v2sf)  }
0x175: {  	p0 =	sgt.s32 s30, $0x0  }
.Ltmp18:
0x176: {  	_ = 	snop;
	(pc) =	sbr.rel @p0 .LBB2_32-.Ltmp18, $1  }
0x177: {  	_ =	sdelay $0x3  }
0x178: {  	_ =	sdelay $0x3  }
0x179: {  	v5 =	vld.idx.msk [tilespmem:v5+s12+$0x0], $0xffff  }
.LBB2_34:
0x17a: {  	v6 =	vld.idx.msk [tilespmem:v4+s19+$0x0], $0xffff;
	_ =	sdelay $0x4  }
0x17b: {  	v7 =	vmax.bf16 v6, v5  }
0x17c: {  	vm1 =	vne.s32 v6, v7;
	_ =	sdelay $0x5  }
0x17d: {  	[tilespmem:v4+s19+$0x0] =	vst.idx.msk vm1, v7  }
0x17e: {  	v6 =	vld.idx.msk [tilespmem:v4+s19+$0x0], $0xffff;
	_ =	sdelay $0x4  }
0x17f: {  	v7 =	vmax.bf16 v6, v5  }
0x180: {  	vm1 =	vne.s32 v6, v7  }
0x181: {  	v6 =	vmpcnt.ones.xlane vm1;
	_ =	sdelay $0x1  }
0x182: {  	(v2sf) =	vpush v6, $0x0;
	_ =	sdelay $0xe  }
0x183: {  	s30 =	spop (v2sf)  }
0x184: {  	p0 =	sgt.s32 s30, $0x0  }
.Ltmp19:
0x185: {  	_ = 	snop;
	(pc) =	sbr.rel @p0 .LBB2_34-.Ltmp19, $1  }
0x186: {  	_ =	sdelay $0x3  }
0x187: {  	v4 =	vand.u32 $0xFFFF, v3  }
0x188: {  	v3 =	vshrl.u32 v3, $0x10;
	_ =	sdelay $0x3  }
0x189: {  	v5 =	vld.idx.msk [tilespmem:v4+s1+$0x0], $0xffff  }
.LBB2_36:
0x18a: {  	v6 =	vld.idx.msk [tilespmem:v3+s20+$0x0], $0xffff;
	_ =	sdelay $0x4  }
0x18b: {  	v7 =	vmax.bf16 v6, v5  }
0x18c: {  	vm1 =	vne.s32 v6, v7;
	_ =	sdelay $0x5  }
0x18d: {  	[tilespmem:v3+s20+$0x0] =	vst.idx.msk vm1, v7  }
0x18e: {  	v6 =	vld.idx.msk [tilespmem:v3+s20+$0x0], $0xffff;
	_ =	sdelay $0x4  }
0x18f: {  	v7 =	vmax.bf16 v6, v5  }
0x190: {  	vm1 =	vne.s32 v6, v7  }
0x191: {  	v6 =	vmpcnt.ones.xlane vm1;
	_ =	sdelay $0x1  }
0x192: {  	(v2sf) =	vpush v6, $0x0;
	_ =	sdelay $0xe  }
0x193: {  	s30 =	spop (v2sf)  }
0x194: {  	p0 =	sgt.s32 s30, $0x0  }
.Ltmp20:
0x195: {  	_ = 	snop;
	(pc) =	sbr.rel @p0 .LBB2_36-.Ltmp20, $1  }
0x196: {  	_ =	sdelay $0x3  }
0x197: {  	_ =	sdelay $0x3  }
0x198: {  	v4 =	vld.idx.msk [tilespmem:v4+s12+$0x0], $0xffff  }
.LBB2_38:
0x199: {  	v5 =	vld.idx.msk [tilespmem:v3+s21+$0x0], $0xffff;
	_ =	sdelay $0x4  }
0x19a: {  	v6 =	vmax.bf16 v5, v4  }
0x19b: {  	vm1 =	vne.s32 v5, v6;
	_ =	sdelay $0x5  }
0x19c: {  	[tilespmem:v3+s21+$0x0] =	vst.idx.msk vm1, v6  }
0x19d: {  	v5 =	vld.idx.msk [tilespmem:v3+s21+$0x0], $0xffff;
	_ =	sdelay $0x4  }
0x19e: {  	v6 =	vmax.bf16 v5, v4  }
0x19f: {  	vm1 =	vne.s32 v5, v6  }
0x1a0: {  	v5 =	vmpcnt.ones.xlane vm1;
	_ =	sdelay $0x1  }
0x1a1: {  	(v2sf) =	vpush v5, $0x0;
	_ =	sdelay $0xe  }
0x1a2: {  	s30 =	spop (v2sf)  }
0x1a3: {  	p0 =	sgt.s32 s30, $0x0  }
.Ltmp21:
0x1a4: {  	_ = 	snop;
	(pc) =	sbr.rel @p0 .LBB2_38-.Ltmp21, $1  }
0x1a5: {  	_ =	sdelay $0x3  }
0x1a6: {  	v3 =	vand.u32 $0xFFFF, v2  }
0x1a7: {  	v2 =	vshrl.u32 v2, $0x10;
	_ =	sdelay $0x3  }
0x1a8: {  	v4 =	vld.idx.msk [tilespmem:v3+s1+$0x0], $0xffff  }
.LBB2_40:
0x1a9: {  	v5 =	vld.idx.msk [tilespmem:v2+s22+$0x0], $0xffff;
	_ =	sdelay $0x4  }
0x1aa: {  	v6 =	vmax.bf16 v5, v4  }
0x1ab: {  	vm1 =	vne.s32 v5, v6;
	_ =	sdelay $0x5  }
0x1ac: {  	[tilespmem:v2+s22+$0x0] =	vst.idx.msk vm1, v6  }
0x1ad: {  	v5 =	vld.idx.msk [tilespmem:v2+s22+$0x0], $0xffff;
	_ =	sdelay $0x4  }
0x1ae: {  	v6 =	vmax.bf16 v5, v4  }
0x1af: {  	vm1 =	vne.s32 v5, v6  }
0x1b0: {  	v5 =	vmpcnt.ones.xlane vm1;
	_ =	sdelay $0x1  }
0x1b1: {  	(v2sf) =	vpush v5, $0x0;
	_ =	sdelay $0xe  }
0x1b2: {  	s30 =	spop (v2sf)  }
0x1b3: {  	p0 =	sgt.s32 s30, $0x0  }
.Ltmp22:
0x1b4: {  	_ = 	snop;
	(pc) =	sbr.rel @p0 .LBB2_40-.Ltmp22, $1  }
0x1b5: {  	_ =	sdelay $0x3  }
0x1b6: {  	_ =	sdelay $0x3  }
0x1b7: {  	v3 =	vld.idx.msk [tilespmem:v3+s12+$0x0], $0xffff  }
.LBB2_42:
0x1b8: {  	v4 =	vld.idx.msk [tilespmem:v2+s23+$0x0], $0xffff;
	_ =	sdelay $0x4  }
0x1b9: {  	v5 =	vmax.bf16 v4, v3  }
0x1ba: {  	vm1 =	vne.s32 v4, v5;
	_ =	sdelay $0x5  }
0x1bb: {  	[tilespmem:v2+s23+$0x0] =	vst.idx.msk vm1, v5  }
0x1bc: {  	v4 =	vld.idx.msk [tilespmem:v2+s23+$0x0], $0xffff;
	_ =	sdelay $0x4  }
0x1bd: {  	v5 =	vmax.bf16 v4, v3  }
0x1be: {  	vm1 =	vne.s32 v4, v5  }
0x1bf: {  	v4 =	vmpcnt.ones.xlane vm1;
	_ =	sdelay $0x1  }
0x1c0: {  	(v2sf) =	vpush v4, $0x0;
	_ =	sdelay $0xe  }
0x1c1: {  	s30 =	spop (v2sf)  }
0x1c2: {  	p0 =	sgt.s32 s30, $0x0  }
.Ltmp23:
0x1c3: {  	_ = 	snop;
	(pc) =	sbr.rel @p0 .LBB2_42-.Ltmp23, $1  }
0x1c4: {  	_ =	sdelay $0x3  }
0x1c5: {  	s29 =	sadd.s32 $0x1, s29  }
0x1c6: {  	p0 =	sne.s32 s29, $0x64  }
.Ltmp24:
0x1c7: {  	_ = 	snop;
	(pc) =	sbr.rel @p0 .LBB2_27-.Ltmp24, $4  }
.Ltmp25:
0x1c8: {  	_ = 	snop;
	(pc) =	sbr.rel @!p0 .LBB2_44-.Ltmp25, $4  }
0x1c9: {  	_ = 	snop  }
0x1ca: {  	_ = 	snop  }
0x1cb: {  	_ = 	snop  }
0x1cc: {  	_ = 	snop  }
.LBB2_45:
0x1cd: {  	s26 =	simm.s32 $0x0  }
0x1ce: {  	v6 =	vld [tilespmem:s26+$0x9E00]  }
0x1cf: {  	v7 =	vld [tilespmem:s26+$0xED00]  }
0x1d0: {  	v5 =	vld [tilespmem:s26+$0x13C00]  }
0x1d1: {  	v4 =	vld [tilespmem:s26+$0xC580]  }
0x1d2: {  	v2 =	vld [tilespmem:s26+$0x11480]  }
0x1d3: {  	v3 =	vld [tilespmem:s26+$0x16380]  }
0x1d4: {  	s28 =	simm.s32 $0x40;
	v8 =	vld [tilespmem:s26+$0x4F00]  }
.LBB2_46:
0x1d5: {  	s29 =	sshra.s32 s28, $0x2;
	p0 =	sne.s32 s28, $0x9C00;
	v9 =	vld [tilespmem:s26+$0x7680];
	v10 =	vmov v5  }
0x1d6: {  	v11 =	vld [tilespmem:s29+$0x9E00];
	v12 =	vmov v4  }
0x1d7: {  	v13 =	vld [tilespmem:s29+$0xED00]  }
.Ltmp26:
0x1d8: {  	v5 =	vld [tilespmem:s29+$0x13C00];
	(pc) =	sbr.rel @p0 .LBB2_46-.Ltmp26, $4  }
0x1d9: {  	v7 =	vmax.bf16 v7, v10;
	v4 =	vld [tilespmem:s29+$0xC580];
	v14 =	vmax.bf16 v8, v6  }
0x1da: {  	v8 =	vmax.bf16 v2, v3;
	v10 =	vmax.bf16 v14, v7;
	v12 =	vmax.bf16 v9, v12;
	v2 =	vld [tilespmem:s29+$0x11480]  }
0x1db: {  	v3 =	vld [tilespmem:s29+$0x16380];
	[tilespmem:s26+$0x4F00] =	vst v10;
	v9 =	vmax.bf16 v12, v8;
	v6 =	vmov v11  }
0x1dc: {  	s28 =	sadd.s32 $0x40, s28;
	v8 =	vld [tilespmem:s29+$0x4F00];
	[tilespmem:s26+$0x7680] =	vst v9;
	v7 =	vmov v13;
	s26 =	smov.u32 s29  }
0x1dd: {  	v9 =	vld [tilespmem:s26+$0x7680];
	_ =	sdelay $0x3  }
0x1de: {  	v5 =	vmax.bf16 v7, v5;
	v6 =	vmax.bf16 v8, v6  }
0x1df: {  	v2 =	vmax.bf16 v2, v3;
	v5 =	vmax.bf16 v6, v5;
	v4 =	vmax.bf16 v9, v4  }
0x1e0: {  	[tilespmem:s26+$0x4F00] =	vst v5;
	v2 =	vmax.bf16 v4, v2  }
0x1e1: {  	[tilespmem:s26+$0x7680] =	vst v2  }
0x1e2: {  	[hbm4b:s6+s9] =	stream.strided.scatter [tilespmem:s16], [sflag:$0x3], $0x2780, s10, s9, $0x38;
	[tilespmem:$0x1BD00] =	vst v63  }
0x1e3: {  	s25 =	sadd.s32 $0x1, s25;
	_ =	swait.ge [sflag:s11], $0x2780  }
0x1e4: {  	p0 =	sne.s32 s25, s8;
	[sflag:s11] =	ssyncset.done $0x0  }
.Ltmp27:
0x1e5: {  	[sflag:s11] =	ssyncadd.s32 $0xFFFFD880;
	(pc) =	sbr.rel @p0 .LBB2_1-.Ltmp27, $4  }
0x1e6: {  	[hbm4b:s7+s9] =	stream.strided.scatter [tilespmem:s17], [sflag:$0x3], $0x2780, s10, s9, $0x38;
	[tilespmem:$0x1BD00] =	vst v63  }
0x1e7: {  	_ =	swait.ge [sflag:s11], $0x2780  }
0x1e8: {  	[sflag:s11] =	ssyncset.done $0x0  }
0x1e9: {  	[sflag:s11] =	ssyncadd.s32 $0xFFFFD880  }
0x1ea: {  	_ =	sfence.sel $0x180000  }
0x1eb: {  	[bflag:$0x0] =	sbarrier.arrive $0xFFFF  }
0x1ec: {  	p0 =	sne.s32 s2, $0x0;
	_ =	strace $0x9000004A  }
0x1ed: {  	s0 =	sadd.s32 @!p0 $0x100000, s0;
	[bflag:$0x2] =	sbarrier.arrive $0xFFFF  }
0x1ee: {  	[sflag:s0] =	ssyncadd.tile.s32 @!p0 $0x1;
	_ =	shalt  }
.Lfunc_end2:
_tile_overlayer_lowered:
.L_overlay_start_2:
0x1ef: {  	(tag) =	ssettag $0x2  }
0x1f0: {  	s0 =	rddreg [dreg:$0x0];
	s2 =	stileid.u32  }
0x1f1: {  	s1 =	rddreg [dreg:$0x1];
	p0 =	sne.s32 s2, $0x0  }
0x1f2: {  	s3 =	rddreg [dreg:$0x2];
	[bflag:$0x3] =	sbarrier.arrive $0xFFFF;
	s2 =	simm.s32 @!p0 $0x1C03  }
0x1f3: {  	[timem:s3], [sflag:s2] =	dma.local @!p0 [hbm:s0], s1  }
0x1f4: {  	s0 =	simm.s32 @!p0 $0x3  }
0x1f5: {  	_ =	swait.ge @!p0 [sflag:s0], s1  }
0x1f6: {  	s1 =	ssub.s32 @!p0 $0x0, s1;
	[sflag:s0] =	ssyncset.done @!p0 $0x0  }
0x1f7: {  	[sflag:s0] =	ssyncadd.s32 @!p0 s1  }
0x1f8: {  	[bflag:$0x3] =	sbarrier.arrive $0xFFFF  }
0x1f9: {  	_ =	shalt  }

// kernel: kernel.7.cloned.1.call-start
scs
__scs_entry_jumppad:
0x0: {  	(pc) =	sbr.rel $0x88, $3  }
0x1: {  	(tag) =	ssettag $0x0;
	lr =	simm.s32 $0x1  }
0x2: {  	[smem:$0x3F97] =	sst lr;
	_ =	strace $0xD0000000  }
0x3: {  	_ = 	snop  }
0x4: {  	_ = 	snop  }
0x5: {  	_ = 	snop  }
0x6: {  	_ = 	snop  }
0x7: {  	_ = 	snop  }
__scs_overlays_trampoline_lowered:
0x8: {  	[smem:$0x3FA6] =	sst s0  }
0x9: {  	[smem:$0x3FA7] =	sst s1  }
0xa: {  	[smem:$0x3FA8] =	sst s2  }
0xb: {  	[smem:$0x3FA9] =	sst s3  }
0xc: {  	[smem:$0x3FAA] =	sst s4  }
0xd: {  	[smem:$0x3FAB] =	sst s5  }
0xe: {  	[smem:$0x3FAC] =	sst s6  }
0xf: {  	[smem:$0x3FAD] =	sst s7  }
0x10: {  	[smem:$0x3FAE] =	sst s8  }
0x11: {  	[smem:$0x3FAF] =	sst s9;
	s0 =	simm.s32 @!p0 $0x0  }
0x12: {  	s1 =	sld [smem:$0x3F95];
	s0 =	simm.s32 @p0 $0x1  }
0x13: {  	[smem:$0x3FB0] =	sst s0;
	s0 =	simm.s32 @!p1 $0x0  }
0x14: {  	s2 =	sld [smem:$0x3F94];
	s0 =	simm.s32 @p1 $0x1  }
0x15: {  	[smem:$0x3FB1] =	sst s0;
	s0 =	simm.s32 @!p2 $0x0  }
0x16: {  	s3 =	sld [smem:$0x3FDB];
	s0 =	simm.s32 @p2 $0x1  }
0x17: {  	s4 =	simm.s32 $0x1BF5;
	[smem:$0x3FB3] =	sst s0  }
0x18: {  	s0 =	sld [smem:$0x3F96];
	_ =	swait.ge [sflag:s4], $0x0  }
0x19: {  	s7 =	sld [smem:$0x3F97]  }
0x1a: {  	s8 =	sadd.s32 $0xFFFFE003, lr  }
0x1b: {  	s9 =	sadd.s32 $0xFFFFFEF7, lr;
	s5 =	simm.s32 $0xFFFFFFFF;
	p2 =	slt.u32 s8, $0xFFFFF086  }
0x1c: {  	p1 =	slt.u32 s9, $0xF7A;
	s5 =	simm.s32 @!p2 $0x0  }
0x1d: {  	s5 =	simm.s32 @p1 $0x1;
	p0 =	seq.s32 s7, s2  }
0x1e: {  	s7 =	smul.u32 @!p0 $0xF7A, s2;
	p2 =	seq.s32 @!p0 s5, $0x0  }
0x1f: {  	s9 =	smul.u32 $0xF7A, s1;
	s8 =	simm.s32 @!p0 $0x1BF5;
	p2 =	por !p2, p0  }
0x20: {  	[sflag:s8] =	ssyncset.s32 @!p0 $0xFFFFF086;
	s6 =	sadd.s32 @!p0 s3, s7;
	s7 =	simm.s32 @!p0 $0x108  }
0x21: {  	s3 =	sadd.s32 s3, s9;
	s6 =	sadd.s32 @!p0 $0x88, s6;
	s7 =	simm.s32 @p2 $0x1082  }
0x22: {  	[simem:s7], [sflag:s8] =	dma.local @!p0 [hbm:s6], $0xF7A  }
0x23: {  	s9 =	sor.u32 $0xD0000000, s2;
	s6 =	simm.s32 $0x108;
	_ =	swait.ge @!p0 [sflag:s8], $0x0  }
0x24: {  	s3 =	sadd.s32 $0x88, s3;
	s6 =	simm.s32 @!p1 $0x1082;
	[sflag:s4] =	ssyncset.s32 $0xFFFFF086  }
0x25: {  	[simem:s6], [sflag:s4] =	dma.local [hbm:s3], $0xF7A  }
0x26: {  	[smem:$0x3F97] =	sst s1;
	(tag) =	ssettag s2;
	_ =	strace s9  }
0x27: {  	s1 =	sld [smem:$0x3FA7]  }
0x28: {  	s2 =	sld [smem:$0x3FA8]  }
0x29: {  	s4 =	sld [smem:$0x3FAA]  }
0x2a: {  	p0 =	seq.s32 s5, $0x0;
	s5 =	sld [smem:$0x3FAB]  }
0x2b: {  	s6 =	sld [smem:$0x3FAC]  }
0x2c: {  	s7 =	sld [smem:$0x3FAD]  }
0x2d: {  	s3 =	simm.s32 $0x108;
	s8 =	sld [smem:$0x3FAE]  }
0x2e: {  	s3 =	simm.s32 @!p0 $0x1082;
	s9 =	sld [smem:$0x3FAF]  }
0x2f: {  	lr =	sadd.s32 s0, s3;
	s0 =	sld [smem:$0x3FA6]  }
0x30: {  	s3 =	sld [smem:$0x3FA9]  }
0x31: {  	[smem:$0x3FB2] =	sst s10  }
0x32: {  	s10 =	sld [smem:$0x3FB0];
	_ =	sdelay $0x3  }
0x33: {  	p0 =	seq.s32 s10, $0x1;
	s10 =	sld [smem:$0x3FB2];
	_ =	sdelay $0x3  }
0x34: {  	[smem:$0x3FB2] =	sst s10  }
0x35: {  	s10 =	sld [smem:$0x3FB1];
	_ =	sdelay $0x3  }
0x36: {  	p1 =	seq.s32 s10, $0x1;
	s10 =	sld [smem:$0x3FB2];
	_ =	sdelay $0x3  }
0x37: {  	[smem:$0x3FB2] =	sst s10  }
0x38: {  	s10 =	sld [smem:$0x3FB3]  }
0x39: {  	_ = 	snop;
	(pc) =	sbr.ind lr, $3  }
0x3a: {  	_ = 	snop  }
0x3b: {  	_ = 	snop  }
0x3c: {  	p2 =	seq.s32 s10, $0x1;
	s10 =	sld [smem:$0x3FB2]  }
0x3d: {  	_ =	shalt  }
0x3e: {  	_ =	shalt  }
0x3f: {  	_ =	shalt  }
0x40: {  	_ =	shalt  }
0x41: {  	_ =	shalt  }
0x42: {  	_ =	shalt  }
0x43: {  	_ =	shalt  }
0x44: {  	_ =	shalt  }
0x45: {  	_ =	shalt  }
0x46: {  	_ =	shalt  }
0x47: {  	_ =	shalt  }
0x48: {  	_ =	shalt  }
0x49: {  	_ =	shalt  }
0x4a: {  	_ =	shalt  }
0x4b: {  	_ =	shalt  }
0x4c: {  	_ =	shalt  }
0x4d: {  	_ =	shalt  }
0x4e: {  	_ =	shalt  }
0x4f: {  	_ =	shalt  }
0x50: {  	_ =	shalt  }
0x51: {  	_ =	shalt  }
0x52: {  	_ =	shalt  }
0x53: {  	_ =	shalt  }
0x54: {  	_ =	shalt  }
0x55: {  	_ =	shalt  }
0x56: {  	_ =	shalt  }
0x57: {  	_ =	shalt  }
0x58: {  	_ =	shalt  }
0x59: {  	_ =	shalt  }
0x5a: {  	_ =	shalt  }
0x5b: {  	_ =	shalt  }
0x5c: {  	_ =	shalt  }
0x5d: {  	_ =	shalt  }
0x5e: {  	_ =	shalt  }
0x5f: {  	_ =	shalt  }
0x60: {  	_ =	shalt  }
0x61: {  	_ =	shalt  }
0x62: {  	_ =	shalt  }
0x63: {  	_ =	shalt  }
0x64: {  	_ =	shalt  }
0x65: {  	_ =	shalt  }
0x66: {  	_ =	shalt  }
0x67: {  	_ =	shalt  }
0x68: {  	_ =	shalt  }
0x69: {  	_ =	shalt  }
0x6a: {  	_ =	shalt  }
0x6b: {  	_ =	shalt  }
0x6c: {  	_ =	shalt  }
0x6d: {  	_ =	shalt  }
0x6e: {  	_ =	shalt  }
0x6f: {  	_ =	shalt  }
0x70: {  	_ =	shalt  }
0x71: {  	_ =	shalt  }
0x72: {  	_ =	shalt  }
0x73: {  	_ =	shalt  }
0x74: {  	_ =	shalt  }
0x75: {  	_ =	shalt  }
0x76: {  	_ =	shalt  }
0x77: {  	_ =	shalt  }
0x78: {  	_ =	shalt  }
0x79: {  	_ =	shalt  }
0x7a: {  	_ =	shalt  }
0x7b: {  	_ =	shalt  }
0x7c: {  	_ =	shalt  }
0x7d: {  	_ =	shalt  }
0x7e: {  	_ =	shalt  }
0x7f: {  	_ =	shalt  }
0x80: {  	_ =	shalt  }
0x81: {  	_ =	shalt  }
0x82: {  	_ =	shalt  }
0x83: {  	_ =	shalt  }
0x84: {  	_ =	shalt  }
0x85: {  	_ =	shalt  }
0x86: {  	_ =	shalt  }
0x87: {  	_ =	shalt  }
.Lfunc_end0:
.L_simem_size_0:
called_computation_lowered:
.L_overlay_start_0:
0x88: {  	s2 =	sld [smem:$0x3FD9]  }
0x89: {  	s3 =	sld [smem:$0x3FFE];
	_ =	sdelay $0x1  }
0x8a: {  	s1 =	srdreg.scid  }
0x8b: {  	s0 =	sand.u32 $0x1, s1  }
0x8c: {  	s17 =	sshll.u32 s0, $0xA;
	s2 =	sadd.s32 s3, s2  }
0x8d: {  	s2 =	sadd.s32 s2, s17  }
0x8e: {  	[smem:$0x3FBE] =	sst s2  }
0x8f: {  	_ = 	snop  }
0x90: {  	s2 =	sld [smem:$0x3FD0];
	(tm) =	ssettm $0x1  }
0x91: {  	s18 =	sld [smem:$0x3FFB];
	_ =	sdelay $0x3  }
0x92: {  	_ =	strace s18  }
0x93: {  	s3 =	sld [smem:$0x3FFC];
	_ =	sdelay $0x3  }
0x94: {  	_ =	strace s3  }
0x95: {  	s3 =	sld [smem:$0x3FFD];
	_ =	sdelay $0x3  }
0x96: {  	_ =	strace s3  }
0x97: {  	_ =	strace $0x8FFFFFFF  }
0x98: {  	s19 =	sld [smem:$0x3FDB];
	_ =	sdelay $0x1  }
0x99: {  	s4 =	simm.s32 $_scs_section_size  }
0x9a: {  	s5 =	simm.s32 $_size__tile_overlayer_lowered;
	s6 =	simm.s32 $_tile_overlayer_lowered  }
0x9b: {  	s22 =	simm.s32 $0x1BFF;
	s21 =	sshll.u32 s6, $0x1;
	s3 =	sadd.s32 s4, s19  }
0x9c: {  	s7 =	simm.s32 $0x0;
	s20 =	sshll.u32 s5, $0x1;
	s5 =	sadd.s32 s21, s3  }
0x9d: {  	[timem:s7], [sflag:s22] =	dma.local [hbm:s5], s20  }
0x9e: {  	_ =	swait.ge [sflag:s22], s20  }
0x9f: {  	s4 =	ssub.s32 $0x0, s20;
	[sflag:s22] =	ssyncset.done $0x0  }
0xa0: {  	[sflag:s22] =	ssyncadd.s32 s4;
	_ =	sdelay $0x1  }
0xa1: {  	s23 =	simm.s32 $0x1B8B  }
0xa2: {  	_ =	swait.ge [sflag:s23], $0x1  }
0xa3: {  	[sflag:s23] =	ssyncset.done $0x0  }
0xa4: {  	s25 =	simm.s32 $0x1B8E;
	s24 =	sld [smem:$0x3FFE];
	[sflag:s23] =	ssyncadd.s32 $0xFFFFFFFF  }
0xa5: {  	s26 =	simm.s32 $execute0_lowered;
	[smem:$0x3FD2] =	sst s25  }
0xa6: {  	s5 =	sshll.u32 s26, $0x1;
	_ =	strace $0x80000046;
	[dreg:$0x1] =	wrdreg $0xFFFFFFFF  }
0xa7: {  	s28 =	simm.s32 $_size_execute0_lowered;
	s3 =	sadd.s32 s3, s5;
	[dreg:$0x0] =	wrdreg $0x0  }
0xa8: {  	s5 =	sshll.u32 s28, $0x1;
	[dreg:$0x2] =	wrdreg s3  }
0xa9: {  	[dreg:$0x3] =	wrdreg s5  }
0xaa: {  	[dreg:$0x4] =	wrdreg $0xC0  }
0xab: {  	_ =	task [dreg:s7], $0x5FFFF  }
0xac: {  	[dreg:$0x1] =	wrdreg $0xFFFFFFFF  }
0xad: {  	[dreg:$0x0] =	wrdreg $0x60  }
0xae: {  	[dreg:$0x2] =	wrdreg s2  }
0xaf: {  	[dreg:$0x3] =	wrdreg s24  }
0xb0: {  	[dreg:$0x4] =	wrdreg $0x9  }
0xb1: {  	_ =	task.clear_ibuf [dreg:s7], $0x5FFFF;
	_ =	strace $0x90000046  }
0xb2: {  	s29 =	simm.s32 $0x9;
	_ =	strace $0x80000048  }
0xb3: {  	_ =	swait.ge [sflag:s29], $0x1  }
0xb4: {  	[sflag:s29] =	ssyncadd.s32 $0xFFFFFFFF  }
0xb5: {  	_ =	strace $0x90000048  }
0xb6: {  	_ =	sfence  }
0xb7: {  	s30 =	sld [smem:$0x0];
	_ =	sdelay $0x2  }
0xb8: {  	s31 =	sshll.u32 s1, $0xD;
	s1 =	sshrl.u32 s1, $0x2  }
0xb9: {  	s3 =	sand.u32 $0x4000, s31;
	s1 =	sadd.s32 s1, s30  }
0xba: {  	s0 =	sor.u32 s3, s0;
	s1 =	sshll.u32 s1, $0x11  }
0xbb: {  	s0 =	sor.u32 s1, s0  }
0xbc: {  	s0 =	sadd.s32 $0x8F2B, s0  }
0xbd: {  	[sflag:s0] =	ssyncadd.remote.s32 $0x1  }
0xbe: {  	_ =	sfence.sel $0xFFFF  }
0xbf: {  	[dreg:$0x0] =	wrdreg $0xFFFFFFFF;
	(pc) =	sbr.abs _section_cstart, $3  }
0xc0: {  	[dreg:$0x1] =	wrdreg $0xFFFFFFFF  }
0xc1: {  	_ =	task.clear_ibuf [dreg:s7], $0x2FFFF;
	_ =	strace $0x9FFFFFFF  }
0xc2: {  	(tm) =	ssettm $0x7FFFFFFF  }
0xc3: {  	_ =	shalt  }
tec
execute0_lowered:
.L_overlay_start_1:
0x0: {  	(tag) =	ssettag $0x1  }
0x1: {  	s5 =	rddreg [dreg:$0x0]  }
0x2: {  	s4 =	rddreg [dreg:$0x1];
	s1 =	simm.s32 $0x0  }
0x3: {  	[smem:$0x7FF] =	sst s1  }
0x4: {  	s0 =	rddreg [dreg:$0x2];
	v0 =	vlaneseq.u32;
	_ =	strace $0x80000047  }
0x5: {  	(xrf1) =	vunique.msk.u32 $0xffff, v0;
	_ =	sdelay $0x3  }
0x6: {  	s3 =	srdreg.scid  }
0x7: {  	s2 =	stileid.u32;
	s10 =	simm.s32 $0x100;
	s11 =	simm.s32 $0x3  }
0x8: {  	s12 =	simm.s32 $0x2780;
	s13 =	simm.s32 $0x18B00;
	s14 =	simm.s32 $0x1A400  }
0x9: {  	s15 =	simm.s32 $0x1;
	s16 =	simm.s32 $0x4F00;
	s17 =	simm.s32 $0x7680  }
0xa: {  	s18 =	simm.s32 $0x9E00;
	s19 =	simm.s32 $0xC580;
	s20 =	simm.s32 $0xED00  }
0xb: {  	s21 =	simm.s32 $0x11480;
	s3 =	sand.u32 $0x1, s3;
	s6 =	sshll.u32 s2, $0x1  }
0xc: {  	s22 =	simm.s32 $0x13C00;
	s23 =	simm.s32 $0x16380;
	s6 =	sor.u32 s3, s6  }
0xd: {  	s24 =	simm.s32 $0x2;
	s7 =	ssub.s32 $0x2, s3;
	s6 =	smul.u32 $0x9E0, s6  }
0xe: {  	s25 =	simm.s32 $0x0;
	s8 =	sadd.s32 $0xB400, s4;
	s30 =	sshrl.u32 s7, $0x1  }
0xf: {  	s3 =	sadd.s32 $0x1600, s4;
	s9 =	ssub.s32 s7, s30;
	s31 =	sor.u32 $0x10, s6  }
0x10: {  	s4 =	sadd.s32 s5, s6;
	s6 =	sadd.s32 s8, s6;
	s5 =	sadd.s32 s5, s31;
	_, v0, _ =	vpop (xrf1)  }
0x11: {  	v1 =	vimm.s32 $0x0;
	vm0 =	vmxor vm0, vm0;
	s7 =	sadd.s32 s8, s31;
	s8 =	smax.u32 s9, $0x1;
	s9 =	simm.s32 $0x80;
	v0 =	vadd.s32 $0x1, v0  }
.LBB2_1:
0x12: {  	[tilespmem:s1], [sflag:$0x3] =	stream.strided.gather [hbm4b:s4+s9], $0x2780, s10, s9, $0x38;
	[tilespmem:$0x1BD00] =	vst v63  }
0x13: {  	_ =	swait.ge [sflag:s11], $0x2780  }
0x14: {  	[sflag:s11] =	ssyncset.done $0x0  }
0x15: {  	[sflag:s11] =	ssyncadd.s32 $0xFFFFD880  }
0x16: {  	[tilespmem:s12], [sflag:$0x3] =	stream.strided.gather [hbm4b:s5+s9], $0x2780, s10, s9, $0x38;
	[tilespmem:$0x1BD00] =	vst v63  }
0x17: {  	_ =	swait.ge [sflag:s11], $0x2780  }
0x18: {  	[sflag:s11] =	ssyncset.done $0x0  }
0x19: {  	s26 =	simm.s32 $0x0;
	s28 =	simm.s32 $0x40;
	[sflag:s11] =	ssyncadd.s32 $0xFFFFD880  }
.LBB2_2:
0x1a: {  	p0 =	sne.s32 s28, $0x9C00;
	[tilespmem:s26+$0x16380] =	vst v1  }
0x1b: {  	[tilespmem:s26+$0x4F00] =	vst v1  }
0x1c: {  	[tilespmem:s26+$0x7680] =	vst v1  }
.Ltmp0:
0x1d: {  	[tilespmem:s26+$0x9E00] =	vst v1;
	(pc) =	sbr.rel @p0 .LBB2_2-.Ltmp0, $4  }
0x1e: {  	[tilespmem:s26+$0xC580] =	vst v1  }
0x1f: {  	[tilespmem:s26+$0xED00] =	vst v1  }
0x20: {  	[tilespmem:s26+$0x11480] =	vst v1  }
0x21: {  	[tilespmem:s26+$0x13C00] =	vst v1;
	s26 =	sshra.s32 s28, $0x2;
	s28 =	sadd.s32 $0x40, s28  }
0x22: {  	[tilespmem:s26+$0x16380] =	vst v1  }
0x23: {  	[tilespmem:s26+$0x4F00] =	vst v1  }
0x24: {  	[tilespmem:s26+$0x7680] =	vst v1  }
0x25: {  	[tilespmem:s26+$0x9E00] =	vst v1  }
.Ltmp1:
0x26: {  	[tilespmem:s26+$0xC580] =	vst v1;
	(pc) =	sbr.rel .LBB2_4-.Ltmp1, $4  }
0x27: {  	[tilespmem:s26+$0xED00] =	vst v1  }
0x28: {  	[tilespmem:s26+$0x11480] =	vst v1  }
0x29: {  	[tilespmem:s26+$0x13C00] =	vst v1;
	s26 =	simm.s32 $0x0;
	s28 =	simm.s32 $0x0  }
0x2a: {  	[tilespmem:s13], [sflag:$0x1] =	stream.linear.gather [hbm4b:s3+s26], $0x1900, $0x38;
	[tilespmem:$0x1BD00] =	vst v63  }
.LBB2_44:
0x2b: {  	s28 =	sadd.s32 $0x1, s28  }
0x2c: {  	p0 =	sne.s32 s28, $0x19  }
.Ltmp2:
0x2d: {  	_ = 	snop;
	(pc) =	sbr.rel @!p0 .LBB2_45-.Ltmp2, $1  }
0x2e: {  	_ =	sdelay $0x3  }
.LBB2_4:
0x2f: {  	s29 =	smul.u32 $0x3200, s28;
	_ =	sdelay $0x1  }
0x30: {  	s30 =	sshrl.u32 s29, $0x3  }
0x31: {  	s30 =	sadd.s32 s3, s30  }
0x32: {  	s30 =	sadd.s32 $0x320, s30  }
0x33: {  	[tilespmem:s14], [sflag:$0x2] =	stream.linear.gather [hbm4b:s30+s26], $0x1900, $0x38;
	[tilespmem:$0x1BD00] =	vst v63  }
0x34: {  	_ =	swait.ge [sflag:s15], $0x1900  }
0x35: {  	[sflag:s15] =	ssyncset.done $0x0  }
0x36: {  	vm1 =	vmmov vm0;
	s30 =	simm.s32 $0x0;
	[sflag:s15] =	ssyncadd.s32 $0xFFFFE700  }
.LBB2_5:
0x37: {  	s31 =	sshra.s32 s30, $0x2  }
0x38: {  	v2 =	vld [tilespmem:s31+$0x18B00];
	_ =	sdelay $0x1  }
0x39: {  	v3 =	vld [tilespmem:s31+$0x18B10];
	_ =	sdelay $0x1  }
0x3a: {  	v4 =	vld [tilespmem:s31+$0x18B20]  }
0x3b: {  	v5 =	vand.u32 $0xFFFF, v2  }
0x3c: {  	v6 =	vld [tilespmem:s31+$0x18B30]  }
0x3d: {  	v7 =	vand.u32 $0xFFFF, v3;
	_ =	sdelay $0x1  }
0x3e: {  	v8 =	vand.u32 $0xFFFF, v4  }
0x3f: {  	v9 =	vld.idx.msk [tilespmem:v5+s1+$0x0], $0xffff  }
0x40: {  	v10 =	vand.u32 $0xFFFF, v6;
	v5 =	vld.idx.msk [tilespmem:v5+s12+$0x0], $0xffff  }
0x41: {  	v11 =	vld.idx.msk [tilespmem:v7+s1+$0x0], $0xffff  }
0x42: {  	v2 =	vshrl.u32 v2, $0x10;
	v7 =	vld.idx.msk [tilespmem:v7+s12+$0x0], $0xffff  }
0x43: {  	v12 =	vld.idx.msk [tilespmem:v8+s1+$0x0], $0xffff  }
0x44: {  	v3 =	vshrl.u32 v3, $0x10;
	v8 =	vld.idx.msk [tilespmem:v8+s12+$0x0], $0xffff  }
0x45: {  	v13 =	vld.idx.msk [tilespmem:v10+s1+$0x0], $0xffff  }
0x46: {  	v4 =	vshrl.u32 v4, $0x10;
	v10 =	vld.idx.msk [tilespmem:v10+s12+$0x0], $0xffff  }
0x47: {  	v14 =	vld.idx.msk [tilespmem:v2+s16+$0x0], $0xffff  }
0x48: {  	v6 =	vshrl.u32 v6, $0x10;
	v15 =	vld.idx.msk [tilespmem:v2+s17+$0x0], $0xffff  }
0x49: {  	v16 =	vld.idx.msk [tilespmem:v3+s18+$0x0], $0xffff  }
0x4a: {  	v17 =	vld.idx.msk [tilespmem:v3+s19+$0x0], $0xffff  }
0x4b: {  	v18 =	vld.idx.msk [tilespmem:v4+s20+$0x0], $0xffff  }
0x4c: {  	v19 =	vld.idx.msk [tilespmem:v4+s21+$0x0], $0xffff;
	v20 =	vmax.bf16 v14, v9  }
0x4d: {  	v21 =	vld.idx.msk [tilespmem:v6+s22+$0x0], $0xffff;
	v53 =	vmax.bf16 v15, v5;
	vm2 =	vne.s32 v14, v20  }
0x4e: {  	v22 =	vld.idx.msk [tilespmem:v6+s23+$0x0], $0xffff;
	v54 =	vmax.bf16 v16, v11;
	vm3 =	vne.s32 v15, v53  }
0x4f: {  	v55 =	vmax.bf16 v17, v7;
	vm4 =	vne.s32 v16, v54  }
0x50: {  	v56 =	vmax.bf16 v18, v12;
	vm5 =	vne.s32 v17, v55  }
0x51: {  	v57 =	vmax.bf16 v19, v8;
	vm6 =	vne.s32 v18, v56  }
0x52: {  	v58 =	vmax.bf16 v21, v13;
	vm7 =	vne.s32 v19, v57  }
0x53: {  	v59 =	vmax.bf16 v22, v10;
	[tilespmem:v2+s16+$0x0] =	vst.idx.msk vm2, v20;
	vm2 =	vne.s32 v21, v58  }
0x54: {  	[tilespmem:v2+s17+$0x0] =	vst.idx.msk vm3, v53;
	vm3 =	vne.s32 v22, v59  }
0x55: {  	[tilespmem:v3+s18+$0x0] =	vst.idx.msk vm4, v54  }
0x56: {  	[tilespmem:v3+s19+$0x0] =	vst.idx.msk vm5, v55  }
0x57: {  	[tilespmem:v4+s20+$0x0] =	vst.idx.msk vm6, v56  }
0x58: {  	[tilespmem:v4+s21+$0x0] =	vst.idx.msk vm7, v57  }
0x59: {  	[tilespmem:v6+s22+$0x0] =	vst.idx.msk vm2, v58  }
0x5a: {  	(xrf1) =	vunique.msk.u32 $0xffff, v2;
	[tilespmem:v6+s23+$0x0] =	vst.idx.msk vm3, v59  }
0x5b: {  	(xrf1) =	vunique.msk.u32 $0xffff, v3;
	v14 =	vld.idx.msk [tilespmem:v2+s16+$0x0], $0xffff  }
0x5c: {  	(xrf1) =	vunique.msk.u32 $0xffff, v4;
	v15 =	vld.idx.msk [tilespmem:v2+s17+$0x0], $0xffff  }
0x5d: {  	(xrf1) =	vunique.msk.u32 $0xffff, v6;
	v16 =	vld.idx.msk [tilespmem:v3+s18+$0x0], $0xffff  }
0x5e: {  	v17 =	vld.idx.msk [tilespmem:v3+s19+$0x0], $0xffff  }
0x5f: {  	v18 =	vld.idx.msk [tilespmem:v4+s20+$0x0], $0xffff  }
0x60: {  	v19 =	vld.idx.msk [tilespmem:v4+s21+$0x0], $0xffff;
	v9 =	vmax.bf16 v14, v9  }
0x61: {  	v20 =	vld.idx.msk [tilespmem:v6+s22+$0x0], $0xffff;
	v5 =	vmax.bf16 v15, v5;
	vm2 =	vne.s32 v14, v9  }
0x62: {  	v60 =	vld.idx.msk [tilespmem:v6+s23+$0x0], $0xffff;
	v11 =	vmax.bf16 v16, v11;
	vm3 =	vne.s32 v15, v5  }
0x63: {  	v7 =	vmax.bf16 v17, v7;
	vm15 =	vne.s32 v16, v11  }
0x64: {  	v12 =	vmax.bf16 v18, v12;
	vm9 =	vne.s32 v17, v7  }
0x65: {  	v8 =	vmax.bf16 v19, v8;
	vm10 =	vne.s32 v18, v12  }
0x66: {  	v13 =	vmax.bf16 v20, v13;
	vm11 =	vne.s32 v19, v8  }
0x67: {  	v61 =	vmax.bf16 v60, v10;
	[tilespmem:v2+s16+$0x0] =	vst.idx.msk vm2, v9;
	vm2 =	vne.s32 v20, v13  }
0x68: {  	_, v62, _ =	vpop (xrf1);
	[tilespmem:v2+s17+$0x0] =	vst.idx.msk vm3, v5;
	vm3 =	vne.s32 v60, v61  }
0x69: {  	p0 =	sne.s32 s30, $0x6300;
	_, v2, _ =	vpop (xrf1);
	[tilespmem:v3+s18+$0x0] =	vst.idx.msk vm15, v11  }
.Ltmp3:
0x6a: {  	vm12 =	vgt.s32 v62, v0;
	_, v63, _ =	vpop (xrf1);
	vm13 =	vgt.s32 v2, v0;
	[tilespmem:v3+s19+$0x0] =	vst.idx.msk vm9, v7;
	(pc) =	sbr.rel @p0 .LBB2_5-.Ltmp3, $4  }
0x6b: {  	vm4 =	vmor vm12, vm13;
	vm14 =	vgt.s32 v63, v0;
	_, v2, _ =	vpop (xrf1);
	[tilespmem:v4+s20+$0x0] =	vst.idx.msk vm10, v12  }
0x6c: {  	vm4 =	vmor vm4, vm14;
	vm15 =	vgt.s32 v2, v0;
	[tilespmem:v4+s21+$0x0] =	vst.idx.msk vm11, v8  }
0x6d: {  	vm4 =	vmor vm4, vm15;
	[tilespmem:v6+s22+$0x0] =	vst.idx.msk vm2, v13  }
0x6e: {  	s30 =	sadd.s32 $0x100, s30;
	vm1 =	vmor vm1, vm4;
	[tilespmem:v6+s23+$0x0] =	vst.idx.msk vm3, v61  }
0x6f: {  	v2 =	vmpcnt.ones.xlane vm1;
	_ =	sdelay $0x1  }
0x70: {  	(v2sf) =	vpush v2, $0x0;
	_ =	sdelay $0xe  }
0x71: {  	s30 =	spop (v2sf)  }
0x72: {  	p0 =	slt.s32 s30, $0x1  }
.Ltmp4:
0x73: {  	_ = 	snop;
	(pc) =	sbr.rel @p0 .LBB2_24-.Ltmp4, $2  }
0x74: {  	_ =	sdelay $0x2  }
0x75: {  	s30 =	simm.s32 $0x0  }
.LBB2_7:
0x76: {  	s31 =	sshll.u32 s30, $0x6  }
0x77: {  	s31 =	sand.u32 $0x3FFFFFC0, s31  }
0x78: {  	v5 =	vld [tilespmem:s31+$0x18B00];
	_ =	sdelay $0x4  }
0x79: {  	v6 =	vand.u32 $0xFFFF, v5  }
0x7a: {  	v5 =	vshrl.u32 v5, $0x10  }
0x7b: {  	v4 =	vld [tilespmem:s31+$0x18B10]  }
0x7c: {  	v3 =	vld [tilespmem:s31+$0x18B20]  }
0x7d: {  	v2 =	vld [tilespmem:s31+$0x18B30]  }
0x7e: {  	v7 =	vld.idx.msk [tilespmem:v6+s1+$0x0], $0xffff  }
.LBB2_8:
0x7f: {  	v8 =	vld.idx.msk [tilespmem:v5+s16+$0x0], $0xffff;
	_ =	sdelay $0x4  }
0x80: {  	v9 =	vmax.bf16 v8, v7  }
0x81: {  	vm1 =	vne.s32 v8, v9;
	_ =	sdelay $0x5  }
0x82: {  	[tilespmem:v5+s16+$0x0] =	vst.idx.msk vm1, v9  }
0x83: {  	v8 =	vld.idx.msk [tilespmem:v5+s16+$0x0], $0xffff;
	_ =	sdelay $0x4  }
0x84: {  	v63 =	vmax.bf16 v8, v7  }
0x85: {  	vm1 =	vne.s32 v8, v63  }
0x86: {  	v8 =	vmpcnt.ones.xlane vm1;
	_ =	sdelay $0x1  }
0x87: {  	(v2sf) =	vpush v8, $0x0;
	_ =	sdelay $0xe  }
0x88: {  	s31 =	spop (v2sf)  }
0x89: {  	p0 =	sgt.s32 s31, $0x0  }
.Ltmp5:
0x8a: {  	_ = 	snop;
	(pc) =	sbr.rel @p0 .LBB2_8-.Ltmp5, $1  }
0x8b: {  	_ =	sdelay $0x3  }
0x8c: {  	_ =	sdelay $0x3  }
0x8d: {  	v6 =	vld.idx.msk [tilespmem:v6+s12+$0x0], $0xffff  }
.LBB2_10:
0x8e: {  	v7 =	vld.idx.msk [tilespmem:v5+s17+$0x0], $0xffff;
	_ =	sdelay $0x4  }
0x8f: {  	v8 =	vmax.bf16 v7, v6  }
0x90: {  	vm1 =	vne.s32 v7, v8;
	_ =	sdelay $0x5  }
0x91: {  	[tilespmem:v5+s17+$0x0] =	vst.idx.msk vm1, v8  }
0x92: {  	v7 =	vld.idx.msk [tilespmem:v5+s17+$0x0], $0xffff;
	_ =	sdelay $0x4  }
0x93: {  	v8 =	vmax.bf16 v7, v6  }
0x94: {  	vm1 =	vne.s32 v7, v8  }
0x95: {  	v7 =	vmpcnt.ones.xlane vm1;
	_ =	sdelay $0x1  }
0x96: {  	(v2sf) =	vpush v7, $0x0;
	_ =	sdelay $0xe  }
0x97: {  	s31 =	spop (v2sf)  }
0x98: {  	p0 =	sgt.s32 s31, $0x0  }
.Ltmp6:
0x99: {  	_ = 	snop;
	(pc) =	sbr.rel @p0 .LBB2_10-.Ltmp6, $1  }
0x9a: {  	_ =	sdelay $0x3  }
0x9b: {  	v5 =	vand.u32 $0xFFFF, v4  }
0x9c: {  	v4 =	vshrl.u32 v4, $0x10;
	_ =	sdelay $0x3  }
0x9d: {  	v6 =	vld.idx.msk [tilespmem:v5+s1+$0x0], $0xffff  }
.LBB2_12:
0x9e: {  	v7 =	vld.idx.msk [tilespmem:v4+s18+$0x0], $0xffff;
	_ =	sdelay $0x4  }
0x9f: {  	v8 =	vmax.bf16 v7, v6  }
0xa0: {  	vm1 =	vne.s32 v7, v8;
	_ =	sdelay $0x5  }
0xa1: {  	[tilespmem:v4+s18+$0x0] =	vst.idx.msk vm1, v8  }
0xa2: {  	v7 =	vld.idx.msk [tilespmem:v4+s18+$0x0], $0xffff;
	_ =	sdelay $0x4  }
0xa3: {  	v8 =	vmax.bf16 v7, v6  }
0xa4: {  	vm1 =	vne.s32 v7, v8  }
0xa5: {  	v7 =	vmpcnt.ones.xlane vm1;
	_ =	sdelay $0x1  }
0xa6: {  	(v2sf) =	vpush v7, $0x0;
	_ =	sdelay $0xe  }
0xa7: {  	s31 =	spop (v2sf)  }
0xa8: {  	p0 =	sgt.s32 s31, $0x0  }
.Ltmp7:
0xa9: {  	_ = 	snop;
	(pc) =	sbr.rel @p0 .LBB2_12-.Ltmp7, $1  }
0xaa: {  	_ =	sdelay $0x3  }
0xab: {  	_ =	sdelay $0x3  }
0xac: {  	v5 =	vld.idx.msk [tilespmem:v5+s12+$0x0], $0xffff  }
.LBB2_14:
0xad: {  	v6 =	vld.idx.msk [tilespmem:v4+s19+$0x0], $0xffff;
	_ =	sdelay $0x4  }
0xae: {  	v7 =	vmax.bf16 v6, v5  }
0xaf: {  	vm1 =	vne.s32 v6, v7;
	_ =	sdelay $0x5  }
0xb0: {  	[tilespmem:v4+s19+$0x0] =	vst.idx.msk vm1, v7  }
0xb1: {  	v6 =	vld.idx.msk [tilespmem:v4+s19+$0x0], $0xffff;
	_ =	sdelay $0x4  }
0xb2: {  	v7 =	vmax.bf16 v6, v5  }
0xb3: {  	vm1 =	vne.s32 v6, v7  }
0xb4: {  	v6 =	vmpcnt.ones.xlane vm1;
	_ =	sdelay $0x1  }
0xb5: {  	(v2sf) =	vpush v6, $0x0;
	_ =	sdelay $0xe  }
0xb6: {  	s31 =	spop (v2sf)  }
0xb7: {  	p0 =	sgt.s32 s31, $0x0  }
.Ltmp8:
0xb8: {  	_ = 	snop;
	(pc) =	sbr.rel @p0 .LBB2_14-.Ltmp8, $1  }
0xb9: {  	_ =	sdelay $0x3  }
0xba: {  	v4 =	vand.u32 $0xFFFF, v3  }
0xbb: {  	v3 =	vshrl.u32 v3, $0x10;
	_ =	sdelay $0x3  }
0xbc: {  	v5 =	vld.idx.msk [tilespmem:v4+s1+$0x0], $0xffff  }
.LBB2_16:
0xbd: {  	v6 =	vld.idx.msk [tilespmem:v3+s20+$0x0], $0xffff;
	_ =	sdelay $0x4  }
0xbe: {  	v7 =	vmax.bf16 v6, v5  }
0xbf: {  	vm1 =	vne.s32 v6, v7;
	_ =	sdelay $0x5  }
0xc0: {  	[tilespmem:v3+s20+$0x0] =	vst.idx.msk vm1, v7  }
0xc1: {  	v6 =	vld.idx.msk [tilespmem:v3+s20+$0x0], $0xffff;
	_ =	sdelay $0x4  }
0xc2: {  	v7 =	vmax.bf16 v6, v5  }
0xc3: {  	vm1 =	vne.s32 v6, v7  }
0xc4: {  	v6 =	vmpcnt.ones.xlane vm1;
	_ =	sdelay $0x1  }
0xc5: {  	(v2sf) =	vpush v6, $0x0;
	_ =	sdelay $0xe  }
0xc6: {  	s31 =	spop (v2sf)  }
0xc7: {  	p0 =	sgt.s32 s31, $0x0  }
.Ltmp9:
0xc8: {  	_ = 	snop;
	(pc) =	sbr.rel @p0 .LBB2_16-.Ltmp9, $1  }
0xc9: {  	_ =	sdelay $0x3  }
0xca: {  	_ =	sdelay $0x3  }
0xcb: {  	v4 =	vld.idx.msk [tilespmem:v4+s12+$0x0], $0xffff  }
.LBB2_18:
0xcc: {  	v5 =	vld.idx.msk [tilespmem:v3+s21+$0x0], $0xffff;
	_ =	sdelay $0x4  }
0xcd: {  	v6 =	vmax.bf16 v5, v4  }
0xce: {  	vm1 =	vne.s32 v5, v6;
	_ =	sdelay $0x5  }
0xcf: {  	[tilespmem:v3+s21+$0x0] =	vst.idx.msk vm1, v6  }
0xd0: {  	v5 =	vld.idx.msk [tilespmem:v3+s21+$0x0], $0xffff;
	_ =	sdelay $0x4  }
0xd1: {  	v6 =	vmax.bf16 v5, v4  }
0xd2: {  	vm1 =	vne.s32 v5, v6  }
0xd3: {  	v5 =	vmpcnt.ones.xlane vm1;
	_ =	sdelay $0x1  }
0xd4: {  	(v2sf) =	vpush v5, $0x0;
	_ =	sdelay $0xe  }
0xd5: {  	s31 =	spop (v2sf)  }
0xd6: {  	p0 =	sgt.s32 s31, $0x0  }
.Ltmp10:
0xd7: {  	_ = 	snop;
	(pc) =	sbr.rel @p0 .LBB2_18-.Ltmp10, $1  }
0xd8: {  	_ =	sdelay $0x3  }
0xd9: {  	v3 =	vand.u32 $0xFFFF, v2  }
0xda: {  	v2 =	vshrl.u32 v2, $0x10;
	_ =	sdelay $0x3  }
0xdb: {  	v4 =	vld.idx.msk [tilespmem:v3+s1+$0x0], $0xffff  }
.LBB2_20:
0xdc: {  	v5 =	vld.idx.msk [tilespmem:v2+s22+$0x0], $0xffff;
	_ =	sdelay $0x4  }
0xdd: {  	v6 =	vmax.bf16 v5, v4  }
0xde: {  	vm1 =	vne.s32 v5, v6;
	_ =	sdelay $0x5  }
0xdf: {  	[tilespmem:v2+s22+$0x0] =	vst.idx.msk vm1, v6  }
0xe0: {  	v5 =	vld.idx.msk [tilespmem:v2+s22+$0x0], $0xffff;
	_ =	sdelay $0x4  }
0xe1: {  	v6 =	vmax.bf16 v5, v4  }
0xe2: {  	vm1 =	vne.s32 v5, v6  }
0xe3: {  	v5 =	vmpcnt.ones.xlane vm1;
	_ =	sdelay $0x1  }
0xe4: {  	(v2sf) =	vpush v5, $0x0;
	_ =	sdelay $0xe  }
0xe5: {  	s31 =	spop (v2sf)  }
0xe6: {  	p0 =	sgt.s32 s31, $0x0  }
.Ltmp11:
0xe7: {  	_ = 	snop;
	(pc) =	sbr.rel @p0 .LBB2_20-.Ltmp11, $1  }
0xe8: {  	_ =	sdelay $0x3  }
0xe9: {  	_ =	sdelay $0x3  }
0xea: {  	v3 =	vld.idx.msk [tilespmem:v3+s12+$0x0], $0xffff  }
.LBB2_22:
0xeb: {  	v4 =	vld.idx.msk [tilespmem:v2+s23+$0x0], $0xffff;
	_ =	sdelay $0x4  }
0xec: {  	v5 =	vmax.bf16 v4, v3  }
0xed: {  	vm1 =	vne.s32 v4, v5;
	_ =	sdelay $0x5  }
0xee: {  	[tilespmem:v2+s23+$0x0] =	vst.idx.msk vm1, v5  }
0xef: {  	v4 =	vld.idx.msk [tilespmem:v2+s23+$0x0], $0xffff;
	_ =	sdelay $0x4  }
0xf0: {  	v5 =	vmax.bf16 v4, v3  }
0xf1: {  	vm1 =	vne.s32 v4, v5  }
0xf2: {  	v4 =	vmpcnt.ones.xlane vm1;
	_ =	sdelay $0x1  }
0xf3: {  	(v2sf) =	vpush v4, $0x0;
	_ =	sdelay $0xe  }
0xf4: {  	s31 =	spop (v2sf)  }
0xf5: {  	p0 =	sgt.s32 s31, $0x0  }
.Ltmp12:
0xf6: {  	_ = 	snop;
	(pc) =	sbr.rel @p0 .LBB2_22-.Ltmp12, $1  }
0xf7: {  	_ =	sdelay $0x3  }
0xf8: {  	s30 =	sadd.s32 $0x1, s30  }
0xf9: {  	p0 =	sne.s32 s30, $0x64  }
.Ltmp13:
0xfa: {  	_ = 	snop;
	(pc) =	sbr.rel @p0 .LBB2_7-.Ltmp13, $1  }
0xfb: {  	_ =	sdelay $0x3  }
.LBB2_24:
0xfc: {  	p0 =	seq.s32 s28, $0x18  }
0xfd: {  	s29 =	sshrl.u32 @!p0 s29, $0x3  }
0xfe: {  	s29 =	sadd.s32 @!p0 s3, s29  }
0xff: {  	s30 =	simm.s32 @!p0 $0x0;
	s31 =	simm.s32 @!p0 $0x18B00;
	s29 =	sadd.s32 @!p0 $0x640, s29  }
0x100: {  	[tilespmem:s31], [sflag:$0x1] =	stream.linear.gather @!p0 [hbm4b:s29+s30], $0x1900, $0x38;
	[tilespmem:$0x1BD00] =	vst v63  }
0x101: {  	_ =	swait.ge [sflag:s24], $0x1900  }
0x102: {  	[sflag:s24] =	ssyncset.done $0x0  }
0x103: {  	vm1 =	vmmov vm0;
	s29 =	simm.s32 $0x0;
	[sflag:s24] =	ssyncadd.s32 $0xFFFFE700  }
.LBB2_25:
0x104: {  	s30 =	sshra.s32 s29, $0x2  }
0x105: {  	v2 =	vld [tilespmem:s30+$0x1A400];
	_ =	sdelay $0x1  }
0x106: {  	v3 =	vld [tilespmem:s30+$0x1A410];
	_ =	sdelay $0x1  }
0x107: {  	v4 =	vld [tilespmem:s30+$0x1A420]  }
0x108: {  	v5 =	vand.u32 $0xFFFF, v2  }
0x109: {  	v6 =	vld [tilespmem:s30+$0x1A430]  }
0x10a: {  	v7 =	vand.u32 $0xFFFF, v3;
	_ =	sdelay $0x1  }
0x10b: {  	v8 =	vand.u32 $0xFFFF, v4  }
0x10c: {  	v9 =	vld.idx.msk [tilespmem:v5+s1+$0x0], $0xffff  }
0x10d: {  	v10 =	vand.u32 $0xFFFF, v6;
	v5 =	vld.idx.msk [tilespmem:v5+s12+$0x0], $0xffff  }
0x10e: {  	v11 =	vld.idx.msk [tilespmem:v7+s1+$0x0], $0xffff  }
0x10f: {  	v2 =	vshrl.u32 v2, $0x10;
	v7 =	vld.idx.msk [tilespmem:v7+s12+$0x0], $0xffff  }
0x110: {  	v12 =	vld.idx.msk [tilespmem:v8+s1+$0x0], $0xffff  }
0x111: {  	v3 =	vshrl.u32 v3, $0x10;
	v8 =	vld.idx.msk [tilespmem:v8+s12+$0x0], $0xffff  }
0x112: {  	v13 =	vld.idx.msk [tilespmem:v10+s1+$0x0], $0xffff  }
0x113: {  	v4 =	vshrl.u32 v4, $0x10;
	v10 =	vld.idx.msk [tilespmem:v10+s12+$0x0], $0xffff  }
0x114: {  	v14 =	vld.idx.msk [tilespmem:v2+s16+$0x0], $0xffff  }
0x115: {  	v6 =	vshrl.u32 v6, $0x10;
	v15 =	vld.idx.msk [tilespmem:v2+s17+$0x0], $0xffff  }
0x116: {  	v16 =	vld.idx.msk [tilespmem:v3+s18+$0x0], $0xffff  }
0x117: {  	v17 =	vld.idx.msk [tilespmem:v3+s19+$0x0], $0xffff  }
0x118: {  	v18 =	vld.idx.msk [tilespmem:v4+s20+$0x0], $0xffff  }
0x119: {  	v19 =	vld.idx.msk [tilespmem:v4+s21+$0x0], $0xffff;
	v20 =	vmax.bf16 v14, v9  }
0x11a: {  	v21 =	vld.idx.msk [tilespmem:v6+s22+$0x0], $0xffff;
	v53 =	vmax.bf16 v15, v5;
	vm2 =	vne.s32 v14, v20  }
0x11b: {  	v22 =	vld.idx.msk [tilespmem:v6+s23+$0x0], $0xffff;
	v54 =	vmax.bf16 v16, v11;
	vm3 =	vne.s32 v15, v53  }
0x11c: {  	v55 =	vmax.bf16 v17, v7;
	vm4 =	vne.s32 v16, v54  }
0x11d: {  	v56 =	vmax.bf16 v18, v12;
	vm5 =	vne.s32 v17, v55  }
0x11e: {  	v57 =	vmax.bf16 v19, v8;
	vm6 =	vne.s32 v18, v56  }
0x11f: {  	v58 =	vmax.bf16 v21, v13;
	vm7 =	vne.s32 v19, v57  }
0x120: {  	v59 =	vmax.bf16 v22, v10;
	[tilespmem:v2+s16+$0x0] =	vst.idx.msk vm2, v20;
	vm2 =	vne.s32 v21, v58  }
0x121: {  	[tilespmem:v2+s17+$0x0] =	vst.idx.msk vm3, v53;
	vm3 =	vne.s32 v22, v59  }
0x122: {  	[tilespmem:v3+s18+$0x0] =	vst.idx.msk vm4, v54  }
0x123: {  	[tilespmem:v3+s19+$0x0] =	vst.idx.msk vm5, v55  }
0x124: {  	[tilespmem:v4+s20+$0x0] =	vst.idx.msk vm6, v56  }
0x125: {  	[tilespmem:v4+s21+$0x0] =	vst.idx.msk vm7, v57  }
0x126: {  	[tilespmem:v6+s22+$0x0] =	vst.idx.msk vm2, v58  }
0x127: {  	(xrf1) =	vunique.msk.u32 $0xffff, v2;
	[tilespmem:v6+s23+$0x0] =	vst.idx.msk vm3, v59  }
0x128: {  	(xrf1) =	vunique.msk.u32 $0xffff, v3;
	v14 =	vld.idx.msk [tilespmem:v2+s16+$0x0], $0xffff  }
0x129: {  	(xrf1) =	vunique.msk.u32 $0xffff, v4;
	v15 =	vld.idx.msk [tilespmem:v2+s17+$0x0], $0xffff  }
0x12a: {  	(xrf1) =	vunique.msk.u32 $0xffff, v6;
	v16 =	vld.idx.msk [tilespmem:v3+s18+$0x0], $0xffff  }
0x12b: {  	v17 =	vld.idx.msk [tilespmem:v3+s19+$0x0], $0xffff  }
0x12c: {  	v18 =	vld.idx.msk [tilespmem:v4+s20+$0x0], $0xffff  }
0x12d: {  	v19 =	vld.idx.msk [tilespmem:v4+s21+$0x0], $0xffff;
	v9 =	vmax.bf16 v14, v9  }
0x12e: {  	v20 =	vld.idx.msk [tilespmem:v6+s22+$0x0], $0xffff;
	v5 =	vmax.bf16 v15, v5;
	vm2 =	vne.s32 v14, v9  }
0x12f: {  	v60 =	vld.idx.msk [tilespmem:v6+s23+$0x0], $0xffff;
	v11 =	vmax.bf16 v16, v11;
	vm3 =	vne.s32 v15, v5  }
0x130: {  	v7 =	vmax.bf16 v17, v7;
	vm15 =	vne.s32 v16, v11  }
0x131: {  	v12 =	vmax.bf16 v18, v12;
	vm9 =	vne.s32 v17, v7  }
0x132: {  	v8 =	vmax.bf16 v19, v8;
	vm10 =	vne.s32 v18, v12  }
0x133: {  	v13 =	vmax.bf16 v20, v13;
	vm11 =	vne.s32 v19, v8  }
0x134: {  	v61 =	vmax.bf16 v60, v10;
	[tilespmem:v2+s16+$0x0] =	vst.idx.msk vm2, v9;
	vm2 =	vne.s32 v20, v13  }
0x135: {  	_, v62, _ =	vpop (xrf1);
	[tilespmem:v2+s17+$0x0] =	vst.idx.msk vm3, v5;
	vm3 =	vne.s32 v60, v61  }
0x136: {  	p0 =	sne.s32 s29, $0x6300;
	_, v2, _ =	vpop (xrf1);
	[tilespmem:v3+s18+$0x0] =	vst.idx.msk vm15, v11  }
.Ltmp14:
0x137: {  	vm12 =	vgt.s32 v62, v0;
	_, v63, _ =	vpop (xrf1);
	vm13 =	vgt.s32 v2, v0;
	[tilespmem:v3+s19+$0x0] =	vst.idx.msk vm9, v7;
	(pc) =	sbr.rel @p0 .LBB2_25-.Ltmp14, $4  }
0x138: {  	vm4 =	vmor vm12, vm13;
	vm14 =	vgt.s32 v63, v0;
	_, v2, _ =	vpop (xrf1);
	[tilespmem:v4+s20+$0x0] =	vst.idx.msk vm10, v12  }
0x139: {  	vm4 =	vmor vm4, vm14;
	vm15 =	vgt.s32 v2, v0;
	[tilespmem:v4+s21+$0x0] =	vst.idx.msk vm11, v8  }
0x13a: {  	vm4 =	vmor vm4, vm15;
	[tilespmem:v6+s22+$0x0] =	vst.idx.msk vm2, v13  }
0x13b: {  	s29 =	sadd.s32 $0x100, s29;
	vm1 =	vmor vm1, vm4;
	[tilespmem:v6+s23+$0x0] =	vst.idx.msk vm3, v61  }
0x13c: {  	v2 =	vmpcnt.ones.xlane vm1;
	_ =	sdelay $0x1  }
0x13d: {  	(v2sf) =	vpush v2, $0x0;
	_ =	sdelay $0xe  }
0x13e: {  	s29 =	spop (v2sf)  }
0x13f: {  	p0 =	slt.s32 s29, $0x1  }
.Ltmp15:
0x140: {  	_ = 	snop;
	(pc) =	sbr.rel @p0 .LBB2_44-.Ltmp15, $2  }
0x141: {  	_ =	sdelay $0x2  }
0x142: {  	s29 =	simm.s32 $0x0  }
.LBB2_27:
0x143: {  	s30 =	sshll.u32 s29, $0x6  }
0x144: {  	s30 =	sand.u32 $0x3FFFFFC0, s30  }
0x145: {  	v5 =	vld [tilespmem:s30+$0x1A400];
	_ =	sdelay $0x4  }
0x146: {  	v6 =	vand.u32 $0xFFFF, v5  }
0x147: {  	v5 =	vshrl.u32 v5, $0x10  }
0x148: {  	v4 =	vld [tilespmem:s30+$0x1A410]  }
0x149: {  	v3 =	vld [tilespmem:s30+$0x1A420]  }
0x14a: {  	v2 =	vld [tilespmem:s30+$0x1A430]  }
0x14b: {  	v7 =	vld.idx.msk [tilespmem:v6+s1+$0x0], $0xffff  }
.LBB2_28:
0x14c: {  	v8 =	vld.idx.msk [tilespmem:v5+s16+$0x0], $0xffff;
	_ =	sdelay $0x4  }
0x14d: {  	v9 =	vmax.bf16 v8, v7  }
0x14e: {  	vm1 =	vne.s32 v8, v9;
	_ =	sdelay $0x5  }
0x14f: {  	[tilespmem:v5+s16+$0x0] =	vst.idx.msk vm1, v9  }
0x150: {  	v8 =	vld.idx.msk [tilespmem:v5+s16+$0x0], $0xffff;
	_ =	sdelay $0x4  }
0x151: {  	v63 =	vmax.bf16 v8, v7  }
0x152: {  	vm1 =	vne.s32 v8, v63  }
0x153: {  	v8 =	vmpcnt.ones.xlane vm1;
	_ =	sdelay $0x1  }
0x154: {  	(v2sf) =	vpush v8, $0x0;
	_ =	sdelay $0xe  }
0x155: {  	s30 =	spop (v2sf)  }
0x156: {  	p0 =	sgt.s32 s30, $0x0  }
.Ltmp16:
0x157: {  	_ = 	snop;
	(pc) =	sbr.rel @p0 .LBB2_28-.Ltmp16, $1  }
0x158: {  	_ =	sdelay $0x3  }
0x159: {  	_ =	sdelay $0x3  }
0x15a: {  	v6 =	vld.idx.msk [tilespmem:v6+s12+$0x0], $0xffff  }
.LBB2_30:
0x15b: {  	v7 =	vld.idx.msk [tilespmem:v5+s17+$0x0], $0xffff;
	_ =	sdelay $0x4  }
0x15c: {  	v8 =	vmax.bf16 v7, v6  }
0x15d: {  	vm1 =	vne.s32 v7, v8;
	_ =	sdelay $0x5  }
0x15e: {  	[tilespmem:v5+s17+$0x0] =	vst.idx.msk vm1, v8  }
0x15f: {  	v7 =	vld.idx.msk [tilespmem:v5+s17+$0x0], $0xffff;
	_ =	sdelay $0x4  }
0x160: {  	v8 =	vmax.bf16 v7, v6  }
0x161: {  	vm1 =	vne.s32 v7, v8  }
0x162: {  	v7 =	vmpcnt.ones.xlane vm1;
	_ =	sdelay $0x1  }
0x163: {  	(v2sf) =	vpush v7, $0x0;
	_ =	sdelay $0xe  }
0x164: {  	s30 =	spop (v2sf)  }
0x165: {  	p0 =	sgt.s32 s30, $0x0  }
.Ltmp17:
0x166: {  	_ = 	snop;
	(pc) =	sbr.rel @p0 .LBB2_30-.Ltmp17, $1  }
0x167: {  	_ =	sdelay $0x3  }
0x168: {  	v5 =	vand.u32 $0xFFFF, v4  }
0x169: {  	v4 =	vshrl.u32 v4, $0x10;
	_ =	sdelay $0x3  }
0x16a: {  	v6 =	vld.idx.msk [tilespmem:v5+s1+$0x0], $0xffff  }
.LBB2_32:
0x16b: {  	v7 =	vld.idx.msk [tilespmem:v4+s18+$0x0], $0xffff;
	_ =	sdelay $0x4  }
0x16c: {  	v8 =	vmax.bf16 v7, v6  }
0x16d: {  	vm1 =	vne.s32 v7, v8;
	_ =	sdelay $0x5  }
0x16e: {  	[tilespmem:v4+s18+$0x0] =	vst.idx.msk vm1, v8  }
0x16f: {  	v7 =	vld.idx.msk [tilespmem:v4+s18+$0x0], $0xffff;
	_ =	sdelay $0x4  }
0x170: {  	v8 =	vmax.bf16 v7, v6  }
0x171: {  	vm1 =	vne.s32 v7, v8  }
0x172: {  	v7 =	vmpcnt.ones.xlane vm1;
	_ =	sdelay $0x1  }
0x173: {  	(v2sf) =	vpush v7, $0x0;
	_ =	sdelay $0xe  }
0x174: {  	s30 =	spop (v2sf)  }
0x175: {  	p0 =	sgt.s32 s30, $0x0  }
.Ltmp18:
0x176: {  	_ = 	snop;
	(pc) =	sbr.rel @p0 .LBB2_32-.Ltmp18, $1  }
0x177: {  	_ =	sdelay $0x3  }
0x178: {  	_ =	sdelay $0x3  }
0x179: {  	v5 =	vld.idx.msk [tilespmem:v5+s12+$0x0], $0xffff  }
.LBB2_34:
0x17a: {  	v6 =	vld.idx.msk [tilespmem:v4+s19+$0x0], $0xffff;
	_ =	sdelay $0x4  }
0x17b: {  	v7 =	vmax.bf16 v6, v5  }
0x17c: {  	vm1 =	vne.s32 v6, v7;
	_ =	sdelay $0x5  }
0x17d: {  	[tilespmem:v4+s19+$0x0] =	vst.idx.msk vm1, v7  }
0x17e: {  	v6 =	vld.idx.msk [tilespmem:v4+s19+$0x0], $0xffff;
	_ =	sdelay $0x4  }
0x17f: {  	v7 =	vmax.bf16 v6, v5  }
0x180: {  	vm1 =	vne.s32 v6, v7  }
0x181: {  	v6 =	vmpcnt.ones.xlane vm1;
	_ =	sdelay $0x1  }
0x182: {  	(v2sf) =	vpush v6, $0x0;
	_ =	sdelay $0xe  }
0x183: {  	s30 =	spop (v2sf)  }
0x184: {  	p0 =	sgt.s32 s30, $0x0  }
.Ltmp19:
0x185: {  	_ = 	snop;
	(pc) =	sbr.rel @p0 .LBB2_34-.Ltmp19, $1  }
0x186: {  	_ =	sdelay $0x3  }
0x187: {  	v4 =	vand.u32 $0xFFFF, v3  }
0x188: {  	v3 =	vshrl.u32 v3, $0x10;
	_ =	sdelay $0x3  }
0x189: {  	v5 =	vld.idx.msk [tilespmem:v4+s1+$0x0], $0xffff  }
.LBB2_36:
0x18a: {  	v6 =	vld.idx.msk [tilespmem:v3+s20+$0x0], $0xffff;
	_ =	sdelay $0x4  }
0x18b: {  	v7 =	vmax.bf16 v6, v5  }
0x18c: {  	vm1 =	vne.s32 v6, v7;
	_ =	sdelay $0x5  }
0x18d: {  	[tilespmem:v3+s20+$0x0] =	vst.idx.msk vm1, v7  }
0x18e: {  	v6 =	vld.idx.msk [tilespmem:v3+s20+$0x0], $0xffff;
	_ =	sdelay $0x4  }
0x18f: {  	v7 =	vmax.bf16 v6, v5  }
0x190: {  	vm1 =	vne.s32 v6, v7  }
0x191: {  	v6 =	vmpcnt.ones.xlane vm1;
	_ =	sdelay $0x1  }
0x192: {  	(v2sf) =	vpush v6, $0x0;
	_ =	sdelay $0xe  }
0x193: {  	s30 =	spop (v2sf)  }
0x194: {  	p0 =	sgt.s32 s30, $0x0  }
.Ltmp20:
0x195: {  	_ = 	snop;
	(pc) =	sbr.rel @p0 .LBB2_36-.Ltmp20, $1  }
0x196: {  	_ =	sdelay $0x3  }
0x197: {  	_ =	sdelay $0x3  }
0x198: {  	v4 =	vld.idx.msk [tilespmem:v4+s12+$0x0], $0xffff  }
.LBB2_38:
0x199: {  	v5 =	vld.idx.msk [tilespmem:v3+s21+$0x0], $0xffff;
	_ =	sdelay $0x4  }
0x19a: {  	v6 =	vmax.bf16 v5, v4  }
0x19b: {  	vm1 =	vne.s32 v5, v6;
	_ =	sdelay $0x5  }
0x19c: {  	[tilespmem:v3+s21+$0x0] =	vst.idx.msk vm1, v6  }
0x19d: {  	v5 =	vld.idx.msk [tilespmem:v3+s21+$0x0], $0xffff;
	_ =	sdelay $0x4  }
0x19e: {  	v6 =	vmax.bf16 v5, v4  }
0x19f: {  	vm1 =	vne.s32 v5, v6  }
0x1a0: {  	v5 =	vmpcnt.ones.xlane vm1;
	_ =	sdelay $0x1  }
0x1a1: {  	(v2sf) =	vpush v5, $0x0;
	_ =	sdelay $0xe  }
0x1a2: {  	s30 =	spop (v2sf)  }
0x1a3: {  	p0 =	sgt.s32 s30, $0x0  }
.Ltmp21:
0x1a4: {  	_ = 	snop;
	(pc) =	sbr.rel @p0 .LBB2_38-.Ltmp21, $1  }
0x1a5: {  	_ =	sdelay $0x3  }
0x1a6: {  	v3 =	vand.u32 $0xFFFF, v2  }
0x1a7: {  	v2 =	vshrl.u32 v2, $0x10;
	_ =	sdelay $0x3  }
0x1a8: {  	v4 =	vld.idx.msk [tilespmem:v3+s1+$0x0], $0xffff  }
.LBB2_40:
0x1a9: {  	v5 =	vld.idx.msk [tilespmem:v2+s22+$0x0], $0xffff;
	_ =	sdelay $0x4  }
0x1aa: {  	v6 =	vmax.bf16 v5, v4  }
0x1ab: {  	vm1 =	vne.s32 v5, v6;
	_ =	sdelay $0x5  }
0x1ac: {  	[tilespmem:v2+s22+$0x0] =	vst.idx.msk vm1, v6  }
0x1ad: {  	v5 =	vld.idx.msk [tilespmem:v2+s22+$0x0], $0xffff;
	_ =	sdelay $0x4  }
0x1ae: {  	v6 =	vmax.bf16 v5, v4  }
0x1af: {  	vm1 =	vne.s32 v5, v6  }
0x1b0: {  	v5 =	vmpcnt.ones.xlane vm1;
	_ =	sdelay $0x1  }
0x1b1: {  	(v2sf) =	vpush v5, $0x0;
	_ =	sdelay $0xe  }
0x1b2: {  	s30 =	spop (v2sf)  }
0x1b3: {  	p0 =	sgt.s32 s30, $0x0  }
.Ltmp22:
0x1b4: {  	_ = 	snop;
	(pc) =	sbr.rel @p0 .LBB2_40-.Ltmp22, $1  }
0x1b5: {  	_ =	sdelay $0x3  }
0x1b6: {  	_ =	sdelay $0x3  }
0x1b7: {  	v3 =	vld.idx.msk [tilespmem:v3+s12+$0x0], $0xffff  }
.LBB2_42:
0x1b8: {  	v4 =	vld.idx.msk [tilespmem:v2+s23+$0x0], $0xffff;
	_ =	sdelay $0x4  }
0x1b9: {  	v5 =	vmax.bf16 v4, v3  }
0x1ba: {  	vm1 =	vne.s32 v4, v5;
	_ =	sdelay $0x5  }
0x1bb: {  	[tilespmem:v2+s23+$0x0] =	vst.idx.msk vm1, v5  }
0x1bc: {  	v4 =	vld.idx.msk [tilespmem:v2+s23+$0x0], $0xffff;
	_ =	sdelay $0x4  }
0x1bd: {  	v5 =	vmax.bf16 v4, v3  }
0x1be: {  	vm1 =	vne.s32 v4, v5  }
0x1bf: {  	v4 =	vmpcnt.ones.xlane vm1;
	_ =	sdelay $0x1  }
0x1c0: {  	(v2sf) =	vpush v4, $0x0;
	_ =	sdelay $0xe  }
0x1c1: {  	s30 =	spop (v2sf)  }
0x1c2: {  	p0 =	sgt.s32 s30, $0x0  }
.Ltmp23:
0x1c3: {  	_ = 	snop;
	(pc) =	sbr.rel @p0 .LBB2_42-.Ltmp23, $1  }
0x1c4: {  	_ =	sdelay $0x3  }
0x1c5: {  	s29 =	sadd.s32 $0x1, s29  }
0x1c6: {  	p0 =	sne.s32 s29, $0x64  }
.Ltmp24:
0x1c7: {  	_ = 	snop;
	(pc) =	sbr.rel @p0 .LBB2_27-.Ltmp24, $4  }
.Ltmp25:
0x1c8: {  	_ = 	snop;
	(pc) =	sbr.rel @!p0 .LBB2_44-.Ltmp25, $4  }
0x1c9: {  	_ = 	snop  }
0x1ca: {  	_ = 	snop  }
0x1cb: {  	_ = 	snop  }
0x1cc: {  	_ = 	snop  }
.LBB2_45:
0x1cd: {  	s26 =	simm.s32 $0x0  }
0x1ce: {  	v6 =	vld [tilespmem:s26+$0x9E00]  }
0x1cf: {  	v7 =	vld [tilespmem:s26+$0xED00]  }
0x1d0: {  	v5 =	vld [tilespmem:s26+$0x13C00]  }
0x1d1: {  	v4 =	vld [tilespmem:s26+$0xC580]  }
0x1d2: {  	v2 =	vld [tilespmem:s26+$0x11480]  }
0x1d3: {  	v3 =	vld [tilespmem:s26+$0x16380]  }
0x1d4: {  	s28 =	simm.s32 $0x40;
	v8 =	vld [tilespmem:s26+$0x4F00]  }
.LBB2_46:
0x1d5: {  	s29 =	sshra.s32 s28, $0x2;
	p0 =	sne.s32 s28, $0x9C00;
	v9 =	vld [tilespmem:s26+$0x7680];
	v10 =	vmov v5  }
0x1d6: {  	v11 =	vld [tilespmem:s29+$0x9E00];
	v12 =	vmov v4  }
0x1d7: {  	v13 =	vld [tilespmem:s29+$0xED00]  }
.Ltmp26:
0x1d8: {  	v5 =	vld [tilespmem:s29+$0x13C00];
	(pc) =	sbr.rel @p0 .LBB2_46-.Ltmp26, $4  }
0x1d9: {  	v7 =	vmax.bf16 v7, v10;
	v4 =	vld [tilespmem:s29+$0xC580];
	v14 =	vmax.bf16 v8, v6  }
0x1da: {  	v8 =	vmax.bf16 v2, v3;
	v10 =	vmax.bf16 v14, v7;
	v12 =	vmax.bf16 v9, v12;
	v2 =	vld [tilespmem:s29+$0x11480]  }
0x1db: {  	v3 =	vld [tilespmem:s29+$0x16380];
	[tilespmem:s26+$0x4F00] =	vst v10;
	v9 =	vmax.bf16 v12, v8;
	v6 =	vmov v11  }
0x1dc: {  	s28 =	sadd.s32 $0x40, s28;
	v8 =	vld [tilespmem:s29+$0x4F00];
	[tilespmem:s26+$0x7680] =	vst v9;
	v7 =	vmov v13;
	s26 =	smov.u32 s29  }
0x1dd: {  	v9 =	vld [tilespmem:s26+$0x7680];
	_ =	sdelay $0x3  }
0x1de: {  	v5 =	vmax.bf16 v7, v5;
	v6 =	vmax.bf16 v8, v6  }
0x1df: {  	v2 =	vmax.bf16 v2, v3;
	v5 =	vmax.bf16 v6, v5;
	v4 =	vmax.bf16 v9, v4  }
0x1e0: {  	[tilespmem:s26+$0x4F00] =	vst v5;
	v2 =	vmax.bf16 v4, v2  }
0x1e1: {  	[tilespmem:s26+$0x7680] =	vst v2  }
0x1e2: {  	[hbm4b:s6+s9] =	stream.strided.scatter [tilespmem:s16], [sflag:$0x3], $0x2780, s10, s9, $0x38;
	[tilespmem:$0x1BD00] =	vst v63  }
0x1e3: {  	s25 =	sadd.s32 $0x1, s25;
	_ =	swait.ge [sflag:s11], $0x2780  }
0x1e4: {  	p0 =	sne.s32 s25, s8;
	[sflag:s11] =	ssyncset.done $0x0  }
.Ltmp27:
0x1e5: {  	[sflag:s11] =	ssyncadd.s32 $0xFFFFD880;
	(pc) =	sbr.rel @p0 .LBB2_1-.Ltmp27, $4  }
0x1e6: {  	[hbm4b:s7+s9] =	stream.strided.scatter [tilespmem:s17], [sflag:$0x3], $0x2780, s10, s9, $0x38;
	[tilespmem:$0x1BD00] =	vst v63  }
0x1e7: {  	_ =	swait.ge [sflag:s11], $0x2780  }
0x1e8: {  	[sflag:s11] =	ssyncset.done $0x0  }
0x1e9: {  	[sflag:s11] =	ssyncadd.s32 $0xFFFFD880  }
0x1ea: {  	_ =	sfence.sel $0x180000  }
0x1eb: {  	[bflag:$0x0] =	sbarrier.arrive $0xFFFF  }
0x1ec: {  	p0 =	sne.s32 s2, $0x0;
	_ =	strace $0x90000047  }
0x1ed: {  	s0 =	sadd.s32 @!p0 $0x100000, s0;
	[bflag:$0x2] =	sbarrier.arrive $0xFFFF  }
0x1ee: {  	[sflag:s0] =	ssyncadd.tile.s32 @!p0 $0x1;
	_ =	shalt  }
.Lfunc_end2:
_tile_overlayer_lowered:
.L_overlay_start_2:
0x1ef: {  	(tag) =	ssettag $0x2  }
0x1f0: {  	s0 =	rddreg [dreg:$0x0];
	s2 =	stileid.u32  }
0x1f1: {  	s1 =	rddreg [dreg:$0x1];
	p0 =	sne.s32 s2, $0x0  }
0x1f2: {  	s3 =	rddreg [dreg:$0x2];
	[bflag:$0x3] =	sbarrier.arrive $0xFFFF;
	s2 =	simm.s32 @!p0 $0x1C03  }
0x1f3: {  	[timem:s3], [sflag:s2] =	dma.local @!p0 [hbm:s0], s1  }
0x1f4: {  	s0 =	simm.s32 @!p0 $0x3  }
0x1f5: {  	_ =	swait.ge @!p0 [sflag:s0], s1  }
0x1f6: {  	s1 =	ssub.s32 @!p0 $0x0, s1;
	[sflag:s0] =	ssyncset.done @!p0 $0x0  }
0x1f7: {  	[sflag:s0] =	ssyncadd.s32 @!p0 s1  }
0x1f8: {  	[bflag:$0x3] =	sbarrier.arrive $0xFFFF  }
0x1f9: {  	_ =	shalt  }

</sc_bundles>
